<compile_context>
chip_gen: v7x
topology: tpu7x:2x2x1
jax: 0.10.2.dev20260603
libtpu: 0.0.44.dev20260713+nightly
codegen_flags: <defaults>
</compile_context>

<pallas_src>
import functools

import jax
import jax.numpy as jnp
from jax import lax
from jax.experimental import pallas as pl
from jax.experimental.pallas import tpu as pltpu
from jax.experimental.pallas import tpu_sc as plsc

N = 10000
E = 320000
C = 128
NC = 2
NS = 16
NPAD = 10240
ROWS_PER_TILE = NPAD // NS
EDGES_PER_TILE = E // NS
CH = 80
CHN = EDGES_PER_TILE // CH
CHB = 50
NSTAGE = CHN // CHB

_MESH = dict(core_axis_name="c", subcore_axis_name="s", num_cores=NC,
             num_subcores=NS)


@functools.partial(
    pl.kernel,
    out_type=jax.ShapeDtypeStruct((NC * NS * NPAD,), jnp.float32),
    mesh=plsc.VectorSubcoreMesh(**_MESH),
    scratch_types=[
        pltpu.VMEM((EDGES_PER_TILE,), jnp.int32),
        pltpu.VMEM((EDGES_PER_TILE,), jnp.float32),
        pltpu.VMEM((NPAD,), jnp.float32),
    ],
    compiler_params=pltpu.CompilerParams(needs_layout_passes=False),
)
def _deg_kernel(eiflat_hbm, ew_hbm, degp_hbm, idx_v, w_v, acc_v):
    c = lax.axis_index("c")
    s = lax.axis_index("s")
    base = s * EDGES_PER_TILE

    def zero(i, _):
        acc_v[pl.ds(i * 16, 16)] = jnp.zeros((16,), jnp.float32)
        return 0
    lax.fori_loop(0, NPAD // 16, zero, 0)

    pltpu.sync_copy(eiflat_hbm.at[pl.ds(c * E + base, EDGES_PER_TILE)], idx_v)
    pltpu.sync_copy(ew_hbm.at[pl.ds(base, EDGES_PER_TILE)], w_v)

    def body(i, _):
        for u in range(2):
            idx = idx_v[pl.ds(i * 32 + u * 16, 16)]
            w = w_v[pl.ds(i * 32 + u * 16, 16)]
            plsc.addupdate_scatter(acc_v, [idx], w)
        return 0
    lax.fori_loop(0, EDGES_PER_TILE // 32, body, 0)

    pltpu.sync_copy(acc_v,
                    degp_hbm.at[pl.ds((c * NS + s) * NPAD, NPAD)])


def _prep_body(degp_ref, x_ref, ycat_ref, invin_ref):
    deg = jnp.sum(degp_ref[...], axis=1)
    dgo = deg[0, :N]
    dgi = deg[1, :N]
    invo = jnp.where(dgo != 0.0, 1.0 / dgo, 0.0)
    invi = jnp.where(dgi != 0.0, 1.0 / dgi, 0.0)
    xv = x_ref[...]
    ycat_ref[0:N, :] = xv * invo[:, None]
    ycat_ref[N:2 * N, :] = xv
    invin_ref[...] = jnp.broadcast_to(invi[:, None], (N, 8))


def _prep_call(degp, x):
    return pl.pallas_call(
        _prep_body,
        out_shape=[jax.ShapeDtypeStruct((2 * N, C), jnp.float32),
                   jax.ShapeDtypeStruct((N, 8), jnp.float32)],
    )(degp, x)


@functools.partial(
    pl.kernel,
    out_type=jax.ShapeDtypeStruct((NC, NPAD, C), jnp.float32),
    mesh=plsc.VectorSubcoreMesh(**_MESH),
    scratch_types=[
        pltpu.VMEM_SHARED((NPAD, C), jnp.float32),
        pltpu.VMEM((CHB, CH), jnp.int32),
        pltpu.VMEM((CHB, CH), jnp.int32),
        pltpu.VMEM((CH, C), jnp.float32),
        pltpu.VMEM((CH, C), jnp.float32),
        pltpu.VMEM((CH, C), jnp.float32),
        pltpu.VMEM((64, C), jnp.float32),
        pltpu.SemaphoreType.DMA,
        pltpu.SemaphoreType.DMA,
        pltpu.SemaphoreType.DMA,
        pltpu.SemaphoreType.DMA,
        pltpu.SemaphoreType.DMA,
        pltpu.SemaphoreType.DMA,
    ],
    compiler_params=pltpu.CompilerParams(use_tc_tiling_on_sc=False),
)
def _scatter_kernel(ycat_hbm, ridx_hbm, col_hbm, out_hbm,
                    acc, rowi, coli, rbufa, rbufb, rbufc, zb,
                    gsa, gsb, gsc, ssa, ssb, ssc):
    c = lax.axis_index("c")
    s = lax.axis_index("s")

    def z16(i, _):
        r = i // (C // 16)
        f = (i % (C // 16)) * 16
        zb[r, pl.ds(f, 16)] = jnp.zeros((16,), jnp.float32)
        return 0
    lax.fori_loop(0, 64 * (C // 16), z16, 0)

    def zc(k, _):
        pltpu.sync_copy(zb, acc.at[pl.ds(s * ROWS_PER_TILE + k * 64, 64)])
        return 0
    lax.fori_loop(0, ROWS_PER_TILE // 64, zc, 0)

    plsc.subcore_barrier()

    bufs = (rbufa, rbufb, rbufc)
    gsems = (gsa, gsb, gsc)
    ssems = (ssa, ssb, ssc)

    def stage(g, _):
        pltpu.sync_copy(ridx_hbm.at[c, s, pl.ds(g * CHB, CHB)], rowi)
        pltpu.sync_copy(col_hbm.at[s, pl.ds(g * CHB, CHB)], coli)

        gd, sd = {}, {}

        def scat(j):
            gd[j].wait()
            sd[j] = pltpu.async_copy(bufs[j % 3], acc.at[coli.at[j]],
                                     ssems[j % 3], add=True)

        for k in range(CHB):
            if k - 3 >= 0:
                sd[k - 3].wait()
            gd[k] = pltpu.async_copy(ycat_hbm.at[rowi.at[k]],
                                     bufs[k % 3], gsems[k % 3])
            if k - 2 >= 0:
                scat(k - 2)
        scat(CHB - 2)
        scat(CHB - 1)
        for j in range(CHB - 3, CHB):
            sd[j].wait()
        return 0
    lax.fori_loop(0, NSTAGE, stage, 0)
    plsc.subcore_barrier()

    pltpu.sync_copy(acc.at[pl.ds(s * ROWS_PER_TILE, ROWS_PER_TILE)],
                    out_hbm.at[c, pl.ds(s * ROWS_PER_TILE, ROWS_PER_TILE)])


_R = 2000


def _mm_body(x_ref, to_ref, s_ref, invin_ref, w_ref, b_ref, lw_ref, lb_ref,
             o_ref):
    xb = x_ref[...]
    tob = to_ref[0]
    tib = s_ref[0] * invin_ref[:, 0:1]
    w = w_ref[...]
    dot = functools.partial(jnp.dot, preferred_element_type=jnp.float32)
    az = (dot(xb, w[0] + w[1]) + dot(tob, w[2]) + dot(tib, w[3])
          + b_ref[0][None, :])
    ah = (dot(xb, w[4] + w[5]) + dot(tob, w[6]) + dot(tib, w[7])
          + b_ref[1][None, :])
    z = jax.nn.sigmoid(az)
    h = jnp.maximum((1.0 - z) * jnp.tanh(ah), 0.0)
    o_ref[...] = lax.dot_general(h, lw_ref[...], (((1,), (1,)), ((), ())),
                                 preferred_element_type=jnp.float32) \
        + lb_ref[0][None, :]


def _mm_call(x, T, invin, wstack, bstack, lin_W, lin_b):
    grid = N // _R
    return pl.pallas_call(
        _mm_body,
        grid=(grid,),
        in_specs=[
            pl.BlockSpec((_R, C), lambda i: (i, 0)),
            pl.BlockSpec((1, _R, C), lambda i: (0, i, 0)),
            pl.BlockSpec((1, _R, C), lambda i: (1, i, 0)),
            pl.BlockSpec((_R, 8), lambda i: (i, 0)),
            pl.BlockSpec((8, C, C), lambda i: (0, 0, 0)),
            pl.BlockSpec((2, C), lambda i: (0, 0)),
            pl.BlockSpec((C, C), lambda i: (0, 0)),
            pl.BlockSpec((1, C), lambda i: (0, 0)),
        ],
        out_specs=pl.BlockSpec((_R, C), lambda i: (i, 0)),
        out_shape=jax.ShapeDtypeStruct((N, C), jnp.float32),
    )(x, T, T, invin, wstack, bstack, lin_W, lin_b)


def kernel(x, edge_index, edge_weight, W_z, b_z, W_r, b_r, W_h, b_h,
           lin_W, lin_b):
    del W_r, b_r
    row_r = edge_index[0].reshape(NS, CHN, CH)
    col_r = edge_index[1].reshape(NS, CHN, CH)
    ridx = jnp.stack([row_r, row_r + N])

    degp = _deg_kernel(edge_index.reshape(-1),
                       edge_weight).reshape(NC, NS, NPAD)
    ycat, invin = _prep_call(degp, x)
    T = _scatter_kernel(ycat, ridx, col_r)

    ic = slice(0, C)
    wstack = jnp.stack([
        W_z[0, 0, ic], W_z[1, 0, ic], W_z[0, 1, ic], W_z[1, 1, ic],
        W_h[0, 0, ic], W_h[1, 0, ic], W_h[0, 1, ic], W_h[1, 1, ic],
    ])
    bstack = jnp.stack([b_z, b_h])
    return _mm_call(x, T, invin, wstack, bstack, lin_W,
                    lin_b.reshape(1, C))

# --- scband reference (transcript-rebuilt; emitter-appended) ---
"""Pipeline reference for scband-recurrent-dcrnn-40037685133527 (READ-ONLY COPY).

The authoritative reference and input builder live on the scoring server;
editing this copy changes nothing except your own understanding.
"""

import jax, jax.numpy as jnp
import numpy as np

N = 10000
E = 320000
IN_C = 128
HID = 128
OUT_C = 128


def setup_inputs(seed: int = 0):
    key = jax.random.key(seed)
    ks = jax.random.split(key, 12)
    x = jax.random.normal(ks[0], (N, IN_C), dtype=jnp.float32)
    edge_index = jax.random.randint(ks[1], (2, E), 0, N, dtype=jnp.int32)
    edge_weight = jax.random.uniform(ks[2], (E,), dtype=jnp.float32)
    s = 0.05
    W_z = jax.random.normal(ks[3], (2, 2, IN_C + HID, HID), dtype=jnp.float32) * s
    b_z = jax.random.normal(ks[4], (HID,), dtype=jnp.float32) * s
    W_r = jax.random.normal(ks[5], (2, 2, IN_C + HID, HID), dtype=jnp.float32) * s
    b_r = jax.random.normal(ks[6], (HID,), dtype=jnp.float32) * s
    W_h = jax.random.normal(ks[7], (2, 2, IN_C + HID, HID), dtype=jnp.float32) * s
    b_h = jax.random.normal(ks[8], (HID,), dtype=jnp.float32) * s
    lin_W = jax.random.normal(ks[9], (OUT_C, HID), dtype=jnp.float32) * s
    lin_b = jax.random.normal(ks[10], (OUT_C,), dtype=jnp.float32) * s
    return {"x": x, "edge_index": edge_index, "edge_weight": edge_weight,
            "W_z": W_z, "b_z": b_z, "W_r": W_r, "b_r": b_r,
            "W_h": W_h, "b_h": b_h, "lin_W": lin_W, "lin_b": lin_b}


def _dconv(X, row, col, norm_out, norm_in, W, b):
    # K=2 diffusion conv: identity term + 1-hop forward/backward diffusion
    H = X @ W[0, 0] + X @ W[1, 0]
    n = X.shape[0]
    Tx1_o = jnp.zeros((n, X.shape[1]), X.dtype).at[col].add(norm_out[:, None] * X[row])
    Tx1_i = jnp.zeros((n, X.shape[1]), X.dtype).at[col].add(norm_in[:, None] * X[row])
    H = H + Tx1_o @ W[0, 1] + Tx1_i @ W[1, 1]
    return H + b


def reference(x, edge_index, edge_weight, W_z, b_z, W_r, b_r, W_h, b_h, lin_W, lin_b):
    row = edge_index[0]
    col = edge_index[1]
    n = x.shape[0]
    # weighted out/in degrees (equivalent to to_dense_adj row/col sums)
    deg_out = jnp.zeros((n,), x.dtype).at[row].add(edge_weight)
    deg_in = jnp.zeros((n,), x.dtype).at[col].add(edge_weight)
    norm_out = (1.0 / deg_out)[row]
    norm_in = (1.0 / deg_in)[col]
    # DCRNN cell with H init to zeros
    H0 = jnp.zeros((n, HID), x.dtype)
    cat = jnp.concatenate([x, H0], axis=1)
    Z = jax.nn.sigmoid(_dconv(cat, row, col, norm_out, norm_in, W_z, b_z))
    R = jax.nn.sigmoid(_dconv(cat, row, col, norm_out, norm_in, W_r, b_r))
    cat2 = jnp.concatenate([x, R * H0], axis=1)
    H_tilde = jnp.tanh(_dconv(cat2, row, col, norm_out, norm_in, W_h, b_h))
    H = Z * H0 + (1.0 - Z) * H_tilde
    h = jax.nn.relu(H)
    return h @ lin_W.T + lin_b

if __name__ == "__main__":
    import jax
    _d = setup_inputs()
    print(jax.jit(kernel)(*tuple(_d.values())))

</pallas_src>

<mosaic_0001>
#map = affine_map<(d0, d1) -> (0)>
module attributes {stable_mosaic.version = 14 : i64} {
  func.func @_deg_kernel(%arg0: i32, %arg1: i32, %arg2: memref<640000xi32, #tpu.memory_space<hbm>>, %arg3: memref<320000xf32, #tpu.memory_space<hbm>>, %arg4: memref<327680xf32, #tpu.memory_space<hbm>>, %arg5: memref<20000xi32, #tpu.memory_space<vmem>>, %arg6: memref<20000xf32, #tpu.memory_space<vmem>>, %arg7: memref<10240xf32, #tpu.memory_space<vmem>>) attributes {dimension_semantics = [#tpu.dimension_semantics<core_parallel>, #tpu.dimension_semantics<subcore_parallel>], iteration_bounds = array<i64: 2, 16>, scalar_prefetch = 0 : i64, scratch_operands = 3 : i64, tpu.core_type = #tpu.core_type<sc_vector_subcore>, window_params = [{transform_indices = #map}, {transform_indices = #map}, {transform_indices = #map}]} {
    %mul3A = arith.constant 20000 : i32
    %mul3A_0 = arith.muli %arg1, %mul3A : i32
    %scan3A = arith.constant 0 : i32
    %scan3A_1 = arith.constant 0 : i32
    %scan3A_2 = arith.constant 640 : i32
    %scan3A_3 = arith.addi %scan3A_1, %scan3A_2 : i32
    %scan3A_4 = arith.constant 1 : i32
    %scan3A_5 = scf.for %scan3A_21 = %scan3A_1 to %scan3A_3 step %scan3A_4 iter_args(%scan3A_22 = %scan3A) -> (i32)  : i32 {
      %broadcast_in_dim3A = arith.constant 0.000000e+00 : f32
      %broadcast_in_dim3A_23 = vector.broadcast %broadcast_in_dim3A : f32 to vector<16xf32>
      %mul3A_24 = arith.constant 16 : i32
      %mul3A_25 = arith.muli %scan3A_21, %mul3A_24 : i32
      %swap3A = arith.index_cast %mul3A_25 : i32 to index
      %swap3A_26 = tpu.vector_load %arg7[%swap3A] {strides = array<i32>} : memref<10240xf32, #tpu.memory_space<vmem>>, vector<16xf32>,
      tpu.vector_store %arg7[%swap3A], %broadcast_in_dim3A_23 {strides = array<i32>} : memref<10240xf32, #tpu.memory_space<vmem>>, vector<16xf32>,
      %scan3A_27 = arith.constant 0 : i32
      scf.yield %scan3A_27 : i32
    }
    %scan3A_6 = arith.constant 640 : i32
    %mul3A_7 = arith.constant 320000 : i32
    %mul3A_8 = arith.muli %arg0, %mul3A_7 : i32
    %add3A = arith.addi %mul3A_8, %mul3A_0 : i32
    "tpu.region"() ({
      %run_scoped3A = tpu.sem_alloc : memref<!tpu.dma_semaphore, #tpu.memory_space<semaphore_mem>>
      %dma_start3A = tpu.memref_slice %arg2[%add3A] : memref<640000xi32, #tpu.memory_space<hbm>> -> memref<20000xi32, #tpu.memory_space<hbm>>
      %dma_start3A_21 = tpu.memref_slice %arg2[%add3A] : memref<640000xi32, #tpu.memory_space<hbm>> -> memref<20000xi32, #tpu.memory_space<hbm>>
      tpu.enqueue_dma source(%dma_start3A_21 : memref<20000xi32, #tpu.memory_space<hbm>>) target(%arg5 : memref<20000xi32, #tpu.memory_space<vmem>>) target_semaphore(%run_scoped3A : memref<!tpu.dma_semaphore, #tpu.memory_space<semaphore_mem>>)
      %dma_wait3A = tpu.memref_slice %arg2[%add3A] : memref<640000xi32, #tpu.memory_space<hbm>> -> memref<20000xi32, #tpu.memory_space<hbm>>
      %dma_wait3A_22 = tpu.memref_slice %arg2[%add3A] : memref<640000xi32, #tpu.memory_space<hbm>> -> memref<20000xi32, #tpu.memory_space<hbm>>
      tpu.wait_dma2 semaphore(%run_scoped3A : memref<!tpu.dma_semaphore, #tpu.memory_space<semaphore_mem>>) src(%dma_wait3A_22 : memref<20000xi32, #tpu.memory_space<hbm>>) dst(%arg5 : memref<20000xi32, #tpu.memory_space<vmem>>)
      tpu.yield
    }) : () -> ()
    "tpu.region"() ({
      %run_scoped3A = tpu.sem_alloc : memref<!tpu.dma_semaphore, #tpu.memory_space<semaphore_mem>>
      %dma_start3A = tpu.memref_slice %arg3[%mul3A_0] : memref<320000xf32, #tpu.memory_space<hbm>> -> memref<20000xf32, #tpu.memory_space<hbm>>
      %dma_start3A_21 = tpu.memref_slice %arg3[%mul3A_0] : memref<320000xf32, #tpu.memory_space<hbm>> -> memref<20000xf32, #tpu.memory_space<hbm>>
      tpu.enqueue_dma source(%dma_start3A_21 : memref<20000xf32, #tpu.memory_space<hbm>>) target(%arg6 : memref<20000xf32, #tpu.memory_space<vmem>>) target_semaphore(%run_scoped3A : memref<!tpu.dma_semaphore, #tpu.memory_space<semaphore_mem>>)
      %dma_wait3A = tpu.memref_slice %arg3[%mul3A_0] : memref<320000xf32, #tpu.memory_space<hbm>> -> memref<20000xf32, #tpu.memory_space<hbm>>
      %dma_wait3A_22 = tpu.memref_slice %arg3[%mul3A_0] : memref<320000xf32, #tpu.memory_space<hbm>> -> memref<20000xf32, #tpu.memory_space<hbm>>
      tpu.wait_dma2 semaphore(%run_scoped3A : memref<!tpu.dma_semaphore, #tpu.memory_space<semaphore_mem>>) src(%dma_wait3A_22 : memref<20000xf32, #tpu.memory_space<hbm>>) dst(%arg6 : memref<20000xf32, #tpu.memory_space<vmem>>)
      tpu.yield
    }) : () -> ()
    %scan3A_9 = arith.constant 0 : i32
    %scan3A_10 = arith.constant 0 : i32
    %scan3A_11 = arith.constant 625 : i32
    %scan3A_12 = arith.addi %scan3A_10, %scan3A_11 : i32
    %scan3A_13 = arith.constant 1 : i32
    %scan3A_14 = scf.for %scan3A_21 = %scan3A_10 to %scan3A_12 step %scan3A_13 iter_args(%scan3A_22 = %scan3A_9) -> (i32)  : i32 {
      %mul3A_23 = arith.constant 32 : i32
      %mul3A_24 = arith.muli %scan3A_21, %mul3A_23 : i32
      %add3A_25 = arith.constant 0 : i32
      %add3A_26 = arith.addi %mul3A_24, %add3A_25 : i32
      %get3A = arith.index_cast %add3A_26 : i32 to index
      %get3A_27 = tpu.vector_load %arg5[%get3A] {strides = array<i32>} : memref<20000xi32, #tpu.memory_space<vmem>>, vector<16xi32>,
      %mul3A_28 = arith.constant 32 : i32
      %mul3A_29 = arith.muli %scan3A_21, %mul3A_28 : i32
      %add3A_30 = arith.constant 0 : i32
      %add3A_31 = arith.addi %mul3A_29, %add3A_30 : i32
      %get3A_32 = arith.index_cast %add3A_31 : i32 to index
      %get3A_33 = tpu.vector_load %arg6[%get3A_32] {strides = array<i32>} : memref<20000xf32, #tpu.memory_space<vmem>>, vector<16xf32>,
      tpu.vector_store_idx %arg7[%get3A_27], %get3A_33 {add = true} : memref<10240xf32, #tpu.memory_space<vmem>>[vector<16xi32>], vector<16xf32>,
      %mul3A_34 = arith.constant 32 : i32
      %mul3A_35 = arith.muli %scan3A_21, %mul3A_34 : i32
      %add3A_36 = arith.constant 16 : i32
      %add3A_37 = arith.addi %mul3A_35, %add3A_36 : i32
      %get3A_38 = arith.index_cast %add3A_37 : i32 to index
      %get3A_39 = tpu.vector_load %arg5[%get3A_38] {strides = array<i32>} : memref<20000xi32, #tpu.memory_space<vmem>>, vector<16xi32>,
      %mul3A_40 = arith.constant 32 : i32
      %mul3A_41 = arith.muli %scan3A_21, %mul3A_40 : i32
      %add3A_42 = arith.constant 16 : i32
      %add3A_43 = arith.addi %mul3A_41, %add3A_42 : i32
      %get3A_44 = arith.index_cast %add3A_43 : i32 to index
      %get3A_45 = tpu.vector_load %arg6[%get3A_44] {strides = array<i32>} : memref<20000xf32, #tpu.memory_space<vmem>>, vector<16xf32>,
      tpu.vector_store_idx %arg7[%get3A_39], %get3A_45 {add = true} : memref<10240xf32, #tpu.memory_space<vmem>>[vector<16xi32>], vector<16xf32>,
      %scan3A_46 = arith.constant 0 : i32
      scf.yield %scan3A_46 : i32
    }
    %scan3A_15 = arith.constant 625 : i32
    %mul3A_16 = arith.constant 16 : i32
    %mul3A_17 = arith.muli %arg0, %mul3A_16 : i32
    %add3A_18 = arith.addi %mul3A_17, %arg1 : i32
    %mul3A_19 = arith.constant 10240 : i32
    %mul3A_20 = arith.muli %add3A_18, %mul3A_19 : i32
    "tpu.region"() ({
      %run_scoped3A = tpu.sem_alloc : memref<!tpu.dma_semaphore, #tpu.memory_space<semaphore_mem>>
      %dma_start3A = tpu.memref_slice %arg4[%mul3A_20] : memref<327680xf32, #tpu.memory_space<hbm>> -> memref<10240xf32, #tpu.memory_space<hbm>>
      %dma_start3A_21 = tpu.memref_slice %arg4[%mul3A_20] : memref<327680xf32, #tpu.memory_space<hbm>> -> memref<10240xf32, #tpu.memory_space<hbm>>
      tpu.enqueue_dma source(%arg7 : memref<10240xf32, #tpu.memory_space<vmem>>) target(%dma_start3A_21 : memref<10240xf32, #tpu.memory_space<hbm>>) target_semaphore(%run_scoped3A : memref<!tpu.dma_semaphore, #tpu.memory_space<semaphore_mem>>)
      %dma_wait3A = tpu.memref_slice %arg4[%mul3A_20] : memref<327680xf32, #tpu.memory_space<hbm>> -> memref<10240xf32, #tpu.memory_space<hbm>>
      %dma_wait3A_22 = tpu.memref_slice %arg4[%mul3A_20] : memref<327680xf32, #tpu.memory_space<hbm>> -> memref<10240xf32, #tpu.memory_space<hbm>>
      tpu.wait_dma2 semaphore(%run_scoped3A : memref<!tpu.dma_semaphore, #tpu.memory_space<semaphore_mem>>) src(%arg7 : memref<10240xf32, #tpu.memory_space<vmem>>) dst(%dma_wait3A_22 : memref<10240xf32, #tpu.memory_space<hbm>>)
      tpu.yield
    }) : () -> ()
    return
  }
}

#map = affine_map<(d0, d1) -> (0, 0)>
#map1 = affine_map<(d0, d1) -> (0, 0, 0, 0)>
#map2 = affine_map<(d0, d1) -> (0, 0, 0)>
module attributes {stable_mosaic.version = 14 : i64} {
  func.func @_scatter_kernel(%arg0: i32, %arg1: i32, %arg2: memref<20000x128xf32, #tpu.memory_space<hbm>>, %arg3: memref<2x16x250x80xi32, #tpu.memory_space<hbm>>, %arg4: memref<16x250x80xi32, #tpu.memory_space<hbm>>, %arg5: memref<2x10240x128xf32, #tpu.memory_space<hbm>>, %arg6: memref<10240x128xf32, #tpu.memory_space<vmem_shared>>, %arg7: memref<50x80xi32, #tpu.memory_space<vmem>>, %arg8: memref<50x80xi32, #tpu.memory_space<vmem>>, %arg9: memref<80x128xf32, #tpu.memory_space<vmem>>, %arg10: memref<80x128xf32, #tpu.memory_space<vmem>>, %arg11: memref<80x128xf32, #tpu.memory_space<vmem>>, %arg12: memref<64x128xf32, #tpu.memory_space<vmem>>, %arg13: memref<!tpu.dma_semaphore, #tpu.memory_space<semaphore_mem>>, %arg14: memref<!tpu.dma_semaphore, #tpu.memory_space<semaphore_mem>>, %arg15: memref<!tpu.dma_semaphore, #tpu.memory_space<semaphore_mem>>, %arg16: memref<!tpu.dma_semaphore, #tpu.memory_space<semaphore_mem>>, %arg17: memref<!tpu.dma_semaphore, #tpu.memory_space<semaphore_mem>>, %arg18: memref<!tpu.dma_semaphore, #tpu.memory_space<semaphore_mem>>) attributes {dimension_semantics = [#tpu.dimension_semantics<core_parallel>, #tpu.dimension_semantics<subcore_parallel>], iteration_bounds = array<i64: 2, 16>, scalar_prefetch = 0 : i64, scratch_operands = 13 : i64, tpu.core_type = #tpu.core_type<sc_vector_subcore>, window_params = [{transform_indices = #map}, {transform_indices = #map1}, {transform_indices = #map2}, {transform_indices = #map2}]} {
    %scan3A = arith.constant 0 : i32
    %scan3A_0 = arith.constant 0 : i32
    %scan3A_1 = arith.constant 512 : i32
    %scan3A_2 = arith.addi %scan3A_0, %scan3A_1 : i32
    %scan3A_3 = arith.constant 1 : i32
    %scan3A_4 = scf.for %scan3A_24 = %scan3A_0 to %scan3A_2 step %scan3A_3 iter_args(%scan3A_25 = %scan3A) -> (i32)  : i32 {
      %jit3A = arith.constant 8 : i32
      %div3A = arith.divsi %scan3A_24, %jit3A : i32
      %sign3A = arith.constant 0 : i32
      %sign3A_26 = arith.cmpi sgt, %scan3A_24, %sign3A : i32
      %sign3A_27 = arith.extui %sign3A_26 : i1 to i32
      %sign3A_28 = arith.constant 0 : i32
      %sign3A_29 = arith.cmpi slt, %scan3A_24, %sign3A_28 : i32
      %sign3A_30 = arith.extui %sign3A_29 : i1 to i32
      %sign3A_31 = arith.subi %sign3A_27, %sign3A_30 : i32
      %sign3A_32 = arith.constant 0 : i32
      %sign3A_33 = arith.cmpi sgt, %jit3A, %sign3A_32 : i32
      %sign3A_34 = arith.extui %sign3A_33 : i1 to i32
      %sign3A_35 = arith.constant 0 : i32
      %sign3A_36 = arith.cmpi slt, %jit3A, %sign3A_35 : i32
      %sign3A_37 = arith.extui %sign3A_36 : i1 to i32
      %sign3A_38 = arith.subi %sign3A_34, %sign3A_37 : i32
      %ne3A = arith.cmpi ne, %sign3A_31, %sign3A_38 : i32
      %rem3A = arith.remsi %scan3A_24, %jit3A : i32
      %ne3A_39 = arith.constant 0 : i32
      %ne3A_40 = arith.cmpi ne, %rem3A, %ne3A_39 : i32
      %and3A = arith.andi %ne3A, %ne3A_40 : i1
      %sub3A = arith.constant 1 : i32
      %sub3A_41 = arith.subi %div3A, %sub3A : i32
      %select_n3A = arith.select %and3A, %sub3A_41, %div3A : i32
      %jit3A_42 = arith.constant 8 : i32
      %eq3A = arith.constant 0 : i32
      %eq3A_43 = arith.cmpi eq, %jit3A_42, %eq3A : i32
      %jit3A_44 = arith.constant 1 : i32
      %select_n3A_45 = arith.select %eq3A_43, %jit3A_44, %jit3A_42 : i32
      %rem3A_46 = arith.remsi %scan3A_24, %select_n3A_45 : i32
      %ne3A_47 = arith.constant 0 : i32
      %ne3A_48 = arith.cmpi ne, %rem3A_46, %ne3A_47 : i32
      %lt3A = arith.constant 0 : i32
      %lt3A_49 = arith.cmpi slt, %rem3A_46, %lt3A : i32
      %lt3A_50 = arith.constant 0 : i32
      %lt3A_51 = arith.cmpi slt, %select_n3A_45, %lt3A_50 : i32
      %ne3A_52 = arith.xori %lt3A_49, %lt3A_51 : i1
      %and3A_53 = arith.andi %ne3A_52, %ne3A_48 : i1
      %add3A = arith.addi %rem3A_46, %select_n3A_45 : i32
      %select_n3A_54 = arith.select %and3A_53, %add3A, %rem3A_46 : i32
      %mul3A_55 = arith.constant 16 : i32
      %mul3A_56 = arith.muli %select_n3A_54, %mul3A_55 : i32
      %broadcast_in_dim3A = arith.constant 0.000000e+00 : f32
      %broadcast_in_dim3A_57 = vector.broadcast %broadcast_in_dim3A : f32 to vector<16xf32>
      %swap3A = arith.index_cast %select_n3A : i32 to index
      %swap3A_58 = arith.index_cast %mul3A_56 : i32 to index
      %swap3A_59 = tpu.vector_load %arg12[%swap3A, %swap3A_58] {strides = array<i32>} : memref<64x128xf32, #tpu.memory_space<vmem>>, vector<1x16xf32>,
      %swap3A_60 = vector.shape_cast %swap3A_59 : vector<1x16xf32> to vector<16xf32>
      %swap3A_61 = vector.shape_cast %broadcast_in_dim3A_57 : vector<16xf32> to vector<1x16xf32>
      tpu.vector_store %arg12[%swap3A, %swap3A_58], %swap3A_61 {strides = array<i32>} : memref<64x128xf32, #tpu.memory_space<vmem>>, vector<1x16xf32>,
      %scan3A_62 = arith.constant 0 : i32
      scf.yield %scan3A_62 : i32
    }
    %scan3A_5 = arith.constant 512 : i32
    %scan3A_6 = arith.constant 0 : i32
    %scan3A_7 = arith.constant 0 : i32
    %scan3A_8 = arith.constant 10 : i32
    %scan3A_9 = arith.addi %scan3A_7, %scan3A_8 : i32
    %scan3A_10 = arith.constant 1 : i32
    %scan3A_11 = scf.for %scan3A_24 = %scan3A_7 to %scan3A_9 step %scan3A_10 iter_args(%scan3A_25 = %scan3A_6) -> (i32)  : i32 {
      %mul3A_26 = arith.constant 640 : i32
      %mul3A_27 = arith.muli %arg1, %mul3A_26 : i32
      %mul3A_28 = arith.constant 64 : i32
      %mul3A_29 = arith.muli %scan3A_24, %mul3A_28 : i32
      %add3A = arith.addi %mul3A_27, %mul3A_29 : i32
      "tpu.region"() ({
        %run_scoped3A = tpu.sem_alloc : memref<!tpu.dma_semaphore, #tpu.memory_space<semaphore_mem>>
        %dma_start3A = arith.constant 0 : i32
        %dma_start3A_31 = tpu.memref_slice %arg6[%add3A, %dma_start3A] : memref<10240x128xf32, #tpu.memory_space<vmem_shared>> -> memref<64x128xf32, #tpu.memory_space<vmem_shared>>
        %dma_start3A_32 = arith.constant 0 : i32
        %dma_start3A_33 = tpu.memref_slice %arg6[%add3A, %dma_start3A_32] : memref<10240x128xf32, #tpu.memory_space<vmem_shared>> -> memref<64x128xf32, #tpu.memory_space<vmem_shared>>
        tpu.enqueue_dma source(%arg12 : memref<64x128xf32, #tpu.memory_space<vmem>>) target(%dma_start3A_33 : memref<64x128xf32, #tpu.memory_space<vmem_shared>>) target_semaphore(%run_scoped3A : memref<!tpu.dma_semaphore, #tpu.memory_space<semaphore_mem>>)
        %dma_wait3A = arith.constant 0 : i32
        %dma_wait3A_34 = tpu.memref_slice %arg6[%add3A, %dma_wait3A] : memref<10240x128xf32, #tpu.memory_space<vmem_shared>> -> memref<64x128xf32, #tpu.memory_space<vmem_shared>>
        %dma_wait3A_35 = arith.constant 0 : i32
        %dma_wait3A_36 = tpu.memref_slice %arg6[%add3A, %dma_wait3A_35] : memref<10240x128xf32, #tpu.memory_space<vmem_shared>> -> memref<64x128xf32, #tpu.memory_space<vmem_shared>>
        tpu.wait_dma2 semaphore(%run_scoped3A : memref<!tpu.dma_semaphore, #tpu.memory_space<semaphore_mem>>) src(%arg12 : memref<64x128xf32, #tpu.memory_space<vmem>>) dst(%dma_wait3A_36 : memref<64x128xf32, #tpu.memory_space<vmem_shared>>)
        tpu.yield
      }) : () -> ()
      %scan3A_30 = arith.constant 0 : i32
      scf.yield %scan3A_30 : i32
    }
    %scan3A_12 = arith.constant 10 : i32
    %barrier3A = arith.constant 0 : index
    tpu.barrier barrier_id(%barrier3A)
    %scan3A_13 = arith.constant 0 : i32
    %scan3A_14 = arith.constant 0 : i32
    %scan3A_15 = arith.constant 5 : i32
    %scan3A_16 = arith.addi %scan3A_14, %scan3A_15 : i32
    %scan3A_17 = arith.constant 1 : i32
    %scan3A_18 = scf.for %scan3A_24 = %scan3A_14 to %scan3A_16 step %scan3A_17 iter_args(%scan3A_25 = %scan3A_13) -> (i32)  : i32 {
      %mul3A_26 = arith.constant 50 : i32
      %mul3A_27 = arith.muli %scan3A_24, %mul3A_26 : i32
      "tpu.region"() ({
        %run_scoped3A = tpu.sem_alloc : memref<!tpu.dma_semaphore, #tpu.memory_space<semaphore_mem>>
        %dma_start3A_1429 = arith.constant 0 : i32
        %dma_start3A_1430 = tpu.memref_slice %arg3[%arg0, %arg1, %mul3A_27, %dma_start3A_1429] : memref<2x16x250x80xi32, #tpu.memory_space<hbm>> -> memref<1x1x50x80xi32, #tpu.memory_space<hbm>>
        %dma_start3A_1431 = tpu.memref_squeeze %dma_start3A_1430 : memref<1x1x50x80xi32, #tpu.memory_space<hbm>> -> memref<50x80xi32, #tpu.memory_space<hbm>>
        %dma_start3A_1432 = arith.constant 0 : i32
        %dma_start3A_1433 = tpu.memref_slice %arg3[%arg0, %arg1, %mul3A_27, %dma_start3A_1432] : memref<2x16x250x80xi32, #tpu.memory_space<hbm>> -> memref<1x1x50x80xi32, #tpu.memory_space<hbm>>
        %dma_start3A_1434 = tpu.memref_squeeze %dma_start3A_1433 : memref<1x1x50x80xi32, #tpu.memory_space<hbm>> -> memref<50x80xi32, #tpu.memory_space<hbm>>
        tpu.enqueue_dma source(%dma_start3A_1434 : memref<50x80xi32, #tpu.memory_space<hbm>>) target(%arg7 : memref<50x80xi32, #tpu.memory_space<vmem>>) target_semaphore(%run_scoped3A : memref<!tpu.dma_semaphore, #tpu.memory_space<semaphore_mem>>)
        %dma_wait3A_1435 = arith.constant 0 : i32
        %dma_wait3A_1436 = tpu.memref_slice %arg3[%arg0, %arg1, %mul3A_27, %dma_wait3A_1435] : memref<2x16x250x80xi32, #tpu.memory_space<hbm>> -> memref<1x1x50x80xi32, #tpu.memory_space<hbm>>
        %dma_wait3A_1437 = tpu.memref_squeeze %dma_wait3A_1436 : memref<1x1x50x80xi32, #tpu.memory_space<hbm>> -> memref<50x80xi32, #tpu.memory_space<hbm>>
        %dma_wait3A_1438 = arith.constant 0 : i32
        %dma_wait3A_1439 = tpu.memref_slice %arg3[%arg0, %arg1, %mul3A_27, %dma_wait3A_1438] : memref<2x16x250x80xi32, #tpu.memory_space<hbm>> -> memref<1x1x50x80xi32, #tpu.memory_space<hbm>>
        %dma_wait3A_1440 = tpu.memref_squeeze %dma_wait3A_1439 : memref<1x1x50x80xi32, #tpu.memory_space<hbm>> -> memref<50x80xi32, #tpu.memory_space<hbm>>
        tpu.wait_dma2 semaphore(%run_scoped3A : memref<!tpu.dma_semaphore, #tpu.memory_space<semaphore_mem>>) src(%dma_wait3A_1440 : memref<50x80xi32, #tpu.memory_space<hbm>>) dst(%arg7 : memref<50x80xi32, #tpu.memory_space<vmem>>)
        tpu.yield
      }) : () -> ()
      %mul3A_28 = arith.constant 50 : i32
      %mul3A_29 = arith.muli %scan3A_24, %mul3A_28 : i32
      "tpu.region"() ({
        %run_scoped3A = tpu.sem_alloc : memref<!tpu.dma_semaphore, #tpu.memory_space<semaphore_mem>>
        %dma_start3A_1429 = arith.constant 0 : i32
        %dma_start3A_1430 = tpu.memref_slice %arg4[%arg1, %mul3A_29, %dma_start3A_1429] : memref<16x250x80xi32, #tpu.memory_space<hbm>> -> memref<1x50x80xi32, #tpu.memory_space<hbm>>
        %dma_start3A_1431 = tpu.memref_squeeze %dma_start3A_1430 : memref<1x50x80xi32, #tpu.memory_space<hbm>> -> memref<50x80xi32, #tpu.memory_space<hbm>>
        %dma_start3A_1432 = arith.constant 0 : i32
        %dma_start3A_1433 = tpu.memref_slice %arg4[%arg1, %mul3A_29, %dma_start3A_1432] : memref<16x250x80xi32, #tpu.memory_space<hbm>> -> memref<1x50x80xi32, #tpu.memory_space<hbm>>
        %dma_start3A_1434 = tpu.memref_squeeze %dma_start3A_1433 : memref<1x50x80xi32, #tpu.memory_space<hbm>> -> memref<50x80xi32, #tpu.memory_space<hbm>>
        tpu.enqueue_dma source(%dma_start3A_1434 : memref<50x80xi32, #tpu.memory_space<hbm>>) target(%arg8 : memref<50x80xi32, #tpu.memory_space<vmem>>) target_semaphore(%run_scoped3A : memref<!tpu.dma_semaphore, #tpu.memory_space<semaphore_mem>>)
        %dma_wait3A_1435 = arith.constant 0 : i32
        %dma_wait3A_1436 = tpu.memref_slice %arg4[%arg1, %mul3A_29, %dma_wait3A_1435] : memref<16x250x80xi32, #tpu.memory_space<hbm>> -> memref<1x50x80xi32, #tpu.memory_space<hbm>>
        %dma_wait3A_1437 = tpu.memref_squeeze %dma_wait3A_1436 : memref<1x50x80xi32, #tpu.memory_space<hbm>> -> memref<50x80xi32, #tpu.memory_space<hbm>>
        %dma_wait3A_1438 = arith.constant 0 : i32
        %dma_wait3A_1439 = tpu.memref_slice %arg4[%arg1, %mul3A_29, %dma_wait3A_1438] : memref<16x250x80xi32, #tpu.memory_space<hbm>> -> memref<1x50x80xi32, #tpu.memory_space<hbm>>
        %dma_wait3A_1440 = tpu.memref_squeeze %dma_wait3A_1439 : memref<1x50x80xi32, #tpu.memory_space<hbm>> -> memref<50x80xi32, #tpu.memory_space<hbm>>
        tpu.wait_dma2 semaphore(%run_scoped3A : memref<!tpu.dma_semaphore, #tpu.memory_space<semaphore_mem>>) src(%dma_wait3A_1440 : memref<50x80xi32, #tpu.memory_space<hbm>>) dst(%arg8 : memref<50x80xi32, #tpu.memory_space<vmem>>)
        tpu.yield
      }) : () -> ()
      %dma_start3A = arith.constant 0 : i32
      %dma_start3A_30 = arith.constant 0 : i32
      %dma_start3A_31 = tpu.memref_slice %arg7[%dma_start3A, %dma_start3A_30] : memref<50x80xi32, #tpu.memory_space<vmem>> -> memref<1x80xi32, #tpu.memory_space<vmem>>
      %dma_start3A_32 = tpu.memref_squeeze %dma_start3A_31 : memref<1x80xi32, #tpu.memory_space<vmem>> -> memref<80xi32, #tpu.memory_space<vmem>>
      %dma_start3A_33 = arith.constant 0 : i32
      %dma_start3A_34 = arith.constant 0 : i32
      %dma_start3A_35 = tpu.memref_slice %arg2[%dma_start3A_33, %dma_start3A_34] : memref<20000x128xf32, #tpu.memory_space<hbm>> -> memref<20000x128xf32, #tpu.memory_space<hbm>>
      tpu.enqueue_indirect_dma source(%dma_start3A_35 : memref<20000x128xf32, #tpu.memory_space<hbm>>) target(%arg9 : memref<80x128xf32, #tpu.memory_space<vmem>>) offsets(%dma_start3A_32 : memref<80xi32, #tpu.memory_space<vmem>>) semaphore(%arg13 : memref<!tpu.dma_semaphore, #tpu.memory_space<semaphore_mem>>)
      %dma_start3A_36 = arith.constant 1 : i32
      %dma_start3A_37 = arith.constant 0 : i32
      %dma_start3A_38 = tpu.memref_slice %arg7[%dma_start3A_36, %dma_start3A_37] : memref<50x80xi32, #tpu.memory_space<vmem>> -> memref<1x80xi32, #tpu.memory_space<vmem>>
      %dma_start3A_39 = tpu.memref_squeeze %dma_start3A_38 : memref<1x80xi32, #tpu.memory_space<vmem>> -> memref<80xi32, #tpu.memory_space<vmem>>
      %dma_start3A_40 = arith.constant 0 : i32
      %dma_start3A_41 = arith.constant 0 : i32
      %dma_start3A_42 = tpu.memref_slice %arg2[%dma_start3A_40, %dma_start3A_41] : memref<20000x128xf32, #tpu.memory_space<hbm>> -> memref<20000x128xf32, #tpu.memory_space<hbm>>
      tpu.enqueue_indirect_dma source(%dma_start3A_42 : memref<20000x128xf32, #tpu.memory_space<hbm>>) target(%arg10 : memref<80x128xf32, #tpu.memory_space<vmem>>) offsets(%dma_start3A_39 : memref<80xi32, #tpu.memory_space<vmem>>) semaphore(%arg14 : memref<!tpu.dma_semaphore, #tpu.memory_space<semaphore_mem>>)
      %dma_start3A_43 = arith.constant 2 : i32
      %dma_start3A_44 = arith.constant 0 : i32
      %dma_start3A_45 = tpu.memref_slice %arg7[%dma_start3A_43, %dma_start3A_44] : memref<50x80xi32, #tpu.memory_space<vmem>> -> memref<1x80xi32, #tpu.memory_space<vmem>>
      %dma_start3A_46 = tpu.memref_squeeze %dma_start3A_45 : memref<1x80xi32, #tpu.memory_space<vmem>> -> memref<80xi32, #tpu.memory_space<vmem>>
      %dma_start3A_47 = arith.constant 0 : i32
      %dma_start3A_48 = arith.constant 0 : i32
      %dma_start3A_49 = tpu.memref_slice %arg2[%dma_start3A_47, %dma_start3A_48] : memref<20000x128xf32, #tpu.memory_space<hbm>> -> memref<20000x128xf32, #tpu.memory_space<hbm>>
      tpu.enqueue_indirect_dma source(%dma_start3A_49 : memref<20000x128xf32, #tpu.memory_space<hbm>>) target(%arg11 : memref<80x128xf32, #tpu.memory_space<vmem>>) offsets(%dma_start3A_46 : memref<80xi32, #tpu.memory_space<vmem>>) semaphore(%arg15 : memref<!tpu.dma_semaphore, #tpu.memory_space<semaphore_mem>>)
      %dma_wait3A = arith.constant 0 : i32
      %dma_wait3A_50 = arith.constant 0 : i32
      %dma_wait3A_51 = tpu.memref_slice %arg7[%dma_wait3A, %dma_wait3A_50] : memref<50x80xi32, #tpu.memory_space<vmem>> -> memref<1x80xi32, #tpu.memory_space<vmem>>
      %dma_wait3A_52 = tpu.memref_squeeze %dma_wait3A_51 : memref<1x80xi32, #tpu.memory_space<vmem>> -> memref<80xi32, #tpu.memory_space<vmem>>
      %dma_wait3A_53 = arith.constant 0 : i32
      %dma_wait3A_54 = arith.constant 0 : i32
      %dma_wait3A_55 = tpu.memref_slice %arg2[%dma_wait3A_53, %dma_wait3A_54] : memref<20000x128xf32, #tpu.memory_space<hbm>> -> memref<20000x128xf32, #tpu.memory_space<hbm>>
      tpu.wait_indirect_dma semaphore(%arg13 : memref<!tpu.dma_semaphore, #tpu.memory_space<semaphore_mem>>) src(%dma_wait3A_55 : memref<20000x128xf32, #tpu.memory_space<hbm>>) dst(%arg9 : memref<80x128xf32, #tpu.memory_space<vmem>>)
      %dma_start3A_56 = arith.constant 0 : i32
      %dma_start3A_57 = arith.constant 0 : i32
      %dma_start3A_58 = tpu.memref_slice %arg8[%dma_start3A_56, %dma_start3A_57] : memref<50x80xi32, #tpu.memory_space<vmem>> -> memref<1x80xi32, #tpu.memory_space<vmem>>
      %dma_start3A_59 = tpu.memref_squeeze %dma_start3A_58 : memref<1x80xi32, #tpu.memory_space<vmem>> -> memref<80xi32, #tpu.memory_space<vmem>>
      %dma_start3A_60 = arith.constant 0 : i32
      %dma_start3A_61 = arith.constant 0 : i32
      %dma_start3A_62 = tpu.memref_slice %arg6[%dma_start3A_60, %dma_start3A_61] : memref<10240x128xf32, #tpu.memory_space<vmem_shared>> -> memref<10240x128xf32, #tpu.memory_space<vmem_shared>>
      tpu.enqueue_indirect_dma source(%arg9 : memref<80x128xf32, #tpu.memory_space<vmem>>) target(%dma_start3A_62 : memref<10240x128xf32, #tpu.memory_space<vmem_shared>>) offsets(%dma_start3A_59 : memref<80xi32, #tpu.memory_space<vmem>>) semaphore(%arg16 : memref<!tpu.dma_semaphore, #tpu.memory_space<semaphore_mem>>) {add = true}
      %dma_wait3A_63 = arith.constant 0 : i32
      %dma_wait3A_64 = arith.constant 0 : i32
      %dma_wait3A_65 = tpu.memref_slice %arg8[%dma_wait3A_63, %dma_wait3A_64] : memref<50x80xi32, #tpu.memory_space<vmem>> -> memref<1x80xi32, #tpu.memory_space<vmem>>
      %dma_wait3A_66 = tpu.memref_squeeze %dma_wait3A_65 : memref<1x80xi32, #tpu.memory_space<vmem>> -> memref<80xi32, #tpu.memory_space<vmem>>
      %dma_wait3A_67 = arith.constant 0 : i32
      %dma_wait3A_68 = arith.constant 0 : i32
      %dma_wait3A_69 = tpu.memref_slice %arg6[%dma_wait3A_67, %dma_wait3A_68] : memref<10240x128xf32, #tpu.memory_space<vmem_shared>> -> memref<10240x128xf32, #tpu.memory_space<vmem_shared>>
      tpu.wait_indirect_dma semaphore(%arg16 : memref<!tpu.dma_semaphore, #tpu.memory_space<semaphore_mem>>) src(%arg9 : memref<80x128xf32, #tpu.memory_space<vmem>>) dst(%dma_wait3A_69 : memref<10240x128xf32, #tpu.memory_space<vmem_shared>>)
      %dma_start3A_70 = arith.constant 3 : i32
      %dma_start3A_71 = arith.constant 0 : i32
      %dma_start3A_72 = tpu.memref_slice %arg7[%dma_start3A_70, %dma_start3A_71] : memref<50x80xi32, #tpu.memory_space<vmem>> -> memref<1x80xi32, #tpu.memory_space<vmem>>
      %dma_start3A_73 = tpu.memref_squeeze %dma_start3A_72 : memref<1x80xi32, #tpu.memory_space<vmem>> -> memref<80xi32, #tpu.memory_space<vmem>>
      %dma_start3A_74 = arith.constant 0 : i32
      %dma_start3A_75 = arith.constant 0 : i32
      %dma_start3A_76 = tpu.memref_slice %arg2[%dma_start3A_74, %dma_start3A_75] : memref<20000x128xf32, #tpu.memory_space<hbm>> -> memref<20000x128xf32, #tpu.memory_space<hbm>>
      tpu.enqueue_indirect_dma source(%dma_start3A_76 : memref<20000x128xf32, #tpu.memory_space<hbm>>) target(%arg9 : memref<80x128xf32, #tpu.memory_space<vmem>>) offsets(%dma_start3A_73 : memref<80xi32, #tpu.memory_space<vmem>>) semaphore(%arg13 : memref<!tpu.dma_semaphore, #tpu.memory_space<semaphore_mem>>)
      %dma_wait3A_77 = arith.constant 1 : i32
      %dma_wait3A_78 = arith.constant 0 : i32
      %dma_wait3A_79 = tpu.memref_slice %arg7[%dma_wait3A_77, %dma_wait3A_78] : memref<50x80xi32, #tpu.memory_space<vmem>> -> memref<1x80xi32, #tpu.memory_space<vmem>>
      %dma_wait3A_80 = tpu.memref_squeeze %dma_wait3A_79 : memref<1x80xi32, #tpu.memory_space<vmem>> -> memref<80xi32, #tpu.memory_space<vmem>>
      %dma_wait3A_81 = arith.constant 0 : i32
      %dma_wait3A_82 = arith.constant 0 : i32
      %dma_wait3A_83 = tpu.memref_slice %arg2[%dma_wait3A_81, %dma_wait3A_82] : memref<20000x128xf32, #tpu.memory_space<hbm>> -> memref<20000x128xf32, #tpu.memory_space<hbm>>
      tpu.wait_indirect_dma semaphore(%arg14 : memref<!tpu.dma_semaphore, #tpu.memory_space<semaphore_mem>>) src(%dma_wait3A_83 : memref<20000x128xf32, #tpu.memory_space<hbm>>) dst(%arg10 : memref<80x128xf32, #tpu.memory_space<vmem>>)
      %dma_start3A_84 = arith.constant 1 : i32
      %dma_start3A_85 = arith.constant 0 : i32
      %dma_start3A_86 = tpu.memref_slice %arg8[%dma_start3A_84, %dma_start3A_85] : memref<50x80xi32, #tpu.memory_space<vmem>> -> memref<1x80xi32, #tpu.memory_space<vmem>>
      %dma_start3A_87 = tpu.memref_squeeze %dma_start3A_86 : memref<1x80xi32, #tpu.memory_space<vmem>> -> memref<80xi32, #tpu.memory_space<vmem>>
      %dma_start3A_88 = arith.constant 0 : i32
      %dma_start3A_89 = arith.constant 0 : i32
      %dma_start3A_90 = tpu.memref_slice %arg6[%dma_start3A_88, %dma_start3A_89] : memref<10240x128xf32, #tpu.memory_space<vmem_shared>> -> memref<10240x128xf32, #tpu.memory_space<vmem_shared>>
      tpu.enqueue_indirect_dma source(%arg10 : memref<80x128xf32, #tpu.memory_space<vmem>>) target(%dma_start3A_90 : memref<10240x128xf32, #tpu.memory_space<vmem_shared>>) offsets(%dma_start3A_87 : memref<80xi32, #tpu.memory_space<vmem>>) semaphore(%arg17 : memref<!tpu.dma_semaphore, #tpu.memory_space<semaphore_mem>>) {add = true}
      %dma_wait3A_91 = arith.constant 1 : i32
      %dma_wait3A_92 = arith.constant 0 : i32
      %dma_wait3A_93 = tpu.memref_slice %arg8[%dma_wait3A_91, %dma_wait3A_92] : memref<50x80xi32, #tpu.memory_space<vmem>> -> memref<1x80xi32, #tpu.memory_space<vmem>>
      %dma_wait3A_94 = tpu.memref_squeeze %dma_wait3A_93 : memref<1x80xi32, #tpu.memory_space<vmem>> -> memref<80xi32, #tpu.memory_space<vmem>>
      %dma_wait3A_95 = arith.constant 0 : i32
      %dma_wait3A_96 = arith.constant 0 : i32
      %dma_wait3A_97 = tpu.memref_slice %arg6[%dma_wait3A_95, %dma_wait3A_96] : memref<10240x128xf32, #tpu.memory_space<vmem_shared>> -> memref<10240x128xf32, #tpu.memory_space<vmem_shared>>
      tpu.wait_indirect_dma semaphore(%arg17 : memref<!tpu.dma_semaphore, #tpu.memory_space<semaphore_mem>>) src(%arg10 : memref<80x128xf32, #tpu.memory_space<vmem>>) dst(%dma_wait3A_97 : memref<10240x128xf32, #tpu.memory_space<vmem_shared>>)
      %dma_start3A_98 = arith.constant 4 : i32
      %dma_start3A_99 = arith.constant 0 : i32
      %dma_start3A_100 = tpu.memref_slice %arg7[%dma_start3A_98, %dma_start3A_99] : memref<50x80xi32, #tpu.memory_space<vmem>> -> memref<1x80xi32, #tpu.memory_space<vmem>>
      %dma_start3A_101 = tpu.memref_squeeze %dma_start3A_100 : memref<1x80xi32, #tpu.memory_space<vmem>> -> memref<80xi32, #tpu.memory_space<vmem>>
      %dma_start3A_102 = arith.constant 0 : i32
      %dma_start3A_103 = arith.constant 0 : i32
      %dma_start3A_104 = tpu.memref_slice %arg2[%dma_start3A_102, %dma_start3A_103] : memref<20000x128xf32, #tpu.memory_space<hbm>> -> memref<20000x128xf32, #tpu.memory_space<hbm>>
      tpu.enqueue_indirect_dma source(%dma_start3A_104 : memref<20000x128xf32, #tpu.memory_space<hbm>>) target(%arg10 : memref<80x128xf32, #tpu.memory_space<vmem>>) offsets(%dma_start3A_101 : memref<80xi32, #tpu.memory_space<vmem>>) semaphore(%arg14 : memref<!tpu.dma_semaphore, #tpu.memory_space<semaphore_mem>>)
      %dma_wait3A_105 = arith.constant 2 : i32
      %dma_wait3A_106 = arith.constant 0 : i32
      %dma_wait3A_107 = tpu.memref_slice %arg7[%dma_wait3A_105, %dma_wait3A_106] : memref<50x80xi32, #tpu.memory_space<vmem>> -> memref<1x80xi32, #tpu.memory_space<vmem>>
      %dma_wait3A_108 = tpu.memref_squeeze %dma_wait3A_107 : memref<1x80xi32, #tpu.memory_space<vmem>> -> memref<80xi32, #tpu.memory_space<vmem>>
      %dma_wait3A_109 = arith.constant 0 : i32
      %dma_wait3A_110 = arith.constant 0 : i32
      %dma_wait3A_111 = tpu.memref_slice %arg2[%dma_wait3A_109, %dma_wait3A_110] : memref<20000x128xf32, #tpu.memory_space<hbm>> -> memref<20000x128xf32, #tpu.memory_space<hbm>>
      tpu.wait_indirect_dma semaphore(%arg15 : memref<!tpu.dma_semaphore, #tpu.memory_space<semaphore_mem>>) src(%dma_wait3A_111 : memref<20000x128xf32, #tpu.memory_space<hbm>>) dst(%arg11 : memref<80x128xf32, #tpu.memory_space<vmem>>)
      %dma_start3A_112 = arith.constant 2 : i32
      %dma_start3A_113 = arith.constant 0 : i32
      %dma_start3A_114 = tpu.memref_slice %arg8[%dma_start3A_112, %dma_start3A_113] : memref<50x80xi32, #tpu.memory_space<vmem>> -> memref<1x80xi32, #tpu.memory_space<vmem>>
      %dma_start3A_115 = tpu.memref_squeeze %dma_start3A_114 : memref<1x80xi32, #tpu.memory_space<vmem>> -> memref<80xi32, #tpu.memory_space<vmem>>
      %dma_start3A_116 = arith.constant 0 : i32
      %dma_start3A_117 = arith.constant 0 : i32
      %dma_start3A_118 = tpu.memref_slice %arg6[%dma_start3A_116, %dma_start3A_117] : memref<10240x128xf32, #tpu.memory_space<vmem_shared>> -> memref<10240x128xf32, #tpu.memory_space<vmem_shared>>
      tpu.enqueue_indirect_dma source(%arg11 : memref<80x128xf32, #tpu.memory_space<vmem>>) target(%dma_start3A_118 : memref<10240x128xf32, #tpu.memory_space<vmem_shared>>) offsets(%dma_start3A_115 : memref<80xi32, #tpu.memory_space<vmem>>) semaphore(%arg18 : memref<!tpu.dma_semaphore, #tpu.memory_space<semaphore_mem>>) {add = true}
      %dma_wait3A_119 = arith.constant 2 : i32
      %dma_wait3A_120 = arith.constant 0 : i32
      %dma_wait3A_121 = tpu.memref_slice %arg8[%dma_wait3A_119, %dma_wait3A_120] : memref<50x80xi32, #tpu.memory_space<vmem>> -> memref<1x80xi32, #tpu.memory_space<vmem>>
      %dma_wait3A_122 = tpu.memref_squeeze %dma_wait3A_121 : memref<1x80xi32, #tpu.memory_space<vmem>> -> memref<80xi32, #tpu.memory_space<vmem>>
      %dma_wait3A_123 = arith.constant 0 : i32
      %dma_wait3A_124 = arith.constant 0 : i32
      %dma_wait3A_125 = tpu.memref_slice %arg6[%dma_wait3A_123, %dma_wait3A_124] : memref<10240x128xf32, #tpu.memory_space<vmem_shared>> -> memref<10240x128xf32, #tpu.memory_space<vmem_shared>>
      tpu.wait_indirect_dma semaphore(%arg18 : memref<!tpu.dma_semaphore, #tpu.memory_space<semaphore_mem>>) src(%arg11 : memref<80x128xf32, #tpu.memory_space<vmem>>) dst(%dma_wait3A_125 : memref<10240x128xf32, #tpu.memory_space<vmem_shared>>)
      %dma_start3A_126 = arith.constant 5 : i32
      %dma_start3A_127 = arith.constant 0 : i32
      %dma_start3A_128 = tpu.memref_slice %arg7[%dma_start3A_126, %dma_start3A_127] : memref<50x80xi32, #tpu.memory_space<vmem>> -> memref<1x80xi32, #tpu.memory_space<vmem>>
      %dma_start3A_129 = tpu.memref_squeeze %dma_start3A_128 : memref<1x80xi32, #tpu.memory_space<vmem>> -> memref<80xi32, #tpu.memory_space<vmem>>
      %dma_start3A_130 = arith.constant 0 : i32
      %dma_start3A_131 = arith.constant 0 : i32
      %dma_start3A_132 = tpu.memref_slice %arg2[%dma_start3A_130, %dma_start3A_131] : memref<20000x128xf32, #tpu.memory_space<hbm>> -> memref<20000x128xf32, #tpu.memory_space<hbm>>
      tpu.enqueue_indirect_dma source(%dma_start3A_132 : memref<20000x128xf32, #tpu.memory_space<hbm>>) target(%arg11 : memref<80x128xf32, #tpu.memory_space<vmem>>) offsets(%dma_start3A_129 : memref<80xi32, #tpu.memory_space<vmem>>) semaphore(%arg15 : memref<!tpu.dma_semaphore, #tpu.memory_space<semaphore_mem>>)
      %dma_wait3A_133 = arith.constant 3 : i32
      %dma_wait3A_134 = arith.constant 0 : i32
      %dma_wait3A_135 = tpu.memref_slice %arg7[%dma_wait3A_133, %dma_wait3A_134] : memref<50x80xi32, #tpu.memory_space<vmem>> -> memref<1x80xi32, #tpu.memory_space<vmem>>
      %dma_wait3A_136 = tpu.memref_squeeze %dma_wait3A_135 : memref<1x80xi32, #tpu.memory_space<vmem>> -> memref<80xi32, #tpu.memory_space<vmem>>
      %dma_wait3A_137 = arith.constant 0 : i32
      %dma_wait3A_138 = arith.constant 0 : i32
      %dma_wait3A_139 = tpu.memref_slice %arg2[%dma_wait3A_137, %dma_wait3A_138] : memref<20000x128xf32, #tpu.memory_space<hbm>> -> memref<20000x128xf32, #tpu.memory_space<hbm>>
      tpu.wait_indirect_dma semaphore(%arg13 : memref<!tpu.dma_semaphore, #tpu.memory_space<semaphore_mem>>) src(%dma_wait3A_139 : memref<20000x128xf32, #tpu.memory_space<hbm>>) dst(%arg9 : memref<80x128xf32, #tpu.memory_space<vmem>>)
      %dma_start3A_140 = arith.constant 3 : i32
      %dma_start3A_141 = arith.constant 0 : i32
      %dma_start3A_142 = tpu.memref_slice %arg8[%dma_start3A_140, %dma_start3A_141] : memref<50x80xi32, #tpu.memory_space<vmem>> -> memref<1x80xi32, #tpu.memory_space<vmem>>
      %dma_start3A_143 = tpu.memref_squeeze %dma_start3A_142 : memref<1x80xi32, #tpu.memory_space<vmem>> -> memref<80xi32, #tpu.memory_space<vmem>>
      %dma_start3A_144 = arith.constant 0 : i32
      %dma_start3A_145 = arith.constant 0 : i32
      %dma_start3A_146 = tpu.memref_slice %arg6[%dma_start3A_144, %dma_start3A_145] : memref<10240x128xf32, #tpu.memory_space<vmem_shared>> -> memref<10240x128xf32, #tpu.memory_space<vmem_shared>>
      tpu.enqueue_indirect_dma source(%arg9 : memref<80x128xf32, #tpu.memory_space<vmem>>) target(%dma_start3A_146 : memref<10240x128xf32, #tpu.memory_space<vmem_shared>>) offsets(%dma_start3A_143 : memref<80xi32, #tpu.memory_space<vmem>>) semaphore(%arg16 : memref<!tpu.dma_semaphore, #tpu.memory_space<semaphore_mem>>) {add = true}
      %dma_wait3A_147 = arith.constant 3 : i32
      %dma_wait3A_148 = arith.constant 0 : i32
      %dma_wait3A_149 = tpu.memref_slice %arg8[%dma_wait3A_147, %dma_wait3A_148] : memref<50x80xi32, #tpu.memory_space<vmem>> -> memref<1x80xi32, #tpu.memory_space<vmem>>
      %dma_wait3A_150 = tpu.memref_squeeze %dma_wait3A_149 : memref<1x80xi32, #tpu.memory_space<vmem>> -> memref<80xi32, #tpu.memory_space<vmem>>
      %dma_wait3A_151 = arith.constant 0 : i32
      %dma_wait3A_152 = arith.constant 0 : i32
      %dma_wait3A_153 = tpu.memref_slice %arg6[%dma_wait3A_151, %dma_wait3A_152] : memref<10240x128xf32, #tpu.memory_space<vmem_shared>> -> memref<10240x128xf32, #tpu.memory_space<vmem_shared>>
      tpu.wait_indirect_dma semaphore(%arg16 : memref<!tpu.dma_semaphore, #tpu.memory_space<semaphore_mem>>) src(%arg9 : memref<80x128xf32, #tpu.memory_space<vmem>>) dst(%dma_wait3A_153 : memref<10240x128xf32, #tpu.memory_space<vmem_shared>>)
      %dma_start3A_154 = arith.constant 6 : i32
      %dma_start3A_155 = arith.constant 0 : i32
      %dma_start3A_156 = tpu.memref_slice %arg7[%dma_start3A_154, %dma_start3A_155] : memref<50x80xi32, #tpu.memory_space<vmem>> -> memref<1x80xi32, #tpu.memory_space<vmem>>
      %dma_start3A_157 = tpu.memref_squeeze %dma_start3A_156 : memref<1x80xi32, #tpu.memory_space<vmem>> -> memref<80xi32, #tpu.memory_space<vmem>>
      %dma_start3A_158 = arith.constant 0 : i32
      %dma_start3A_159 = arith.constant 0 : i32
      %dma_start3A_160 = tpu.memref_slice %arg2[%dma_start3A_158, %dma_start3A_159] : memref<20000x128xf32, #tpu.memory_space<hbm>> -> memref<20000x128xf32, #tpu.memory_space<hbm>>
      tpu.enqueue_indirect_dma source(%dma_start3A_160 : memref<20000x128xf32, #tpu.memory_space<hbm>>) target(%arg9 : memref<80x128xf32, #tpu.memory_space<vmem>>) offsets(%dma_start3A_157 : memref<80xi32, #tpu.memory_space<vmem>>) semaphore(%arg13 : memref<!tpu.dma_semaphore, #tpu.memory_space<semaphore_mem>>)
      %dma_wait3A_161 = arith.constant 4 : i32
      %dma_wait3A_162 = arith.constant 0 : i32
      %dma_wait3A_163 = tpu.memref_slice %arg7[%dma_wait3A_161, %dma_wait3A_162] : memref<50x80xi32, #tpu.memory_space<vmem>> -> memref<1x80xi32, #tpu.memory_space<vmem>>
      %dma_wait3A_164 = tpu.memref_squeeze %dma_wait3A_163 : memref<1x80xi32, #tpu.memory_space<vmem>> -> memref<80xi32, #tpu.memory_space<vmem>>
      %dma_wait3A_165 = arith.constant 0 : i32
      %dma_wait3A_166 = arith.constant 0 : i32
      %dma_wait3A_167 = tpu.memref_slice %arg2[%dma_wait3A_165, %dma_wait3A_166] : memref<20000x128xf32, #tpu.memory_space<hbm>> -> memref<20000x128xf32, #tpu.memory_space<hbm>>
      tpu.wait_indirect_dma semaphore(%arg14 : memref<!tpu.dma_semaphore, #tpu.memory_space<semaphore_mem>>) src(%dma_wait3A_167 : memref<20000x128xf32, #tpu.memory_space<hbm>>) dst(%arg10 : memref<80x128xf32, #tpu.memory_space<vmem>>)
      %dma_start3A_168 = arith.constant 4 : i32
      %dma_start3A_169 = arith.constant 0 : i32
      %dma_start3A_170 = tpu.memref_slice %arg8[%dma_start3A_168, %dma_start3A_169] : memref<50x80xi32, #tpu.memory_space<vmem>> -> memref<1x80xi32, #tpu.memory_space<vmem>>
      %dma_start3A_171 = tpu.memref_squeeze %dma_start3A_170 : memref<1x80xi32, #tpu.memory_space<vmem>> -> memref<80xi32, #tpu.memory_space<vmem>>
      %dma_start3A_172 = arith.constant 0 : i32
      %dma_start3A_173 = arith.constant 0 : i32
      %dma_start3A_174 = tpu.memref_slice %arg6[%dma_start3A_172, %dma_start3A_173] : memref<10240x128xf32, #tpu.memory_space<vmem_shared>> -> memref<10240x128xf32, #tpu.memory_space<vmem_shared>>
      tpu.enqueue_indirect_dma source(%arg10 : memref<80x128xf32, #tpu.memory_space<vmem>>) target(%dma_start3A_174 : memref<10240x128xf32, #tpu.memory_space<vmem_shared>>) offsets(%dma_start3A_171 : memref<80xi32, #tpu.memory_space<vmem>>) semaphore(%arg17 : memref<!tpu.dma_semaphore, #tpu.memory_space<semaphore_mem>>) {add = true}
      %dma_wait3A_175 = arith.constant 4 : i32
      %dma_wait3A_176 = arith.constant 0 : i32
      %dma_wait3A_177 = tpu.memref_slice %arg8[%dma_wait3A_175, %dma_wait3A_176] : memref<50x80xi32, #tpu.memory_space<vmem>> -> memref<1x80xi32, #tpu.memory_space<vmem>>
      %dma_wait3A_178 = tpu.memref_squeeze %dma_wait3A_177 : memref<1x80xi32, #tpu.memory_space<vmem>> -> memref<80xi32, #tpu.memory_space<vmem>>
      %dma_wait3A_179 = arith.constant 0 : i32
      %dma_wait3A_180 = arith.constant 0 : i32
      %dma_wait3A_181 = tpu.memref_slice %arg6[%dma_wait3A_179, %dma_wait3A_180] : memref<10240x128xf32, #tpu.memory_space<vmem_shared>> -> memref<10240x128xf32, #tpu.memory_space<vmem_shared>>
      tpu.wait_indirect_dma semaphore(%arg17 : memref<!tpu.dma_semaphore, #tpu.memory_space<semaphore_mem>>) src(%arg10 : memref<80x128xf32, #tpu.memory_space<vmem>>) dst(%dma_wait3A_181 : memref<10240x128xf32, #tpu.memory_space<vmem_shared>>)
      %dma_start3A_182 = arith.constant 7 : i32
      %dma_start3A_183 = arith.constant 0 : i32
      %dma_start3A_184 = tpu.memref_slice %arg7[%dma_start3A_182, %dma_start3A_183] : memref<50x80xi32, #tpu.memory_space<vmem>> -> memref<1x80xi32, #tpu.memory_space<vmem>>
      %dma_start3A_185 = tpu.memref_squeeze %dma_start3A_184 : memref<1x80xi32, #tpu.memory_space<vmem>> -> memref<80xi32, #tpu.memory_space<vmem>>
      %dma_start3A_186 = arith.constant 0 : i32
      %dma_start3A_187 = arith.constant 0 : i32
      %dma_start3A_188 = tpu.memref_slice %arg2[%dma_start3A_186, %dma_start3A_187] : memref<20000x128xf32, #tpu.memory_space<hbm>> -> memref<20000x128xf32, #tpu.memory_space<hbm>>
      tpu.enqueue_indirect_dma source(%dma_start3A_188 : memref<20000x128xf32, #tpu.memory_space<hbm>>) target(%arg10 : memref<80x128xf32, #tpu.memory_space<vmem>>) offsets(%dma_start3A_185 : memref<80xi32, #tpu.memory_space<vmem>>) semaphore(%arg14 : memref<!tpu.dma_semaphore, #tpu.memory_space<semaphore_mem>>)
      %dma_wait3A_189 = arith.constant 5 : i32
      %dma_wait3A_190 = arith.constant 0 : i32
      %dma_wait3A_191 = tpu.memref_slice %arg7[%dma_wait3A_189, %dma_wait3A_190] : memref<50x80xi32, #tpu.memory_space<vmem>> -> memref<1x80xi32, #tpu.memory_space<vmem>>
      %dma_wait3A_192 = tpu.memref_squeeze %dma_wait3A_191 : memref<1x80xi32, #tpu.memory_space<vmem>> -> memref<80xi32, #tpu.memory_space<vmem>>
      %dma_wait3A_193 = arith.constant 0 : i32
      %dma_wait3A_194 = arith.constant 0 : i32
      %dma_wait3A_195 = tpu.memref_slice %arg2[%dma_wait3A_193, %dma_wait3A_194] : memref<20000x128xf32, #tpu.memory_space<hbm>> -> memref<20000x128xf32, #tpu.memory_space<hbm>>
      tpu.wait_indirect_dma semaphore(%arg15 : memref<!tpu.dma_semaphore, #tpu.memory_space<semaphore_mem>>) src(%dma_wait3A_195 : memref<20000x128xf32, #tpu.memory_space<hbm>>) dst(%arg11 : memref<80x128xf32, #tpu.memory_space<vmem>>)
      %dma_start3A_196 = arith.constant 5 : i32
      %dma_start3A_197 = arith.constant 0 : i32
      %dma_start3A_198 = tpu.memref_slice %arg8[%dma_start3A_196, %dma_start3A_197] : memref<50x80xi32, #tpu.memory_space<vmem>> -> memref<1x80xi32, #tpu.memory_space<vmem>>
      %dma_start3A_199 = tpu.memref_squeeze %dma_start3A_198 : memref<1x80xi32, #tpu.memory_space<vmem>> -> memref<80xi32, #tpu.memory_space<vmem>>
      %dma_start3A_200 = arith.constant 0 : i32
      %dma_start3A_201 = arith.constant 0 : i32
      %dma_start3A_202 = tpu.memref_slice %arg6[%dma_start3A_200, %dma_start3A_201] : memref<10240x128xf32, #tpu.memory_space<vmem_shared>> -> memref<10240x128xf32, #tpu.memory_space<vmem_shared>>
      tpu.enqueue_indirect_dma source(%arg11 : memref<80x128xf32, #tpu.memory_space<vmem>>) target(%dma_start3A_202 : memref<10240x128xf32, #tpu.memory_space<vmem_shared>>) offsets(%dma_start3A_199 : memref<80xi32, #tpu.memory_space<vmem>>) semaphore(%arg18 : memref<!tpu.dma_semaphore, #tpu.memory_space<semaphore_mem>>) {add = true}
      %dma_wait3A_203 = arith.constant 5 : i32
      %dma_wait3A_204 = arith.constant 0 : i32
      %dma_wait3A_205 = tpu.memref_slice %arg8[%dma_wait3A_203, %dma_wait3A_204] : memref<50x80xi32, #tpu.memory_space<vmem>> -> memref<1x80xi32, #tpu.memory_space<vmem>>
      %dma_wait3A_206 = tpu.memref_squeeze %dma_wait3A_205 : memref<1x80xi32, #tpu.memory_space<vmem>> -> memref<80xi32, #tpu.memory_space<vmem>>
      %dma_wait3A_207 = arith.constant 0 : i32
      %dma_wait3A_208 = arith.constant 0 : i32
      %dma_wait3A_209 = tpu.memref_slice %arg6[%dma_wait3A_207, %dma_wait3A_208] : memref<10240x128xf32, #tpu.memory_space<vmem_shared>> -> memref<10240x128xf32, #tpu.memory_space<vmem_shared>>
      tpu.wait_indirect_dma semaphore(%arg18 : memref<!tpu.dma_semaphore, #tpu.memory_space<semaphore_mem>>) src(%arg11 : memref<80x128xf32, #tpu.memory_space<vmem>>) dst(%dma_wait3A_209 : memref<10240x128xf32, #tpu.memory_space<vmem_shared>>)
      %dma_start3A_210 = arith.constant 8 : i32
      %dma_start3A_211 = arith.constant 0 : i32
      %dma_start3A_212 = tpu.memref_slice %arg7[%dma_start3A_210, %dma_start3A_211] : memref<50x80xi32, #tpu.memory_space<vmem>> -> memref<1x80xi32, #tpu.memory_space<vmem>>
      %dma_start3A_213 = tpu.memref_squeeze %dma_start3A_212 : memref<1x80xi32, #tpu.memory_space<vmem>> -> memref<80xi32, #tpu.memory_space<vmem>>
      %dma_start3A_214 = arith.constant 0 : i32
      %dma_start3A_215 = arith.constant 0 : i32
      %dma_start3A_216 = tpu.memref_slice %arg2[%dma_start3A_214, %dma_start3A_215] : memref<20000x128xf32, #tpu.memory_space<hbm>> -> memref<20000x128xf32, #tpu.memory_space<hbm>>
      tpu.enqueue_indirect_dma source(%dma_start3A_216 : memref<20000x128xf32, #tpu.memory_space<hbm>>) target(%arg11 : memref<80x128xf32, #tpu.memory_space<vmem>>) offsets(%dma_start3A_213 : memref<80xi32, #tpu.memory_space<vmem>>) semaphore(%arg15 : memref<!tpu.dma_semaphore, #tpu.memory_space<semaphore_mem>>)
      %dma_wait3A_217 = arith.constant 6 : i32
      %dma_wait3A_218 = arith.constant 0 : i32
      %dma_wait3A_219 = tpu.memref_slice %arg7[%dma_wait3A_217, %dma_wait3A_218] : memref<50x80xi32, #tpu.memory_space<vmem>> -> memref<1x80xi32, #tpu.memory_space<vmem>>
      %dma_wait3A_220 = tpu.memref_squeeze %dma_wait3A_219 : memref<1x80xi32, #tpu.memory_space<vmem>> -> memref<80xi32, #tpu.memory_space<vmem>>
      %dma_wait3A_221 = arith.constant 0 : i32
      %dma_wait3A_222 = arith.constant 0 : i32
      %dma_wait3A_223 = tpu.memref_slice %arg2[%dma_wait3A_221, %dma_wait3A_222] : memref<20000x128xf32, #tpu.memory_space<hbm>> -> memref<20000x128xf32, #tpu.memory_space<hbm>>
      tpu.wait_indirect_dma semaphore(%arg13 : memref<!tpu.dma_semaphore, #tpu.memory_space<semaphore_mem>>) src(%dma_wait3A_223 : memref<20000x128xf32, #tpu.memory_space<hbm>>) dst(%arg9 : memref<80x128xf32, #tpu.memory_space<vmem>>)
      %dma_start3A_224 = arith.constant 6 : i32
      %dma_start3A_225 = arith.constant 0 : i32
      %dma_start3A_226 = tpu.memref_slice %arg8[%dma_start3A_224, %dma_start3A_225] : memref<50x80xi32, #tpu.memory_space<vmem>> -> memref<1x80xi32, #tpu.memory_space<vmem>>
      %dma_start3A_227 = tpu.memref_squeeze %dma_start3A_226 : memref<1x80xi32, #tpu.memory_space<vmem>> -> memref<80xi32, #tpu.memory_space<vmem>>
      %dma_start3A_228 = arith.constant 0 : i32
      %dma_start3A_229 = arith.constant 0 : i32
      %dma_start3A_230 = tpu.memref_slice %arg6[%dma_start3A_228, %dma_start3A_229] : memref<10240x128xf32, #tpu.memory_space<vmem_shared>> -> memref<10240x128xf32, #tpu.memory_space<vmem_shared>>
      tpu.enqueue_indirect_dma source(%arg9 : memref<80x128xf32, #tpu.memory_space<vmem>>) target(%dma_start3A_230 : memref<10240x128xf32, #tpu.memory_space<vmem_shared>>) offsets(%dma_start3A_227 : memref<80xi32, #tpu.memory_space<vmem>>) semaphore(%arg16 : memref<!tpu.dma_semaphore, #tpu.memory_space<semaphore_mem>>) {add = true}
      %dma_wait3A_231 = arith.constant 6 : i32
      %dma_wait3A_232 = arith.constant 0 : i32
      %dma_wait3A_233 = tpu.memref_slice %arg8[%dma_wait3A_231, %dma_wait3A_232] : memref<50x80xi32, #tpu.memory_space<vmem>> -> memref<1x80xi32, #tpu.memory_space<vmem>>
      %dma_wait3A_234 = tpu.memref_squeeze %dma_wait3A_233 : memref<1x80xi32, #tpu.memory_space<vmem>> -> memref<80xi32, #tpu.memory_space<vmem>>
      %dma_wait3A_235 = arith.constant 0 : i32
      %dma_wait3A_236 = arith.constant 0 : i32
      %dma_wait3A_237 = tpu.memref_slice %arg6[%dma_wait3A_235, %dma_wait3A_236] : memref<10240x128xf32, #tpu.memory_space<vmem_shared>> -> memref<10240x128xf32, #tpu.memory_space<vmem_shared>>
      tpu.wait_indirect_dma semaphore(%arg16 : memref<!tpu.dma_semaphore, #tpu.memory_space<semaphore_mem>>) src(%arg9 : memref<80x128xf32, #tpu.memory_space<vmem>>) dst(%dma_wait3A_237 : memref<10240x128xf32, #tpu.memory_space<vmem_shared>>)
      %dma_start3A_238 = arith.constant 9 : i32
      %dma_start3A_239 = arith.constant 0 : i32
      %dma_start3A_240 = tpu.memref_slice %arg7[%dma_start3A_238, %dma_start3A_239] : memref<50x80xi32, #tpu.memory_space<vmem>> -> memref<1x80xi32, #tpu.memory_space<vmem>>
      %dma_start3A_241 = tpu.memref_squeeze %dma_start3A_240 : memref<1x80xi32, #tpu.memory_space<vmem>> -> memref<80xi32, #tpu.memory_space<vmem>>
      %dma_start3A_242 = arith.constant 0 : i32
      %dma_start3A_243 = arith.constant 0 : i32
      %dma_start3A_244 = tpu.memref_slice %arg2[%dma_start3A_242, %dma_start3A_243] : memref<20000x128xf32, #tpu.memory_space<hbm>> -> memref<20000x128xf32, #tpu.memory_space<hbm>>
      tpu.enqueue_indirect_dma source(%dma_start3A_244 : memref<20000x128xf32, #tpu.memory_space<hbm>>) target(%arg9 : memref<80x128xf32, #tpu.memory_space<vmem>>) offsets(%dma_start3A_241 : memref<80xi32, #tpu.memory_space<vmem>>) semaphore(%arg13 : memref<!tpu.dma_semaphore, #tpu.memory_space<semaphore_mem>>)
      %dma_wait3A_245 = arith.constant 7 : i32
      %dma_wait3A_246 = arith.constant 0 : i32
      %dma_wait3A_247 = tpu.memref_slice %arg7[%dma_wait3A_245, %dma_wait3A_246] : memref<50x80xi32, #tpu.memory_space<vmem>> -> memref<1x80xi32, #tpu.memory_space<vmem>>
      %dma_wait3A_248 = tpu.memref_squeeze %dma_wait3A_247 : memref<1x80xi32, #tpu.memory_space<vmem>> -> memref<80xi32, #tpu.memory_space<vmem>>
      %dma_wait3A_249 = arith.constant 0 : i32
      %dma_wait3A_250 = arith.constant 0 : i32
      %dma_wait3A_251 = tpu.memref_slice %arg2[%dma_wait3A_249, %dma_wait3A_250] : memref<20000x128xf32, #tpu.memory_space<hbm>> -> memref<20000x128xf32, #tpu.memory_space<hbm>>
      tpu.wait_indirect_dma semaphore(%arg14 : memref<!tpu.dma_semaphore, #tpu.memory_space<semaphore_mem>>) src(%dma_wait3A_251 : memref<20000x128xf32, #tpu.memory_space<hbm>>) dst(%arg10 : memref<80x128xf32, #tpu.memory_space<vmem>>)
      %dma_start3A_252 = arith.constant 7 : i32
      %dma_start3A_253 = arith.constant 0 : i32
      %dma_start3A_254 = tpu.memref_slice %arg8[%dma_start3A_252, %dma_start3A_253] : memref<50x80xi32, #tpu.memory_space<vmem>> -> memref<1x80xi32, #tpu.memory_space<vmem>>
      %dma_start3A_255 = tpu.memref_squeeze %dma_start3A_254 : memref<1x80xi32, #tpu.memory_space<vmem>> -> memref<80xi32, #tpu.memory_space<vmem>>
      %dma_start3A_256 = arith.constant 0 : i32
      %dma_start3A_257 = arith.constant 0 : i32
      %dma_start3A_258 = tpu.memref_slice %arg6[%dma_start3A_256, %dma_start3A_257] : memref<10240x128xf32, #tpu.memory_space<vmem_shared>> -> memref<10240x128xf32, #tpu.memory_space<vmem_shared>>
      tpu.enqueue_indirect_dma source(%arg10 : memref<80x128xf32, #tpu.memory_space<vmem>>) target(%dma_start3A_258 : memref<10240x128xf32, #tpu.memory_space<vmem_shared>>) offsets(%dma_start3A_255 : memref<80xi32, #tpu.memory_space<vmem>>) semaphore(%arg17 : memref<!tpu.dma_semaphore, #tpu.memory_space<semaphore_mem>>) {add = true}
      %dma_wait3A_259 = arith.constant 7 : i32
      %dma_wait3A_260 = arith.constant 0 : i32
      %dma_wait3A_261 = tpu.memref_slice %arg8[%dma_wait3A_259, %dma_wait3A_260] : memref<50x80xi32, #tpu.memory_space<vmem>> -> memref<1x80xi32, #tpu.memory_space<vmem>>
      %dma_wait3A_262 = tpu.memref_squeeze %dma_wait3A_261 : memref<1x80xi32, #tpu.memory_space<vmem>> -> memref<80xi32, #tpu.memory_space<vmem>>
      %dma_wait3A_263 = arith.constant 0 : i32
      %dma_wait3A_264 = arith.constant 0 : i32
      %dma_wait3A_265 = tpu.memref_slice %arg6[%dma_wait3A_263, %dma_wait3A_264] : memref<10240x128xf32, #tpu.memory_space<vmem_shared>> -> memref<10240x128xf32, #tpu.memory_space<vmem_shared>>
      tpu.wait_indirect_dma semaphore(%arg17 : memref<!tpu.dma_semaphore, #tpu.memory_space<semaphore_mem>>) src(%arg10 : memref<80x128xf32, #tpu.memory_space<vmem>>) dst(%dma_wait3A_265 : memref<10240x128xf32, #tpu.memory_space<vmem_shared>>)
      %dma_start3A_266 = arith.constant 10 : i32
      %dma_start3A_267 = arith.constant 0 : i32
      %dma_start3A_268 = tpu.memref_slice %arg7[%dma_start3A_266, %dma_start3A_267] : memref<50x80xi32, #tpu.memory_space<vmem>> -> memref<1x80xi32, #tpu.memory_space<vmem>>
      %dma_start3A_269 = tpu.memref_squeeze %dma_start3A_268 : memref<1x80xi32, #tpu.memory_space<vmem>> -> memref<80xi32, #tpu.memory_space<vmem>>
      %dma_start3A_270 = arith.constant 0 : i32
      %dma_start3A_271 = arith.constant 0 : i32
      %dma_start3A_272 = tpu.memref_slice %arg2[%dma_start3A_270, %dma_start3A_271] : memref<20000x128xf32, #tpu.memory_space<hbm>> -> memref<20000x128xf32, #tpu.memory_space<hbm>>
      tpu.enqueue_indirect_dma source(%dma_start3A_272 : memref<20000x128xf32, #tpu.memory_space<hbm>>) target(%arg10 : memref<80x128xf32, #tpu.memory_space<vmem>>) offsets(%dma_start3A_269 : memref<80xi32, #tpu.memory_space<vmem>>) semaphore(%arg14 : memref<!tpu.dma_semaphore, #tpu.memory_space<semaphore_mem>>)
      %dma_wait3A_273 = arith.constant 8 : i32
      %dma_wait3A_274 = arith.constant 0 : i32
      %dma_wait3A_275 = tpu.memref_slice %arg7[%dma_wait3A_273, %dma_wait3A_274] : memref<50x80xi32, #tpu.memory_space<vmem>> -> memref<1x80xi32, #tpu.memory_space<vmem>>
      %dma_wait3A_276 = tpu.memref_squeeze %dma_wait3A_275 : memref<1x80xi32, #tpu.memory_space<vmem>> -> memref<80xi32, #tpu.memory_space<vmem>>
      %dma_wait3A_277 = arith.constant 0 : i32
      %dma_wait3A_278 = arith.constant 0 : i32
      %dma_wait3A_279 = tpu.memref_slice %arg2[%dma_wait3A_277, %dma_wait3A_278] : memref<20000x128xf32, #tpu.memory_space<hbm>> -> memref<20000x128xf32, #tpu.memory_space<hbm>>
      tpu.wait_indirect_dma semaphore(%arg15 : memref<!tpu.dma_semaphore, #tpu.memory_space<semaphore_mem>>) src(%dma_wait3A_279 : memref<20000x128xf32, #tpu.memory_space<hbm>>) dst(%arg11 : memref<80x128xf32, #tpu.memory_space<vmem>>)
      %dma_start3A_280 = arith.constant 8 : i32
      %dma_start3A_281 = arith.constant 0 : i32
      %dma_start3A_282 = tpu.memref_slice %arg8[%dma_start3A_280, %dma_start3A_281] : memref<50x80xi32, #tpu.memory_space<vmem>> -> memref<1x80xi32, #tpu.memory_space<vmem>>
      %dma_start3A_283 = tpu.memref_squeeze %dma_start3A_282 : memref<1x80xi32, #tpu.memory_space<vmem>> -> memref<80xi32, #tpu.memory_space<vmem>>
      %dma_start3A_284 = arith.constant 0 : i32
      %dma_start3A_285 = arith.constant 0 : i32
      %dma_start3A_286 = tpu.memref_slice %arg6[%dma_start3A_284, %dma_start3A_285] : memref<10240x128xf32, #tpu.memory_space<vmem_shared>> -> memref<10240x128xf32, #tpu.memory_space<vmem_shared>>
      tpu.enqueue_indirect_dma source(%arg11 : memref<80x128xf32, #tpu.memory_space<vmem>>) target(%dma_start3A_286 : memref<10240x128xf32, #tpu.memory_space<vmem_shared>>) offsets(%dma_start3A_283 : memref<80xi32, #tpu.memory_space<vmem>>) semaphore(%arg18 : memref<!tpu.dma_semaphore, #tpu.memory_space<semaphore_mem>>) {add = true}
      %dma_wait3A_287 = arith.constant 8 : i32
      %dma_wait3A_288 = arith.constant 0 : i32
      %dma_wait3A_289 = tpu.memref_slice %arg8[%dma_wait3A_287, %dma_wait3A_288] : memref<50x80xi32, #tpu.memory_space<vmem>> -> memref<1x80xi32, #tpu.memory_space<vmem>>
      %dma_wait3A_290 = tpu.memref_squeeze %dma_wait3A_289 : memref<1x80xi32, #tpu.memory_space<vmem>> -> memref<80xi32, #tpu.memory_space<vmem>>
      %dma_wait3A_291 = arith.constant 0 : i32
      %dma_wait3A_292 = arith.constant 0 : i32
      %dma_wait3A_293 = tpu.memref_slice %arg6[%dma_wait3A_291, %dma_wait3A_292] : memref<10240x128xf32, #tpu.memory_space<vmem_shared>> -> memref<10240x128xf32, #tpu.memory_space<vmem_shared>>
      tpu.wait_indirect_dma semaphore(%arg18 : memref<!tpu.dma_semaphore, #tpu.memory_space<semaphore_mem>>) src(%arg11 : memref<80x128xf32, #tpu.memory_space<vmem>>) dst(%dma_wait3A_293 : memref<10240x128xf32, #tpu.memory_space<vmem_shared>>)
      %dma_start3A_294 = arith.constant 11 : i32
      %dma_start3A_295 = arith.constant 0 : i32
      %dma_start3A_296 = tpu.memref_slice %arg7[%dma_start3A_294, %dma_start3A_295] : memref<50x80xi32, #tpu.memory_space<vmem>> -> memref<1x80xi32, #tpu.memory_space<vmem>>
      %dma_start3A_297 = tpu.memref_squeeze %dma_start3A_296 : memref<1x80xi32, #tpu.memory_space<vmem>> -> memref<80xi32, #tpu.memory_space<vmem>>
      %dma_start3A_298 = arith.constant 0 : i32
      %dma_start3A_299 = arith.constant 0 : i32
      %dma_start3A_300 = tpu.memref_slice %arg2[%dma_start3A_298, %dma_start3A_299] : memref<20000x128xf32, #tpu.memory_space<hbm>> -> memref<20000x128xf32, #tpu.memory_space<hbm>>
      tpu.enqueue_indirect_dma source(%dma_start3A_300 : memref<20000x128xf32, #tpu.memory_space<hbm>>) target(%arg11 : memref<80x128xf32, #tpu.memory_space<vmem>>) offsets(%dma_start3A_297 : memref<80xi32, #tpu.memory_space<vmem>>) semaphore(%arg15 : memref<!tpu.dma_semaphore, #tpu.memory_space<semaphore_mem>>)
      %dma_wait3A_301 = arith.constant 9 : i32
      %dma_wait3A_302 = arith.constant 0 : i32
      %dma_wait3A_303 = tpu.memref_slice %arg7[%dma_wait3A_301, %dma_wait3A_302] : memref<50x80xi32, #tpu.memory_space<vmem>> -> memref<1x80xi32, #tpu.memory_space<vmem>>
      %dma_wait3A_304 = tpu.memref_squeeze %dma_wait3A_303 : memref<1x80xi32, #tpu.memory_space<vmem>> -> memref<80xi32, #tpu.memory_space<vmem>>
      %dma_wait3A_305 = arith.constant 0 : i32
      %dma_wait3A_306 = arith.constant 0 : i32
      %dma_wait3A_307 = tpu.memref_slice %arg2[%dma_wait3A_305, %dma_wait3A_306] : memref<20000x128xf32, #tpu.memory_space<hbm>> -> memref<20000x128xf32, #tpu.memory_space<hbm>>
      tpu.wait_indirect_dma semaphore(%arg13 : memref<!tpu.dma_semaphore, #tpu.memory_space<semaphore_mem>>) src(%dma_wait3A_307 : memref<20000x128xf32, #tpu.memory_space<hbm>>) dst(%arg9 : memref<80x128xf32, #tpu.memory_space<vmem>>)
      %dma_start3A_308 = arith.constant 9 : i32
      %dma_start3A_309 = arith.constant 0 : i32
      %dma_start3A_310 = tpu.memref_slice %arg8[%dma_start3A_308, %dma_start3A_309] : memref<50x80xi32, #tpu.memory_space<vmem>> -> memref<1x80xi32, #tpu.memory_space<vmem>>
      %dma_start3A_311 = tpu.memref_squeeze %dma_start3A_310 : memref<1x80xi32, #tpu.memory_space<vmem>> -> memref<80xi32, #tpu.memory_space<vmem>>
      %dma_start3A_312 = arith.constant 0 : i32
      %dma_start3A_313 = arith.constant 0 : i32
      %dma_start3A_314 = tpu.memref_slice %arg6[%dma_start3A_312, %dma_start3A_313] : memref<10240x128xf32, #tpu.memory_space<vmem_shared>> -> memref<10240x128xf32, #tpu.memory_space<vmem_shared>>
      tpu.enqueue_indirect_dma source(%arg9 : memref<80x128xf32, #tpu.memory_space<vmem>>) target(%dma_start3A_314 : memref<10240x128xf32, #tpu.memory_space<vmem_shared>>) offsets(%dma_start3A_311 : memref<80xi32, #tpu.memory_space<vmem>>) semaphore(%arg16 : memref<!tpu.dma_semaphore, #tpu.memory_space<semaphore_mem>>) {add = true}
      %dma_wait3A_315 = arith.constant 9 : i32
      %dma_wait3A_316 = arith.constant 0 : i32
      %dma_wait3A_317 = tpu.memref_slice %arg8[%dma_wait3A_315, %dma_wait3A_316] : memref<50x80xi32, #tpu.memory_space<vmem>> -> memref<1x80xi32, #tpu.memory_space<vmem>>
      %dma_wait3A_318 = tpu.memref_squeeze %dma_wait3A_317 : memref<1x80xi32, #tpu.memory_space<vmem>> -> memref<80xi32, #tpu.memory_space<vmem>>
      %dma_wait3A_319 = arith.constant 0 : i32
      %dma_wait3A_320 = arith.constant 0 : i32
      %dma_wait3A_321 = tpu.memref_slice %arg6[%dma_wait3A_319, %dma_wait3A_320] : memref<10240x128xf32, #tpu.memory_space<vmem_shared>> -> memref<10240x128xf32, #tpu.memory_space<vmem_shared>>
      tpu.wait_indirect_dma semaphore(%arg16 : memref<!tpu.dma_semaphore, #tpu.memory_space<semaphore_mem>>) src(%arg9 : memref<80x128xf32, #tpu.memory_space<vmem>>) dst(%dma_wait3A_321 : memref<10240x128xf32, #tpu.memory_space<vmem_shared>>)
      %dma_start3A_322 = arith.constant 12 : i32
      %dma_start3A_323 = arith.constant 0 : i32
      %dma_start3A_324 = tpu.memref_slice %arg7[%dma_start3A_322, %dma_start3A_323] : memref<50x80xi32, #tpu.memory_space<vmem>> -> memref<1x80xi32, #tpu.memory_space<vmem>>
      %dma_start3A_325 = tpu.memref_squeeze %dma_start3A_324 : memref<1x80xi32, #tpu.memory_space<vmem>> -> memref<80xi32, #tpu.memory_space<vmem>>
      %dma_start3A_326 = arith.constant 0 : i32
      %dma_start3A_327 = arith.constant 0 : i32
      %dma_start3A_328 = tpu.memref_slice %arg2[%dma_start3A_326, %dma_start3A_327] : memref<20000x128xf32, #tpu.memory_space<hbm>> -> memref<20000x128xf32, #tpu.memory_space<hbm>>
      tpu.enqueue_indirect_dma source(%dma_start3A_328 : memref<20000x128xf32, #tpu.memory_space<hbm>>) target(%arg9 : memref<80x128xf32, #tpu.memory_space<vmem>>) offsets(%dma_start3A_325 : memref<80xi32, #tpu.memory_space<vmem>>) semaphore(%arg13 : memref<!tpu.dma_semaphore, #tpu.memory_space<semaphore_mem>>)
      %dma_wait3A_329 = arith.constant 10 : i32
      %dma_wait3A_330 = arith.constant 0 : i32
      %dma_wait3A_331 = tpu.memref_slice %arg7[%dma_wait3A_329, %dma_wait3A_330] : memref<50x80xi32, #tpu.memory_space<vmem>> -> memref<1x80xi32, #tpu.memory_space<vmem>>
      %dma_wait3A_332 = tpu.memref_squeeze %dma_wait3A_331 : memref<1x80xi32, #tpu.memory_space<vmem>> -> memref<80xi32, #tpu.memory_space<vmem>>
      %dma_wait3A_333 = arith.constant 0 : i32
      %dma_wait3A_334 = arith.constant 0 : i32
      %dma_wait3A_335 = tpu.memref_slice %arg2[%dma_wait3A_333, %dma_wait3A_334] : memref<20000x128xf32, #tpu.memory_space<hbm>> -> memref<20000x128xf32, #tpu.memory_space<hbm>>
      tpu.wait_indirect_dma semaphore(%arg14 : memref<!tpu.dma_semaphore, #tpu.memory_space<semaphore_mem>>) src(%dma_wait3A_335 : memref<20000x128xf32, #tpu.memory_space<hbm>>) dst(%arg10 : memref<80x128xf32, #tpu.memory_space<vmem>>)
      %dma_start3A_336 = arith.constant 10 : i32
      %dma_start3A_337 = arith.constant 0 : i32
      %dma_start3A_338 = tpu.memref_slice %arg8[%dma_start3A_336, %dma_start3A_337] : memref<50x80xi32, #tpu.memory_space<vmem>> -> memref<1x80xi32, #tpu.memory_space<vmem>>
      %dma_start3A_339 = tpu.memref_squeeze %dma_start3A_338 : memref<1x80xi32, #tpu.memory_space<vmem>> -> memref<80xi32, #tpu.memory_space<vmem>>
      %dma_start3A_340 = arith.constant 0 : i32
      %dma_start3A_341 = arith.constant 0 : i32
      %dma_start3A_342 = tpu.memref_slice %arg6[%dma_start3A_340, %dma_start3A_341] : memref<10240x128xf32, #tpu.memory_space<vmem_shared>> -> memref<10240x128xf32, #tpu.memory_space<vmem_shared>>
      tpu.enqueue_indirect_dma source(%arg10 : memref<80x128xf32, #tpu.memory_space<vmem>>) target(%dma_start3A_342 : memref<10240x128xf32, #tpu.memory_space<vmem_shared>>) offsets(%dma_start3A_339 : memref<80xi32, #tpu.memory_space<vmem>>) semaphore(%arg17 : memref<!tpu.dma_semaphore, #tpu.memory_space<semaphore_mem>>) {add = true}
      %dma_wait3A_343 = arith.constant 10 : i32
      %dma_wait3A_344 = arith.constant 0 : i32
      %dma_wait3A_345 = tpu.memref_slice %arg8[%dma_wait3A_343, %dma_wait3A_344] : memref<50x80xi32, #tpu.memory_space<vmem>> -> memref<1x80xi32, #tpu.memory_space<vmem>>
      %dma_wait3A_346 = tpu.memref_squeeze %dma_wait3A_345 : memref<1x80xi32, #tpu.memory_space<vmem>> -> memref<80xi32, #tpu.memory_space<vmem>>
      %dma_wait3A_347 = arith.constant 0 : i32
      %dma_wait3A_348 = arith.constant 0 : i32
      %dma_wait3A_349 = tpu.memref_slice %arg6[%dma_wait3A_347, %dma_wait3A_348] : memref<10240x128xf32, #tpu.memory_space<vmem_shared>> -> memref<10240x128xf32, #tpu.memory_space<vmem_shared>>
      tpu.wait_indirect_dma semaphore(%arg17 : memref<!tpu.dma_semaphore, #tpu.memory_space<semaphore_mem>>) src(%arg10 : memref<80x128xf32, #tpu.memory_space<vmem>>) dst(%dma_wait3A_349 : memref<10240x128xf32, #tpu.memory_space<vmem_shared>>)
      %dma_start3A_350 = arith.constant 13 : i32
      %dma_start3A_351 = arith.constant 0 : i32
      %dma_start3A_352 = tpu.memref_slice %arg7[%dma_start3A_350, %dma_start3A_351] : memref<50x80xi32, #tpu.memory_space<vmem>> -> memref<1x80xi32, #tpu.memory_space<vmem>>
      %dma_start3A_353 = tpu.memref_squeeze %dma_start3A_352 : memref<1x80xi32, #tpu.memory_space<vmem>> -> memref<80xi32, #tpu.memory_space<vmem>>
      %dma_start3A_354 = arith.constant 0 : i32
      %dma_start3A_355 = arith.constant 0 : i32
      %dma_start3A_356 = tpu.memref_slice %arg2[%dma_start3A_354, %dma_start3A_355] : memref<20000x128xf32, #tpu.memory_space<hbm>> -> memref<20000x128xf32, #tpu.memory_space<hbm>>
      tpu.enqueue_indirect_dma source(%dma_start3A_356 : memref<20000x128xf32, #tpu.memory_space<hbm>>) target(%arg10 : memref<80x128xf32, #tpu.memory_space<vmem>>) offsets(%dma_start3A_353 : memref<80xi32, #tpu.memory_space<vmem>>) semaphore(%arg14 : memref<!tpu.dma_semaphore, #tpu.memory_space<semaphore_mem>>)
      %dma_wait3A_357 = arith.constant 11 : i32
      %dma_wait3A_358 = arith.constant 0 : i32
      %dma_wait3A_359 = tpu.memref_slice %arg7[%dma_wait3A_357, %dma_wait3A_358] : memref<50x80xi32, #tpu.memory_space<vmem>> -> memref<1x80xi32, #tpu.memory_space<vmem>>
      %dma_wait3A_360 = tpu.memref_squeeze %dma_wait3A_359 : memref<1x80xi32, #tpu.memory_space<vmem>> -> memref<80xi32, #tpu.memory_space<vmem>>
      %dma_wait3A_361 = arith.constant 0 : i32
      %dma_wait3A_362 = arith.constant 0 : i32
      %dma_wait3A_363 = tpu.memref_slice %arg2[%dma_wait3A_361, %dma_wait3A_362] : memref<20000x128xf32, #tpu.memory_space<hbm>> -> memref<20000x128xf32, #tpu.memory_space<hbm>>
      tpu.wait_indirect_dma semaphore(%arg15 : memref<!tpu.dma_semaphore, #tpu.memory_space<semaphore_mem>>) src(%dma_wait3A_363 : memref<20000x128xf32, #tpu.memory_space<hbm>>) dst(%arg11 : memref<80x128xf32, #tpu.memory_space<vmem>>)
      %dma_start3A_364 = arith.constant 11 : i32
      %dma_start3A_365 = arith.constant 0 : i32
      %dma_start3A_366 = tpu.memref_slice %arg8[%dma_start3A_364, %dma_start3A_365] : memref<50x80xi32, #tpu.memory_space<vmem>> -> memref<1x80xi32, #tpu.memory_space<vmem>>
      %dma_start3A_367 = tpu.memref_squeeze %dma_start3A_366 : memref<1x80xi32, #tpu.memory_space<vmem>> -> memref<80xi32, #tpu.memory_space<vmem>>
      %dma_start3A_368 = arith.constant 0 : i32
      %dma_start3A_369 = arith.constant 0 : i32
      %dma_start3A_370 = tpu.memref_slice %arg6[%dma_start3A_368, %dma_start3A_369] : memref<10240x128xf32, #tpu.memory_space<vmem_shared>> -> memref<10240x128xf32, #tpu.memory_space<vmem_shared>>
      tpu.enqueue_indirect_dma source(%arg11 : memref<80x128xf32, #tpu.memory_space<vmem>>) target(%dma_start3A_370 : memref<10240x128xf32, #tpu.memory_space<vmem_shared>>) offsets(%dma_start3A_367 : memref<80xi32, #tpu.memory_space<vmem>>) semaphore(%arg18 : memref<!tpu.dma_semaphore, #tpu.memory_space<semaphore_mem>>) {add = true}
      %dma_wait3A_371 = arith.constant 11 : i32
      %dma_wait3A_372 = arith.constant 0 : i32
      %dma_wait3A_373 = tpu.memref_slice %arg8[%dma_wait3A_371, %dma_wait3A_372] : memref<50x80xi32, #tpu.memory_space<vmem>> -> memref<1x80xi32, #tpu.memory_space<vmem>>
      %dma_wait3A_374 = tpu.memref_squeeze %dma_wait3A_373 : memref<1x80xi32, #tpu.memory_space<vmem>> -> memref<80xi32, #tpu.memory_space<vmem>>
      %dma_wait3A_375 = arith.constant 0 : i32
      %dma_wait3A_376 = arith.constant 0 : i32
      %dma_wait3A_377 = tpu.memref_slice %arg6[%dma_wait3A_375, %dma_wait3A_376] : memref<10240x128xf32, #tpu.memory_space<vmem_shared>> -> memref<10240x128xf32, #tpu.memory_space<vmem_shared>>
      tpu.wait_indirect_dma semaphore(%arg18 : memref<!tpu.dma_semaphore, #tpu.memory_space<semaphore_mem>>) src(%arg11 : memref<80x128xf32, #tpu.memory_space<vmem>>) dst(%dma_wait3A_377 : memref<10240x128xf32, #tpu.memory_space<vmem_shared>>)
      %dma_start3A_378 = arith.constant 14 : i32
      %dma_start3A_379 = arith.constant 0 : i32
      %dma_start3A_380 = tpu.memref_slice %arg7[%dma_start3A_378, %dma_start3A_379] : memref<50x80xi32, #tpu.memory_space<vmem>> -> memref<1x80xi32, #tpu.memory_space<vmem>>
      %dma_start3A_381 = tpu.memref_squeeze %dma_start3A_380 : memref<1x80xi32, #tpu.memory_space<vmem>> -> memref<80xi32, #tpu.memory_space<vmem>>
      %dma_start3A_382 = arith.constant 0 : i32
      %dma_start3A_383 = arith.constant 0 : i32
      %dma_start3A_384 = tpu.memref_slice %arg2[%dma_start3A_382, %dma_start3A_383] : memref<20000x128xf32, #tpu.memory_space<hbm>> -> memref<20000x128xf32, #tpu.memory_space<hbm>>
      tpu.enqueue_indirect_dma source(%dma_start3A_384 : memref<20000x128xf32, #tpu.memory_space<hbm>>) target(%arg11 : memref<80x128xf32, #tpu.memory_space<vmem>>) offsets(%dma_start3A_381 : memref<80xi32, #tpu.memory_space<vmem>>) semaphore(%arg15 : memref<!tpu.dma_semaphore, #tpu.memory_space<semaphore_mem>>)
      %dma_wait3A_385 = arith.constant 12 : i32
      %dma_wait3A_386 = arith.constant 0 : i32
      %dma_wait3A_387 = tpu.memref_slice %arg7[%dma_wait3A_385, %dma_wait3A_386] : memref<50x80xi32, #tpu.memory_space<vmem>> -> memref<1x80xi32, #tpu.memory_space<vmem>>
      %dma_wait3A_388 = tpu.memref_squeeze %dma_wait3A_387 : memref<1x80xi32, #tpu.memory_space<vmem>> -> memref<80xi32, #tpu.memory_space<vmem>>
      %dma_wait3A_389 = arith.constant 0 : i32
      %dma_wait3A_390 = arith.constant 0 : i32
      %dma_wait3A_391 = tpu.memref_slice %arg2[%dma_wait3A_389, %dma_wait3A_390] : memref<20000x128xf32, #tpu.memory_space<hbm>> -> memref<20000x128xf32, #tpu.memory_space<hbm>>
      tpu.wait_indirect_dma semaphore(%arg13 : memref<!tpu.dma_semaphore, #tpu.memory_space<semaphore_mem>>) src(%dma_wait3A_391 : memref<20000x128xf32, #tpu.memory_space<hbm>>) dst(%arg9 : memref<80x128xf32, #tpu.memory_space<vmem>>)
      %dma_start3A_392 = arith.constant 12 : i32
      %dma_start3A_393 = arith.constant 0 : i32
      %dma_start3A_394 = tpu.memref_slice %arg8[%dma_start3A_392, %dma_start3A_393] : memref<50x80xi32, #tpu.memory_space<vmem>> -> memref<1x80xi32, #tpu.memory_space<vmem>>
      %dma_start3A_395 = tpu.memref_squeeze %dma_start3A_394 : memref<1x80xi32, #tpu.memory_space<vmem>> -> memref<80xi32, #tpu.memory_space<vmem>>
      %dma_start3A_396 = arith.constant 0 : i32
      %dma_start3A_397 = arith.constant 0 : i32
      %dma_start3A_398 = tpu.memref_slice %arg6[%dma_start3A_396, %dma_start3A_397] : memref<10240x128xf32, #tpu.memory_space<vmem_shared>> -> memref<10240x128xf32, #tpu.memory_space<vmem_shared>>
      tpu.enqueue_indirect_dma source(%arg9 : memref<80x128xf32, #tpu.memory_space<vmem>>) target(%dma_start3A_398 : memref<10240x128xf32, #tpu.memory_space<vmem_shared>>) offsets(%dma_start3A_395 : memref<80xi32, #tpu.memory_space<vmem>>) semaphore(%arg16 : memref<!tpu.dma_semaphore, #tpu.memory_space<semaphore_mem>>) {add = true}
      %dma_wait3A_399 = arith.constant 12 : i32
      %dma_wait3A_400 = arith.constant 0 : i32
      %dma_wait3A_401 = tpu.memref_slice %arg8[%dma_wait3A_399, %dma_wait3A_400] : memref<50x80xi32, #tpu.memory_space<vmem>> -> memref<1x80xi32, #tpu.memory_space<vmem>>
      %dma_wait3A_402 = tpu.memref_squeeze %dma_wait3A_401 : memref<1x80xi32, #tpu.memory_space<vmem>> -> memref<80xi32, #tpu.memory_space<vmem>>
      %dma_wait3A_403 = arith.constant 0 : i32
      %dma_wait3A_404 = arith.constant 0 : i32
      %dma_wait3A_405 = tpu.memref_slice %arg6[%dma_wait3A_403, %dma_wait3A_404] : memref<10240x128xf32, #tpu.memory_space<vmem_shared>> -> memref<10240x128xf32, #tpu.memory_space<vmem_shared>>
      tpu.wait_indirect_dma semaphore(%arg16 : memref<!tpu.dma_semaphore, #tpu.memory_space<semaphore_mem>>) src(%arg9 : memref<80x128xf32, #tpu.memory_space<vmem>>) dst(%dma_wait3A_405 : memref<10240x128xf32, #tpu.memory_space<vmem_shared>>)
      %dma_start3A_406 = arith.constant 15 : i32
      %dma_start3A_407 = arith.constant 0 : i32
      %dma_start3A_408 = tpu.memref_slice %arg7[%dma_start3A_406, %dma_start3A_407] : memref<50x80xi32, #tpu.memory_space<vmem>> -> memref<1x80xi32, #tpu.memory_space<vmem>>
      %dma_start3A_409 = tpu.memref_squeeze %dma_start3A_408 : memref<1x80xi32, #tpu.memory_space<vmem>> -> memref<80xi32, #tpu.memory_space<vmem>>
      %dma_start3A_410 = arith.constant 0 : i32
      %dma_start3A_411 = arith.constant 0 : i32
      %dma_start3A_412 = tpu.memref_slice %arg2[%dma_start3A_410, %dma_start3A_411] : memref<20000x128xf32, #tpu.memory_space<hbm>> -> memref<20000x128xf32, #tpu.memory_space<hbm>>
      tpu.enqueue_indirect_dma source(%dma_start3A_412 : memref<20000x128xf32, #tpu.memory_space<hbm>>) target(%arg9 : memref<80x128xf32, #tpu.memory_space<vmem>>) offsets(%dma_start3A_409 : memref<80xi32, #tpu.memory_space<vmem>>) semaphore(%arg13 : memref<!tpu.dma_semaphore, #tpu.memory_space<semaphore_mem>>)
      %dma_wait3A_413 = arith.constant 13 : i32
      %dma_wait3A_414 = arith.constant 0 : i32
      %dma_wait3A_415 = tpu.memref_slice %arg7[%dma_wait3A_413, %dma_wait3A_414] : memref<50x80xi32, #tpu.memory_space<vmem>> -> memref<1x80xi32, #tpu.memory_space<vmem>>
      %dma_wait3A_416 = tpu.memref_squeeze %dma_wait3A_415 : memref<1x80xi32, #tpu.memory_space<vmem>> -> memref<80xi32, #tpu.memory_space<vmem>>
      %dma_wait3A_417 = arith.constant 0 : i32
      %dma_wait3A_418 = arith.constant 0 : i32
      %dma_wait3A_419 = tpu.memref_slice %arg2[%dma_wait3A_417, %dma_wait3A_418] : memref<20000x128xf32, #tpu.memory_space<hbm>> -> memref<20000x128xf32, #tpu.memory_space<hbm>>
      tpu.wait_indirect_dma semaphore(%arg14 : memref<!tpu.dma_semaphore, #tpu.memory_space<semaphore_mem>>) src(%dma_wait3A_419 : memref<20000x128xf32, #tpu.memory_space<hbm>>) dst(%arg10 : memref<80x128xf32, #tpu.memory_space<vmem>>)
      %dma_start3A_420 = arith.constant 13 : i32
      %dma_start3A_421 = arith.constant 0 : i32
      %dma_start3A_422 = tpu.memref_slice %arg8[%dma_start3A_420, %dma_start3A_421] : memref<50x80xi32, #tpu.memory_space<vmem>> -> memref<1x80xi32, #tpu.memory_space<vmem>>
      %dma_start3A_423 = tpu.memref_squeeze %dma_start3A_422 : memref<1x80xi32, #tpu.memory_space<vmem>> -> memref<80xi32, #tpu.memory_space<vmem>>
      %dma_start3A_424 = arith.constant 0 : i32
      %dma_start3A_425 = arith.constant 0 : i32
      %dma_start3A_426 = tpu.memref_slice %arg6[%dma_start3A_424, %dma_start3A_425] : memref<10240x128xf32, #tpu.memory_space<vmem_shared>> -> memref<10240x128xf32, #tpu.memory_space<vmem_shared>>
      tpu.enqueue_indirect_dma source(%arg10 : memref<80x128xf32, #tpu.memory_space<vmem>>) target(%dma_start3A_426 : memref<10240x128xf32, #tpu.memory_space<vmem_shared>>) offsets(%dma_start3A_423 : memref<80xi32, #tpu.memory_space<vmem>>) semaphore(%arg17 : memref<!tpu.dma_semaphore, #tpu.memory_space<semaphore_mem>>) {add = true}
      %dma_wait3A_427 = arith.constant 13 : i32
      %dma_wait3A_428 = arith.constant 0 : i32
      %dma_wait3A_429 = tpu.memref_slice %arg8[%dma_wait3A_427, %dma_wait3A_428] : memref<50x80xi32, #tpu.memory_space<vmem>> -> memref<1x80xi32, #tpu.memory_space<vmem>>
      %dma_wait3A_430 = tpu.memref_squeeze %dma_wait3A_429 : memref<1x80xi32, #tpu.memory_space<vmem>> -> memref<80xi32, #tpu.memory_space<vmem>>
      %dma_wait3A_431 = arith.constant 0 : i32
      %dma_wait3A_432 = arith.constant 0 : i32
      %dma_wait3A_433 = tpu.memref_slice %arg6[%dma_wait3A_431, %dma_wait3A_432] : memref<10240x128xf32, #tpu.memory_space<vmem_shared>> -> memref<10240x128xf32, #tpu.memory_space<vmem_shared>>
      tpu.wait_indirect_dma semaphore(%arg17 : memref<!tpu.dma_semaphore, #tpu.memory_space<semaphore_mem>>) src(%arg10 : memref<80x128xf32, #tpu.memory_space<vmem>>) dst(%dma_wait3A_433 : memref<10240x128xf32, #tpu.memory_space<vmem_shared>>)
      %dma_start3A_434 = arith.constant 16 : i32
      %dma_start3A_435 = arith.constant 0 : i32
      %dma_start3A_436 = tpu.memref_slice %arg7[%dma_start3A_434, %dma_start3A_435] : memref<50x80xi32, #tpu.memory_space<vmem>> -> memref<1x80xi32, #tpu.memory_space<vmem>>
      %dma_start3A_437 = tpu.memref_squeeze %dma_start3A_436 : memref<1x80xi32, #tpu.memory_space<vmem>> -> memref<80xi32, #tpu.memory_space<vmem>>
      %dma_start3A_438 = arith.constant 0 : i32
      %dma_start3A_439 = arith.constant 0 : i32
      %dma_start3A_440 = tpu.memref_slice %arg2[%dma_start3A_438, %dma_start3A_439] : memref<20000x128xf32, #tpu.memory_space<hbm>> -> memref<20000x128xf32, #tpu.memory_space<hbm>>
      tpu.enqueue_indirect_dma source(%dma_start3A_440 : memref<20000x128xf32, #tpu.memory_space<hbm>>) target(%arg10 : memref<80x128xf32, #tpu.memory_space<vmem>>) offsets(%dma_start3A_437 : memref<80xi32, #tpu.memory_space<vmem>>) semaphore(%arg14 : memref<!tpu.dma_semaphore, #tpu.memory_space<semaphore_mem>>)
      %dma_wait3A_441 = arith.constant 14 : i32
      %dma_wait3A_442 = arith.constant 0 : i32
      %dma_wait3A_443 = tpu.memref_slice %arg7[%dma_wait3A_441, %dma_wait3A_442] : memref<50x80xi32, #tpu.memory_space<vmem>> -> memref<1x80xi32, #tpu.memory_space<vmem>>
      %dma_wait3A_444 = tpu.memref_squeeze %dma_wait3A_443 : memref<1x80xi32, #tpu.memory_space<vmem>> -> memref<80xi32, #tpu.memory_space<vmem>>
      %dma_wait3A_445 = arith.constant 0 : i32
      %dma_wait3A_446 = arith.constant 0 : i32
      %dma_wait3A_447 = tpu.memref_slice %arg2[%dma_wait3A_445, %dma_wait3A_446] : memref<20000x128xf32, #tpu.memory_space<hbm>> -> memref<20000x128xf32, #tpu.memory_space<hbm>>
      tpu.wait_indirect_dma semaphore(%arg15 : memref<!tpu.dma_semaphore, #tpu.memory_space<semaphore_mem>>) src(%dma_wait3A_447 : memref<20000x128xf32, #tpu.memory_space<hbm>>) dst(%arg11 : memref<80x128xf32, #tpu.memory_space<vmem>>)
      %dma_start3A_448 = arith.constant 14 : i32
      %dma_start3A_449 = arith.constant 0 : i32
      %dma_start3A_450 = tpu.memref_slice %arg8[%dma_start3A_448, %dma_start3A_449] : memref<50x80xi32, #tpu.memory_space<vmem>> -> memref<1x80xi32, #tpu.memory_space<vmem>>
      %dma_start3A_451 = tpu.memref_squeeze %dma_start3A_450 : memref<1x80xi32, #tpu.memory_space<vmem>> -> memref<80xi32, #tpu.memory_space<vmem>>
      %dma_start3A_452 = arith.constant 0 : i32
      %dma_start3A_453 = arith.constant 0 : i32
      %dma_start3A_454 = tpu.memref_slice %arg6[%dma_start3A_452, %dma_start3A_453] : memref<10240x128xf32, #tpu.memory_space<vmem_shared>> -> memref<10240x128xf32, #tpu.memory_space<vmem_shared>>
      tpu.enqueue_indirect_dma source(%arg11 : memref<80x128xf32, #tpu.memory_space<vmem>>) target(%dma_start3A_454 : memref<10240x128xf32, #tpu.memory_space<vmem_shared>>) offsets(%dma_start3A_451 : memref<80xi32, #tpu.memory_space<vmem>>) semaphore(%arg18 : memref<!tpu.dma_semaphore, #tpu.memory_space<semaphore_mem>>) {add = true}
      %dma_wait3A_455 = arith.constant 14 : i32
      %dma_wait3A_456 = arith.constant 0 : i32
      %dma_wait3A_457 = tpu.memref_slice %arg8[%dma_wait3A_455, %dma_wait3A_456] : memref<50x80xi32, #tpu.memory_space<vmem>> -> memref<1x80xi32, #tpu.memory_space<vmem>>
      %dma_wait3A_458 = tpu.memref_squeeze %dma_wait3A_457 : memref<1x80xi32, #tpu.memory_space<vmem>> -> memref<80xi32, #tpu.memory_space<vmem>>
      %dma_wait3A_459 = arith.constant 0 : i32
      %dma_wait3A_460 = arith.constant 0 : i32
      %dma_wait3A_461 = tpu.memref_slice %arg6[%dma_wait3A_459, %dma_wait3A_460] : memref<10240x128xf32, #tpu.memory_space<vmem_shared>> -> memref<10240x128xf32, #tpu.memory_space<vmem_shared>>
      tpu.wait_indirect_dma semaphore(%arg18 : memref<!tpu.dma_semaphore, #tpu.memory_space<semaphore_mem>>) src(%arg11 : memref<80x128xf32, #tpu.memory_space<vmem>>) dst(%dma_wait3A_461 : memref<10240x128xf32, #tpu.memory_space<vmem_shared>>)
      %dma_start3A_462 = arith.constant 17 : i32
      %dma_start3A_463 = arith.constant 0 : i32
      %dma_start3A_464 = tpu.memref_slice %arg7[%dma_start3A_462, %dma_start3A_463] : memref<50x80xi32, #tpu.memory_space<vmem>> -> memref<1x80xi32, #tpu.memory_space<vmem>>
      %dma_start3A_465 = tpu.memref_squeeze %dma_start3A_464 : memref<1x80xi32, #tpu.memory_space<vmem>> -> memref<80xi32, #tpu.memory_space<vmem>>
      %dma_start3A_466 = arith.constant 0 : i32
      %dma_start3A_467 = arith.constant 0 : i32
      %dma_start3A_468 = tpu.memref_slice %arg2[%dma_start3A_466, %dma_start3A_467] : memref<20000x128xf32, #tpu.memory_space<hbm>> -> memref<20000x128xf32, #tpu.memory_space<hbm>>
      tpu.enqueue_indirect_dma source(%dma_start3A_468 : memref<20000x128xf32, #tpu.memory_space<hbm>>) target(%arg11 : memref<80x128xf32, #tpu.memory_space<vmem>>) offsets(%dma_start3A_465 : memref<80xi32, #tpu.memory_space<vmem>>) semaphore(%arg15 : memref<!tpu.dma_semaphore, #tpu.memory_space<semaphore_mem>>)
      %dma_wait3A_469 = arith.constant 15 : i32
      %dma_wait3A_470 = arith.constant 0 : i32
      %dma_wait3A_471 = tpu.memref_slice %arg7[%dma_wait3A_469, %dma_wait3A_470] : memref<50x80xi32, #tpu.memory_space<vmem>> -> memref<1x80xi32, #tpu.memory_space<vmem>>
      %dma_wait3A_472 = tpu.memref_squeeze %dma_wait3A_471 : memref<1x80xi32, #tpu.memory_space<vmem>> -> memref<80xi32, #tpu.memory_space<vmem>>
      %dma_wait3A_473 = arith.constant 0 : i32
      %dma_wait3A_474 = arith.constant 0 : i32
      %dma_wait3A_475 = tpu.memref_slice %arg2[%dma_wait3A_473, %dma_wait3A_474] : memref<20000x128xf32, #tpu.memory_space<hbm>> -> memref<20000x128xf32, #tpu.memory_space<hbm>>
      tpu.wait_indirect_dma semaphore(%arg13 : memref<!tpu.dma_semaphore, #tpu.memory_space<semaphore_mem>>) src(%dma_wait3A_475 : memref<20000x128xf32, #tpu.memory_space<hbm>>) dst(%arg9 : memref<80x128xf32, #tpu.memory_space<vmem>>)
      %dma_start3A_476 = arith.constant 15 : i32
      %dma_start3A_477 = arith.constant 0 : i32
      %dma_start3A_478 = tpu.memref_slice %arg8[%dma_start3A_476, %dma_start3A_477] : memref<50x80xi32, #tpu.memory_space<vmem>> -> memref<1x80xi32, #tpu.memory_space<vmem>>
      %dma_start3A_479 = tpu.memref_squeeze %dma_start3A_478 : memref<1x80xi32, #tpu.memory_space<vmem>> -> memref<80xi32, #tpu.memory_space<vmem>>
      %dma_start3A_480 = arith.constant 0 : i32
      %dma_start3A_481 = arith.constant 0 : i32
      %dma_start3A_482 = tpu.memref_slice %arg6[%dma_start3A_480, %dma_start3A_481] : memref<10240x128xf32, #tpu.memory_space<vmem_shared>> -> memref<10240x128xf32, #tpu.memory_space<vmem_shared>>
      tpu.enqueue_indirect_dma source(%arg9 : memref<80x128xf32, #tpu.memory_space<vmem>>) target(%dma_start3A_482 : memref<10240x128xf32, #tpu.memory_space<vmem_shared>>) offsets(%dma_start3A_479 : memref<80xi32, #tpu.memory_space<vmem>>) semaphore(%arg16 : memref<!tpu.dma_semaphore, #tpu.memory_space<semaphore_mem>>) {add = true}
      %dma_wait3A_483 = arith.constant 15 : i32
      %dma_wait3A_484 = arith.constant 0 : i32
      %dma_wait3A_485 = tpu.memref_slice %arg8[%dma_wait3A_483, %dma_wait3A_484] : memref<50x80xi32, #tpu.memory_space<vmem>> -> memref<1x80xi32, #tpu.memory_space<vmem>>
      %dma_wait3A_486 = tpu.memref_squeeze %dma_wait3A_485 : memref<1x80xi32, #tpu.memory_space<vmem>> -> memref<80xi32, #tpu.memory_space<vmem>>
      %dma_wait3A_487 = arith.constant 0 : i32
      %dma_wait3A_488 = arith.constant 0 : i32
      %dma_wait3A_489 = tpu.memref_slice %arg6[%dma_wait3A_487, %dma_wait3A_488] : memref<10240x128xf32, #tpu.memory_space<vmem_shared>> -> memref<10240x128xf32, #tpu.memory_space<vmem_shared>>
      tpu.wait_indirect_dma semaphore(%arg16 : memref<!tpu.dma_semaphore, #tpu.memory_space<semaphore_mem>>) src(%arg9 : memref<80x128xf32, #tpu.memory_space<vmem>>) dst(%dma_wait3A_489 : memref<10240x128xf32, #tpu.memory_space<vmem_shared>>)
      %dma_start3A_490 = arith.constant 18 : i32
      %dma_start3A_491 = arith.constant 0 : i32
      %dma_start3A_492 = tpu.memref_slice %arg7[%dma_start3A_490, %dma_start3A_491] : memref<50x80xi32, #tpu.memory_space<vmem>> -> memref<1x80xi32, #tpu.memory_space<vmem>>
      %dma_start3A_493 = tpu.memref_squeeze %dma_start3A_492 : memref<1x80xi32, #tpu.memory_space<vmem>> -> memref<80xi32, #tpu.memory_space<vmem>>
      %dma_start3A_494 = arith.constant 0 : i32
      %dma_start3A_495 = arith.constant 0 : i32
      %dma_start3A_496 = tpu.memref_slice %arg2[%dma_start3A_494, %dma_start3A_495] : memref<20000x128xf32, #tpu.memory_space<hbm>> -> memref<20000x128xf32, #tpu.memory_space<hbm>>
      tpu.enqueue_indirect_dma source(%dma_start3A_496 : memref<20000x128xf32, #tpu.memory_space<hbm>>) target(%arg9 : memref<80x128xf32, #tpu.memory_space<vmem>>) offsets(%dma_start3A_493 : memref<80xi32, #tpu.memory_space<vmem>>) semaphore(%arg13 : memref<!tpu.dma_semaphore, #tpu.memory_space<semaphore_mem>>)
      %dma_wait3A_497 = arith.constant 16 : i32
      %dma_wait3A_498 = arith.constant 0 : i32
      %dma_wait3A_499 = tpu.memref_slice %arg7[%dma_wait3A_497, %dma_wait3A_498] : memref<50x80xi32, #tpu.memory_space<vmem>> -> memref<1x80xi32, #tpu.memory_space<vmem>>
      %dma_wait3A_500 = tpu.memref_squeeze %dma_wait3A_499 : memref<1x80xi32, #tpu.memory_space<vmem>> -> memref<80xi32, #tpu.memory_space<vmem>>
      %dma_wait3A_501 = arith.constant 0 : i32
      %dma_wait3A_502 = arith.constant 0 : i32
      %dma_wait3A_503 = tpu.memref_slice %arg2[%dma_wait3A_501, %dma_wait3A_502] : memref<20000x128xf32, #tpu.memory_space<hbm>> -> memref<20000x128xf32, #tpu.memory_space<hbm>>
      tpu.wait_indirect_dma semaphore(%arg14 : memref<!tpu.dma_semaphore, #tpu.memory_space<semaphore_mem>>) src(%dma_wait3A_503 : memref<20000x128xf32, #tpu.memory_space<hbm>>) dst(%arg10 : memref<80x128xf32, #tpu.memory_space<vmem>>)
      %dma_start3A_504 = arith.constant 16 : i32
      %dma_start3A_505 = arith.constant 0 : i32
      %dma_start3A_506 = tpu.memref_slice %arg8[%dma_start3A_504, %dma_start3A_505] : memref<50x80xi32, #tpu.memory_space<vmem>> -> memref<1x80xi32, #tpu.memory_space<vmem>>
      %dma_start3A_507 = tpu.memref_squeeze %dma_start3A_506 : memref<1x80xi32, #tpu.memory_space<vmem>> -> memref<80xi32, #tpu.memory_space<vmem>>
      %dma_start3A_508 = arith.constant 0 : i32
      %dma_start3A_509 = arith.constant 0 : i32
      %dma_start3A_510 = tpu.memref_slice %arg6[%dma_start3A_508, %dma_start3A_509] : memref<10240x128xf32, #tpu.memory_space<vmem_shared>> -> memref<10240x128xf32, #tpu.memory_space<vmem_shared>>
      tpu.enqueue_indirect_dma source(%arg10 : memref<80x128xf32, #tpu.memory_space<vmem>>) target(%dma_start3A_510 : memref<10240x128xf32, #tpu.memory_space<vmem_shared>>) offsets(%dma_start3A_507 : memref<80xi32, #tpu.memory_space<vmem>>) semaphore(%arg17 : memref<!tpu.dma_semaphore, #tpu.memory_space<semaphore_mem>>) {add = true}
      %dma_wait3A_511 = arith.constant 16 : i32
      %dma_wait3A_512 = arith.constant 0 : i32
      %dma_wait3A_513 = tpu.memref_slice %arg8[%dma_wait3A_511, %dma_wait3A_512] : memref<50x80xi32, #tpu.memory_space<vmem>> -> memref<1x80xi32, #tpu.memory_space<vmem>>
      %dma_wait3A_514 = tpu.memref_squeeze %dma_wait3A_513 : memref<1x80xi32, #tpu.memory_space<vmem>> -> memref<80xi32, #tpu.memory_space<vmem>>
      %dma_wait3A_515 = arith.constant 0 : i32
      %dma_wait3A_516 = arith.constant 0 : i32
      %dma_wait3A_517 = tpu.memref_slice %arg6[%dma_wait3A_515, %dma_wait3A_516] : memref<10240x128xf32, #tpu.memory_space<vmem_shared>> -> memref<10240x128xf32, #tpu.memory_space<vmem_shared>>
      tpu.wait_indirect_dma semaphore(%arg17 : memref<!tpu.dma_semaphore, #tpu.memory_space<semaphore_mem>>) src(%arg10 : memref<80x128xf32, #tpu.memory_space<vmem>>) dst(%dma_wait3A_517 : memref<10240x128xf32, #tpu.memory_space<vmem_shared>>)
      %dma_start3A_518 = arith.constant 19 : i32
      %dma_start3A_519 = arith.constant 0 : i32
      %dma_start3A_520 = tpu.memref_slice %arg7[%dma_start3A_518, %dma_start3A_519] : memref<50x80xi32, #tpu.memory_space<vmem>> -> memref<1x80xi32, #tpu.memory_space<vmem>>
      %dma_start3A_521 = tpu.memref_squeeze %dma_start3A_520 : memref<1x80xi32, #tpu.memory_space<vmem>> -> memref<80xi32, #tpu.memory_space<vmem>>
      %dma_start3A_522 = arith.constant 0 : i32
      %dma_start3A_523 = arith.constant 0 : i32
      %dma_start3A_524 = tpu.memref_slice %arg2[%dma_start3A_522, %dma_start3A_523] : memref<20000x128xf32, #tpu.memory_space<hbm>> -> memref<20000x128xf32, #tpu.memory_space<hbm>>
      tpu.enqueue_indirect_dma source(%dma_start3A_524 : memref<20000x128xf32, #tpu.memory_space<hbm>>) target(%arg10 : memref<80x128xf32, #tpu.memory_space<vmem>>) offsets(%dma_start3A_521 : memref<80xi32, #tpu.memory_space<vmem>>) semaphore(%arg14 : memref<!tpu.dma_semaphore, #tpu.memory_space<semaphore_mem>>)
      %dma_wait3A_525 = arith.constant 17 : i32
      %dma_wait3A_526 = arith.constant 0 : i32
      %dma_wait3A_527 = tpu.memref_slice %arg7[%dma_wait3A_525, %dma_wait3A_526] : memref<50x80xi32, #tpu.memory_space<vmem>> -> memref<1x80xi32, #tpu.memory_space<vmem>>
      %dma_wait3A_528 = tpu.memref_squeeze %dma_wait3A_527 : memref<1x80xi32, #tpu.memory_space<vmem>> -> memref<80xi32, #tpu.memory_space<vmem>>
      %dma_wait3A_529 = arith.constant 0 : i32
      %dma_wait3A_530 = arith.constant 0 : i32
      %dma_wait3A_531 = tpu.memref_slice %arg2[%dma_wait3A_529, %dma_wait3A_530] : memref<20000x128xf32, #tpu.memory_space<hbm>> -> memref<20000x128xf32, #tpu.memory_space<hbm>>
      tpu.wait_indirect_dma semaphore(%arg15 : memref<!tpu.dma_semaphore, #tpu.memory_space<semaphore_mem>>) src(%dma_wait3A_531 : memref<20000x128xf32, #tpu.memory_space<hbm>>) dst(%arg11 : memref<80x128xf32, #tpu.memory_space<vmem>>)
      %dma_start3A_532 = arith.constant 17 : i32
      %dma_start3A_533 = arith.constant 0 : i32
      %dma_start3A_534 = tpu.memref_slice %arg8[%dma_start3A_532, %dma_start3A_533] : memref<50x80xi32, #tpu.memory_space<vmem>> -> memref<1x80xi32, #tpu.memory_space<vmem>>
      %dma_start3A_535 = tpu.memref_squeeze %dma_start3A_534 : memref<1x80xi32, #tpu.memory_space<vmem>> -> memref<80xi32, #tpu.memory_space<vmem>>
      %dma_start3A_536 = arith.constant 0 : i32
      %dma_start3A_537 = arith.constant 0 : i32
      %dma_start3A_538 = tpu.memref_slice %arg6[%dma_start3A_536, %dma_start3A_537] : memref<10240x128xf32, #tpu.memory_space<vmem_shared>> -> memref<10240x128xf32, #tpu.memory_space<vmem_shared>>
      tpu.enqueue_indirect_dma source(%arg11 : memref<80x128xf32, #tpu.memory_space<vmem>>) target(%dma_start3A_538 : memref<10240x128xf32, #tpu.memory_space<vmem_shared>>) offsets(%dma_start3A_535 : memref<80xi32, #tpu.memory_space<vmem>>) semaphore(%arg18 : memref<!tpu.dma_semaphore, #tpu.memory_space<semaphore_mem>>) {add = true}
      %dma_wait3A_539 = arith.constant 17 : i32
      %dma_wait3A_540 = arith.constant 0 : i32
      %dma_wait3A_541 = tpu.memref_slice %arg8[%dma_wait3A_539, %dma_wait3A_540] : memref<50x80xi32, #tpu.memory_space<vmem>> -> memref<1x80xi32, #tpu.memory_space<vmem>>
      %dma_wait3A_542 = tpu.memref_squeeze %dma_wait3A_541 : memref<1x80xi32, #tpu.memory_space<vmem>> -> memref<80xi32, #tpu.memory_space<vmem>>
      %dma_wait3A_543 = arith.constant 0 : i32
      %dma_wait3A_544 = arith.constant 0 : i32
      %dma_wait3A_545 = tpu.memref_slice %arg6[%dma_wait3A_543, %dma_wait3A_544] : memref<10240x128xf32, #tpu.memory_space<vmem_shared>> -> memref<10240x128xf32, #tpu.memory_space<vmem_shared>>
      tpu.wait_indirect_dma semaphore(%arg18 : memref<!tpu.dma_semaphore, #tpu.memory_space<semaphore_mem>>) src(%arg11 : memref<80x128xf32, #tpu.memory_space<vmem>>) dst(%dma_wait3A_545 : memref<10240x128xf32, #tpu.memory_space<vmem_shared>>)
      %dma_start3A_546 = arith.constant 20 : i32
      %dma_start3A_547 = arith.constant 0 : i32
      %dma_start3A_548 = tpu.memref_slice %arg7[%dma_start3A_546, %dma_start3A_547] : memref<50x80xi32, #tpu.memory_space<vmem>> -> memref<1x80xi32, #tpu.memory_space<vmem>>
      %dma_start3A_549 = tpu.memref_squeeze %dma_start3A_548 : memref<1x80xi32, #tpu.memory_space<vmem>> -> memref<80xi32, #tpu.memory_space<vmem>>
      %dma_start3A_550 = arith.constant 0 : i32
      %dma_start3A_551 = arith.constant 0 : i32
      %dma_start3A_552 = tpu.memref_slice %arg2[%dma_start3A_550, %dma_start3A_551] : memref<20000x128xf32, #tpu.memory_space<hbm>> -> memref<20000x128xf32, #tpu.memory_space<hbm>>
      tpu.enqueue_indirect_dma source(%dma_start3A_552 : memref<20000x128xf32, #tpu.memory_space<hbm>>) target(%arg11 : memref<80x128xf32, #tpu.memory_space<vmem>>) offsets(%dma_start3A_549 : memref<80xi32, #tpu.memory_space<vmem>>) semaphore(%arg15 : memref<!tpu.dma_semaphore, #tpu.memory_space<semaphore_mem>>)
      %dma_wait3A_553 = arith.constant 18 : i32
      %dma_wait3A_554 = arith.constant 0 : i32
      %dma_wait3A_555 = tpu.memref_slice %arg7[%dma_wait3A_553, %dma_wait3A_554] : memref<50x80xi32, #tpu.memory_space<vmem>> -> memref<1x80xi32, #tpu.memory_space<vmem>>
      %dma_wait3A_556 = tpu.memref_squeeze %dma_wait3A_555 : memref<1x80xi32, #tpu.memory_space<vmem>> -> memref<80xi32, #tpu.memory_space<vmem>>
      %dma_wait3A_557 = arith.constant 0 : i32
      %dma_wait3A_558 = arith.constant 0 : i32
      %dma_wait3A_559 = tpu.memref_slice %arg2[%dma_wait3A_557, %dma_wait3A_558] : memref<20000x128xf32, #tpu.memory_space<hbm>> -> memref<20000x128xf32, #tpu.memory_space<hbm>>
      tpu.wait_indirect_dma semaphore(%arg13 : memref<!tpu.dma_semaphore, #tpu.memory_space<semaphore_mem>>) src(%dma_wait3A_559 : memref<20000x128xf32, #tpu.memory_space<hbm>>) dst(%arg9 : memref<80x128xf32, #tpu.memory_space<vmem>>)
      %dma_start3A_560 = arith.constant 18 : i32
      %dma_start3A_561 = arith.constant 0 : i32
      %dma_start3A_562 = tpu.memref_slice %arg8[%dma_start3A_560, %dma_start3A_561] : memref<50x80xi32, #tpu.memory_space<vmem>> -> memref<1x80xi32, #tpu.memory_space<vmem>>
      %dma_start3A_563 = tpu.memref_squeeze %dma_start3A_562 : memref<1x80xi32, #tpu.memory_space<vmem>> -> memref<80xi32, #tpu.memory_space<vmem>>
      %dma_start3A_564 = arith.constant 0 : i32
      %dma_start3A_565 = arith.constant 0 : i32
      %dma_start3A_566 = tpu.memref_slice %arg6[%dma_start3A_564, %dma_start3A_565] : memref<10240x128xf32, #tpu.memory_space<vmem_shared>> -> memref<10240x128xf32, #tpu.memory_space<vmem_shared>>
      tpu.enqueue_indirect_dma source(%arg9 : memref<80x128xf32, #tpu.memory_space<vmem>>) target(%dma_start3A_566 : memref<10240x128xf32, #tpu.memory_space<vmem_shared>>) offsets(%dma_start3A_563 : memref<80xi32, #tpu.memory_space<vmem>>) semaphore(%arg16 : memref<!tpu.dma_semaphore, #tpu.memory_space<semaphore_mem>>) {add = true}
      %dma_wait3A_567 = arith.constant 18 : i32
      %dma_wait3A_568 = arith.constant 0 : i32
      %dma_wait3A_569 = tpu.memref_slice %arg8[%dma_wait3A_567, %dma_wait3A_568] : memref<50x80xi32, #tpu.memory_space<vmem>> -> memref<1x80xi32, #tpu.memory_space<vmem>>
      %dma_wait3A_570 = tpu.memref_squeeze %dma_wait3A_569 : memref<1x80xi32, #tpu.memory_space<vmem>> -> memref<80xi32, #tpu.memory_space<vmem>>
      %dma_wait3A_571 = arith.constant 0 : i32
      %dma_wait3A_572 = arith.constant 0 : i32
      %dma_wait3A_573 = tpu.memref_slice %arg6[%dma_wait3A_571, %dma_wait3A_572] : memref<10240x128xf32, #tpu.memory_space<vmem_shared>> -> memref<10240x128xf32, #tpu.memory_space<vmem_shared>>
      tpu.wait_indirect_dma semaphore(%arg16 : memref<!tpu.dma_semaphore, #tpu.memory_space<semaphore_mem>>) src(%arg9 : memref<80x128xf32, #tpu.memory_space<vmem>>) dst(%dma_wait3A_573 : memref<10240x128xf32, #tpu.memory_space<vmem_shared>>)
      %dma_start3A_574 = arith.constant 21 : i32
      %dma_start3A_575 = arith.constant 0 : i32
      %dma_start3A_576 = tpu.memref_slice %arg7[%dma_start3A_574, %dma_start3A_575] : memref<50x80xi32, #tpu.memory_space<vmem>> -> memref<1x80xi32, #tpu.memory_space<vmem>>
      %dma_start3A_577 = tpu.memref_squeeze %dma_start3A_576 : memref<1x80xi32, #tpu.memory_space<vmem>> -> memref<80xi32, #tpu.memory_space<vmem>>
      %dma_start3A_578 = arith.constant 0 : i32
      %dma_start3A_579 = arith.constant 0 : i32
      %dma_start3A_580 = tpu.memref_slice %arg2[%dma_start3A_578, %dma_start3A_579] : memref<20000x128xf32, #tpu.memory_space<hbm>> -> memref<20000x128xf32, #tpu.memory_space<hbm>>
      tpu.enqueue_indirect_dma source(%dma_start3A_580 : memref<20000x128xf32, #tpu.memory_space<hbm>>) target(%arg9 : memref<80x128xf32, #tpu.memory_space<vmem>>) offsets(%dma_start3A_577 : memref<80xi32, #tpu.memory_space<vmem>>) semaphore(%arg13 : memref<!tpu.dma_semaphore, #tpu.memory_space<semaphore_mem>>)
      %dma_wait3A_581 = arith.constant 19 : i32
      %dma_wait3A_582 = arith.constant 0 : i32
      %dma_wait3A_583 = tpu.memref_slice %arg7[%dma_wait3A_581, %dma_wait3A_582] : memref<50x80xi32, #tpu.memory_space<vmem>> -> memref<1x80xi32, #tpu.memory_space<vmem>>
      %dma_wait3A_584 = tpu.memref_squeeze %dma_wait3A_583 : memref<1x80xi32, #tpu.memory_space<vmem>> -> memref<80xi32, #tpu.memory_space<vmem>>
      %dma_wait3A_585 = arith.constant 0 : i32
      %dma_wait3A_586 = arith.constant 0 : i32
      %dma_wait3A_587 = tpu.memref_slice %arg2[%dma_wait3A_585, %dma_wait3A_586] : memref<20000x128xf32, #tpu.memory_space<hbm>> -> memref<20000x128xf32, #tpu.memory_space<hbm>>
      tpu.wait_indirect_dma semaphore(%arg14 : memref<!tpu.dma_semaphore, #tpu.memory_space<semaphore_mem>>) src(%dma_wait3A_587 : memref<20000x128xf32, #tpu.memory_space<hbm>>) dst(%arg10 : memref<80x128xf32, #tpu.memory_space<vmem>>)
      %dma_start3A_588 = arith.constant 19 : i32
      %dma_start3A_589 = arith.constant 0 : i32
      %dma_start3A_590 = tpu.memref_slice %arg8[%dma_start3A_588, %dma_start3A_589] : memref<50x80xi32, #tpu.memory_space<vmem>> -> memref<1x80xi32, #tpu.memory_space<vmem>>
      %dma_start3A_591 = tpu.memref_squeeze %dma_start3A_590 : memref<1x80xi32, #tpu.memory_space<vmem>> -> memref<80xi32, #tpu.memory_space<vmem>>
      %dma_start3A_592 = arith.constant 0 : i32
      %dma_start3A_593 = arith.constant 0 : i32
      %dma_start3A_594 = tpu.memref_slice %arg6[%dma_start3A_592, %dma_start3A_593] : memref<10240x128xf32, #tpu.memory_space<vmem_shared>> -> memref<10240x128xf32, #tpu.memory_space<vmem_shared>>
      tpu.enqueue_indirect_dma source(%arg10 : memref<80x128xf32, #tpu.memory_space<vmem>>) target(%dma_start3A_594 : memref<10240x128xf32, #tpu.memory_space<vmem_shared>>) offsets(%dma_start3A_591 : memref<80xi32, #tpu.memory_space<vmem>>) semaphore(%arg17 : memref<!tpu.dma_semaphore, #tpu.memory_space<semaphore_mem>>) {add = true}
      %dma_wait3A_595 = arith.constant 19 : i32
      %dma_wait3A_596 = arith.constant 0 : i32
      %dma_wait3A_597 = tpu.memref_slice %arg8[%dma_wait3A_595, %dma_wait3A_596] : memref<50x80xi32, #tpu.memory_space<vmem>> -> memref<1x80xi32, #tpu.memory_space<vmem>>
      %dma_wait3A_598 = tpu.memref_squeeze %dma_wait3A_597 : memref<1x80xi32, #tpu.memory_space<vmem>> -> memref<80xi32, #tpu.memory_space<vmem>>
      %dma_wait3A_599 = arith.constant 0 : i32
      %dma_wait3A_600 = arith.constant 0 : i32
      %dma_wait3A_601 = tpu.memref_slice %arg6[%dma_wait3A_599, %dma_wait3A_600] : memref<10240x128xf32, #tpu.memory_space<vmem_shared>> -> memref<10240x128xf32, #tpu.memory_space<vmem_shared>>
      tpu.wait_indirect_dma semaphore(%arg17 : memref<!tpu.dma_semaphore, #tpu.memory_space<semaphore_mem>>) src(%arg10 : memref<80x128xf32, #tpu.memory_space<vmem>>) dst(%dma_wait3A_601 : memref<10240x128xf32, #tpu.memory_space<vmem_shared>>)
      %dma_start3A_602 = arith.constant 22 : i32
      %dma_start3A_603 = arith.constant 0 : i32
      %dma_start3A_604 = tpu.memref_slice %arg7[%dma_start3A_602, %dma_start3A_603] : memref<50x80xi32, #tpu.memory_space<vmem>> -> memref<1x80xi32, #tpu.memory_space<vmem>>
      %dma_start3A_605 = tpu.memref_squeeze %dma_start3A_604 : memref<1x80xi32, #tpu.memory_space<vmem>> -> memref<80xi32, #tpu.memory_space<vmem>>
      %dma_start3A_606 = arith.constant 0 : i32
      %dma_start3A_607 = arith.constant 0 : i32
      %dma_start3A_608 = tpu.memref_slice %arg2[%dma_start3A_606, %dma_start3A_607] : memref<20000x128xf32, #tpu.memory_space<hbm>> -> memref<20000x128xf32, #tpu.memory_space<hbm>>
      tpu.enqueue_indirect_dma source(%dma_start3A_608 : memref<20000x128xf32, #tpu.memory_space<hbm>>) target(%arg10 : memref<80x128xf32, #tpu.memory_space<vmem>>) offsets(%dma_start3A_605 : memref<80xi32, #tpu.memory_space<vmem>>) semaphore(%arg14 : memref<!tpu.dma_semaphore, #tpu.memory_space<semaphore_mem>>)
      %dma_wait3A_609 = arith.constant 20 : i32
      %dma_wait3A_610 = arith.constant 0 : i32
      %dma_wait3A_611 = tpu.memref_slice %arg7[%dma_wait3A_609, %dma_wait3A_610] : memref<50x80xi32, #tpu.memory_space<vmem>> -> memref<1x80xi32, #tpu.memory_space<vmem>>
      %dma_wait3A_612 = tpu.memref_squeeze %dma_wait3A_611 : memref<1x80xi32, #tpu.memory_space<vmem>> -> memref<80xi32, #tpu.memory_space<vmem>>
      %dma_wait3A_613 = arith.constant 0 : i32
      %dma_wait3A_614 = arith.constant 0 : i32
      %dma_wait3A_615 = tpu.memref_slice %arg2[%dma_wait3A_613, %dma_wait3A_614] : memref<20000x128xf32, #tpu.memory_space<hbm>> -> memref<20000x128xf32, #tpu.memory_space<hbm>>
      tpu.wait_indirect_dma semaphore(%arg15 : memref<!tpu.dma_semaphore, #tpu.memory_space<semaphore_mem>>) src(%dma_wait3A_615 : memref<20000x128xf32, #tpu.memory_space<hbm>>) dst(%arg11 : memref<80x128xf32, #tpu.memory_space<vmem>>)
      %dma_start3A_616 = arith.constant 20 : i32
      %dma_start3A_617 = arith.constant 0 : i32
      %dma_start3A_618 = tpu.memref_slice %arg8[%dma_start3A_616, %dma_start3A_617] : memref<50x80xi32, #tpu.memory_space<vmem>> -> memref<1x80xi32, #tpu.memory_space<vmem>>
      %dma_start3A_619 = tpu.memref_squeeze %dma_start3A_618 : memref<1x80xi32, #tpu.memory_space<vmem>> -> memref<80xi32, #tpu.memory_space<vmem>>
      %dma_start3A_620 = arith.constant 0 : i32
      %dma_start3A_621 = arith.constant 0 : i32
      %dma_start3A_622 = tpu.memref_slice %arg6[%dma_start3A_620, %dma_start3A_621] : memref<10240x128xf32, #tpu.memory_space<vmem_shared>> -> memref<10240x128xf32, #tpu.memory_space<vmem_shared>>
      tpu.enqueue_indirect_dma source(%arg11 : memref<80x128xf32, #tpu.memory_space<vmem>>) target(%dma_start3A_622 : memref<10240x128xf32, #tpu.memory_space<vmem_shared>>) offsets(%dma_start3A_619 : memref<80xi32, #tpu.memory_space<vmem>>) semaphore(%arg18 : memref<!tpu.dma_semaphore, #tpu.memory_space<semaphore_mem>>) {add = true}
      %dma_wait3A_623 = arith.constant 20 : i32
      %dma_wait3A_624 = arith.constant 0 : i32
      %dma_wait3A_625 = tpu.memref_slice %arg8[%dma_wait3A_623, %dma_wait3A_624] : memref<50x80xi32, #tpu.memory_space<vmem>> -> memref<1x80xi32, #tpu.memory_space<vmem>>
      %dma_wait3A_626 = tpu.memref_squeeze %dma_wait3A_625 : memref<1x80xi32, #tpu.memory_space<vmem>> -> memref<80xi32, #tpu.memory_space<vmem>>
      %dma_wait3A_627 = arith.constant 0 : i32
      %dma_wait3A_628 = arith.constant 0 : i32
      %dma_wait3A_629 = tpu.memref_slice %arg6[%dma_wait3A_627, %dma_wait3A_628] : memref<10240x128xf32, #tpu.memory_space<vmem_shared>> -> memref<10240x128xf32, #tpu.memory_space<vmem_shared>>
      tpu.wait_indirect_dma semaphore(%arg18 : memref<!tpu.dma_semaphore, #tpu.memory_space<semaphore_mem>>) src(%arg11 : memref<80x128xf32, #tpu.memory_space<vmem>>) dst(%dma_wait3A_629 : memref<10240x128xf32, #tpu.memory_space<vmem_shared>>)
      %dma_start3A_630 = arith.constant 23 : i32
      %dma_start3A_631 = arith.constant 0 : i32
      %dma_start3A_632 = tpu.memref_slice %arg7[%dma_start3A_630, %dma_start3A_631] : memref<50x80xi32, #tpu.memory_space<vmem>> -> memref<1x80xi32, #tpu.memory_space<vmem>>
      %dma_start3A_633 = tpu.memref_squeeze %dma_start3A_632 : memref<1x80xi32, #tpu.memory_space<vmem>> -> memref<80xi32, #tpu.memory_space<vmem>>
      %dma_start3A_634 = arith.constant 0 : i32
      %dma_start3A_635 = arith.constant 0 : i32
      %dma_start3A_636 = tpu.memref_slice %arg2[%dma_start3A_634, %dma_start3A_635] : memref<20000x128xf32, #tpu.memory_space<hbm>> -> memref<20000x128xf32, #tpu.memory_space<hbm>>
      tpu.enqueue_indirect_dma source(%dma_start3A_636 : memref<20000x128xf32, #tpu.memory_space<hbm>>) target(%arg11 : memref<80x128xf32, #tpu.memory_space<vmem>>) offsets(%dma_start3A_633 : memref<80xi32, #tpu.memory_space<vmem>>) semaphore(%arg15 : memref<!tpu.dma_semaphore, #tpu.memory_space<semaphore_mem>>)
      %dma_wait3A_637 = arith.constant 21 : i32
      %dma_wait3A_638 = arith.constant 0 : i32
      %dma_wait3A_639 = tpu.memref_slice %arg7[%dma_wait3A_637, %dma_wait3A_638] : memref<50x80xi32, #tpu.memory_space<vmem>> -> memref<1x80xi32, #tpu.memory_space<vmem>>
      %dma_wait3A_640 = tpu.memref_squeeze %dma_wait3A_639 : memref<1x80xi32, #tpu.memory_space<vmem>> -> memref<80xi32, #tpu.memory_space<vmem>>
      %dma_wait3A_641 = arith.constant 0 : i32
      %dma_wait3A_642 = arith.constant 0 : i32
      %dma_wait3A_643 = tpu.memref_slice %arg2[%dma_wait3A_641, %dma_wait3A_642] : memref<20000x128xf32, #tpu.memory_space<hbm>> -> memref<20000x128xf32, #tpu.memory_space<hbm>>
      tpu.wait_indirect_dma semaphore(%arg13 : memref<!tpu.dma_semaphore, #tpu.memory_space<semaphore_mem>>) src(%dma_wait3A_643 : memref<20000x128xf32, #tpu.memory_space<hbm>>) dst(%arg9 : memref<80x128xf32, #tpu.memory_space<vmem>>)
      %dma_start3A_644 = arith.constant 21 : i32
      %dma_start3A_645 = arith.constant 0 : i32
      %dma_start3A_646 = tpu.memref_slice %arg8[%dma_start3A_644, %dma_start3A_645] : memref<50x80xi32, #tpu.memory_space<vmem>> -> memref<1x80xi32, #tpu.memory_space<vmem>>
      %dma_start3A_647 = tpu.memref_squeeze %dma_start3A_646 : memref<1x80xi32, #tpu.memory_space<vmem>> -> memref<80xi32, #tpu.memory_space<vmem>>
      %dma_start3A_648 = arith.constant 0 : i32
      %dma_start3A_649 = arith.constant 0 : i32
      %dma_start3A_650 = tpu.memref_slice %arg6[%dma_start3A_648, %dma_start3A_649] : memref<10240x128xf32, #tpu.memory_space<vmem_shared>> -> memref<10240x128xf32, #tpu.memory_space<vmem_shared>>
      tpu.enqueue_indirect_dma source(%arg9 : memref<80x128xf32, #tpu.memory_space<vmem>>) target(%dma_start3A_650 : memref<10240x128xf32, #tpu.memory_space<vmem_shared>>) offsets(%dma_start3A_647 : memref<80xi32, #tpu.memory_space<vmem>>) semaphore(%arg16 : memref<!tpu.dma_semaphore, #tpu.memory_space<semaphore_mem>>) {add = true}
      %dma_wait3A_651 = arith.constant 21 : i32
      %dma_wait3A_652 = arith.constant 0 : i32
      %dma_wait3A_653 = tpu.memref_slice %arg8[%dma_wait3A_651, %dma_wait3A_652] : memref<50x80xi32, #tpu.memory_space<vmem>> -> memref<1x80xi32, #tpu.memory_space<vmem>>
      %dma_wait3A_654 = tpu.memref_squeeze %dma_wait3A_653 : memref<1x80xi32, #tpu.memory_space<vmem>> -> memref<80xi32, #tpu.memory_space<vmem>>
      %dma_wait3A_655 = arith.constant 0 : i32
      %dma_wait3A_656 = arith.constant 0 : i32
      %dma_wait3A_657 = tpu.memref_slice %arg6[%dma_wait3A_655, %dma_wait3A_656] : memref<10240x128xf32, #tpu.memory_space<vmem_shared>> -> memref<10240x128xf32, #tpu.memory_space<vmem_shared>>
      tpu.wait_indirect_dma semaphore(%arg16 : memref<!tpu.dma_semaphore, #tpu.memory_space<semaphore_mem>>) src(%arg9 : memref<80x128xf32, #tpu.memory_space<vmem>>) dst(%dma_wait3A_657 : memref<10240x128xf32, #tpu.memory_space<vmem_shared>>)
      %dma_start3A_658 = arith.constant 24 : i32
      %dma_start3A_659 = arith.constant 0 : i32
      %dma_start3A_660 = tpu.memref_slice %arg7[%dma_start3A_658, %dma_start3A_659] : memref<50x80xi32, #tpu.memory_space<vmem>> -> memref<1x80xi32, #tpu.memory_space<vmem>>
      %dma_start3A_661 = tpu.memref_squeeze %dma_start3A_660 : memref<1x80xi32, #tpu.memory_space<vmem>> -> memref<80xi32, #tpu.memory_space<vmem>>
      %dma_start3A_662 = arith.constant 0 : i32
      %dma_start3A_663 = arith.constant 0 : i32
      %dma_start3A_664 = tpu.memref_slice %arg2[%dma_start3A_662, %dma_start3A_663] : memref<20000x128xf32, #tpu.memory_space<hbm>> -> memref<20000x128xf32, #tpu.memory_space<hbm>>
      tpu.enqueue_indirect_dma source(%dma_start3A_664 : memref<20000x128xf32, #tpu.memory_space<hbm>>) target(%arg9 : memref<80x128xf32, #tpu.memory_space<vmem>>) offsets(%dma_start3A_661 : memref<80xi32, #tpu.memory_space<vmem>>) semaphore(%arg13 : memref<!tpu.dma_semaphore, #tpu.memory_space<semaphore_mem>>)
      %dma_wait3A_665 = arith.constant 22 : i32
      %dma_wait3A_666 = arith.constant 0 : i32
      %dma_wait3A_667 = tpu.memref_slice %arg7[%dma_wait3A_665, %dma_wait3A_666] : memref<50x80xi32, #tpu.memory_space<vmem>> -> memref<1x80xi32, #tpu.memory_space<vmem>>
      %dma_wait3A_668 = tpu.memref_squeeze %dma_wait3A_667 : memref<1x80xi32, #tpu.memory_space<vmem>> -> memref<80xi32, #tpu.memory_space<vmem>>
      %dma_wait3A_669 = arith.constant 0 : i32
      %dma_wait3A_670 = arith.constant 0 : i32
      %dma_wait3A_671 = tpu.memref_slice %arg2[%dma_wait3A_669, %dma_wait3A_670] : memref<20000x128xf32, #tpu.memory_space<hbm>> -> memref<20000x128xf32, #tpu.memory_space<hbm>>
      tpu.wait_indirect_dma semaphore(%arg14 : memref<!tpu.dma_semaphore, #tpu.memory_space<semaphore_mem>>) src(%dma_wait3A_671 : memref<20000x128xf32, #tpu.memory_space<hbm>>) dst(%arg10 : memref<80x128xf32, #tpu.memory_space<vmem>>)
      %dma_start3A_672 = arith.constant 22 : i32
      %dma_start3A_673 = arith.constant 0 : i32
      %dma_start3A_674 = tpu.memref_slice %arg8[%dma_start3A_672, %dma_start3A_673] : memref<50x80xi32, #tpu.memory_space<vmem>> -> memref<1x80xi32, #tpu.memory_space<vmem>>
      %dma_start3A_675 = tpu.memref_squeeze %dma_start3A_674 : memref<1x80xi32, #tpu.memory_space<vmem>> -> memref<80xi32, #tpu.memory_space<vmem>>
      %dma_start3A_676 = arith.constant 0 : i32
      %dma_start3A_677 = arith.constant 0 : i32
      %dma_start3A_678 = tpu.memref_slice %arg6[%dma_start3A_676, %dma_start3A_677] : memref<10240x128xf32, #tpu.memory_space<vmem_shared>> -> memref<10240x128xf32, #tpu.memory_space<vmem_shared>>
      tpu.enqueue_indirect_dma source(%arg10 : memref<80x128xf32, #tpu.memory_space<vmem>>) target(%dma_start3A_678 : memref<10240x128xf32, #tpu.memory_space<vmem_shared>>) offsets(%dma_start3A_675 : memref<80xi32, #tpu.memory_space<vmem>>) semaphore(%arg17 : memref<!tpu.dma_semaphore, #tpu.memory_space<semaphore_mem>>) {add = true}
      %dma_wait3A_679 = arith.constant 22 : i32
      %dma_wait3A_680 = arith.constant 0 : i32
      %dma_wait3A_681 = tpu.memref_slice %arg8[%dma_wait3A_679, %dma_wait3A_680] : memref<50x80xi32, #tpu.memory_space<vmem>> -> memref<1x80xi32, #tpu.memory_space<vmem>>
      %dma_wait3A_682 = tpu.memref_squeeze %dma_wait3A_681 : memref<1x80xi32, #tpu.memory_space<vmem>> -> memref<80xi32, #tpu.memory_space<vmem>>
      %dma_wait3A_683 = arith.constant 0 : i32
      %dma_wait3A_684 = arith.constant 0 : i32
      %dma_wait3A_685 = tpu.memref_slice %arg6[%dma_wait3A_683, %dma_wait3A_684] : memref<10240x128xf32, #tpu.memory_space<vmem_shared>> -> memref<10240x128xf32, #tpu.memory_space<vmem_shared>>
      tpu.wait_indirect_dma semaphore(%arg17 : memref<!tpu.dma_semaphore, #tpu.memory_space<semaphore_mem>>) src(%arg10 : memref<80x128xf32, #tpu.memory_space<vmem>>) dst(%dma_wait3A_685 : memref<10240x128xf32, #tpu.memory_space<vmem_shared>>)
      %dma_start3A_686 = arith.constant 25 : i32
      %dma_start3A_687 = arith.constant 0 : i32
      %dma_start3A_688 = tpu.memref_slice %arg7[%dma_start3A_686, %dma_start3A_687] : memref<50x80xi32, #tpu.memory_space<vmem>> -> memref<1x80xi32, #tpu.memory_space<vmem>>
      %dma_start3A_689 = tpu.memref_squeeze %dma_start3A_688 : memref<1x80xi32, #tpu.memory_space<vmem>> -> memref<80xi32, #tpu.memory_space<vmem>>
      %dma_start3A_690 = arith.constant 0 : i32
      %dma_start3A_691 = arith.constant 0 : i32
      %dma_start3A_692 = tpu.memref_slice %arg2[%dma_start3A_690, %dma_start3A_691] : memref<20000x128xf32, #tpu.memory_space<hbm>> -> memref<20000x128xf32, #tpu.memory_space<hbm>>
      tpu.enqueue_indirect_dma source(%dma_start3A_692 : memref<20000x128xf32, #tpu.memory_space<hbm>>) target(%arg10 : memref<80x128xf32, #tpu.memory_space<vmem>>) offsets(%dma_start3A_689 : memref<80xi32, #tpu.memory_space<vmem>>) semaphore(%arg14 : memref<!tpu.dma_semaphore, #tpu.memory_space<semaphore_mem>>)
      %dma_wait3A_693 = arith.constant 23 : i32
      %dma_wait3A_694 = arith.constant 0 : i32
      %dma_wait3A_695 = tpu.memref_slice %arg7[%dma_wait3A_693, %dma_wait3A_694] : memref<50x80xi32, #tpu.memory_space<vmem>> -> memref<1x80xi32, #tpu.memory_space<vmem>>
      %dma_wait3A_696 = tpu.memref_squeeze %dma_wait3A_695 : memref<1x80xi32, #tpu.memory_space<vmem>> -> memref<80xi32, #tpu.memory_space<vmem>>
      %dma_wait3A_697 = arith.constant 0 : i32
      %dma_wait3A_698 = arith.constant 0 : i32
      %dma_wait3A_699 = tpu.memref_slice %arg2[%dma_wait3A_697, %dma_wait3A_698] : memref<20000x128xf32, #tpu.memory_space<hbm>> -> memref<20000x128xf32, #tpu.memory_space<hbm>>
      tpu.wait_indirect_dma semaphore(%arg15 : memref<!tpu.dma_semaphore, #tpu.memory_space<semaphore_mem>>) src(%dma_wait3A_699 : memref<20000x128xf32, #tpu.memory_space<hbm>>) dst(%arg11 : memref<80x128xf32, #tpu.memory_space<vmem>>)
      %dma_start3A_700 = arith.constant 23 : i32
      %dma_start3A_701 = arith.constant 0 : i32
      %dma_start3A_702 = tpu.memref_slice %arg8[%dma_start3A_700, %dma_start3A_701] : memref<50x80xi32, #tpu.memory_space<vmem>> -> memref<1x80xi32, #tpu.memory_space<vmem>>
      %dma_start3A_703 = tpu.memref_squeeze %dma_start3A_702 : memref<1x80xi32, #tpu.memory_space<vmem>> -> memref<80xi32, #tpu.memory_space<vmem>>
      %dma_start3A_704 = arith.constant 0 : i32
      %dma_start3A_705 = arith.constant 0 : i32
      %dma_start3A_706 = tpu.memref_slice %arg6[%dma_start3A_704, %dma_start3A_705] : memref<10240x128xf32, #tpu.memory_space<vmem_shared>> -> memref<10240x128xf32, #tpu.memory_space<vmem_shared>>
      tpu.enqueue_indirect_dma source(%arg11 : memref<80x128xf32, #tpu.memory_space<vmem>>) target(%dma_start3A_706 : memref<10240x128xf32, #tpu.memory_space<vmem_shared>>) offsets(%dma_start3A_703 : memref<80xi32, #tpu.memory_space<vmem>>) semaphore(%arg18 : memref<!tpu.dma_semaphore, #tpu.memory_space<semaphore_mem>>) {add = true}
      %dma_wait3A_707 = arith.constant 23 : i32
      %dma_wait3A_708 = arith.constant 0 : i32
      %dma_wait3A_709 = tpu.memref_slice %arg8[%dma_wait3A_707, %dma_wait3A_708] : memref<50x80xi32, #tpu.memory_space<vmem>> -> memref<1x80xi32, #tpu.memory_space<vmem>>
      %dma_wait3A_710 = tpu.memref_squeeze %dma_wait3A_709 : memref<1x80xi32, #tpu.memory_space<vmem>> -> memref<80xi32, #tpu.memory_space<vmem>>
      %dma_wait3A_711 = arith.constant 0 : i32
      %dma_wait3A_712 = arith.constant 0 : i32
      %dma_wait3A_713 = tpu.memref_slice %arg6[%dma_wait3A_711, %dma_wait3A_712] : memref<10240x128xf32, #tpu.memory_space<vmem_shared>> -> memref<10240x128xf32, #tpu.memory_space<vmem_shared>>
      tpu.wait_indirect_dma semaphore(%arg18 : memref<!tpu.dma_semaphore, #tpu.memory_space<semaphore_mem>>) src(%arg11 : memref<80x128xf32, #tpu.memory_space<vmem>>) dst(%dma_wait3A_713 : memref<10240x128xf32, #tpu.memory_space<vmem_shared>>)
      %dma_start3A_714 = arith.constant 26 : i32
      %dma_start3A_715 = arith.constant 0 : i32
      %dma_start3A_716 = tpu.memref_slice %arg7[%dma_start3A_714, %dma_start3A_715] : memref<50x80xi32, #tpu.memory_space<vmem>> -> memref<1x80xi32, #tpu.memory_space<vmem>>
      %dma_start3A_717 = tpu.memref_squeeze %dma_start3A_716 : memref<1x80xi32, #tpu.memory_space<vmem>> -> memref<80xi32, #tpu.memory_space<vmem>>
      %dma_start3A_718 = arith.constant 0 : i32
      %dma_start3A_719 = arith.constant 0 : i32
      %dma_start3A_720 = tpu.memref_slice %arg2[%dma_start3A_718, %dma_start3A_719] : memref<20000x128xf32, #tpu.memory_space<hbm>> -> memref<20000x128xf32, #tpu.memory_space<hbm>>
      tpu.enqueue_indirect_dma source(%dma_start3A_720 : memref<20000x128xf32, #tpu.memory_space<hbm>>) target(%arg11 : memref<80x128xf32, #tpu.memory_space<vmem>>) offsets(%dma_start3A_717 : memref<80xi32, #tpu.memory_space<vmem>>) semaphore(%arg15 : memref<!tpu.dma_semaphore, #tpu.memory_space<semaphore_mem>>)
      %dma_wait3A_721 = arith.constant 24 : i32
      %dma_wait3A_722 = arith.constant 0 : i32
      %dma_wait3A_723 = tpu.memref_slice %arg7[%dma_wait3A_721, %dma_wait3A_722] : memref<50x80xi32, #tpu.memory_space<vmem>> -> memref<1x80xi32, #tpu.memory_space<vmem>>
      %dma_wait3A_724 = tpu.memref_squeeze %dma_wait3A_723 : memref<1x80xi32, #tpu.memory_space<vmem>> -> memref<80xi32, #tpu.memory_space<vmem>>
      %dma_wait3A_725 = arith.constant 0 : i32
      %dma_wait3A_726 = arith.constant 0 : i32
      %dma_wait3A_727 = tpu.memref_slice %arg2[%dma_wait3A_725, %dma_wait3A_726] : memref<20000x128xf32, #tpu.memory_space<hbm>> -> memref<20000x128xf32, #tpu.memory_space<hbm>>
      tpu.wait_indirect_dma semaphore(%arg13 : memref<!tpu.dma_semaphore, #tpu.memory_space<semaphore_mem>>) src(%dma_wait3A_727 : memref<20000x128xf32, #tpu.memory_space<hbm>>) dst(%arg9 : memref<80x128xf32, #tpu.memory_space<vmem>>)
      %dma_start3A_728 = arith.constant 24 : i32
      %dma_start3A_729 = arith.constant 0 : i32
      %dma_start3A_730 = tpu.memref_slice %arg8[%dma_start3A_728, %dma_start3A_729] : memref<50x80xi32, #tpu.memory_space<vmem>> -> memref<1x80xi32, #tpu.memory_space<vmem>>
      %dma_start3A_731 = tpu.memref_squeeze %dma_start3A_730 : memref<1x80xi32, #tpu.memory_space<vmem>> -> memref<80xi32, #tpu.memory_space<vmem>>
      %dma_start3A_732 = arith.constant 0 : i32
      %dma_start3A_733 = arith.constant 0 : i32
      %dma_start3A_734 = tpu.memref_slice %arg6[%dma_start3A_732, %dma_start3A_733] : memref<10240x128xf32, #tpu.memory_space<vmem_shared>> -> memref<10240x128xf32, #tpu.memory_space<vmem_shared>>
      tpu.enqueue_indirect_dma source(%arg9 : memref<80x128xf32, #tpu.memory_space<vmem>>) target(%dma_start3A_734 : memref<10240x128xf32, #tpu.memory_space<vmem_shared>>) offsets(%dma_start3A_731 : memref<80xi32, #tpu.memory_space<vmem>>) semaphore(%arg16 : memref<!tpu.dma_semaphore, #tpu.memory_space<semaphore_mem>>) {add = true}
      %dma_wait3A_735 = arith.constant 24 : i32
      %dma_wait3A_736 = arith.constant 0 : i32
      %dma_wait3A_737 = tpu.memref_slice %arg8[%dma_wait3A_735, %dma_wait3A_736] : memref<50x80xi32, #tpu.memory_space<vmem>> -> memref<1x80xi32, #tpu.memory_space<vmem>>
      %dma_wait3A_738 = tpu.memref_squeeze %dma_wait3A_737 : memref<1x80xi32, #tpu.memory_space<vmem>> -> memref<80xi32, #tpu.memory_space<vmem>>
      %dma_wait3A_739 = arith.constant 0 : i32
      %dma_wait3A_740 = arith.constant 0 : i32
      %dma_wait3A_741 = tpu.memref_slice %arg6[%dma_wait3A_739, %dma_wait3A_740] : memref<10240x128xf32, #tpu.memory_space<vmem_shared>> -> memref<10240x128xf32, #tpu.memory_space<vmem_shared>>
      tpu.wait_indirect_dma semaphore(%arg16 : memref<!tpu.dma_semaphore, #tpu.memory_space<semaphore_mem>>) src(%arg9 : memref<80x128xf32, #tpu.memory_space<vmem>>) dst(%dma_wait3A_741 : memref<10240x128xf32, #tpu.memory_space<vmem_shared>>)
      %dma_start3A_742 = arith.constant 27 : i32
      %dma_start3A_743 = arith.constant 0 : i32
      %dma_start3A_744 = tpu.memref_slice %arg7[%dma_start3A_742, %dma_start3A_743] : memref<50x80xi32, #tpu.memory_space<vmem>> -> memref<1x80xi32, #tpu.memory_space<vmem>>
      %dma_start3A_745 = tpu.memref_squeeze %dma_start3A_744 : memref<1x80xi32, #tpu.memory_space<vmem>> -> memref<80xi32, #tpu.memory_space<vmem>>
      %dma_start3A_746 = arith.constant 0 : i32
      %dma_start3A_747 = arith.constant 0 : i32
      %dma_start3A_748 = tpu.memref_slice %arg2[%dma_start3A_746, %dma_start3A_747] : memref<20000x128xf32, #tpu.memory_space<hbm>> -> memref<20000x128xf32, #tpu.memory_space<hbm>>
      tpu.enqueue_indirect_dma source(%dma_start3A_748 : memref<20000x128xf32, #tpu.memory_space<hbm>>) target(%arg9 : memref<80x128xf32, #tpu.memory_space<vmem>>) offsets(%dma_start3A_745 : memref<80xi32, #tpu.memory_space<vmem>>) semaphore(%arg13 : memref<!tpu.dma_semaphore, #tpu.memory_space<semaphore_mem>>)
      %dma_wait3A_749 = arith.constant 25 : i32
      %dma_wait3A_750 = arith.constant 0 : i32
      %dma_wait3A_751 = tpu.memref_slice %arg7[%dma_wait3A_749, %dma_wait3A_750] : memref<50x80xi32, #tpu.memory_space<vmem>> -> memref<1x80xi32, #tpu.memory_space<vmem>>
      %dma_wait3A_752 = tpu.memref_squeeze %dma_wait3A_751 : memref<1x80xi32, #tpu.memory_space<vmem>> -> memref<80xi32, #tpu.memory_space<vmem>>
      %dma_wait3A_753 = arith.constant 0 : i32
      %dma_wait3A_754 = arith.constant 0 : i32
      %dma_wait3A_755 = tpu.memref_slice %arg2[%dma_wait3A_753, %dma_wait3A_754] : memref<20000x128xf32, #tpu.memory_space<hbm>> -> memref<20000x128xf32, #tpu.memory_space<hbm>>
      tpu.wait_indirect_dma semaphore(%arg14 : memref<!tpu.dma_semaphore, #tpu.memory_space<semaphore_mem>>) src(%dma_wait3A_755 : memref<20000x128xf32, #tpu.memory_space<hbm>>) dst(%arg10 : memref<80x128xf32, #tpu.memory_space<vmem>>)
      %dma_start3A_756 = arith.constant 25 : i32
      %dma_start3A_757 = arith.constant 0 : i32
      %dma_start3A_758 = tpu.memref_slice %arg8[%dma_start3A_756, %dma_start3A_757] : memref<50x80xi32, #tpu.memory_space<vmem>> -> memref<1x80xi32, #tpu.memory_space<vmem>>
      %dma_start3A_759 = tpu.memref_squeeze %dma_start3A_758 : memref<1x80xi32, #tpu.memory_space<vmem>> -> memref<80xi32, #tpu.memory_space<vmem>>
      %dma_start3A_760 = arith.constant 0 : i32
      %dma_start3A_761 = arith.constant 0 : i32
      %dma_start3A_762 = tpu.memref_slice %arg6[%dma_start3A_760, %dma_start3A_761] : memref<10240x128xf32, #tpu.memory_space<vmem_shared>> -> memref<10240x128xf32, #tpu.memory_space<vmem_shared>>
      tpu.enqueue_indirect_dma source(%arg10 : memref<80x128xf32, #tpu.memory_space<vmem>>) target(%dma_start3A_762 : memref<10240x128xf32, #tpu.memory_space<vmem_shared>>) offsets(%dma_start3A_759 : memref<80xi32, #tpu.memory_space<vmem>>) semaphore(%arg17 : memref<!tpu.dma_semaphore, #tpu.memory_space<semaphore_mem>>) {add = true}
      %dma_wait3A_763 = arith.constant 25 : i32
      %dma_wait3A_764 = arith.constant 0 : i32
      %dma_wait3A_765 = tpu.memref_slice %arg8[%dma_wait3A_763, %dma_wait3A_764] : memref<50x80xi32, #tpu.memory_space<vmem>> -> memref<1x80xi32, #tpu.memory_space<vmem>>
      %dma_wait3A_766 = tpu.memref_squeeze %dma_wait3A_765 : memref<1x80xi32, #tpu.memory_space<vmem>> -> memref<80xi32, #tpu.memory_space<vmem>>
      %dma_wait3A_767 = arith.constant 0 : i32
      %dma_wait3A_768 = arith.constant 0 : i32
      %dma_wait3A_769 = tpu.memref_slice %arg6[%dma_wait3A_767, %dma_wait3A_768] : memref<10240x128xf32, #tpu.memory_space<vmem_shared>> -> memref<10240x128xf32, #tpu.memory_space<vmem_shared>>
      tpu.wait_indirect_dma semaphore(%arg17 : memref<!tpu.dma_semaphore, #tpu.memory_space<semaphore_mem>>) src(%arg10 : memref<80x128xf32, #tpu.memory_space<vmem>>) dst(%dma_wait3A_769 : memref<10240x128xf32, #tpu.memory_space<vmem_shared>>)
      %dma_start3A_770 = arith.constant 28 : i32
      %dma_start3A_771 = arith.constant 0 : i32
      %dma_start3A_772 = tpu.memref_slice %arg7[%dma_start3A_770, %dma_start3A_771] : memref<50x80xi32, #tpu.memory_space<vmem>> -> memref<1x80xi32, #tpu.memory_space<vmem>>
      %dma_start3A_773 = tpu.memref_squeeze %dma_start3A_772 : memref<1x80xi32, #tpu.memory_space<vmem>> -> memref<80xi32, #tpu.memory_space<vmem>>
      %dma_start3A_774 = arith.constant 0 : i32
      %dma_start3A_775 = arith.constant 0 : i32
      %dma_start3A_776 = tpu.memref_slice %arg2[%dma_start3A_774, %dma_start3A_775] : memref<20000x128xf32, #tpu.memory_space<hbm>> -> memref<20000x128xf32, #tpu.memory_space<hbm>>
      tpu.enqueue_indirect_dma source(%dma_start3A_776 : memref<20000x128xf32, #tpu.memory_space<hbm>>) target(%arg10 : memref<80x128xf32, #tpu.memory_space<vmem>>) offsets(%dma_start3A_773 : memref<80xi32, #tpu.memory_space<vmem>>) semaphore(%arg14 : memref<!tpu.dma_semaphore, #tpu.memory_space<semaphore_mem>>)
      %dma_wait3A_777 = arith.constant 26 : i32
      %dma_wait3A_778 = arith.constant 0 : i32
      %dma_wait3A_779 = tpu.memref_slice %arg7[%dma_wait3A_777, %dma_wait3A_778] : memref<50x80xi32, #tpu.memory_space<vmem>> -> memref<1x80xi32, #tpu.memory_space<vmem>>
      %dma_wait3A_780 = tpu.memref_squeeze %dma_wait3A_779 : memref<1x80xi32, #tpu.memory_space<vmem>> -> memref<80xi32, #tpu.memory_space<vmem>>
      %dma_wait3A_781 = arith.constant 0 : i32
      %dma_wait3A_782 = arith.constant 0 : i32
      %dma_wait3A_783 = tpu.memref_slice %arg2[%dma_wait3A_781, %dma_wait3A_782] : memref<20000x128xf32, #tpu.memory_space<hbm>> -> memref<20000x128xf32, #tpu.memory_space<hbm>>
      tpu.wait_indirect_dma semaphore(%arg15 : memref<!tpu.dma_semaphore, #tpu.memory_space<semaphore_mem>>) src(%dma_wait3A_783 : memref<20000x128xf32, #tpu.memory_space<hbm>>) dst(%arg11 : memref<80x128xf32, #tpu.memory_space<vmem>>)
      %dma_start3A_784 = arith.constant 26 : i32
      %dma_start3A_785 = arith.constant 0 : i32
      %dma_start3A_786 = tpu.memref_slice %arg8[%dma_start3A_784, %dma_start3A_785] : memref<50x80xi32, #tpu.memory_space<vmem>> -> memref<1x80xi32, #tpu.memory_space<vmem>>
      %dma_start3A_787 = tpu.memref_squeeze %dma_start3A_786 : memref<1x80xi32, #tpu.memory_space<vmem>> -> memref<80xi32, #tpu.memory_space<vmem>>
      %dma_start3A_788 = arith.constant 0 : i32
      %dma_start3A_789 = arith.constant 0 : i32
      %dma_start3A_790 = tpu.memref_slice %arg6[%dma_start3A_788, %dma_start3A_789] : memref<10240x128xf32, #tpu.memory_space<vmem_shared>> -> memref<10240x128xf32, #tpu.memory_space<vmem_shared>>
      tpu.enqueue_indirect_dma source(%arg11 : memref<80x128xf32, #tpu.memory_space<vmem>>) target(%dma_start3A_790 : memref<10240x128xf32, #tpu.memory_space<vmem_shared>>) offsets(%dma_start3A_787 : memref<80xi32, #tpu.memory_space<vmem>>) semaphore(%arg18 : memref<!tpu.dma_semaphore, #tpu.memory_space<semaphore_mem>>) {add = true}
      %dma_wait3A_791 = arith.constant 26 : i32
      %dma_wait3A_792 = arith.constant 0 : i32
      %dma_wait3A_793 = tpu.memref_slice %arg8[%dma_wait3A_791, %dma_wait3A_792] : memref<50x80xi32, #tpu.memory_space<vmem>> -> memref<1x80xi32, #tpu.memory_space<vmem>>
      %dma_wait3A_794 = tpu.memref_squeeze %dma_wait3A_793 : memref<1x80xi32, #tpu.memory_space<vmem>> -> memref<80xi32, #tpu.memory_space<vmem>>
      %dma_wait3A_795 = arith.constant 0 : i32
      %dma_wait3A_796 = arith.constant 0 : i32
      %dma_wait3A_797 = tpu.memref_slice %arg6[%dma_wait3A_795, %dma_wait3A_796] : memref<10240x128xf32, #tpu.memory_space<vmem_shared>> -> memref<10240x128xf32, #tpu.memory_space<vmem_shared>>
      tpu.wait_indirect_dma semaphore(%arg18 : memref<!tpu.dma_semaphore, #tpu.memory_space<semaphore_mem>>) src(%arg11 : memref<80x128xf32, #tpu.memory_space<vmem>>) dst(%dma_wait3A_797 : memref<10240x128xf32, #tpu.memory_space<vmem_shared>>)
      %dma_start3A_798 = arith.constant 29 : i32
      %dma_start3A_799 = arith.constant 0 : i32
      %dma_start3A_800 = tpu.memref_slice %arg7[%dma_start3A_798, %dma_start3A_799] : memref<50x80xi32, #tpu.memory_space<vmem>> -> memref<1x80xi32, #tpu.memory_space<vmem>>
      %dma_start3A_801 = tpu.memref_squeeze %dma_start3A_800 : memref<1x80xi32, #tpu.memory_space<vmem>> -> memref<80xi32, #tpu.memory_space<vmem>>
      %dma_start3A_802 = arith.constant 0 : i32
      %dma_start3A_803 = arith.constant 0 : i32
      %dma_start3A_804 = tpu.memref_slice %arg2[%dma_start3A_802, %dma_start3A_803] : memref<20000x128xf32, #tpu.memory_space<hbm>> -> memref<20000x128xf32, #tpu.memory_space<hbm>>
      tpu.enqueue_indirect_dma source(%dma_start3A_804 : memref<20000x128xf32, #tpu.memory_space<hbm>>) target(%arg11 : memref<80x128xf32, #tpu.memory_space<vmem>>) offsets(%dma_start3A_801 : memref<80xi32, #tpu.memory_space<vmem>>) semaphore(%arg15 : memref<!tpu.dma_semaphore, #tpu.memory_space<semaphore_mem>>)
      %dma_wait3A_805 = arith.constant 27 : i32
      %dma_wait3A_806 = arith.constant 0 : i32
      %dma_wait3A_807 = tpu.memref_slice %arg7[%dma_wait3A_805, %dma_wait3A_806] : memref<50x80xi32, #tpu.memory_space<vmem>> -> memref<1x80xi32, #tpu.memory_space<vmem>>
      %dma_wait3A_808 = tpu.memref_squeeze %dma_wait3A_807 : memref<1x80xi32, #tpu.memory_space<vmem>> -> memref<80xi32, #tpu.memory_space<vmem>>
      %dma_wait3A_809 = arith.constant 0 : i32
      %dma_wait3A_810 = arith.constant 0 : i32
      %dma_wait3A_811 = tpu.memref_slice %arg2[%dma_wait3A_809, %dma_wait3A_810] : memref<20000x128xf32, #tpu.memory_space<hbm>> -> memref<20000x128xf32, #tpu.memory_space<hbm>>
      tpu.wait_indirect_dma semaphore(%arg13 : memref<!tpu.dma_semaphore, #tpu.memory_space<semaphore_mem>>) src(%dma_wait3A_811 : memref<20000x128xf32, #tpu.memory_space<hbm>>) dst(%arg9 : memref<80x128xf32, #tpu.memory_space<vmem>>)
      %dma_start3A_812 = arith.constant 27 : i32
      %dma_start3A_813 = arith.constant 0 : i32
      %dma_start3A_814 = tpu.memref_slice %arg8[%dma_start3A_812, %dma_start3A_813] : memref<50x80xi32, #tpu.memory_space<vmem>> -> memref<1x80xi32, #tpu.memory_space<vmem>>
      %dma_start3A_815 = tpu.memref_squeeze %dma_start3A_814 : memref<1x80xi32, #tpu.memory_space<vmem>> -> memref<80xi32, #tpu.memory_space<vmem>>
      %dma_start3A_816 = arith.constant 0 : i32
      %dma_start3A_817 = arith.constant 0 : i32
      %dma_start3A_818 = tpu.memref_slice %arg6[%dma_start3A_816, %dma_start3A_817] : memref<10240x128xf32, #tpu.memory_space<vmem_shared>> -> memref<10240x128xf32, #tpu.memory_space<vmem_shared>>
      tpu.enqueue_indirect_dma source(%arg9 : memref<80x128xf32, #tpu.memory_space<vmem>>) target(%dma_start3A_818 : memref<10240x128xf32, #tpu.memory_space<vmem_shared>>) offsets(%dma_start3A_815 : memref<80xi32, #tpu.memory_space<vmem>>) semaphore(%arg16 : memref<!tpu.dma_semaphore, #tpu.memory_space<semaphore_mem>>) {add = true}
      %dma_wait3A_819 = arith.constant 27 : i32
      %dma_wait3A_820 = arith.constant 0 : i32
      %dma_wait3A_821 = tpu.memref_slice %arg8[%dma_wait3A_819, %dma_wait3A_820] : memref<50x80xi32, #tpu.memory_space<vmem>> -> memref<1x80xi32, #tpu.memory_space<vmem>>
      %dma_wait3A_822 = tpu.memref_squeeze %dma_wait3A_821 : memref<1x80xi32, #tpu.memory_space<vmem>> -> memref<80xi32, #tpu.memory_space<vmem>>
      %dma_wait3A_823 = arith.constant 0 : i32
      %dma_wait3A_824 = arith.constant 0 : i32
      %dma_wait3A_825 = tpu.memref_slice %arg6[%dma_wait3A_823, %dma_wait3A_824] : memref<10240x128xf32, #tpu.memory_space<vmem_shared>> -> memref<10240x128xf32, #tpu.memory_space<vmem_shared>>
      tpu.wait_indirect_dma semaphore(%arg16 : memref<!tpu.dma_semaphore, #tpu.memory_space<semaphore_mem>>) src(%arg9 : memref<80x128xf32, #tpu.memory_space<vmem>>) dst(%dma_wait3A_825 : memref<10240x128xf32, #tpu.memory_space<vmem_shared>>)
      %dma_start3A_826 = arith.constant 30 : i32
      %dma_start3A_827 = arith.constant 0 : i32
      %dma_start3A_828 = tpu.memref_slice %arg7[%dma_start3A_826, %dma_start3A_827] : memref<50x80xi32, #tpu.memory_space<vmem>> -> memref<1x80xi32, #tpu.memory_space<vmem>>
      %dma_start3A_829 = tpu.memref_squeeze %dma_start3A_828 : memref<1x80xi32, #tpu.memory_space<vmem>> -> memref<80xi32, #tpu.memory_space<vmem>>
      %dma_start3A_830 = arith.constant 0 : i32
      %dma_start3A_831 = arith.constant 0 : i32
      %dma_start3A_832 = tpu.memref_slice %arg2[%dma_start3A_830, %dma_start3A_831] : memref<20000x128xf32, #tpu.memory_space<hbm>> -> memref<20000x128xf32, #tpu.memory_space<hbm>>
      tpu.enqueue_indirect_dma source(%dma_start3A_832 : memref<20000x128xf32, #tpu.memory_space<hbm>>) target(%arg9 : memref<80x128xf32, #tpu.memory_space<vmem>>) offsets(%dma_start3A_829 : memref<80xi32, #tpu.memory_space<vmem>>) semaphore(%arg13 : memref<!tpu.dma_semaphore, #tpu.memory_space<semaphore_mem>>)
      %dma_wait3A_833 = arith.constant 28 : i32
      %dma_wait3A_834 = arith.constant 0 : i32
      %dma_wait3A_835 = tpu.memref_slice %arg7[%dma_wait3A_833, %dma_wait3A_834] : memref<50x80xi32, #tpu.memory_space<vmem>> -> memref<1x80xi32, #tpu.memory_space<vmem>>
      %dma_wait3A_836 = tpu.memref_squeeze %dma_wait3A_835 : memref<1x80xi32, #tpu.memory_space<vmem>> -> memref<80xi32, #tpu.memory_space<vmem>>
      %dma_wait3A_837 = arith.constant 0 : i32
      %dma_wait3A_838 = arith.constant 0 : i32
      %dma_wait3A_839 = tpu.memref_slice %arg2[%dma_wait3A_837, %dma_wait3A_838] : memref<20000x128xf32, #tpu.memory_space<hbm>> -> memref<20000x128xf32, #tpu.memory_space<hbm>>
      tpu.wait_indirect_dma semaphore(%arg14 : memref<!tpu.dma_semaphore, #tpu.memory_space<semaphore_mem>>) src(%dma_wait3A_839 : memref<20000x128xf32, #tpu.memory_space<hbm>>) dst(%arg10 : memref<80x128xf32, #tpu.memory_space<vmem>>)
      %dma_start3A_840 = arith.constant 28 : i32
      %dma_start3A_841 = arith.constant 0 : i32
      %dma_start3A_842 = tpu.memref_slice %arg8[%dma_start3A_840, %dma_start3A_841] : memref<50x80xi32, #tpu.memory_space<vmem>> -> memref<1x80xi32, #tpu.memory_space<vmem>>
      %dma_start3A_843 = tpu.memref_squeeze %dma_start3A_842 : memref<1x80xi32, #tpu.memory_space<vmem>> -> memref<80xi32, #tpu.memory_space<vmem>>
      %dma_start3A_844 = arith.constant 0 : i32
      %dma_start3A_845 = arith.constant 0 : i32
      %dma_start3A_846 = tpu.memref_slice %arg6[%dma_start3A_844, %dma_start3A_845] : memref<10240x128xf32, #tpu.memory_space<vmem_shared>> -> memref<10240x128xf32, #tpu.memory_space<vmem_shared>>
      tpu.enqueue_indirect_dma source(%arg10 : memref<80x128xf32, #tpu.memory_space<vmem>>) target(%dma_start3A_846 : memref<10240x128xf32, #tpu.memory_space<vmem_shared>>) offsets(%dma_start3A_843 : memref<80xi32, #tpu.memory_space<vmem>>) semaphore(%arg17 : memref<!tpu.dma_semaphore, #tpu.memory_space<semaphore_mem>>) {add = true}
      %dma_wait3A_847 = arith.constant 28 : i32
      %dma_wait3A_848 = arith.constant 0 : i32
      %dma_wait3A_849 = tpu.memref_slice %arg8[%dma_wait3A_847, %dma_wait3A_848] : memref<50x80xi32, #tpu.memory_space<vmem>> -> memref<1x80xi32, #tpu.memory_space<vmem>>
      %dma_wait3A_850 = tpu.memref_squeeze %dma_wait3A_849 : memref<1x80xi32, #tpu.memory_space<vmem>> -> memref<80xi32, #tpu.memory_space<vmem>>
      %dma_wait3A_851 = arith.constant 0 : i32
      %dma_wait3A_852 = arith.constant 0 : i32
      %dma_wait3A_853 = tpu.memref_slice %arg6[%dma_wait3A_851, %dma_wait3A_852] : memref<10240x128xf32, #tpu.memory_space<vmem_shared>> -> memref<10240x128xf32, #tpu.memory_space<vmem_shared>>
      tpu.wait_indirect_dma semaphore(%arg17 : memref<!tpu.dma_semaphore, #tpu.memory_space<semaphore_mem>>) src(%arg10 : memref<80x128xf32, #tpu.memory_space<vmem>>) dst(%dma_wait3A_853 : memref<10240x128xf32, #tpu.memory_space<vmem_shared>>)
      %dma_start3A_854 = arith.constant 31 : i32
      %dma_start3A_855 = arith.constant 0 : i32
      %dma_start3A_856 = tpu.memref_slice %arg7[%dma_start3A_854, %dma_start3A_855] : memref<50x80xi32, #tpu.memory_space<vmem>> -> memref<1x80xi32, #tpu.memory_space<vmem>>
      %dma_start3A_857 = tpu.memref_squeeze %dma_start3A_856 : memref<1x80xi32, #tpu.memory_space<vmem>> -> memref<80xi32, #tpu.memory_space<vmem>>
      %dma_start3A_858 = arith.constant 0 : i32
      %dma_start3A_859 = arith.constant 0 : i32
      %dma_start3A_860 = tpu.memref_slice %arg2[%dma_start3A_858, %dma_start3A_859] : memref<20000x128xf32, #tpu.memory_space<hbm>> -> memref<20000x128xf32, #tpu.memory_space<hbm>>
      tpu.enqueue_indirect_dma source(%dma_start3A_860 : memref<20000x128xf32, #tpu.memory_space<hbm>>) target(%arg10 : memref<80x128xf32, #tpu.memory_space<vmem>>) offsets(%dma_start3A_857 : memref<80xi32, #tpu.memory_space<vmem>>) semaphore(%arg14 : memref<!tpu.dma_semaphore, #tpu.memory_space<semaphore_mem>>)
      %dma_wait3A_861 = arith.constant 29 : i32
      %dma_wait3A_862 = arith.constant 0 : i32
      %dma_wait3A_863 = tpu.memref_slice %arg7[%dma_wait3A_861, %dma_wait3A_862] : memref<50x80xi32, #tpu.memory_space<vmem>> -> memref<1x80xi32, #tpu.memory_space<vmem>>
      %dma_wait3A_864 = tpu.memref_squeeze %dma_wait3A_863 : memref<1x80xi32, #tpu.memory_space<vmem>> -> memref<80xi32, #tpu.memory_space<vmem>>
      %dma_wait3A_865 = arith.constant 0 : i32
      %dma_wait3A_866 = arith.constant 0 : i32
      %dma_wait3A_867 = tpu.memref_slice %arg2[%dma_wait3A_865, %dma_wait3A_866] : memref<20000x128xf32, #tpu.memory_space<hbm>> -> memref<20000x128xf32, #tpu.memory_space<hbm>>
      tpu.wait_indirect_dma semaphore(%arg15 : memref<!tpu.dma_semaphore, #tpu.memory_space<semaphore_mem>>) src(%dma_wait3A_867 : memref<20000x128xf32, #tpu.memory_space<hbm>>) dst(%arg11 : memref<80x128xf32, #tpu.memory_space<vmem>>)
      %dma_start3A_868 = arith.constant 29 : i32
      %dma_start3A_869 = arith.constant 0 : i32
      %dma_start3A_870 = tpu.memref_slice %arg8[%dma_start3A_868, %dma_start3A_869] : memref<50x80xi32, #tpu.memory_space<vmem>> -> memref<1x80xi32, #tpu.memory_space<vmem>>
      %dma_start3A_871 = tpu.memref_squeeze %dma_start3A_870 : memref<1x80xi32, #tpu.memory_space<vmem>> -> memref<80xi32, #tpu.memory_space<vmem>>
      %dma_start3A_872 = arith.constant 0 : i32
      %dma_start3A_873 = arith.constant 0 : i32
      %dma_start3A_874 = tpu.memref_slice %arg6[%dma_start3A_872, %dma_start3A_873] : memref<10240x128xf32, #tpu.memory_space<vmem_shared>> -> memref<10240x128xf32, #tpu.memory_space<vmem_shared>>
      tpu.enqueue_indirect_dma source(%arg11 : memref<80x128xf32, #tpu.memory_space<vmem>>) target(%dma_start3A_874 : memref<10240x128xf32, #tpu.memory_space<vmem_shared>>) offsets(%dma_start3A_871 : memref<80xi32, #tpu.memory_space<vmem>>) semaphore(%arg18 : memref<!tpu.dma_semaphore, #tpu.memory_space<semaphore_mem>>) {add = true}
      %dma_wait3A_875 = arith.constant 29 : i32
      %dma_wait3A_876 = arith.constant 0 : i32
      %dma_wait3A_877 = tpu.memref_slice %arg8[%dma_wait3A_875, %dma_wait3A_876] : memref<50x80xi32, #tpu.memory_space<vmem>> -> memref<1x80xi32, #tpu.memory_space<vmem>>
      %dma_wait3A_878 = tpu.memref_squeeze %dma_wait3A_877 : memref<1x80xi32, #tpu.memory_space<vmem>> -> memref<80xi32, #tpu.memory_space<vmem>>
      %dma_wait3A_879 = arith.constant 0 : i32
      %dma_wait3A_880 = arith.constant 0 : i32
      %dma_wait3A_881 = tpu.memref_slice %arg6[%dma_wait3A_879, %dma_wait3A_880] : memref<10240x128xf32, #tpu.memory_space<vmem_shared>> -> memref<10240x128xf32, #tpu.memory_space<vmem_shared>>
      tpu.wait_indirect_dma semaphore(%arg18 : memref<!tpu.dma_semaphore, #tpu.memory_space<semaphore_mem>>) src(%arg11 : memref<80x128xf32, #tpu.memory_space<vmem>>) dst(%dma_wait3A_881 : memref<10240x128xf32, #tpu.memory_space<vmem_shared>>)
      %dma_start3A_882 = arith.constant 32 : i32
      %dma_start3A_883 = arith.constant 0 : i32
      %dma_start3A_884 = tpu.memref_slice %arg7[%dma_start3A_882, %dma_start3A_883] : memref<50x80xi32, #tpu.memory_space<vmem>> -> memref<1x80xi32, #tpu.memory_space<vmem>>
      %dma_start3A_885 = tpu.memref_squeeze %dma_start3A_884 : memref<1x80xi32, #tpu.memory_space<vmem>> -> memref<80xi32, #tpu.memory_space<vmem>>
      %dma_start3A_886 = arith.constant 0 : i32
      %dma_start3A_887 = arith.constant 0 : i32
      %dma_start3A_888 = tpu.memref_slice %arg2[%dma_start3A_886, %dma_start3A_887] : memref<20000x128xf32, #tpu.memory_space<hbm>> -> memref<20000x128xf32, #tpu.memory_space<hbm>>
      tpu.enqueue_indirect_dma source(%dma_start3A_888 : memref<20000x128xf32, #tpu.memory_space<hbm>>) target(%arg11 : memref<80x128xf32, #tpu.memory_space<vmem>>) offsets(%dma_start3A_885 : memref<80xi32, #tpu.memory_space<vmem>>) semaphore(%arg15 : memref<!tpu.dma_semaphore, #tpu.memory_space<semaphore_mem>>)
      %dma_wait3A_889 = arith.constant 30 : i32
      %dma_wait3A_890 = arith.constant 0 : i32
      %dma_wait3A_891 = tpu.memref_slice %arg7[%dma_wait3A_889, %dma_wait3A_890] : memref<50x80xi32, #tpu.memory_space<vmem>> -> memref<1x80xi32, #tpu.memory_space<vmem>>
      %dma_wait3A_892 = tpu.memref_squeeze %dma_wait3A_891 : memref<1x80xi32, #tpu.memory_space<vmem>> -> memref<80xi32, #tpu.memory_space<vmem>>
      %dma_wait3A_893 = arith.constant 0 : i32
      %dma_wait3A_894 = arith.constant 0 : i32
      %dma_wait3A_895 = tpu.memref_slice %arg2[%dma_wait3A_893, %dma_wait3A_894] : memref<20000x128xf32, #tpu.memory_space<hbm>> -> memref<20000x128xf32, #tpu.memory_space<hbm>>
      tpu.wait_indirect_dma semaphore(%arg13 : memref<!tpu.dma_semaphore, #tpu.memory_space<semaphore_mem>>) src(%dma_wait3A_895 : memref<20000x128xf32, #tpu.memory_space<hbm>>) dst(%arg9 : memref<80x128xf32, #tpu.memory_space<vmem>>)
      %dma_start3A_896 = arith.constant 30 : i32
      %dma_start3A_897 = arith.constant 0 : i32
      %dma_start3A_898 = tpu.memref_slice %arg8[%dma_start3A_896, %dma_start3A_897] : memref<50x80xi32, #tpu.memory_space<vmem>> -> memref<1x80xi32, #tpu.memory_space<vmem>>
      %dma_start3A_899 = tpu.memref_squeeze %dma_start3A_898 : memref<1x80xi32, #tpu.memory_space<vmem>> -> memref<80xi32, #tpu.memory_space<vmem>>
      %dma_start3A_900 = arith.constant 0 : i32
      %dma_start3A_901 = arith.constant 0 : i32
      %dma_start3A_902 = tpu.memref_slice %arg6[%dma_start3A_900, %dma_start3A_901] : memref<10240x128xf32, #tpu.memory_space<vmem_shared>> -> memref<10240x128xf32, #tpu.memory_space<vmem_shared>>
      tpu.enqueue_indirect_dma source(%arg9 : memref<80x128xf32, #tpu.memory_space<vmem>>) target(%dma_start3A_902 : memref<10240x128xf32, #tpu.memory_space<vmem_shared>>) offsets(%dma_start3A_899 : memref<80xi32, #tpu.memory_space<vmem>>) semaphore(%arg16 : memref<!tpu.dma_semaphore, #tpu.memory_space<semaphore_mem>>) {add = true}
      %dma_wait3A_903 = arith.constant 30 : i32
      %dma_wait3A_904 = arith.constant 0 : i32
      %dma_wait3A_905 = tpu.memref_slice %arg8[%dma_wait3A_903, %dma_wait3A_904] : memref<50x80xi32, #tpu.memory_space<vmem>> -> memref<1x80xi32, #tpu.memory_space<vmem>>
      %dma_wait3A_906 = tpu.memref_squeeze %dma_wait3A_905 : memref<1x80xi32, #tpu.memory_space<vmem>> -> memref<80xi32, #tpu.memory_space<vmem>>
      %dma_wait3A_907 = arith.constant 0 : i32
      %dma_wait3A_908 = arith.constant 0 : i32
      %dma_wait3A_909 = tpu.memref_slice %arg6[%dma_wait3A_907, %dma_wait3A_908] : memref<10240x128xf32, #tpu.memory_space<vmem_shared>> -> memref<10240x128xf32, #tpu.memory_space<vmem_shared>>
      tpu.wait_indirect_dma semaphore(%arg16 : memref<!tpu.dma_semaphore, #tpu.memory_space<semaphore_mem>>) src(%arg9 : memref<80x128xf32, #tpu.memory_space<vmem>>) dst(%dma_wait3A_909 : memref<10240x128xf32, #tpu.memory_space<vmem_shared>>)
      %dma_start3A_910 = arith.constant 33 : i32
      %dma_start3A_911 = arith.constant 0 : i32
      %dma_start3A_912 = tpu.memref_slice %arg7[%dma_start3A_910, %dma_start3A_911] : memref<50x80xi32, #tpu.memory_space<vmem>> -> memref<1x80xi32, #tpu.memory_space<vmem>>
      %dma_start3A_913 = tpu.memref_squeeze %dma_start3A_912 : memref<1x80xi32, #tpu.memory_space<vmem>> -> memref<80xi32, #tpu.memory_space<vmem>>
      %dma_start3A_914 = arith.constant 0 : i32
      %dma_start3A_915 = arith.constant 0 : i32
      %dma_start3A_916 = tpu.memref_slice %arg2[%dma_start3A_914, %dma_start3A_915] : memref<20000x128xf32, #tpu.memory_space<hbm>> -> memref<20000x128xf32, #tpu.memory_space<hbm>>
      tpu.enqueue_indirect_dma source(%dma_start3A_916 : memref<20000x128xf32, #tpu.memory_space<hbm>>) target(%arg9 : memref<80x128xf32, #tpu.memory_space<vmem>>) offsets(%dma_start3A_913 : memref<80xi32, #tpu.memory_space<vmem>>) semaphore(%arg13 : memref<!tpu.dma_semaphore, #tpu.memory_space<semaphore_mem>>)
      %dma_wait3A_917 = arith.constant 31 : i32
      %dma_wait3A_918 = arith.constant 0 : i32
      %dma_wait3A_919 = tpu.memref_slice %arg7[%dma_wait3A_917, %dma_wait3A_918] : memref<50x80xi32, #tpu.memory_space<vmem>> -> memref<1x80xi32, #tpu.memory_space<vmem>>
      %dma_wait3A_920 = tpu.memref_squeeze %dma_wait3A_919 : memref<1x80xi32, #tpu.memory_space<vmem>> -> memref<80xi32, #tpu.memory_space<vmem>>
      %dma_wait3A_921 = arith.constant 0 : i32
      %dma_wait3A_922 = arith.constant 0 : i32
      %dma_wait3A_923 = tpu.memref_slice %arg2[%dma_wait3A_921, %dma_wait3A_922] : memref<20000x128xf32, #tpu.memory_space<hbm>> -> memref<20000x128xf32, #tpu.memory_space<hbm>>
      tpu.wait_indirect_dma semaphore(%arg14 : memref<!tpu.dma_semaphore, #tpu.memory_space<semaphore_mem>>) src(%dma_wait3A_923 : memref<20000x128xf32, #tpu.memory_space<hbm>>) dst(%arg10 : memref<80x128xf32, #tpu.memory_space<vmem>>)
      %dma_start3A_924 = arith.constant 31 : i32
      %dma_start3A_925 = arith.constant 0 : i32
      %dma_start3A_926 = tpu.memref_slice %arg8[%dma_start3A_924, %dma_start3A_925] : memref<50x80xi32, #tpu.memory_space<vmem>> -> memref<1x80xi32, #tpu.memory_space<vmem>>
      %dma_start3A_927 = tpu.memref_squeeze %dma_start3A_926 : memref<1x80xi32, #tpu.memory_space<vmem>> -> memref<80xi32, #tpu.memory_space<vmem>>
      %dma_start3A_928 = arith.constant 0 : i32
      %dma_start3A_929 = arith.constant 0 : i32
      %dma_start3A_930 = tpu.memref_slice %arg6[%dma_start3A_928, %dma_start3A_929] : memref<10240x128xf32, #tpu.memory_space<vmem_shared>> -> memref<10240x128xf32, #tpu.memory_space<vmem_shared>>
      tpu.enqueue_indirect_dma source(%arg10 : memref<80x128xf32, #tpu.memory_space<vmem>>) target(%dma_start3A_930 : memref<10240x128xf32, #tpu.memory_space<vmem_shared>>) offsets(%dma_start3A_927 : memref<80xi32, #tpu.memory_space<vmem>>) semaphore(%arg17 : memref<!tpu.dma_semaphore, #tpu.memory_space<semaphore_mem>>) {add = true}
      %dma_wait3A_931 = arith.constant 31 : i32
      %dma_wait3A_932 = arith.constant 0 : i32
      %dma_wait3A_933 = tpu.memref_slice %arg8[%dma_wait3A_931, %dma_wait3A_932] : memref<50x80xi32, #tpu.memory_space<vmem>> -> memref<1x80xi32, #tpu.memory_space<vmem>>
      %dma_wait3A_934 = tpu.memref_squeeze %dma_wait3A_933 : memref<1x80xi32, #tpu.memory_space<vmem>> -> memref<80xi32, #tpu.memory_space<vmem>>
      %dma_wait3A_935 = arith.constant 0 : i32
      %dma_wait3A_936 = arith.constant 0 : i32
      %dma_wait3A_937 = tpu.memref_slice %arg6[%dma_wait3A_935, %dma_wait3A_936] : memref<10240x128xf32, #tpu.memory_space<vmem_shared>> -> memref<10240x128xf32, #tpu.memory_space<vmem_shared>>
      tpu.wait_indirect_dma semaphore(%arg17 : memref<!tpu.dma_semaphore, #tpu.memory_space<semaphore_mem>>) src(%arg10 : memref<80x128xf32, #tpu.memory_space<vmem>>) dst(%dma_wait3A_937 : memref<10240x128xf32, #tpu.memory_space<vmem_shared>>)
      %dma_start3A_938 = arith.constant 34 : i32
      %dma_start3A_939 = arith.constant 0 : i32
      %dma_start3A_940 = tpu.memref_slice %arg7[%dma_start3A_938, %dma_start3A_939] : memref<50x80xi32, #tpu.memory_space<vmem>> -> memref<1x80xi32, #tpu.memory_space<vmem>>
      %dma_start3A_941 = tpu.memref_squeeze %dma_start3A_940 : memref<1x80xi32, #tpu.memory_space<vmem>> -> memref<80xi32, #tpu.memory_space<vmem>>
      %dma_start3A_942 = arith.constant 0 : i32
      %dma_start3A_943 = arith.constant 0 : i32
      %dma_start3A_944 = tpu.memref_slice %arg2[%dma_start3A_942, %dma_start3A_943] : memref<20000x128xf32, #tpu.memory_space<hbm>> -> memref<20000x128xf32, #tpu.memory_space<hbm>>
      tpu.enqueue_indirect_dma source(%dma_start3A_944 : memref<20000x128xf32, #tpu.memory_space<hbm>>) target(%arg10 : memref<80x128xf32, #tpu.memory_space<vmem>>) offsets(%dma_start3A_941 : memref<80xi32, #tpu.memory_space<vmem>>) semaphore(%arg14 : memref<!tpu.dma_semaphore, #tpu.memory_space<semaphore_mem>>)
      %dma_wait3A_945 = arith.constant 32 : i32
      %dma_wait3A_946 = arith.constant 0 : i32
      %dma_wait3A_947 = tpu.memref_slice %arg7[%dma_wait3A_945, %dma_wait3A_946] : memref<50x80xi32, #tpu.memory_space<vmem>> -> memref<1x80xi32, #tpu.memory_space<vmem>>
      %dma_wait3A_948 = tpu.memref_squeeze %dma_wait3A_947 : memref<1x80xi32, #tpu.memory_space<vmem>> -> memref<80xi32, #tpu.memory_space<vmem>>
      %dma_wait3A_949 = arith.constant 0 : i32
      %dma_wait3A_950 = arith.constant 0 : i32
      %dma_wait3A_951 = tpu.memref_slice %arg2[%dma_wait3A_949, %dma_wait3A_950] : memref<20000x128xf32, #tpu.memory_space<hbm>> -> memref<20000x128xf32, #tpu.memory_space<hbm>>
      tpu.wait_indirect_dma semaphore(%arg15 : memref<!tpu.dma_semaphore, #tpu.memory_space<semaphore_mem>>) src(%dma_wait3A_951 : memref<20000x128xf32, #tpu.memory_space<hbm>>) dst(%arg11 : memref<80x128xf32, #tpu.memory_space<vmem>>)
      %dma_start3A_952 = arith.constant 32 : i32
      %dma_start3A_953 = arith.constant 0 : i32
      %dma_start3A_954 = tpu.memref_slice %arg8[%dma_start3A_952, %dma_start3A_953] : memref<50x80xi32, #tpu.memory_space<vmem>> -> memref<1x80xi32, #tpu.memory_space<vmem>>
      %dma_start3A_955 = tpu.memref_squeeze %dma_start3A_954 : memref<1x80xi32, #tpu.memory_space<vmem>> -> memref<80xi32, #tpu.memory_space<vmem>>
      %dma_start3A_956 = arith.constant 0 : i32
      %dma_start3A_957 = arith.constant 0 : i32
      %dma_start3A_958 = tpu.memref_slice %arg6[%dma_start3A_956, %dma_start3A_957] : memref<10240x128xf32, #tpu.memory_space<vmem_shared>> -> memref<10240x128xf32, #tpu.memory_space<vmem_shared>>
      tpu.enqueue_indirect_dma source(%arg11 : memref<80x128xf32, #tpu.memory_space<vmem>>) target(%dma_start3A_958 : memref<10240x128xf32, #tpu.memory_space<vmem_shared>>) offsets(%dma_start3A_955 : memref<80xi32, #tpu.memory_space<vmem>>) semaphore(%arg18 : memref<!tpu.dma_semaphore, #tpu.memory_space<semaphore_mem>>) {add = true}
      %dma_wait3A_959 = arith.constant 32 : i32
      %dma_wait3A_960 = arith.constant 0 : i32
      %dma_wait3A_961 = tpu.memref_slice %arg8[%dma_wait3A_959, %dma_wait3A_960] : memref<50x80xi32, #tpu.memory_space<vmem>> -> memref<1x80xi32, #tpu.memory_space<vmem>>
      %dma_wait3A_962 = tpu.memref_squeeze %dma_wait3A_961 : memref<1x80xi32, #tpu.memory_space<vmem>> -> memref<80xi32, #tpu.memory_space<vmem>>
      %dma_wait3A_963 = arith.constant 0 : i32
      %dma_wait3A_964 = arith.constant 0 : i32
      %dma_wait3A_965 = tpu.memref_slice %arg6[%dma_wait3A_963, %dma_wait3A_964] : memref<10240x128xf32, #tpu.memory_space<vmem_shared>> -> memref<10240x128xf32, #tpu.memory_space<vmem_shared>>
      tpu.wait_indirect_dma semaphore(%arg18 : memref<!tpu.dma_semaphore, #tpu.memory_space<semaphore_mem>>) src(%arg11 : memref<80x128xf32, #tpu.memory_space<vmem>>) dst(%dma_wait3A_965 : memref<10240x128xf32, #tpu.memory_space<vmem_shared>>)
      %dma_start3A_966 = arith.constant 35 : i32
      %dma_start3A_967 = arith.constant 0 : i32
      %dma_start3A_968 = tpu.memref_slice %arg7[%dma_start3A_966, %dma_start3A_967] : memref<50x80xi32, #tpu.memory_space<vmem>> -> memref<1x80xi32, #tpu.memory_space<vmem>>
      %dma_start3A_969 = tpu.memref_squeeze %dma_start3A_968 : memref<1x80xi32, #tpu.memory_space<vmem>> -> memref<80xi32, #tpu.memory_space<vmem>>
      %dma_start3A_970 = arith.constant 0 : i32
      %dma_start3A_971 = arith.constant 0 : i32
      %dma_start3A_972 = tpu.memref_slice %arg2[%dma_start3A_970, %dma_start3A_971] : memref<20000x128xf32, #tpu.memory_space<hbm>> -> memref<20000x128xf32, #tpu.memory_space<hbm>>
      tpu.enqueue_indirect_dma source(%dma_start3A_972 : memref<20000x128xf32, #tpu.memory_space<hbm>>) target(%arg11 : memref<80x128xf32, #tpu.memory_space<vmem>>) offsets(%dma_start3A_969 : memref<80xi32, #tpu.memory_space<vmem>>) semaphore(%arg15 : memref<!tpu.dma_semaphore, #tpu.memory_space<semaphore_mem>>)
      %dma_wait3A_973 = arith.constant 33 : i32
      %dma_wait3A_974 = arith.constant 0 : i32
      %dma_wait3A_975 = tpu.memref_slice %arg7[%dma_wait3A_973, %dma_wait3A_974] : memref<50x80xi32, #tpu.memory_space<vmem>> -> memref<1x80xi32, #tpu.memory_space<vmem>>
      %dma_wait3A_976 = tpu.memref_squeeze %dma_wait3A_975 : memref<1x80xi32, #tpu.memory_space<vmem>> -> memref<80xi32, #tpu.memory_space<vmem>>
      %dma_wait3A_977 = arith.constant 0 : i32
      %dma_wait3A_978 = arith.constant 0 : i32
      %dma_wait3A_979 = tpu.memref_slice %arg2[%dma_wait3A_977, %dma_wait3A_978] : memref<20000x128xf32, #tpu.memory_space<hbm>> -> memref<20000x128xf32, #tpu.memory_space<hbm>>
      tpu.wait_indirect_dma semaphore(%arg13 : memref<!tpu.dma_semaphore, #tpu.memory_space<semaphore_mem>>) src(%dma_wait3A_979 : memref<20000x128xf32, #tpu.memory_space<hbm>>) dst(%arg9 : memref<80x128xf32, #tpu.memory_space<vmem>>)
      %dma_start3A_980 = arith.constant 33 : i32
      %dma_start3A_981 = arith.constant 0 : i32
      %dma_start3A_982 = tpu.memref_slice %arg8[%dma_start3A_980, %dma_start3A_981] : memref<50x80xi32, #tpu.memory_space<vmem>> -> memref<1x80xi32, #tpu.memory_space<vmem>>
      %dma_start3A_983 = tpu.memref_squeeze %dma_start3A_982 : memref<1x80xi32, #tpu.memory_space<vmem>> -> memref<80xi32, #tpu.memory_space<vmem>>
      %dma_start3A_984 = arith.constant 0 : i32
      %dma_start3A_985 = arith.constant 0 : i32
      %dma_start3A_986 = tpu.memref_slice %arg6[%dma_start3A_984, %dma_start3A_985] : memref<10240x128xf32, #tpu.memory_space<vmem_shared>> -> memref<10240x128xf32, #tpu.memory_space<vmem_shared>>
      tpu.enqueue_indirect_dma source(%arg9 : memref<80x128xf32, #tpu.memory_space<vmem>>) target(%dma_start3A_986 : memref<10240x128xf32, #tpu.memory_space<vmem_shared>>) offsets(%dma_start3A_983 : memref<80xi32, #tpu.memory_space<vmem>>) semaphore(%arg16 : memref<!tpu.dma_semaphore, #tpu.memory_space<semaphore_mem>>) {add = true}
      %dma_wait3A_987 = arith.constant 33 : i32
      %dma_wait3A_988 = arith.constant 0 : i32
      %dma_wait3A_989 = tpu.memref_slice %arg8[%dma_wait3A_987, %dma_wait3A_988] : memref<50x80xi32, #tpu.memory_space<vmem>> -> memref<1x80xi32, #tpu.memory_space<vmem>>
      %dma_wait3A_990 = tpu.memref_squeeze %dma_wait3A_989 : memref<1x80xi32, #tpu.memory_space<vmem>> -> memref<80xi32, #tpu.memory_space<vmem>>
      %dma_wait3A_991 = arith.constant 0 : i32
      %dma_wait3A_992 = arith.constant 0 : i32
      %dma_wait3A_993 = tpu.memref_slice %arg6[%dma_wait3A_991, %dma_wait3A_992] : memref<10240x128xf32, #tpu.memory_space<vmem_shared>> -> memref<10240x128xf32, #tpu.memory_space<vmem_shared>>
      tpu.wait_indirect_dma semaphore(%arg16 : memref<!tpu.dma_semaphore, #tpu.memory_space<semaphore_mem>>) src(%arg9 : memref<80x128xf32, #tpu.memory_space<vmem>>) dst(%dma_wait3A_993 : memref<10240x128xf32, #tpu.memory_space<vmem_shared>>)
      %dma_start3A_994 = arith.constant 36 : i32
      %dma_start3A_995 = arith.constant 0 : i32
      %dma_start3A_996 = tpu.memref_slice %arg7[%dma_start3A_994, %dma_start3A_995] : memref<50x80xi32, #tpu.memory_space<vmem>> -> memref<1x80xi32, #tpu.memory_space<vmem>>
      %dma_start3A_997 = tpu.memref_squeeze %dma_start3A_996 : memref<1x80xi32, #tpu.memory_space<vmem>> -> memref<80xi32, #tpu.memory_space<vmem>>
      %dma_start3A_998 = arith.constant 0 : i32
      %dma_start3A_999 = arith.constant 0 : i32
      %dma_start3A_1000 = tpu.memref_slice %arg2[%dma_start3A_998, %dma_start3A_999] : memref<20000x128xf32, #tpu.memory_space<hbm>> -> memref<20000x128xf32, #tpu.memory_space<hbm>>
      tpu.enqueue_indirect_dma source(%dma_start3A_1000 : memref<20000x128xf32, #tpu.memory_space<hbm>>) target(%arg9 : memref<80x128xf32, #tpu.memory_space<vmem>>) offsets(%dma_start3A_997 : memref<80xi32, #tpu.memory_space<vmem>>) semaphore(%arg13 : memref<!tpu.dma_semaphore, #tpu.memory_space<semaphore_mem>>)
      %dma_wait3A_1001 = arith.constant 34 : i32
      %dma_wait3A_1002 = arith.constant 0 : i32
      %dma_wait3A_1003 = tpu.memref_slice %arg7[%dma_wait3A_1001, %dma_wait3A_1002] : memref<50x80xi32, #tpu.memory_space<vmem>> -> memref<1x80xi32, #tpu.memory_space<vmem>>
      %dma_wait3A_1004 = tpu.memref_squeeze %dma_wait3A_1003 : memref<1x80xi32, #tpu.memory_space<vmem>> -> memref<80xi32, #tpu.memory_space<vmem>>
      %dma_wait3A_1005 = arith.constant 0 : i32
      %dma_wait3A_1006 = arith.constant 0 : i32
      %dma_wait3A_1007 = tpu.memref_slice %arg2[%dma_wait3A_1005, %dma_wait3A_1006] : memref<20000x128xf32, #tpu.memory_space<hbm>> -> memref<20000x128xf32, #tpu.memory_space<hbm>>
      tpu.wait_indirect_dma semaphore(%arg14 : memref<!tpu.dma_semaphore, #tpu.memory_space<semaphore_mem>>) src(%dma_wait3A_1007 : memref<20000x128xf32, #tpu.memory_space<hbm>>) dst(%arg10 : memref<80x128xf32, #tpu.memory_space<vmem>>)
      %dma_start3A_1008 = arith.constant 34 : i32
      %dma_start3A_1009 = arith.constant 0 : i32
      %dma_start3A_1010 = tpu.memref_slice %arg8[%dma_start3A_1008, %dma_start3A_1009] : memref<50x80xi32, #tpu.memory_space<vmem>> -> memref<1x80xi32, #tpu.memory_space<vmem>>
      %dma_start3A_1011 = tpu.memref_squeeze %dma_start3A_1010 : memref<1x80xi32, #tpu.memory_space<vmem>> -> memref<80xi32, #tpu.memory_space<vmem>>
      %dma_start3A_1012 = arith.constant 0 : i32
      %dma_start3A_1013 = arith.constant 0 : i32
      %dma_start3A_1014 = tpu.memref_slice %arg6[%dma_start3A_1012, %dma_start3A_1013] : memref<10240x128xf32, #tpu.memory_space<vmem_shared>> -> memref<10240x128xf32, #tpu.memory_space<vmem_shared>>
      tpu.enqueue_indirect_dma source(%arg10 : memref<80x128xf32, #tpu.memory_space<vmem>>) target(%dma_start3A_1014 : memref<10240x128xf32, #tpu.memory_space<vmem_shared>>) offsets(%dma_start3A_1011 : memref<80xi32, #tpu.memory_space<vmem>>) semaphore(%arg17 : memref<!tpu.dma_semaphore, #tpu.memory_space<semaphore_mem>>) {add = true}
      %dma_wait3A_1015 = arith.constant 34 : i32
      %dma_wait3A_1016 = arith.constant 0 : i32
      %dma_wait3A_1017 = tpu.memref_slice %arg8[%dma_wait3A_1015, %dma_wait3A_1016] : memref<50x80xi32, #tpu.memory_space<vmem>> -> memref<1x80xi32, #tpu.memory_space<vmem>>
      %dma_wait3A_1018 = tpu.memref_squeeze %dma_wait3A_1017 : memref<1x80xi32, #tpu.memory_space<vmem>> -> memref<80xi32, #tpu.memory_space<vmem>>
      %dma_wait3A_1019 = arith.constant 0 : i32
      %dma_wait3A_1020 = arith.constant 0 : i32
      %dma_wait3A_1021 = tpu.memref_slice %arg6[%dma_wait3A_1019, %dma_wait3A_1020] : memref<10240x128xf32, #tpu.memory_space<vmem_shared>> -> memref<10240x128xf32, #tpu.memory_space<vmem_shared>>
      tpu.wait_indirect_dma semaphore(%arg17 : memref<!tpu.dma_semaphore, #tpu.memory_space<semaphore_mem>>) src(%arg10 : memref<80x128xf32, #tpu.memory_space<vmem>>) dst(%dma_wait3A_1021 : memref<10240x128xf32, #tpu.memory_space<vmem_shared>>)
      %dma_start3A_1022 = arith.constant 37 : i32
      %dma_start3A_1023 = arith.constant 0 : i32
      %dma_start3A_1024 = tpu.memref_slice %arg7[%dma_start3A_1022, %dma_start3A_1023] : memref<50x80xi32, #tpu.memory_space<vmem>> -> memref<1x80xi32, #tpu.memory_space<vmem>>
      %dma_start3A_1025 = tpu.memref_squeeze %dma_start3A_1024 : memref<1x80xi32, #tpu.memory_space<vmem>> -> memref<80xi32, #tpu.memory_space<vmem>>
      %dma_start3A_1026 = arith.constant 0 : i32
      %dma_start3A_1027 = arith.constant 0 : i32
      %dma_start3A_1028 = tpu.memref_slice %arg2[%dma_start3A_1026, %dma_start3A_1027] : memref<20000x128xf32, #tpu.memory_space<hbm>> -> memref<20000x128xf32, #tpu.memory_space<hbm>>
      tpu.enqueue_indirect_dma source(%dma_start3A_1028 : memref<20000x128xf32, #tpu.memory_space<hbm>>) target(%arg10 : memref<80x128xf32, #tpu.memory_space<vmem>>) offsets(%dma_start3A_1025 : memref<80xi32, #tpu.memory_space<vmem>>) semaphore(%arg14 : memref<!tpu.dma_semaphore, #tpu.memory_space<semaphore_mem>>)
      %dma_wait3A_1029 = arith.constant 35 : i32
      %dma_wait3A_1030 = arith.constant 0 : i32
      %dma_wait3A_1031 = tpu.memref_slice %arg7[%dma_wait3A_1029, %dma_wait3A_1030] : memref<50x80xi32, #tpu.memory_space<vmem>> -> memref<1x80xi32, #tpu.memory_space<vmem>>
      %dma_wait3A_1032 = tpu.memref_squeeze %dma_wait3A_1031 : memref<1x80xi32, #tpu.memory_space<vmem>> -> memref<80xi32, #tpu.memory_space<vmem>>
      %dma_wait3A_1033 = arith.constant 0 : i32
      %dma_wait3A_1034 = arith.constant 0 : i32
      %dma_wait3A_1035 = tpu.memref_slice %arg2[%dma_wait3A_1033, %dma_wait3A_1034] : memref<20000x128xf32, #tpu.memory_space<hbm>> -> memref<20000x128xf32, #tpu.memory_space<hbm>>
      tpu.wait_indirect_dma semaphore(%arg15 : memref<!tpu.dma_semaphore, #tpu.memory_space<semaphore_mem>>) src(%dma_wait3A_1035 : memref<20000x128xf32, #tpu.memory_space<hbm>>) dst(%arg11 : memref<80x128xf32, #tpu.memory_space<vmem>>)
      %dma_start3A_1036 = arith.constant 35 : i32
      %dma_start3A_1037 = arith.constant 0 : i32
      %dma_start3A_1038 = tpu.memref_slice %arg8[%dma_start3A_1036, %dma_start3A_1037] : memref<50x80xi32, #tpu.memory_space<vmem>> -> memref<1x80xi32, #tpu.memory_space<vmem>>
      %dma_start3A_1039 = tpu.memref_squeeze %dma_start3A_1038 : memref<1x80xi32, #tpu.memory_space<vmem>> -> memref<80xi32, #tpu.memory_space<vmem>>
      %dma_start3A_1040 = arith.constant 0 : i32
      %dma_start3A_1041 = arith.constant 0 : i32
      %dma_start3A_1042 = tpu.memref_slice %arg6[%dma_start3A_1040, %dma_start3A_1041] : memref<10240x128xf32, #tpu.memory_space<vmem_shared>> -> memref<10240x128xf32, #tpu.memory_space<vmem_shared>>
      tpu.enqueue_indirect_dma source(%arg11 : memref<80x128xf32, #tpu.memory_space<vmem>>) target(%dma_start3A_1042 : memref<10240x128xf32, #tpu.memory_space<vmem_shared>>) offsets(%dma_start3A_1039 : memref<80xi32, #tpu.memory_space<vmem>>) semaphore(%arg18 : memref<!tpu.dma_semaphore, #tpu.memory_space<semaphore_mem>>) {add = true}
      %dma_wait3A_1043 = arith.constant 35 : i32
      %dma_wait3A_1044 = arith.constant 0 : i32
      %dma_wait3A_1045 = tpu.memref_slice %arg8[%dma_wait3A_1043, %dma_wait3A_1044] : memref<50x80xi32, #tpu.memory_space<vmem>> -> memref<1x80xi32, #tpu.memory_space<vmem>>
      %dma_wait3A_1046 = tpu.memref_squeeze %dma_wait3A_1045 : memref<1x80xi32, #tpu.memory_space<vmem>> -> memref<80xi32, #tpu.memory_space<vmem>>
      %dma_wait3A_1047 = arith.constant 0 : i32
      %dma_wait3A_1048 = arith.constant 0 : i32
      %dma_wait3A_1049 = tpu.memref_slice %arg6[%dma_wait3A_1047, %dma_wait3A_1048] : memref<10240x128xf32, #tpu.memory_space<vmem_shared>> -> memref<10240x128xf32, #tpu.memory_space<vmem_shared>>
      tpu.wait_indirect_dma semaphore(%arg18 : memref<!tpu.dma_semaphore, #tpu.memory_space<semaphore_mem>>) src(%arg11 : memref<80x128xf32, #tpu.memory_space<vmem>>) dst(%dma_wait3A_1049 : memref<10240x128xf32, #tpu.memory_space<vmem_shared>>)
      %dma_start3A_1050 = arith.constant 38 : i32
      %dma_start3A_1051 = arith.constant 0 : i32
      %dma_start3A_1052 = tpu.memref_slice %arg7[%dma_start3A_1050, %dma_start3A_1051] : memref<50x80xi32, #tpu.memory_space<vmem>> -> memref<1x80xi32, #tpu.memory_space<vmem>>
      %dma_start3A_1053 = tpu.memref_squeeze %dma_start3A_1052 : memref<1x80xi32, #tpu.memory_space<vmem>> -> memref<80xi32, #tpu.memory_space<vmem>>
      %dma_start3A_1054 = arith.constant 0 : i32
      %dma_start3A_1055 = arith.constant 0 : i32
      %dma_start3A_1056 = tpu.memref_slice %arg2[%dma_start3A_1054, %dma_start3A_1055] : memref<20000x128xf32, #tpu.memory_space<hbm>> -> memref<20000x128xf32, #tpu.memory_space<hbm>>
      tpu.enqueue_indirect_dma source(%dma_start3A_1056 : memref<20000x128xf32, #tpu.memory_space<hbm>>) target(%arg11 : memref<80x128xf32, #tpu.memory_space<vmem>>) offsets(%dma_start3A_1053 : memref<80xi32, #tpu.memory_space<vmem>>) semaphore(%arg15 : memref<!tpu.dma_semaphore, #tpu.memory_space<semaphore_mem>>)
      %dma_wait3A_1057 = arith.constant 36 : i32
      %dma_wait3A_1058 = arith.constant 0 : i32
      %dma_wait3A_1059 = tpu.memref_slice %arg7[%dma_wait3A_1057, %dma_wait3A_1058] : memref<50x80xi32, #tpu.memory_space<vmem>> -> memref<1x80xi32, #tpu.memory_space<vmem>>
      %dma_wait3A_1060 = tpu.memref_squeeze %dma_wait3A_1059 : memref<1x80xi32, #tpu.memory_space<vmem>> -> memref<80xi32, #tpu.memory_space<vmem>>
      %dma_wait3A_1061 = arith.constant 0 : i32
      %dma_wait3A_1062 = arith.constant 0 : i32
      %dma_wait3A_1063 = tpu.memref_slice %arg2[%dma_wait3A_1061, %dma_wait3A_1062] : memref<20000x128xf32, #tpu.memory_space<hbm>> -> memref<20000x128xf32, #tpu.memory_space<hbm>>
      tpu.wait_indirect_dma semaphore(%arg13 : memref<!tpu.dma_semaphore, #tpu.memory_space<semaphore_mem>>) src(%dma_wait3A_1063 : memref<20000x128xf32, #tpu.memory_space<hbm>>) dst(%arg9 : memref<80x128xf32, #tpu.memory_space<vmem>>)
      %dma_start3A_1064 = arith.constant 36 : i32
      %dma_start3A_1065 = arith.constant 0 : i32
      %dma_start3A_1066 = tpu.memref_slice %arg8[%dma_start3A_1064, %dma_start3A_1065] : memref<50x80xi32, #tpu.memory_space<vmem>> -> memref<1x80xi32, #tpu.memory_space<vmem>>
      %dma_start3A_1067 = tpu.memref_squeeze %dma_start3A_1066 : memref<1x80xi32, #tpu.memory_space<vmem>> -> memref<80xi32, #tpu.memory_space<vmem>>
      %dma_start3A_1068 = arith.constant 0 : i32
      %dma_start3A_1069 = arith.constant 0 : i32
      %dma_start3A_1070 = tpu.memref_slice %arg6[%dma_start3A_1068, %dma_start3A_1069] : memref<10240x128xf32, #tpu.memory_space<vmem_shared>> -> memref<10240x128xf32, #tpu.memory_space<vmem_shared>>
      tpu.enqueue_indirect_dma source(%arg9 : memref<80x128xf32, #tpu.memory_space<vmem>>) target(%dma_start3A_1070 : memref<10240x128xf32, #tpu.memory_space<vmem_shared>>) offsets(%dma_start3A_1067 : memref<80xi32, #tpu.memory_space<vmem>>) semaphore(%arg16 : memref<!tpu.dma_semaphore, #tpu.memory_space<semaphore_mem>>) {add = true}
      %dma_wait3A_1071 = arith.constant 36 : i32
      %dma_wait3A_1072 = arith.constant 0 : i32
      %dma_wait3A_1073 = tpu.memref_slice %arg8[%dma_wait3A_1071, %dma_wait3A_1072] : memref<50x80xi32, #tpu.memory_space<vmem>> -> memref<1x80xi32, #tpu.memory_space<vmem>>
      %dma_wait3A_1074 = tpu.memref_squeeze %dma_wait3A_1073 : memref<1x80xi32, #tpu.memory_space<vmem>> -> memref<80xi32, #tpu.memory_space<vmem>>
      %dma_wait3A_1075 = arith.constant 0 : i32
      %dma_wait3A_1076 = arith.constant 0 : i32
      %dma_wait3A_1077 = tpu.memref_slice %arg6[%dma_wait3A_1075, %dma_wait3A_1076] : memref<10240x128xf32, #tpu.memory_space<vmem_shared>> -> memref<10240x128xf32, #tpu.memory_space<vmem_shared>>
      tpu.wait_indirect_dma semaphore(%arg16 : memref<!tpu.dma_semaphore, #tpu.memory_space<semaphore_mem>>) src(%arg9 : memref<80x128xf32, #tpu.memory_space<vmem>>) dst(%dma_wait3A_1077 : memref<10240x128xf32, #tpu.memory_space<vmem_shared>>)
      %dma_start3A_1078 = arith.constant 39 : i32
      %dma_start3A_1079 = arith.constant 0 : i32
      %dma_start3A_1080 = tpu.memref_slice %arg7[%dma_start3A_1078, %dma_start3A_1079] : memref<50x80xi32, #tpu.memory_space<vmem>> -> memref<1x80xi32, #tpu.memory_space<vmem>>
      %dma_start3A_1081 = tpu.memref_squeeze %dma_start3A_1080 : memref<1x80xi32, #tpu.memory_space<vmem>> -> memref<80xi32, #tpu.memory_space<vmem>>
      %dma_start3A_1082 = arith.constant 0 : i32
      %dma_start3A_1083 = arith.constant 0 : i32
      %dma_start3A_1084 = tpu.memref_slice %arg2[%dma_start3A_1082, %dma_start3A_1083] : memref<20000x128xf32, #tpu.memory_space<hbm>> -> memref<20000x128xf32, #tpu.memory_space<hbm>>
      tpu.enqueue_indirect_dma source(%dma_start3A_1084 : memref<20000x128xf32, #tpu.memory_space<hbm>>) target(%arg9 : memref<80x128xf32, #tpu.memory_space<vmem>>) offsets(%dma_start3A_1081 : memref<80xi32, #tpu.memory_space<vmem>>) semaphore(%arg13 : memref<!tpu.dma_semaphore, #tpu.memory_space<semaphore_mem>>)
      %dma_wait3A_1085 = arith.constant 37 : i32
      %dma_wait3A_1086 = arith.constant 0 : i32
      %dma_wait3A_1087 = tpu.memref_slice %arg7[%dma_wait3A_1085, %dma_wait3A_1086] : memref<50x80xi32, #tpu.memory_space<vmem>> -> memref<1x80xi32, #tpu.memory_space<vmem>>
      %dma_wait3A_1088 = tpu.memref_squeeze %dma_wait3A_1087 : memref<1x80xi32, #tpu.memory_space<vmem>> -> memref<80xi32, #tpu.memory_space<vmem>>
      %dma_wait3A_1089 = arith.constant 0 : i32
      %dma_wait3A_1090 = arith.constant 0 : i32
      %dma_wait3A_1091 = tpu.memref_slice %arg2[%dma_wait3A_1089, %dma_wait3A_1090] : memref<20000x128xf32, #tpu.memory_space<hbm>> -> memref<20000x128xf32, #tpu.memory_space<hbm>>
      tpu.wait_indirect_dma semaphore(%arg14 : memref<!tpu.dma_semaphore, #tpu.memory_space<semaphore_mem>>) src(%dma_wait3A_1091 : memref<20000x128xf32, #tpu.memory_space<hbm>>) dst(%arg10 : memref<80x128xf32, #tpu.memory_space<vmem>>)
      %dma_start3A_1092 = arith.constant 37 : i32
      %dma_start3A_1093 = arith.constant 0 : i32
      %dma_start3A_1094 = tpu.memref_slice %arg8[%dma_start3A_1092, %dma_start3A_1093] : memref<50x80xi32, #tpu.memory_space<vmem>> -> memref<1x80xi32, #tpu.memory_space<vmem>>
      %dma_start3A_1095 = tpu.memref_squeeze %dma_start3A_1094 : memref<1x80xi32, #tpu.memory_space<vmem>> -> memref<80xi32, #tpu.memory_space<vmem>>
      %dma_start3A_1096 = arith.constant 0 : i32
      %dma_start3A_1097 = arith.constant 0 : i32
      %dma_start3A_1098 = tpu.memref_slice %arg6[%dma_start3A_1096, %dma_start3A_1097] : memref<10240x128xf32, #tpu.memory_space<vmem_shared>> -> memref<10240x128xf32, #tpu.memory_space<vmem_shared>>
      tpu.enqueue_indirect_dma source(%arg10 : memref<80x128xf32, #tpu.memory_space<vmem>>) target(%dma_start3A_1098 : memref<10240x128xf32, #tpu.memory_space<vmem_shared>>) offsets(%dma_start3A_1095 : memref<80xi32, #tpu.memory_space<vmem>>) semaphore(%arg17 : memref<!tpu.dma_semaphore, #tpu.memory_space<semaphore_mem>>) {add = true}
      %dma_wait3A_1099 = arith.constant 37 : i32
      %dma_wait3A_1100 = arith.constant 0 : i32
      %dma_wait3A_1101 = tpu.memref_slice %arg8[%dma_wait3A_1099, %dma_wait3A_1100] : memref<50x80xi32, #tpu.memory_space<vmem>> -> memref<1x80xi32, #tpu.memory_space<vmem>>
      %dma_wait3A_1102 = tpu.memref_squeeze %dma_wait3A_1101 : memref<1x80xi32, #tpu.memory_space<vmem>> -> memref<80xi32, #tpu.memory_space<vmem>>
      %dma_wait3A_1103 = arith.constant 0 : i32
      %dma_wait3A_1104 = arith.constant 0 : i32
      %dma_wait3A_1105 = tpu.memref_slice %arg6[%dma_wait3A_1103, %dma_wait3A_1104] : memref<10240x128xf32, #tpu.memory_space<vmem_shared>> -> memref<10240x128xf32, #tpu.memory_space<vmem_shared>>
      tpu.wait_indirect_dma semaphore(%arg17 : memref<!tpu.dma_semaphore, #tpu.memory_space<semaphore_mem>>) src(%arg10 : memref<80x128xf32, #tpu.memory_space<vmem>>) dst(%dma_wait3A_1105 : memref<10240x128xf32, #tpu.memory_space<vmem_shared>>)
      %dma_start3A_1106 = arith.constant 40 : i32
      %dma_start3A_1107 = arith.constant 0 : i32
      %dma_start3A_1108 = tpu.memref_slice %arg7[%dma_start3A_1106, %dma_start3A_1107] : memref<50x80xi32, #tpu.memory_space<vmem>> -> memref<1x80xi32, #tpu.memory_space<vmem>>
      %dma_start3A_1109 = tpu.memref_squeeze %dma_start3A_1108 : memref<1x80xi32, #tpu.memory_space<vmem>> -> memref<80xi32, #tpu.memory_space<vmem>>
      %dma_start3A_1110 = arith.constant 0 : i32
      %dma_start3A_1111 = arith.constant 0 : i32
      %dma_start3A_1112 = tpu.memref_slice %arg2[%dma_start3A_1110, %dma_start3A_1111] : memref<20000x128xf32, #tpu.memory_space<hbm>> -> memref<20000x128xf32, #tpu.memory_space<hbm>>
      tpu.enqueue_indirect_dma source(%dma_start3A_1112 : memref<20000x128xf32, #tpu.memory_space<hbm>>) target(%arg10 : memref<80x128xf32, #tpu.memory_space<vmem>>) offsets(%dma_start3A_1109 : memref<80xi32, #tpu.memory_space<vmem>>) semaphore(%arg14 : memref<!tpu.dma_semaphore, #tpu.memory_space<semaphore_mem>>)
      %dma_wait3A_1113 = arith.constant 38 : i32
      %dma_wait3A_1114 = arith.constant 0 : i32
      %dma_wait3A_1115 = tpu.memref_slice %arg7[%dma_wait3A_1113, %dma_wait3A_1114] : memref<50x80xi32, #tpu.memory_space<vmem>> -> memref<1x80xi32, #tpu.memory_space<vmem>>
      %dma_wait3A_1116 = tpu.memref_squeeze %dma_wait3A_1115 : memref<1x80xi32, #tpu.memory_space<vmem>> -> memref<80xi32, #tpu.memory_space<vmem>>
      %dma_wait3A_1117 = arith.constant 0 : i32
      %dma_wait3A_1118 = arith.constant 0 : i32
      %dma_wait3A_1119 = tpu.memref_slice %arg2[%dma_wait3A_1117, %dma_wait3A_1118] : memref<20000x128xf32, #tpu.memory_space<hbm>> -> memref<20000x128xf32, #tpu.memory_space<hbm>>
      tpu.wait_indirect_dma semaphore(%arg15 : memref<!tpu.dma_semaphore, #tpu.memory_space<semaphore_mem>>) src(%dma_wait3A_1119 : memref<20000x128xf32, #tpu.memory_space<hbm>>) dst(%arg11 : memref<80x128xf32, #tpu.memory_space<vmem>>)
      %dma_start3A_1120 = arith.constant 38 : i32
      %dma_start3A_1121 = arith.constant 0 : i32
      %dma_start3A_1122 = tpu.memref_slice %arg8[%dma_start3A_1120, %dma_start3A_1121] : memref<50x80xi32, #tpu.memory_space<vmem>> -> memref<1x80xi32, #tpu.memory_space<vmem>>
      %dma_start3A_1123 = tpu.memref_squeeze %dma_start3A_1122 : memref<1x80xi32, #tpu.memory_space<vmem>> -> memref<80xi32, #tpu.memory_space<vmem>>
      %dma_start3A_1124 = arith.constant 0 : i32
      %dma_start3A_1125 = arith.constant 0 : i32
      %dma_start3A_1126 = tpu.memref_slice %arg6[%dma_start3A_1124, %dma_start3A_1125] : memref<10240x128xf32, #tpu.memory_space<vmem_shared>> -> memref<10240x128xf32, #tpu.memory_space<vmem_shared>>
      tpu.enqueue_indirect_dma source(%arg11 : memref<80x128xf32, #tpu.memory_space<vmem>>) target(%dma_start3A_1126 : memref<10240x128xf32, #tpu.memory_space<vmem_shared>>) offsets(%dma_start3A_1123 : memref<80xi32, #tpu.memory_space<vmem>>) semaphore(%arg18 : memref<!tpu.dma_semaphore, #tpu.memory_space<semaphore_mem>>) {add = true}
      %dma_wait3A_1127 = arith.constant 38 : i32
      %dma_wait3A_1128 = arith.constant 0 : i32
      %dma_wait3A_1129 = tpu.memref_slice %arg8[%dma_wait3A_1127, %dma_wait3A_1128] : memref<50x80xi32, #tpu.memory_space<vmem>> -> memref<1x80xi32, #tpu.memory_space<vmem>>
      %dma_wait3A_1130 = tpu.memref_squeeze %dma_wait3A_1129 : memref<1x80xi32, #tpu.memory_space<vmem>> -> memref<80xi32, #tpu.memory_space<vmem>>
      %dma_wait3A_1131 = arith.constant 0 : i32
      %dma_wait3A_1132 = arith.constant 0 : i32
      %dma_wait3A_1133 = tpu.memref_slice %arg6[%dma_wait3A_1131, %dma_wait3A_1132] : memref<10240x128xf32, #tpu.memory_space<vmem_shared>> -> memref<10240x128xf32, #tpu.memory_space<vmem_shared>>
      tpu.wait_indirect_dma semaphore(%arg18 : memref<!tpu.dma_semaphore, #tpu.memory_space<semaphore_mem>>) src(%arg11 : memref<80x128xf32, #tpu.memory_space<vmem>>) dst(%dma_wait3A_1133 : memref<10240x128xf32, #tpu.memory_space<vmem_shared>>)
      %dma_start3A_1134 = arith.constant 41 : i32
      %dma_start3A_1135 = arith.constant 0 : i32
      %dma_start3A_1136 = tpu.memref_slice %arg7[%dma_start3A_1134, %dma_start3A_1135] : memref<50x80xi32, #tpu.memory_space<vmem>> -> memref<1x80xi32, #tpu.memory_space<vmem>>
      %dma_start3A_1137 = tpu.memref_squeeze %dma_start3A_1136 : memref<1x80xi32, #tpu.memory_space<vmem>> -> memref<80xi32, #tpu.memory_space<vmem>>
      %dma_start3A_1138 = arith.constant 0 : i32
      %dma_start3A_1139 = arith.constant 0 : i32
      %dma_start3A_1140 = tpu.memref_slice %arg2[%dma_start3A_1138, %dma_start3A_1139] : memref<20000x128xf32, #tpu.memory_space<hbm>> -> memref<20000x128xf32, #tpu.memory_space<hbm>>
      tpu.enqueue_indirect_dma source(%dma_start3A_1140 : memref<20000x128xf32, #tpu.memory_space<hbm>>) target(%arg11 : memref<80x128xf32, #tpu.memory_space<vmem>>) offsets(%dma_start3A_1137 : memref<80xi32, #tpu.memory_space<vmem>>) semaphore(%arg15 : memref<!tpu.dma_semaphore, #tpu.memory_space<semaphore_mem>>)
      %dma_wait3A_1141 = arith.constant 39 : i32
      %dma_wait3A_1142 = arith.constant 0 : i32
      %dma_wait3A_1143 = tpu.memref_slice %arg7[%dma_wait3A_1141, %dma_wait3A_1142] : memref<50x80xi32, #tpu.memory_space<vmem>> -> memref<1x80xi32, #tpu.memory_space<vmem>>
      %dma_wait3A_1144 = tpu.memref_squeeze %dma_wait3A_1143 : memref<1x80xi32, #tpu.memory_space<vmem>> -> memref<80xi32, #tpu.memory_space<vmem>>
      %dma_wait3A_1145 = arith.constant 0 : i32
      %dma_wait3A_1146 = arith.constant 0 : i32
      %dma_wait3A_1147 = tpu.memref_slice %arg2[%dma_wait3A_1145, %dma_wait3A_1146] : memref<20000x128xf32, #tpu.memory_space<hbm>> -> memref<20000x128xf32, #tpu.memory_space<hbm>>
      tpu.wait_indirect_dma semaphore(%arg13 : memref<!tpu.dma_semaphore, #tpu.memory_space<semaphore_mem>>) src(%dma_wait3A_1147 : memref<20000x128xf32, #tpu.memory_space<hbm>>) dst(%arg9 : memref<80x128xf32, #tpu.memory_space<vmem>>)
      %dma_start3A_1148 = arith.constant 39 : i32
      %dma_start3A_1149 = arith.constant 0 : i32
      %dma_start3A_1150 = tpu.memref_slice %arg8[%dma_start3A_1148, %dma_start3A_1149] : memref<50x80xi32, #tpu.memory_space<vmem>> -> memref<1x80xi32, #tpu.memory_space<vmem>>
      %dma_start3A_1151 = tpu.memref_squeeze %dma_start3A_1150 : memref<1x80xi32, #tpu.memory_space<vmem>> -> memref<80xi32, #tpu.memory_space<vmem>>
      %dma_start3A_1152 = arith.constant 0 : i32
      %dma_start3A_1153 = arith.constant 0 : i32
      %dma_start3A_1154 = tpu.memref_slice %arg6[%dma_start3A_1152, %dma_start3A_1153] : memref<10240x128xf32, #tpu.memory_space<vmem_shared>> -> memref<10240x128xf32, #tpu.memory_space<vmem_shared>>
      tpu.enqueue_indirect_dma source(%arg9 : memref<80x128xf32, #tpu.memory_space<vmem>>) target(%dma_start3A_1154 : memref<10240x128xf32, #tpu.memory_space<vmem_shared>>) offsets(%dma_start3A_1151 : memref<80xi32, #tpu.memory_space<vmem>>) semaphore(%arg16 : memref<!tpu.dma_semaphore, #tpu.memory_space<semaphore_mem>>) {add = true}
      %dma_wait3A_1155 = arith.constant 39 : i32
      %dma_wait3A_1156 = arith.constant 0 : i32
      %dma_wait3A_1157 = tpu.memref_slice %arg8[%dma_wait3A_1155, %dma_wait3A_1156] : memref<50x80xi32, #tpu.memory_space<vmem>> -> memref<1x80xi32, #tpu.memory_space<vmem>>
      %dma_wait3A_1158 = tpu.memref_squeeze %dma_wait3A_1157 : memref<1x80xi32, #tpu.memory_space<vmem>> -> memref<80xi32, #tpu.memory_space<vmem>>
      %dma_wait3A_1159 = arith.constant 0 : i32
      %dma_wait3A_1160 = arith.constant 0 : i32
      %dma_wait3A_1161 = tpu.memref_slice %arg6[%dma_wait3A_1159, %dma_wait3A_1160] : memref<10240x128xf32, #tpu.memory_space<vmem_shared>> -> memref<10240x128xf32, #tpu.memory_space<vmem_shared>>
      tpu.wait_indirect_dma semaphore(%arg16 : memref<!tpu.dma_semaphore, #tpu.memory_space<semaphore_mem>>) src(%arg9 : memref<80x128xf32, #tpu.memory_space<vmem>>) dst(%dma_wait3A_1161 : memref<10240x128xf32, #tpu.memory_space<vmem_shared>>)
      %dma_start3A_1162 = arith.constant 42 : i32
      %dma_start3A_1163 = arith.constant 0 : i32
      %dma_start3A_1164 = tpu.memref_slice %arg7[%dma_start3A_1162, %dma_start3A_1163] : memref<50x80xi32, #tpu.memory_space<vmem>> -> memref<1x80xi32, #tpu.memory_space<vmem>>
      %dma_start3A_1165 = tpu.memref_squeeze %dma_start3A_1164 : memref<1x80xi32, #tpu.memory_space<vmem>> -> memref<80xi32, #tpu.memory_space<vmem>>
      %dma_start3A_1166 = arith.constant 0 : i32
      %dma_start3A_1167 = arith.constant 0 : i32
      %dma_start3A_1168 = tpu.memref_slice %arg2[%dma_start3A_1166, %dma_start3A_1167] : memref<20000x128xf32, #tpu.memory_space<hbm>> -> memref<20000x128xf32, #tpu.memory_space<hbm>>
      tpu.enqueue_indirect_dma source(%dma_start3A_1168 : memref<20000x128xf32, #tpu.memory_space<hbm>>) target(%arg9 : memref<80x128xf32, #tpu.memory_space<vmem>>) offsets(%dma_start3A_1165 : memref<80xi32, #tpu.memory_space<vmem>>) semaphore(%arg13 : memref<!tpu.dma_semaphore, #tpu.memory_space<semaphore_mem>>)
      %dma_wait3A_1169 = arith.constant 40 : i32
      %dma_wait3A_1170 = arith.constant 0 : i32
      %dma_wait3A_1171 = tpu.memref_slice %arg7[%dma_wait3A_1169, %dma_wait3A_1170] : memref<50x80xi32, #tpu.memory_space<vmem>> -> memref<1x80xi32, #tpu.memory_space<vmem>>
      %dma_wait3A_1172 = tpu.memref_squeeze %dma_wait3A_1171 : memref<1x80xi32, #tpu.memory_space<vmem>> -> memref<80xi32, #tpu.memory_space<vmem>>
      %dma_wait3A_1173 = arith.constant 0 : i32
      %dma_wait3A_1174 = arith.constant 0 : i32
      %dma_wait3A_1175 = tpu.memref_slice %arg2[%dma_wait3A_1173, %dma_wait3A_1174] : memref<20000x128xf32, #tpu.memory_space<hbm>> -> memref<20000x128xf32, #tpu.memory_space<hbm>>
      tpu.wait_indirect_dma semaphore(%arg14 : memref<!tpu.dma_semaphore, #tpu.memory_space<semaphore_mem>>) src(%dma_wait3A_1175 : memref<20000x128xf32, #tpu.memory_space<hbm>>) dst(%arg10 : memref<80x128xf32, #tpu.memory_space<vmem>>)
      %dma_start3A_1176 = arith.constant 40 : i32
      %dma_start3A_1177 = arith.constant 0 : i32
      %dma_start3A_1178 = tpu.memref_slice %arg8[%dma_start3A_1176, %dma_start3A_1177] : memref<50x80xi32, #tpu.memory_space<vmem>> -> memref<1x80xi32, #tpu.memory_space<vmem>>
      %dma_start3A_1179 = tpu.memref_squeeze %dma_start3A_1178 : memref<1x80xi32, #tpu.memory_space<vmem>> -> memref<80xi32, #tpu.memory_space<vmem>>
      %dma_start3A_1180 = arith.constant 0 : i32
      %dma_start3A_1181 = arith.constant 0 : i32
      %dma_start3A_1182 = tpu.memref_slice %arg6[%dma_start3A_1180, %dma_start3A_1181] : memref<10240x128xf32, #tpu.memory_space<vmem_shared>> -> memref<10240x128xf32, #tpu.memory_space<vmem_shared>>
      tpu.enqueue_indirect_dma source(%arg10 : memref<80x128xf32, #tpu.memory_space<vmem>>) target(%dma_start3A_1182 : memref<10240x128xf32, #tpu.memory_space<vmem_shared>>) offsets(%dma_start3A_1179 : memref<80xi32, #tpu.memory_space<vmem>>) semaphore(%arg17 : memref<!tpu.dma_semaphore, #tpu.memory_space<semaphore_mem>>) {add = true}
      %dma_wait3A_1183 = arith.constant 40 : i32
      %dma_wait3A_1184 = arith.constant 0 : i32
      %dma_wait3A_1185 = tpu.memref_slice %arg8[%dma_wait3A_1183, %dma_wait3A_1184] : memref<50x80xi32, #tpu.memory_space<vmem>> -> memref<1x80xi32, #tpu.memory_space<vmem>>
      %dma_wait3A_1186 = tpu.memref_squeeze %dma_wait3A_1185 : memref<1x80xi32, #tpu.memory_space<vmem>> -> memref<80xi32, #tpu.memory_space<vmem>>
      %dma_wait3A_1187 = arith.constant 0 : i32
      %dma_wait3A_1188 = arith.constant 0 : i32
      %dma_wait3A_1189 = tpu.memref_slice %arg6[%dma_wait3A_1187, %dma_wait3A_1188] : memref<10240x128xf32, #tpu.memory_space<vmem_shared>> -> memref<10240x128xf32, #tpu.memory_space<vmem_shared>>
      tpu.wait_indirect_dma semaphore(%arg17 : memref<!tpu.dma_semaphore, #tpu.memory_space<semaphore_mem>>) src(%arg10 : memref<80x128xf32, #tpu.memory_space<vmem>>) dst(%dma_wait3A_1189 : memref<10240x128xf32, #tpu.memory_space<vmem_shared>>)
      %dma_start3A_1190 = arith.constant 43 : i32
      %dma_start3A_1191 = arith.constant 0 : i32
      %dma_start3A_1192 = tpu.memref_slice %arg7[%dma_start3A_1190, %dma_start3A_1191] : memref<50x80xi32, #tpu.memory_space<vmem>> -> memref<1x80xi32, #tpu.memory_space<vmem>>
      %dma_start3A_1193 = tpu.memref_squeeze %dma_start3A_1192 : memref<1x80xi32, #tpu.memory_space<vmem>> -> memref<80xi32, #tpu.memory_space<vmem>>
      %dma_start3A_1194 = arith.constant 0 : i32
      %dma_start3A_1195 = arith.constant 0 : i32
      %dma_start3A_1196 = tpu.memref_slice %arg2[%dma_start3A_1194, %dma_start3A_1195] : memref<20000x128xf32, #tpu.memory_space<hbm>> -> memref<20000x128xf32, #tpu.memory_space<hbm>>
      tpu.enqueue_indirect_dma source(%dma_start3A_1196 : memref<20000x128xf32, #tpu.memory_space<hbm>>) target(%arg10 : memref<80x128xf32, #tpu.memory_space<vmem>>) offsets(%dma_start3A_1193 : memref<80xi32, #tpu.memory_space<vmem>>) semaphore(%arg14 : memref<!tpu.dma_semaphore, #tpu.memory_space<semaphore_mem>>)
      %dma_wait3A_1197 = arith.constant 41 : i32
      %dma_wait3A_1198 = arith.constant 0 : i32
      %dma_wait3A_1199 = tpu.memref_slice %arg7[%dma_wait3A_1197, %dma_wait3A_1198] : memref<50x80xi32, #tpu.memory_space<vmem>> -> memref<1x80xi32, #tpu.memory_space<vmem>>
      %dma_wait3A_1200 = tpu.memref_squeeze %dma_wait3A_1199 : memref<1x80xi32, #tpu.memory_space<vmem>> -> memref<80xi32, #tpu.memory_space<vmem>>
      %dma_wait3A_1201 = arith.constant 0 : i32
      %dma_wait3A_1202 = arith.constant 0 : i32
      %dma_wait3A_1203 = tpu.memref_slice %arg2[%dma_wait3A_1201, %dma_wait3A_1202] : memref<20000x128xf32, #tpu.memory_space<hbm>> -> memref<20000x128xf32, #tpu.memory_space<hbm>>
      tpu.wait_indirect_dma semaphore(%arg15 : memref<!tpu.dma_semaphore, #tpu.memory_space<semaphore_mem>>) src(%dma_wait3A_1203 : memref<20000x128xf32, #tpu.memory_space<hbm>>) dst(%arg11 : memref<80x128xf32, #tpu.memory_space<vmem>>)
      %dma_start3A_1204 = arith.constant 41 : i32
      %dma_start3A_1205 = arith.constant 0 : i32
      %dma_start3A_1206 = tpu.memref_slice %arg8[%dma_start3A_1204, %dma_start3A_1205] : memref<50x80xi32, #tpu.memory_space<vmem>> -> memref<1x80xi32, #tpu.memory_space<vmem>>
      %dma_start3A_1207 = tpu.memref_squeeze %dma_start3A_1206 : memref<1x80xi32, #tpu.memory_space<vmem>> -> memref<80xi32, #tpu.memory_space<vmem>>
      %dma_start3A_1208 = arith.constant 0 : i32
      %dma_start3A_1209 = arith.constant 0 : i32
      %dma_start3A_1210 = tpu.memref_slice %arg6[%dma_start3A_1208, %dma_start3A_1209] : memref<10240x128xf32, #tpu.memory_space<vmem_shared>> -> memref<10240x128xf32, #tpu.memory_space<vmem_shared>>
      tpu.enqueue_indirect_dma source(%arg11 : memref<80x128xf32, #tpu.memory_space<vmem>>) target(%dma_start3A_1210 : memref<10240x128xf32, #tpu.memory_space<vmem_shared>>) offsets(%dma_start3A_1207 : memref<80xi32, #tpu.memory_space<vmem>>) semaphore(%arg18 : memref<!tpu.dma_semaphore, #tpu.memory_space<semaphore_mem>>) {add = true}
      %dma_wait3A_1211 = arith.constant 41 : i32
      %dma_wait3A_1212 = arith.constant 0 : i32
      %dma_wait3A_1213 = tpu.memref_slice %arg8[%dma_wait3A_1211, %dma_wait3A_1212] : memref<50x80xi32, #tpu.memory_space<vmem>> -> memref<1x80xi32, #tpu.memory_space<vmem>>
      %dma_wait3A_1214 = tpu.memref_squeeze %dma_wait3A_1213 : memref<1x80xi32, #tpu.memory_space<vmem>> -> memref<80xi32, #tpu.memory_space<vmem>>
      %dma_wait3A_1215 = arith.constant 0 : i32
      %dma_wait3A_1216 = arith.constant 0 : i32
      %dma_wait3A_1217 = tpu.memref_slice %arg6[%dma_wait3A_1215, %dma_wait3A_1216] : memref<10240x128xf32, #tpu.memory_space<vmem_shared>> -> memref<10240x128xf32, #tpu.memory_space<vmem_shared>>
      tpu.wait_indirect_dma semaphore(%arg18 : memref<!tpu.dma_semaphore, #tpu.memory_space<semaphore_mem>>) src(%arg11 : memref<80x128xf32, #tpu.memory_space<vmem>>) dst(%dma_wait3A_1217 : memref<10240x128xf32, #tpu.memory_space<vmem_shared>>)
      %dma_start3A_1218 = arith.constant 44 : i32
      %dma_start3A_1219 = arith.constant 0 : i32
      %dma_start3A_1220 = tpu.memref_slice %arg7[%dma_start3A_1218, %dma_start3A_1219] : memref<50x80xi32, #tpu.memory_space<vmem>> -> memref<1x80xi32, #tpu.memory_space<vmem>>
      %dma_start3A_1221 = tpu.memref_squeeze %dma_start3A_1220 : memref<1x80xi32, #tpu.memory_space<vmem>> -> memref<80xi32, #tpu.memory_space<vmem>>
      %dma_start3A_1222 = arith.constant 0 : i32
      %dma_start3A_1223 = arith.constant 0 : i32
      %dma_start3A_1224 = tpu.memref_slice %arg2[%dma_start3A_1222, %dma_start3A_1223] : memref<20000x128xf32, #tpu.memory_space<hbm>> -> memref<20000x128xf32, #tpu.memory_space<hbm>>
      tpu.enqueue_indirect_dma source(%dma_start3A_1224 : memref<20000x128xf32, #tpu.memory_space<hbm>>) target(%arg11 : memref<80x128xf32, #tpu.memory_space<vmem>>) offsets(%dma_start3A_1221 : memref<80xi32, #tpu.memory_space<vmem>>) semaphore(%arg15 : memref<!tpu.dma_semaphore, #tpu.memory_space<semaphore_mem>>)
      %dma_wait3A_1225 = arith.constant 42 : i32
      %dma_wait3A_1226 = arith.constant 0 : i32
      %dma_wait3A_1227 = tpu.memref_slice %arg7[%dma_wait3A_1225, %dma_wait3A_1226] : memref<50x80xi32, #tpu.memory_space<vmem>> -> memref<1x80xi32, #tpu.memory_space<vmem>>
      %dma_wait3A_1228 = tpu.memref_squeeze %dma_wait3A_1227 : memref<1x80xi32, #tpu.memory_space<vmem>> -> memref<80xi32, #tpu.memory_space<vmem>>
      %dma_wait3A_1229 = arith.constant 0 : i32
      %dma_wait3A_1230 = arith.constant 0 : i32
      %dma_wait3A_1231 = tpu.memref_slice %arg2[%dma_wait3A_1229, %dma_wait3A_1230] : memref<20000x128xf32, #tpu.memory_space<hbm>> -> memref<20000x128xf32, #tpu.memory_space<hbm>>
      tpu.wait_indirect_dma semaphore(%arg13 : memref<!tpu.dma_semaphore, #tpu.memory_space<semaphore_mem>>) src(%dma_wait3A_1231 : memref<20000x128xf32, #tpu.memory_space<hbm>>) dst(%arg9 : memref<80x128xf32, #tpu.memory_space<vmem>>)
      %dma_start3A_1232 = arith.constant 42 : i32
      %dma_start3A_1233 = arith.constant 0 : i32
      %dma_start3A_1234 = tpu.memref_slice %arg8[%dma_start3A_1232, %dma_start3A_1233] : memref<50x80xi32, #tpu.memory_space<vmem>> -> memref<1x80xi32, #tpu.memory_space<vmem>>
      %dma_start3A_1235 = tpu.memref_squeeze %dma_start3A_1234 : memref<1x80xi32, #tpu.memory_space<vmem>> -> memref<80xi32, #tpu.memory_space<vmem>>
      %dma_start3A_1236 = arith.constant 0 : i32
      %dma_start3A_1237 = arith.constant 0 : i32
      %dma_start3A_1238 = tpu.memref_slice %arg6[%dma_start3A_1236, %dma_start3A_1237] : memref<10240x128xf32, #tpu.memory_space<vmem_shared>> -> memref<10240x128xf32, #tpu.memory_space<vmem_shared>>
      tpu.enqueue_indirect_dma source(%arg9 : memref<80x128xf32, #tpu.memory_space<vmem>>) target(%dma_start3A_1238 : memref<10240x128xf32, #tpu.memory_space<vmem_shared>>) offsets(%dma_start3A_1235 : memref<80xi32, #tpu.memory_space<vmem>>) semaphore(%arg16 : memref<!tpu.dma_semaphore, #tpu.memory_space<semaphore_mem>>) {add = true}
      %dma_wait3A_1239 = arith.constant 42 : i32
      %dma_wait3A_1240 = arith.constant 0 : i32
      %dma_wait3A_1241 = tpu.memref_slice %arg8[%dma_wait3A_1239, %dma_wait3A_1240] : memref<50x80xi32, #tpu.memory_space<vmem>> -> memref<1x80xi32, #tpu.memory_space<vmem>>
      %dma_wait3A_1242 = tpu.memref_squeeze %dma_wait3A_1241 : memref<1x80xi32, #tpu.memory_space<vmem>> -> memref<80xi32, #tpu.memory_space<vmem>>
      %dma_wait3A_1243 = arith.constant 0 : i32
      %dma_wait3A_1244 = arith.constant 0 : i32
      %dma_wait3A_1245 = tpu.memref_slice %arg6[%dma_wait3A_1243, %dma_wait3A_1244] : memref<10240x128xf32, #tpu.memory_space<vmem_shared>> -> memref<10240x128xf32, #tpu.memory_space<vmem_shared>>
      tpu.wait_indirect_dma semaphore(%arg16 : memref<!tpu.dma_semaphore, #tpu.memory_space<semaphore_mem>>) src(%arg9 : memref<80x128xf32, #tpu.memory_space<vmem>>) dst(%dma_wait3A_1245 : memref<10240x128xf32, #tpu.memory_space<vmem_shared>>)
      %dma_start3A_1246 = arith.constant 45 : i32
      %dma_start3A_1247 = arith.constant 0 : i32
      %dma_start3A_1248 = tpu.memref_slice %arg7[%dma_start3A_1246, %dma_start3A_1247] : memref<50x80xi32, #tpu.memory_space<vmem>> -> memref<1x80xi32, #tpu.memory_space<vmem>>
      %dma_start3A_1249 = tpu.memref_squeeze %dma_start3A_1248 : memref<1x80xi32, #tpu.memory_space<vmem>> -> memref<80xi32, #tpu.memory_space<vmem>>
      %dma_start3A_1250 = arith.constant 0 : i32
      %dma_start3A_1251 = arith.constant 0 : i32
      %dma_start3A_1252 = tpu.memref_slice %arg2[%dma_start3A_1250, %dma_start3A_1251] : memref<20000x128xf32, #tpu.memory_space<hbm>> -> memref<20000x128xf32, #tpu.memory_space<hbm>>
      tpu.enqueue_indirect_dma source(%dma_start3A_1252 : memref<20000x128xf32, #tpu.memory_space<hbm>>) target(%arg9 : memref<80x128xf32, #tpu.memory_space<vmem>>) offsets(%dma_start3A_1249 : memref<80xi32, #tpu.memory_space<vmem>>) semaphore(%arg13 : memref<!tpu.dma_semaphore, #tpu.memory_space<semaphore_mem>>)
      %dma_wait3A_1253 = arith.constant 43 : i32
      %dma_wait3A_1254 = arith.constant 0 : i32
      %dma_wait3A_1255 = tpu.memref_slice %arg7[%dma_wait3A_1253, %dma_wait3A_1254] : memref<50x80xi32, #tpu.memory_space<vmem>> -> memref<1x80xi32, #tpu.memory_space<vmem>>
      %dma_wait3A_1256 = tpu.memref_squeeze %dma_wait3A_1255 : memref<1x80xi32, #tpu.memory_space<vmem>> -> memref<80xi32, #tpu.memory_space<vmem>>
      %dma_wait3A_1257 = arith.constant 0 : i32
      %dma_wait3A_1258 = arith.constant 0 : i32
      %dma_wait3A_1259 = tpu.memref_slice %arg2[%dma_wait3A_1257, %dma_wait3A_1258] : memref<20000x128xf32, #tpu.memory_space<hbm>> -> memref<20000x128xf32, #tpu.memory_space<hbm>>
      tpu.wait_indirect_dma semaphore(%arg14 : memref<!tpu.dma_semaphore, #tpu.memory_space<semaphore_mem>>) src(%dma_wait3A_1259 : memref<20000x128xf32, #tpu.memory_space<hbm>>) dst(%arg10 : memref<80x128xf32, #tpu.memory_space<vmem>>)
      %dma_start3A_1260 = arith.constant 43 : i32
      %dma_start3A_1261 = arith.constant 0 : i32
      %dma_start3A_1262 = tpu.memref_slice %arg8[%dma_start3A_1260, %dma_start3A_1261] : memref<50x80xi32, #tpu.memory_space<vmem>> -> memref<1x80xi32, #tpu.memory_space<vmem>>
      %dma_start3A_1263 = tpu.memref_squeeze %dma_start3A_1262 : memref<1x80xi32, #tpu.memory_space<vmem>> -> memref<80xi32, #tpu.memory_space<vmem>>
      %dma_start3A_1264 = arith.constant 0 : i32
      %dma_start3A_1265 = arith.constant 0 : i32
      %dma_start3A_1266 = tpu.memref_slice %arg6[%dma_start3A_1264, %dma_start3A_1265] : memref<10240x128xf32, #tpu.memory_space<vmem_shared>> -> memref<10240x128xf32, #tpu.memory_space<vmem_shared>>
      tpu.enqueue_indirect_dma source(%arg10 : memref<80x128xf32, #tpu.memory_space<vmem>>) target(%dma_start3A_1266 : memref<10240x128xf32, #tpu.memory_space<vmem_shared>>) offsets(%dma_start3A_1263 : memref<80xi32, #tpu.memory_space<vmem>>) semaphore(%arg17 : memref<!tpu.dma_semaphore, #tpu.memory_space<semaphore_mem>>) {add = true}
      %dma_wait3A_1267 = arith.constant 43 : i32
      %dma_wait3A_1268 = arith.constant 0 : i32
      %dma_wait3A_1269 = tpu.memref_slice %arg8[%dma_wait3A_1267, %dma_wait3A_1268] : memref<50x80xi32, #tpu.memory_space<vmem>> -> memref<1x80xi32, #tpu.memory_space<vmem>>
      %dma_wait3A_1270 = tpu.memref_squeeze %dma_wait3A_1269 : memref<1x80xi32, #tpu.memory_space<vmem>> -> memref<80xi32, #tpu.memory_space<vmem>>
      %dma_wait3A_1271 = arith.constant 0 : i32
      %dma_wait3A_1272 = arith.constant 0 : i32
      %dma_wait3A_1273 = tpu.memref_slice %arg6[%dma_wait3A_1271, %dma_wait3A_1272] : memref<10240x128xf32, #tpu.memory_space<vmem_shared>> -> memref<10240x128xf32, #tpu.memory_space<vmem_shared>>
      tpu.wait_indirect_dma semaphore(%arg17 : memref<!tpu.dma_semaphore, #tpu.memory_space<semaphore_mem>>) src(%arg10 : memref<80x128xf32, #tpu.memory_space<vmem>>) dst(%dma_wait3A_1273 : memref<10240x128xf32, #tpu.memory_space<vmem_shared>>)
      %dma_start3A_1274 = arith.constant 46 : i32
      %dma_start3A_1275 = arith.constant 0 : i32
      %dma_start3A_1276 = tpu.memref_slice %arg7[%dma_start3A_1274, %dma_start3A_1275] : memref<50x80xi32, #tpu.memory_space<vmem>> -> memref<1x80xi32, #tpu.memory_space<vmem>>
      %dma_start3A_1277 = tpu.memref_squeeze %dma_start3A_1276 : memref<1x80xi32, #tpu.memory_space<vmem>> -> memref<80xi32, #tpu.memory_space<vmem>>
      %dma_start3A_1278 = arith.constant 0 : i32
      %dma_start3A_1279 = arith.constant 0 : i32
      %dma_start3A_1280 = tpu.memref_slice %arg2[%dma_start3A_1278, %dma_start3A_1279] : memref<20000x128xf32, #tpu.memory_space<hbm>> -> memref<20000x128xf32, #tpu.memory_space<hbm>>
      tpu.enqueue_indirect_dma source(%dma_start3A_1280 : memref<20000x128xf32, #tpu.memory_space<hbm>>) target(%arg10 : memref<80x128xf32, #tpu.memory_space<vmem>>) offsets(%dma_start3A_1277 : memref<80xi32, #tpu.memory_space<vmem>>) semaphore(%arg14 : memref<!tpu.dma_semaphore, #tpu.memory_space<semaphore_mem>>)
      %dma_wait3A_1281 = arith.constant 44 : i32
      %dma_wait3A_1282 = arith.constant 0 : i32
      %dma_wait3A_1283 = tpu.memref_slice %arg7[%dma_wait3A_1281, %dma_wait3A_1282] : memref<50x80xi32, #tpu.memory_space<vmem>> -> memref<1x80xi32, #tpu.memory_space<vmem>>
      %dma_wait3A_1284 = tpu.memref_squeeze %dma_wait3A_1283 : memref<1x80xi32, #tpu.memory_space<vmem>> -> memref<80xi32, #tpu.memory_space<vmem>>
      %dma_wait3A_1285 = arith.constant 0 : i32
      %dma_wait3A_1286 = arith.constant 0 : i32
      %dma_wait3A_1287 = tpu.memref_slice %arg2[%dma_wait3A_1285, %dma_wait3A_1286] : memref<20000x128xf32, #tpu.memory_space<hbm>> -> memref<20000x128xf32, #tpu.memory_space<hbm>>
      tpu.wait_indirect_dma semaphore(%arg15 : memref<!tpu.dma_semaphore, #tpu.memory_space<semaphore_mem>>) src(%dma_wait3A_1287 : memref<20000x128xf32, #tpu.memory_space<hbm>>) dst(%arg11 : memref<80x128xf32, #tpu.memory_space<vmem>>)
      %dma_start3A_1288 = arith.constant 44 : i32
      %dma_start3A_1289 = arith.constant 0 : i32
      %dma_start3A_1290 = tpu.memref_slice %arg8[%dma_start3A_1288, %dma_start3A_1289] : memref<50x80xi32, #tpu.memory_space<vmem>> -> memref<1x80xi32, #tpu.memory_space<vmem>>
      %dma_start3A_1291 = tpu.memref_squeeze %dma_start3A_1290 : memref<1x80xi32, #tpu.memory_space<vmem>> -> memref<80xi32, #tpu.memory_space<vmem>>
      %dma_start3A_1292 = arith.constant 0 : i32
      %dma_start3A_1293 = arith.constant 0 : i32
      %dma_start3A_1294 = tpu.memref_slice %arg6[%dma_start3A_1292, %dma_start3A_1293] : memref<10240x128xf32, #tpu.memory_space<vmem_shared>> -> memref<10240x128xf32, #tpu.memory_space<vmem_shared>>
      tpu.enqueue_indirect_dma source(%arg11 : memref<80x128xf32, #tpu.memory_space<vmem>>) target(%dma_start3A_1294 : memref<10240x128xf32, #tpu.memory_space<vmem_shared>>) offsets(%dma_start3A_1291 : memref<80xi32, #tpu.memory_space<vmem>>) semaphore(%arg18 : memref<!tpu.dma_semaphore, #tpu.memory_space<semaphore_mem>>) {add = true}
      %dma_wait3A_1295 = arith.constant 44 : i32
      %dma_wait3A_1296 = arith.constant 0 : i32
      %dma_wait3A_1297 = tpu.memref_slice %arg8[%dma_wait3A_1295, %dma_wait3A_1296] : memref<50x80xi32, #tpu.memory_space<vmem>> -> memref<1x80xi32, #tpu.memory_space<vmem>>
      %dma_wait3A_1298 = tpu.memref_squeeze %dma_wait3A_1297 : memref<1x80xi32, #tpu.memory_space<vmem>> -> memref<80xi32, #tpu.memory_space<vmem>>
      %dma_wait3A_1299 = arith.constant 0 : i32
      %dma_wait3A_1300 = arith.constant 0 : i32
      %dma_wait3A_1301 = tpu.memref_slice %arg6[%dma_wait3A_1299, %dma_wait3A_1300] : memref<10240x128xf32, #tpu.memory_space<vmem_shared>> -> memref<10240x128xf32, #tpu.memory_space<vmem_shared>>
      tpu.wait_indirect_dma semaphore(%arg18 : memref<!tpu.dma_semaphore, #tpu.memory_space<semaphore_mem>>) src(%arg11 : memref<80x128xf32, #tpu.memory_space<vmem>>) dst(%dma_wait3A_1301 : memref<10240x128xf32, #tpu.memory_space<vmem_shared>>)
      %dma_start3A_1302 = arith.constant 47 : i32
      %dma_start3A_1303 = arith.constant 0 : i32
      %dma_start3A_1304 = tpu.memref_slice %arg7[%dma_start3A_1302, %dma_start3A_1303] : memref<50x80xi32, #tpu.memory_space<vmem>> -> memref<1x80xi32, #tpu.memory_space<vmem>>
      %dma_start3A_1305 = tpu.memref_squeeze %dma_start3A_1304 : memref<1x80xi32, #tpu.memory_space<vmem>> -> memref<80xi32, #tpu.memory_space<vmem>>
      %dma_start3A_1306 = arith.constant 0 : i32
      %dma_start3A_1307 = arith.constant 0 : i32
      %dma_start3A_1308 = tpu.memref_slice %arg2[%dma_start3A_1306, %dma_start3A_1307] : memref<20000x128xf32, #tpu.memory_space<hbm>> -> memref<20000x128xf32, #tpu.memory_space<hbm>>
      tpu.enqueue_indirect_dma source(%dma_start3A_1308 : memref<20000x128xf32, #tpu.memory_space<hbm>>) target(%arg11 : memref<80x128xf32, #tpu.memory_space<vmem>>) offsets(%dma_start3A_1305 : memref<80xi32, #tpu.memory_space<vmem>>) semaphore(%arg15 : memref<!tpu.dma_semaphore, #tpu.memory_space<semaphore_mem>>)
      %dma_wait3A_1309 = arith.constant 45 : i32
      %dma_wait3A_1310 = arith.constant 0 : i32
      %dma_wait3A_1311 = tpu.memref_slice %arg7[%dma_wait3A_1309, %dma_wait3A_1310] : memref<50x80xi32, #tpu.memory_space<vmem>> -> memref<1x80xi32, #tpu.memory_space<vmem>>
      %dma_wait3A_1312 = tpu.memref_squeeze %dma_wait3A_1311 : memref<1x80xi32, #tpu.memory_space<vmem>> -> memref<80xi32, #tpu.memory_space<vmem>>
      %dma_wait3A_1313 = arith.constant 0 : i32
      %dma_wait3A_1314 = arith.constant 0 : i32
      %dma_wait3A_1315 = tpu.memref_slice %arg2[%dma_wait3A_1313, %dma_wait3A_1314] : memref<20000x128xf32, #tpu.memory_space<hbm>> -> memref<20000x128xf32, #tpu.memory_space<hbm>>
      tpu.wait_indirect_dma semaphore(%arg13 : memref<!tpu.dma_semaphore, #tpu.memory_space<semaphore_mem>>) src(%dma_wait3A_1315 : memref<20000x128xf32, #tpu.memory_space<hbm>>) dst(%arg9 : memref<80x128xf32, #tpu.memory_space<vmem>>)
      %dma_start3A_1316 = arith.constant 45 : i32
      %dma_start3A_1317 = arith.constant 0 : i32
      %dma_start3A_1318 = tpu.memref_slice %arg8[%dma_start3A_1316, %dma_start3A_1317] : memref<50x80xi32, #tpu.memory_space<vmem>> -> memref<1x80xi32, #tpu.memory_space<vmem>>
      %dma_start3A_1319 = tpu.memref_squeeze %dma_start3A_1318 : memref<1x80xi32, #tpu.memory_space<vmem>> -> memref<80xi32, #tpu.memory_space<vmem>>
      %dma_start3A_1320 = arith.constant 0 : i32
      %dma_start3A_1321 = arith.constant 0 : i32
      %dma_start3A_1322 = tpu.memref_slice %arg6[%dma_start3A_1320, %dma_start3A_1321] : memref<10240x128xf32, #tpu.memory_space<vmem_shared>> -> memref<10240x128xf32, #tpu.memory_space<vmem_shared>>
      tpu.enqueue_indirect_dma source(%arg9 : memref<80x128xf32, #tpu.memory_space<vmem>>) target(%dma_start3A_1322 : memref<10240x128xf32, #tpu.memory_space<vmem_shared>>) offsets(%dma_start3A_1319 : memref<80xi32, #tpu.memory_space<vmem>>) semaphore(%arg16 : memref<!tpu.dma_semaphore, #tpu.memory_space<semaphore_mem>>) {add = true}
      %dma_wait3A_1323 = arith.constant 45 : i32
      %dma_wait3A_1324 = arith.constant 0 : i32
      %dma_wait3A_1325 = tpu.memref_slice %arg8[%dma_wait3A_1323, %dma_wait3A_1324] : memref<50x80xi32, #tpu.memory_space<vmem>> -> memref<1x80xi32, #tpu.memory_space<vmem>>
      %dma_wait3A_1326 = tpu.memref_squeeze %dma_wait3A_1325 : memref<1x80xi32, #tpu.memory_space<vmem>> -> memref<80xi32, #tpu.memory_space<vmem>>
      %dma_wait3A_1327 = arith.constant 0 : i32
      %dma_wait3A_1328 = arith.constant 0 : i32
      %dma_wait3A_1329 = tpu.memref_slice %arg6[%dma_wait3A_1327, %dma_wait3A_1328] : memref<10240x128xf32, #tpu.memory_space<vmem_shared>> -> memref<10240x128xf32, #tpu.memory_space<vmem_shared>>
      tpu.wait_indirect_dma semaphore(%arg16 : memref<!tpu.dma_semaphore, #tpu.memory_space<semaphore_mem>>) src(%arg9 : memref<80x128xf32, #tpu.memory_space<vmem>>) dst(%dma_wait3A_1329 : memref<10240x128xf32, #tpu.memory_space<vmem_shared>>)
      %dma_start3A_1330 = arith.constant 48 : i32
      %dma_start3A_1331 = arith.constant 0 : i32
      %dma_start3A_1332 = tpu.memref_slice %arg7[%dma_start3A_1330, %dma_start3A_1331] : memref<50x80xi32, #tpu.memory_space<vmem>> -> memref<1x80xi32, #tpu.memory_space<vmem>>
      %dma_start3A_1333 = tpu.memref_squeeze %dma_start3A_1332 : memref<1x80xi32, #tpu.memory_space<vmem>> -> memref<80xi32, #tpu.memory_space<vmem>>
      %dma_start3A_1334 = arith.constant 0 : i32
      %dma_start3A_1335 = arith.constant 0 : i32
      %dma_start3A_1336 = tpu.memref_slice %arg2[%dma_start3A_1334, %dma_start3A_1335] : memref<20000x128xf32, #tpu.memory_space<hbm>> -> memref<20000x128xf32, #tpu.memory_space<hbm>>
      tpu.enqueue_indirect_dma source(%dma_start3A_1336 : memref<20000x128xf32, #tpu.memory_space<hbm>>) target(%arg9 : memref<80x128xf32, #tpu.memory_space<vmem>>) offsets(%dma_start3A_1333 : memref<80xi32, #tpu.memory_space<vmem>>) semaphore(%arg13 : memref<!tpu.dma_semaphore, #tpu.memory_space<semaphore_mem>>)
      %dma_wait3A_1337 = arith.constant 46 : i32
      %dma_wait3A_1338 = arith.constant 0 : i32
      %dma_wait3A_1339 = tpu.memref_slice %arg7[%dma_wait3A_1337, %dma_wait3A_1338] : memref<50x80xi32, #tpu.memory_space<vmem>> -> memref<1x80xi32, #tpu.memory_space<vmem>>
      %dma_wait3A_1340 = tpu.memref_squeeze %dma_wait3A_1339 : memref<1x80xi32, #tpu.memory_space<vmem>> -> memref<80xi32, #tpu.memory_space<vmem>>
      %dma_wait3A_1341 = arith.constant 0 : i32
      %dma_wait3A_1342 = arith.constant 0 : i32
      %dma_wait3A_1343 = tpu.memref_slice %arg2[%dma_wait3A_1341, %dma_wait3A_1342] : memref<20000x128xf32, #tpu.memory_space<hbm>> -> memref<20000x128xf32, #tpu.memory_space<hbm>>
      tpu.wait_indirect_dma semaphore(%arg14 : memref<!tpu.dma_semaphore, #tpu.memory_space<semaphore_mem>>) src(%dma_wait3A_1343 : memref<20000x128xf32, #tpu.memory_space<hbm>>) dst(%arg10 : memref<80x128xf32, #tpu.memory_space<vmem>>)
      %dma_start3A_1344 = arith.constant 46 : i32
      %dma_start3A_1345 = arith.constant 0 : i32
      %dma_start3A_1346 = tpu.memref_slice %arg8[%dma_start3A_1344, %dma_start3A_1345] : memref<50x80xi32, #tpu.memory_space<vmem>> -> memref<1x80xi32, #tpu.memory_space<vmem>>
      %dma_start3A_1347 = tpu.memref_squeeze %dma_start3A_1346 : memref<1x80xi32, #tpu.memory_space<vmem>> -> memref<80xi32, #tpu.memory_space<vmem>>
      %dma_start3A_1348 = arith.constant 0 : i32
      %dma_start3A_1349 = arith.constant 0 : i32
      %dma_start3A_1350 = tpu.memref_slice %arg6[%dma_start3A_1348, %dma_start3A_1349] : memref<10240x128xf32, #tpu.memory_space<vmem_shared>> -> memref<10240x128xf32, #tpu.memory_space<vmem_shared>>
      tpu.enqueue_indirect_dma source(%arg10 : memref<80x128xf32, #tpu.memory_space<vmem>>) target(%dma_start3A_1350 : memref<10240x128xf32, #tpu.memory_space<vmem_shared>>) offsets(%dma_start3A_1347 : memref<80xi32, #tpu.memory_space<vmem>>) semaphore(%arg17 : memref<!tpu.dma_semaphore, #tpu.memory_space<semaphore_mem>>) {add = true}
      %dma_wait3A_1351 = arith.constant 46 : i32
      %dma_wait3A_1352 = arith.constant 0 : i32
      %dma_wait3A_1353 = tpu.memref_slice %arg8[%dma_wait3A_1351, %dma_wait3A_1352] : memref<50x80xi32, #tpu.memory_space<vmem>> -> memref<1x80xi32, #tpu.memory_space<vmem>>
      %dma_wait3A_1354 = tpu.memref_squeeze %dma_wait3A_1353 : memref<1x80xi32, #tpu.memory_space<vmem>> -> memref<80xi32, #tpu.memory_space<vmem>>
      %dma_wait3A_1355 = arith.constant 0 : i32
      %dma_wait3A_1356 = arith.constant 0 : i32
      %dma_wait3A_1357 = tpu.memref_slice %arg6[%dma_wait3A_1355, %dma_wait3A_1356] : memref<10240x128xf32, #tpu.memory_space<vmem_shared>> -> memref<10240x128xf32, #tpu.memory_space<vmem_shared>>
      tpu.wait_indirect_dma semaphore(%arg17 : memref<!tpu.dma_semaphore, #tpu.memory_space<semaphore_mem>>) src(%arg10 : memref<80x128xf32, #tpu.memory_space<vmem>>) dst(%dma_wait3A_1357 : memref<10240x128xf32, #tpu.memory_space<vmem_shared>>)
      %dma_start3A_1358 = arith.constant 49 : i32
      %dma_start3A_1359 = arith.constant 0 : i32
      %dma_start3A_1360 = tpu.memref_slice %arg7[%dma_start3A_1358, %dma_start3A_1359] : memref<50x80xi32, #tpu.memory_space<vmem>> -> memref<1x80xi32, #tpu.memory_space<vmem>>
      %dma_start3A_1361 = tpu.memref_squeeze %dma_start3A_1360 : memref<1x80xi32, #tpu.memory_space<vmem>> -> memref<80xi32, #tpu.memory_space<vmem>>
      %dma_start3A_1362 = arith.constant 0 : i32
      %dma_start3A_1363 = arith.constant 0 : i32
      %dma_start3A_1364 = tpu.memref_slice %arg2[%dma_start3A_1362, %dma_start3A_1363] : memref<20000x128xf32, #tpu.memory_space<hbm>> -> memref<20000x128xf32, #tpu.memory_space<hbm>>
      tpu.enqueue_indirect_dma source(%dma_start3A_1364 : memref<20000x128xf32, #tpu.memory_space<hbm>>) target(%arg10 : memref<80x128xf32, #tpu.memory_space<vmem>>) offsets(%dma_start3A_1361 : memref<80xi32, #tpu.memory_space<vmem>>) semaphore(%arg14 : memref<!tpu.dma_semaphore, #tpu.memory_space<semaphore_mem>>)
      %dma_wait3A_1365 = arith.constant 47 : i32
      %dma_wait3A_1366 = arith.constant 0 : i32
      %dma_wait3A_1367 = tpu.memref_slice %arg7[%dma_wait3A_1365, %dma_wait3A_1366] : memref<50x80xi32, #tpu.memory_space<vmem>> -> memref<1x80xi32, #tpu.memory_space<vmem>>
      %dma_wait3A_1368 = tpu.memref_squeeze %dma_wait3A_1367 : memref<1x80xi32, #tpu.memory_space<vmem>> -> memref<80xi32, #tpu.memory_space<vmem>>
      %dma_wait3A_1369 = arith.constant 0 : i32
      %dma_wait3A_1370 = arith.constant 0 : i32
      %dma_wait3A_1371 = tpu.memref_slice %arg2[%dma_wait3A_1369, %dma_wait3A_1370] : memref<20000x128xf32, #tpu.memory_space<hbm>> -> memref<20000x128xf32, #tpu.memory_space<hbm>>
      tpu.wait_indirect_dma semaphore(%arg15 : memref<!tpu.dma_semaphore, #tpu.memory_space<semaphore_mem>>) src(%dma_wait3A_1371 : memref<20000x128xf32, #tpu.memory_space<hbm>>) dst(%arg11 : memref<80x128xf32, #tpu.memory_space<vmem>>)
      %dma_start3A_1372 = arith.constant 47 : i32
      %dma_start3A_1373 = arith.constant 0 : i32
      %dma_start3A_1374 = tpu.memref_slice %arg8[%dma_start3A_1372, %dma_start3A_1373] : memref<50x80xi32, #tpu.memory_space<vmem>> -> memref<1x80xi32, #tpu.memory_space<vmem>>
      %dma_start3A_1375 = tpu.memref_squeeze %dma_start3A_1374 : memref<1x80xi32, #tpu.memory_space<vmem>> -> memref<80xi32, #tpu.memory_space<vmem>>
      %dma_start3A_1376 = arith.constant 0 : i32
      %dma_start3A_1377 = arith.constant 0 : i32
      %dma_start3A_1378 = tpu.memref_slice %arg6[%dma_start3A_1376, %dma_start3A_1377] : memref<10240x128xf32, #tpu.memory_space<vmem_shared>> -> memref<10240x128xf32, #tpu.memory_space<vmem_shared>>
      tpu.enqueue_indirect_dma source(%arg11 : memref<80x128xf32, #tpu.memory_space<vmem>>) target(%dma_start3A_1378 : memref<10240x128xf32, #tpu.memory_space<vmem_shared>>) offsets(%dma_start3A_1375 : memref<80xi32, #tpu.memory_space<vmem>>) semaphore(%arg18 : memref<!tpu.dma_semaphore, #tpu.memory_space<semaphore_mem>>) {add = true}
      %dma_wait3A_1379 = arith.constant 48 : i32
      %dma_wait3A_1380 = arith.constant 0 : i32
      %dma_wait3A_1381 = tpu.memref_slice %arg7[%dma_wait3A_1379, %dma_wait3A_1380] : memref<50x80xi32, #tpu.memory_space<vmem>> -> memref<1x80xi32, #tpu.memory_space<vmem>>
      %dma_wait3A_1382 = tpu.memref_squeeze %dma_wait3A_1381 : memref<1x80xi32, #tpu.memory_space<vmem>> -> memref<80xi32, #tpu.memory_space<vmem>>
      %dma_wait3A_1383 = arith.constant 0 : i32
      %dma_wait3A_1384 = arith.constant 0 : i32
      %dma_wait3A_1385 = tpu.memref_slice %arg2[%dma_wait3A_1383, %dma_wait3A_1384] : memref<20000x128xf32, #tpu.memory_space<hbm>> -> memref<20000x128xf32, #tpu.memory_space<hbm>>
      tpu.wait_indirect_dma semaphore(%arg13 : memref<!tpu.dma_semaphore, #tpu.memory_space<semaphore_mem>>) src(%dma_wait3A_1385 : memref<20000x128xf32, #tpu.memory_space<hbm>>) dst(%arg9 : memref<80x128xf32, #tpu.memory_space<vmem>>)
      %dma_start3A_1386 = arith.constant 48 : i32
      %dma_start3A_1387 = arith.constant 0 : i32
      %dma_start3A_1388 = tpu.memref_slice %arg8[%dma_start3A_1386, %dma_start3A_1387] : memref<50x80xi32, #tpu.memory_space<vmem>> -> memref<1x80xi32, #tpu.memory_space<vmem>>
      %dma_start3A_1389 = tpu.memref_squeeze %dma_start3A_1388 : memref<1x80xi32, #tpu.memory_space<vmem>> -> memref<80xi32, #tpu.memory_space<vmem>>
      %dma_start3A_1390 = arith.constant 0 : i32
      %dma_start3A_1391 = arith.constant 0 : i32
      %dma_start3A_1392 = tpu.memref_slice %arg6[%dma_start3A_1390, %dma_start3A_1391] : memref<10240x128xf32, #tpu.memory_space<vmem_shared>> -> memref<10240x128xf32, #tpu.memory_space<vmem_shared>>
      tpu.enqueue_indirect_dma source(%arg9 : memref<80x128xf32, #tpu.memory_space<vmem>>) target(%dma_start3A_1392 : memref<10240x128xf32, #tpu.memory_space<vmem_shared>>) offsets(%dma_start3A_1389 : memref<80xi32, #tpu.memory_space<vmem>>) semaphore(%arg16 : memref<!tpu.dma_semaphore, #tpu.memory_space<semaphore_mem>>) {add = true}
      %dma_wait3A_1393 = arith.constant 49 : i32
      %dma_wait3A_1394 = arith.constant 0 : i32
      %dma_wait3A_1395 = tpu.memref_slice %arg7[%dma_wait3A_1393, %dma_wait3A_1394] : memref<50x80xi32, #tpu.memory_space<vmem>> -> memref<1x80xi32, #tpu.memory_space<vmem>>
      %dma_wait3A_1396 = tpu.memref_squeeze %dma_wait3A_1395 : memref<1x80xi32, #tpu.memory_space<vmem>> -> memref<80xi32, #tpu.memory_space<vmem>>
      %dma_wait3A_1397 = arith.constant 0 : i32
      %dma_wait3A_1398 = arith.constant 0 : i32
      %dma_wait3A_1399 = tpu.memref_slice %arg2[%dma_wait3A_1397, %dma_wait3A_1398] : memref<20000x128xf32, #tpu.memory_space<hbm>> -> memref<20000x128xf32, #tpu.memory_space<hbm>>
      tpu.wait_indirect_dma semaphore(%arg14 : memref<!tpu.dma_semaphore, #tpu.memory_space<semaphore_mem>>) src(%dma_wait3A_1399 : memref<20000x128xf32, #tpu.memory_space<hbm>>) dst(%arg10 : memref<80x128xf32, #tpu.memory_space<vmem>>)
      %dma_start3A_1400 = arith.constant 49 : i32
      %dma_start3A_1401 = arith.constant 0 : i32
      %dma_start3A_1402 = tpu.memref_slice %arg8[%dma_start3A_1400, %dma_start3A_1401] : memref<50x80xi32, #tpu.memory_space<vmem>> -> memref<1x80xi32, #tpu.memory_space<vmem>>
      %dma_start3A_1403 = tpu.memref_squeeze %dma_start3A_1402 : memref<1x80xi32, #tpu.memory_space<vmem>> -> memref<80xi32, #tpu.memory_space<vmem>>
      %dma_start3A_1404 = arith.constant 0 : i32
      %dma_start3A_1405 = arith.constant 0 : i32
      %dma_start3A_1406 = tpu.memref_slice %arg6[%dma_start3A_1404, %dma_start3A_1405] : memref<10240x128xf32, #tpu.memory_space<vmem_shared>> -> memref<10240x128xf32, #tpu.memory_space<vmem_shared>>
      tpu.enqueue_indirect_dma source(%arg10 : memref<80x128xf32, #tpu.memory_space<vmem>>) target(%dma_start3A_1406 : memref<10240x128xf32, #tpu.memory_space<vmem_shared>>) offsets(%dma_start3A_1403 : memref<80xi32, #tpu.memory_space<vmem>>) semaphore(%arg17 : memref<!tpu.dma_semaphore, #tpu.memory_space<semaphore_mem>>) {add = true}
      %dma_wait3A_1407 = arith.constant 47 : i32
      %dma_wait3A_1408 = arith.constant 0 : i32
      %dma_wait3A_1409 = tpu.memref_slice %arg8[%dma_wait3A_1407, %dma_wait3A_1408] : memref<50x80xi32, #tpu.memory_space<vmem>> -> memref<1x80xi32, #tpu.memory_space<vmem>>
      %dma_wait3A_1410 = tpu.memref_squeeze %dma_wait3A_1409 : memref<1x80xi32, #tpu.memory_space<vmem>> -> memref<80xi32, #tpu.memory_space<vmem>>
      %dma_wait3A_1411 = arith.constant 0 : i32
      %dma_wait3A_1412 = arith.constant 0 : i32
      %dma_wait3A_1413 = tpu.memref_slice %arg6[%dma_wait3A_1411, %dma_wait3A_1412] : memref<10240x128xf32, #tpu.memory_space<vmem_shared>> -> memref<10240x128xf32, #tpu.memory_space<vmem_shared>>
      tpu.wait_indirect_dma semaphore(%arg18 : memref<!tpu.dma_semaphore, #tpu.memory_space<semaphore_mem>>) src(%arg11 : memref<80x128xf32, #tpu.memory_space<vmem>>) dst(%dma_wait3A_1413 : memref<10240x128xf32, #tpu.memory_space<vmem_shared>>)
      %dma_wait3A_1414 = arith.constant 48 : i32
      %dma_wait3A_1415 = arith.constant 0 : i32
      %dma_wait3A_1416 = tpu.memref_slice %arg8[%dma_wait3A_1414, %dma_wait3A_1415] : memref<50x80xi32, #tpu.memory_space<vmem>> -> memref<1x80xi32, #tpu.memory_space<vmem>>
      %dma_wait3A_1417 = tpu.memref_squeeze %dma_wait3A_1416 : memref<1x80xi32, #tpu.memory_space<vmem>> -> memref<80xi32, #tpu.memory_space<vmem>>
      %dma_wait3A_1418 = arith.constant 0 : i32
      %dma_wait3A_1419 = arith.constant 0 : i32
      %dma_wait3A_1420 = tpu.memref_slice %arg6[%dma_wait3A_1418, %dma_wait3A_1419] : memref<10240x128xf32, #tpu.memory_space<vmem_shared>> -> memref<10240x128xf32, #tpu.memory_space<vmem_shared>>
      tpu.wait_indirect_dma semaphore(%arg16 : memref<!tpu.dma_semaphore, #tpu.memory_space<semaphore_mem>>) src(%arg9 : memref<80x128xf32, #tpu.memory_space<vmem>>) dst(%dma_wait3A_1420 : memref<10240x128xf32, #tpu.memory_space<vmem_shared>>)
      %dma_wait3A_1421 = arith.constant 49 : i32
      %dma_wait3A_1422 = arith.constant 0 : i32
      %dma_wait3A_1423 = tpu.memref_slice %arg8[%dma_wait3A_1421, %dma_wait3A_1422] : memref<50x80xi32, #tpu.memory_space<vmem>> -> memref<1x80xi32, #tpu.memory_space<vmem>>
      %dma_wait3A_1424 = tpu.memref_squeeze %dma_wait3A_1423 : memref<1x80xi32, #tpu.memory_space<vmem>> -> memref<80xi32, #tpu.memory_space<vmem>>
      %dma_wait3A_1425 = arith.constant 0 : i32
      %dma_wait3A_1426 = arith.constant 0 : i32
      %dma_wait3A_1427 = tpu.memref_slice %arg6[%dma_wait3A_1425, %dma_wait3A_1426] : memref<10240x128xf32, #tpu.memory_space<vmem_shared>> -> memref<10240x128xf32, #tpu.memory_space<vmem_shared>>
      tpu.wait_indirect_dma semaphore(%arg17 : memref<!tpu.dma_semaphore, #tpu.memory_space<semaphore_mem>>) src(%arg10 : memref<80x128xf32, #tpu.memory_space<vmem>>) dst(%dma_wait3A_1427 : memref<10240x128xf32, #tpu.memory_space<vmem_shared>>)
      %scan3A_1428 = arith.constant 0 : i32
      scf.yield %scan3A_1428 : i32
    }
    %scan3A_19 = arith.constant 5 : i32
    %barrier3A_20 = arith.constant 0 : index
    tpu.barrier barrier_id(%barrier3A_20)
    %mul3A = arith.constant 640 : i32
    %mul3A_21 = arith.muli %arg1, %mul3A : i32
    %mul3A_22 = arith.constant 640 : i32
    %mul3A_23 = arith.muli %arg1, %mul3A_22 : i32
    "tpu.region"() ({
      %run_scoped3A = tpu.sem_alloc : memref<!tpu.dma_semaphore, #tpu.memory_space<semaphore_mem>>
      %dma_start3A = arith.constant 0 : i32
      %dma_start3A_24 = tpu.memref_slice %arg5[%arg0, %mul3A_23, %dma_start3A] : memref<2x10240x128xf32, #tpu.memory_space<hbm>> -> memref<1x640x128xf32, #tpu.memory_space<hbm>>
      %dma_start3A_25 = tpu.memref_squeeze %dma_start3A_24 : memref<1x640x128xf32, #tpu.memory_space<hbm>> -> memref<640x128xf32, #tpu.memory_space<hbm>>
      %dma_start3A_26 = arith.constant 0 : i32
      %dma_start3A_27 = tpu.memref_slice %arg6[%mul3A_21, %dma_start3A_26] : memref<10240x128xf32, #tpu.memory_space<vmem_shared>> -> memref<640x128xf32, #tpu.memory_space<vmem_shared>>
      tpu.enqueue_dma source(%dma_start3A_27 : memref<640x128xf32, #tpu.memory_space<vmem_shared>>) target(%dma_start3A_25 : memref<640x128xf32, #tpu.memory_space<hbm>>) target_semaphore(%run_scoped3A : memref<!tpu.dma_semaphore, #tpu.memory_space<semaphore_mem>>)
      %dma_wait3A = arith.constant 0 : i32
      %dma_wait3A_28 = tpu.memref_slice %arg5[%arg0, %mul3A_23, %dma_wait3A] : memref<2x10240x128xf32, #tpu.memory_space<hbm>> -> memref<1x640x128xf32, #tpu.memory_space<hbm>>
      %dma_wait3A_29 = tpu.memref_squeeze %dma_wait3A_28 : memref<1x640x128xf32, #tpu.memory_space<hbm>> -> memref<640x128xf32, #tpu.memory_space<hbm>>
      %dma_wait3A_30 = arith.constant 0 : i32
      %dma_wait3A_31 = tpu.memref_slice %arg6[%mul3A_21, %dma_wait3A_30] : memref<10240x128xf32, #tpu.memory_space<vmem_shared>> -> memref<640x128xf32, #tpu.memory_space<vmem_shared>>
      tpu.wait_dma2 semaphore(%run_scoped3A : memref<!tpu.dma_semaphore, #tpu.memory_space<semaphore_mem>>) src(%dma_wait3A_31 : memref<640x128xf32, #tpu.memory_space<vmem_shared>>) dst(%dma_wait3A_29 : memref<640x128xf32, #tpu.memory_space<hbm>>)
      tpu.yield
    }) : () -> ()
    return
  }
}

module attributes {stable_mosaic.version = 14 : i64} {
  func.func @_prep_body(%arg0: memref<2x16x10240xf32, #tpu.memory_space<vmem>>, %arg1: memref<10000x128xf32, #tpu.memory_space<vmem>>, %arg2: memref<20000x128xf32, #tpu.memory_space<vmem>>, %arg3: memref<10000x8xf32, #tpu.memory_space<vmem>>) attributes {dimension_semantics = [], scalar_prefetch = 0 : i64, scratch_operands = 0 : i64, tpu.core_type = #tpu.core_type<tc>} {
    %get3A = arith.constant 0 : index
    %get3A_0 = arith.constant 0 : index
    %get3A_1 = arith.constant 0 : index
    %get3A_2 = vector.load %arg0[%get3A, %get3A_0, %get3A_1] : memref<2x16x10240xf32, #tpu.memory_space<vmem>>, vector<2x16x10240xf32>
    %reduce_sum3A = arith.constant dense<0.000000e+00> : vector<2x10240xf32>
    %reduce_sum3A_3 = vector.multi_reduction <add>, %get3A_2, %reduce_sum3A [1] : vector<2x16x10240xf32> to vector<2x10240xf32>
    %slice3A = vector.extract_strided_slice %reduce_sum3A_3 {offsets = [0, 0], sizes = [1, 10000], strides = [1, 1]} : vector<2x10240xf32> to vector<1x10000xf32>
    %squeeze3A = vector.shape_cast %slice3A : vector<1x10000xf32> to vector<10000xf32>
    %slice3A_4 = vector.extract_strided_slice %reduce_sum3A_3 {offsets = [1, 0], sizes = [1, 10000], strides = [1, 1]} : vector<2x10240xf32> to vector<1x10000xf32>
    %squeeze3A_5 = vector.shape_cast %slice3A_4 : vector<1x10000xf32> to vector<10000xf32>
    %ne3A = arith.constant 0.000000e+00 : f32
    %ne3A_6 = vector.broadcast %ne3A : f32 to vector<10000xf32>
    %ne3A_7 = arith.cmpf one, %squeeze3A, %ne3A_6 : vector<10000xf32>
    %div3A = arith.constant 1.000000e+00 : f32
    %div3A_8 = vector.broadcast %div3A : f32 to vector<10000xf32>
    %div3A_9 = arith.divf %div3A_8, %squeeze3A : vector<10000xf32>
    %jit3A = arith.constant 0.000000e+00 : f32
    %broadcast_in_dim3A = vector.broadcast %jit3A : f32 to vector<10000xf32>
    %select_n3A = arith.select %ne3A_7, %div3A_9, %broadcast_in_dim3A : vector<10000xi1>, vector<10000xf32>
    %ne3A_10 = arith.constant 0.000000e+00 : f32
    %ne3A_11 = vector.broadcast %ne3A_10 : f32 to vector<10000xf32>
    %ne3A_12 = arith.cmpf one, %squeeze3A_5, %ne3A_11 : vector<10000xf32>
    %div3A_13 = arith.constant 1.000000e+00 : f32
    %div3A_14 = vector.broadcast %div3A_13 : f32 to vector<10000xf32>
    %div3A_15 = arith.divf %div3A_14, %squeeze3A_5 : vector<10000xf32>
    %jit3A_16 = arith.constant 0.000000e+00 : f32
    %broadcast_in_dim3A_17 = vector.broadcast %jit3A_16 : f32 to vector<10000xf32>
    %select_n3A_18 = arith.select %ne3A_12, %div3A_15, %broadcast_in_dim3A_17 : vector<10000xi1>, vector<10000xf32>
    %get3A_19 = arith.constant 0 : index
    %get3A_20 = arith.constant 0 : index
    %get3A_21 = vector.load %arg1[%get3A_19, %get3A_20] : memref<10000x128xf32, #tpu.memory_space<vmem>>, vector<10000x128xf32>
    %broadcast_in_dim3A_22 = vector.shape_cast %select_n3A : vector<10000xf32> to vector<10000x1xf32>
    %mul3A = vector.broadcast %broadcast_in_dim3A_22 : vector<10000x1xf32> to vector<10000x128xf32>
    %mul3A_23 = arith.mulf %get3A_21, %mul3A : vector<10000x128xf32>
    %swap3A = arith.constant 0 : index
    %swap3A_24 = arith.constant 0 : index
    %swap3A_25 = vector.load %arg2[%swap3A, %swap3A_24] : memref<20000x128xf32, #tpu.memory_space<vmem>>, vector<10000x128xf32>
    tpu.vector_store %arg2[%swap3A, %swap3A_24], %mul3A_23 {strides = array<i32>} : memref<20000x128xf32, #tpu.memory_space<vmem>>, vector<10000x128xf32>,
    %swap3A_26 = arith.constant 10000 : index
    %swap3A_27 = arith.constant 0 : index
    %swap3A_28 = vector.load %arg2[%swap3A_26, %swap3A_27] : memref<20000x128xf32, #tpu.memory_space<vmem>>, vector<10000x128xf32>
    tpu.vector_store %arg2[%swap3A_26, %swap3A_27], %get3A_21 {strides = array<i32>} : memref<20000x128xf32, #tpu.memory_space<vmem>>, vector<10000x128xf32>,
    %broadcast_in_dim3A_29 = vector.shape_cast %select_n3A_18 : vector<10000xf32> to vector<10000x1xf32>
    %broadcast_in_dim3A_30 = vector.shape_cast %broadcast_in_dim3A_29 : vector<10000x1xf32> to vector<10000x1xf32>
    %broadcast_in_dim3A_31 = vector.broadcast %broadcast_in_dim3A_30 : vector<10000x1xf32> to vector<10000x8xf32>
    %swap3A_32 = arith.constant 0 : index
    %swap3A_33 = arith.constant 0 : index
    %swap3A_34 = vector.load %arg3[%swap3A_32, %swap3A_33] : memref<10000x8xf32, #tpu.memory_space<vmem>>, vector<10000x8xf32>
    tpu.vector_store %arg3[%swap3A_32, %swap3A_33], %broadcast_in_dim3A_31 {strides = array<i32>} : memref<10000x8xf32, #tpu.memory_space<vmem>>, vector<10000x8xf32>,
    return
  }
}

module attributes {stable_mosaic.version = 14 : i64} {
  func.func @_mm_body(%arg0: i32, %arg1: memref<2000x128xf32, #tpu.memory_space<vmem>>, %arg2: memref<1x2000x128xf32, #tpu.memory_space<vmem>>, %arg3: memref<1x2000x128xf32, #tpu.memory_space<vmem>>, %arg4: memref<2000x8xf32, #tpu.memory_space<vmem>>, %arg5: memref<8x128x128xf32, #tpu.memory_space<vmem>>, %arg6: memref<2x128xf32, #tpu.memory_space<vmem>>, %arg7: memref<128x128xf32, #tpu.memory_space<vmem>>, %arg8: memref<1x128xf32, #tpu.memory_space<vmem>>, %arg9: memref<2000x128xf32, #tpu.memory_space<vmem>>) attributes {dimension_semantics = [#tpu.dimension_semantics<arbitrary>], iteration_bounds = array<i64: 5>, scalar_prefetch = 0 : i64, scratch_operands = 0 : i64, tpu.core_type = #tpu.core_type<tc>, window_params = [{transform_indices = @transform_0, window_bounds = array<i64: 2000, 128>}, {transform_indices = @transform_1, window_bounds = array<i64: 1, 2000, 128>}, {transform_indices = @transform_2, window_bounds = array<i64: 1, 2000, 128>}, {transform_indices = @transform_3, window_bounds = array<i64: 2000, 8>}, {pipeline_mode = #tpu.pipeline_mode<synchronous>, transform_indices = @transform_4, window_bounds = array<i64: 8, 128, 128>}, {pipeline_mode = #tpu.pipeline_mode<synchronous>, transform_indices = @transform_5, window_bounds = array<i64: 2, 128>}, {pipeline_mode = #tpu.pipeline_mode<synchronous>, transform_indices = @transform_6, window_bounds = array<i64: 128, 128>}, {pipeline_mode = #tpu.pipeline_mode<synchronous>, transform_indices = @transform_7, window_bounds = array<i64: 1, 128>}, {transform_indices = @transform_8, window_bounds = array<i64: 2000, 128>}]} {
    %get3A = arith.constant 0 : index
    %get3A_0 = arith.constant 0 : index
    %get3A_1 = vector.load %arg1[%get3A, %get3A_0] : memref<2000x128xf32, #tpu.memory_space<vmem>>, vector<2000x128xf32>
    %get3A_2 = arith.constant 0 : index
    %get3A_3 = arith.constant 0 : index
    %get3A_4 = arith.constant 0 : index
    %get3A_5 = vector.load %arg2[%get3A_2, %get3A_3, %get3A_4] : memref<1x2000x128xf32, #tpu.memory_space<vmem>>, vector<1x2000x128xf32>
    %get3A_6 = vector.shape_cast %get3A_5 : vector<1x2000x128xf32> to vector<2000x128xf32>
    %get3A_7 = arith.constant 0 : index
    %get3A_8 = arith.constant 0 : index
    %get3A_9 = arith.constant 0 : index
    %get3A_10 = vector.load %arg3[%get3A_7, %get3A_8, %get3A_9] : memref<1x2000x128xf32, #tpu.memory_space<vmem>>, vector<1x2000x128xf32>
    %get3A_11 = vector.shape_cast %get3A_10 : vector<1x2000x128xf32> to vector<2000x128xf32>
    %get3A_12 = arith.constant 0 : index
    %get3A_13 = arith.constant 0 : index
    %get3A_14 = vector.load %arg4[%get3A_12, %get3A_13] : memref<2000x8xf32, #tpu.memory_space<vmem>>, vector<2000x1xf32>
    %mul3A = vector.broadcast %get3A_14 : vector<2000x1xf32> to vector<2000x128xf32>
    %mul3A_15 = arith.mulf %get3A_11, %mul3A : vector<2000x128xf32>
    %get3A_16 = arith.constant 0 : index
    %get3A_17 = arith.constant 0 : index
    %get3A_18 = arith.constant 0 : index
    %get3A_19 = vector.load %arg5[%get3A_16, %get3A_17, %get3A_18] : memref<8x128x128xf32, #tpu.memory_space<vmem>>, vector<8x128x128xf32>
    %slice3A = vector.extract_strided_slice %get3A_19 {offsets = [0, 0, 0], sizes = [1, 128, 128], strides = [1, 1, 1]} : vector<8x128x128xf32> to vector<1x128x128xf32>
    %squeeze3A = vector.shape_cast %slice3A : vector<1x128x128xf32> to vector<128x128xf32>
    %slice3A_20 = vector.extract_strided_slice %get3A_19 {offsets = [1, 0, 0], sizes = [1, 128, 128], strides = [1, 1, 1]} : vector<8x128x128xf32> to vector<1x128x128xf32>
    %squeeze3A_21 = vector.shape_cast %slice3A_20 : vector<1x128x128xf32> to vector<128x128xf32>
    %add3A = arith.addf %squeeze3A, %squeeze3A_21 : vector<128x128xf32>
    %dot_general3A = arith.constant dense<0.000000e+00> : vector<2000x128xf32>
    %dot_general3A_22 = tpu.matmul %get3A_1, %add3A, %dot_general3A {dimension_numbers = #tpu.dot_dimension_numbers<[1], [0], [0], [1], [0, 0, 1, 1], [], []>, transpose_lhs_hint = false} : vector<2000x128xf32>, vector<128x128xf32>, vector<2000x128xf32> -> vector<2000x128xf32>
    %slice3A_23 = vector.extract_strided_slice %get3A_19 {offsets = [2, 0, 0], sizes = [1, 128, 128], strides = [1, 1, 1]} : vector<8x128x128xf32> to vector<1x128x128xf32>
    %squeeze3A_24 = vector.shape_cast %slice3A_23 : vector<1x128x128xf32> to vector<128x128xf32>
    %dot_general3A_25 = arith.constant dense<0.000000e+00> : vector<2000x128xf32>
    %dot_general3A_26 = tpu.matmul %get3A_6, %squeeze3A_24, %dot_general3A_25 {dimension_numbers = #tpu.dot_dimension_numbers<[1], [0], [0], [1], [0, 0, 1, 1], [], []>, transpose_lhs_hint = false} : vector<2000x128xf32>, vector<128x128xf32>, vector<2000x128xf32> -> vector<2000x128xf32>
    %add3A_27 = arith.addf %dot_general3A_22, %dot_general3A_26 : vector<2000x128xf32>
    %slice3A_28 = vector.extract_strided_slice %get3A_19 {offsets = [3, 0, 0], sizes = [1, 128, 128], strides = [1, 1, 1]} : vector<8x128x128xf32> to vector<1x128x128xf32>
    %squeeze3A_29 = vector.shape_cast %slice3A_28 : vector<1x128x128xf32> to vector<128x128xf32>
    %dot_general3A_30 = arith.constant dense<0.000000e+00> : vector<2000x128xf32>
    %dot_general3A_31 = tpu.matmul %mul3A_15, %squeeze3A_29, %dot_general3A_30 {dimension_numbers = #tpu.dot_dimension_numbers<[1], [0], [0], [1], [0, 0, 1, 1], [], []>, transpose_lhs_hint = false} : vector<2000x128xf32>, vector<128x128xf32>, vector<2000x128xf32> -> vector<2000x128xf32>
    %add3A_32 = arith.addf %add3A_27, %dot_general3A_31 : vector<2000x128xf32>
    %get3A_33 = arith.constant 0 : index
    %get3A_34 = arith.constant 0 : index
    %get3A_35 = vector.load %arg6[%get3A_33, %get3A_34] : memref<2x128xf32, #tpu.memory_space<vmem>>, vector<1x128xf32>
    %get3A_36 = vector.shape_cast %get3A_35 : vector<1x128xf32> to vector<128xf32>
    %broadcast_in_dim3A = vector.shape_cast %get3A_36 : vector<128xf32> to vector<1x128xf32>
    %add3A_37 = vector.broadcast %broadcast_in_dim3A : vector<1x128xf32> to vector<2000x128xf32>
    %add3A_38 = arith.addf %add3A_32, %add3A_37 : vector<2000x128xf32>
    %slice3A_39 = vector.extract_strided_slice %get3A_19 {offsets = [4, 0, 0], sizes = [1, 128, 128], strides = [1, 1, 1]} : vector<8x128x128xf32> to vector<1x128x128xf32>
    %squeeze3A_40 = vector.shape_cast %slice3A_39 : vector<1x128x128xf32> to vector<128x128xf32>
    %slice3A_41 = vector.extract_strided_slice %get3A_19 {offsets = [5, 0, 0], sizes = [1, 128, 128], strides = [1, 1, 1]} : vector<8x128x128xf32> to vector<1x128x128xf32>
    %squeeze3A_42 = vector.shape_cast %slice3A_41 : vector<1x128x128xf32> to vector<128x128xf32>
    %add3A_43 = arith.addf %squeeze3A_40, %squeeze3A_42 : vector<128x128xf32>
    %dot_general3A_44 = arith.constant dense<0.000000e+00> : vector<2000x128xf32>
    %dot_general3A_45 = tpu.matmul %get3A_1, %add3A_43, %dot_general3A_44 {dimension_numbers = #tpu.dot_dimension_numbers<[1], [0], [0], [1], [0, 0, 1, 1], [], []>, transpose_lhs_hint = false} : vector<2000x128xf32>, vector<128x128xf32>, vector<2000x128xf32> -> vector<2000x128xf32>
    %slice3A_46 = vector.extract_strided_slice %get3A_19 {offsets = [6, 0, 0], sizes = [1, 128, 128], strides = [1, 1, 1]} : vector<8x128x128xf32> to vector<1x128x128xf32>
    %squeeze3A_47 = vector.shape_cast %slice3A_46 : vector<1x128x128xf32> to vector<128x128xf32>
    %dot_general3A_48 = arith.constant dense<0.000000e+00> : vector<2000x128xf32>
    %dot_general3A_49 = tpu.matmul %get3A_6, %squeeze3A_47, %dot_general3A_48 {dimension_numbers = #tpu.dot_dimension_numbers<[1], [0], [0], [1], [0, 0, 1, 1], [], []>, transpose_lhs_hint = false} : vector<2000x128xf32>, vector<128x128xf32>, vector<2000x128xf32> -> vector<2000x128xf32>
    %add3A_50 = arith.addf %dot_general3A_45, %dot_general3A_49 : vector<2000x128xf32>
    %slice3A_51 = vector.extract_strided_slice %get3A_19 {offsets = [7, 0, 0], sizes = [1, 128, 128], strides = [1, 1, 1]} : vector<8x128x128xf32> to vector<1x128x128xf32>
    %squeeze3A_52 = vector.shape_cast %slice3A_51 : vector<1x128x128xf32> to vector<128x128xf32>
    %dot_general3A_53 = arith.constant dense<0.000000e+00> : vector<2000x128xf32>
    %dot_general3A_54 = tpu.matmul %mul3A_15, %squeeze3A_52, %dot_general3A_53 {dimension_numbers = #tpu.dot_dimension_numbers<[1], [0], [0], [1], [0, 0, 1, 1], [], []>, transpose_lhs_hint = false} : vector<2000x128xf32>, vector<128x128xf32>, vector<2000x128xf32> -> vector<2000x128xf32>
    %add3A_55 = arith.addf %add3A_50, %dot_general3A_54 : vector<2000x128xf32>
    %get3A_56 = arith.constant 1 : index
    %get3A_57 = arith.constant 0 : index
    %get3A_58 = vector.load %arg6[%get3A_56, %get3A_57] : memref<2x128xf32, #tpu.memory_space<vmem>>, vector<1x128xf32>
    %get3A_59 = vector.shape_cast %get3A_58 : vector<1x128xf32> to vector<128xf32>
    %broadcast_in_dim3A_60 = vector.shape_cast %get3A_59 : vector<128xf32> to vector<1x128xf32>
    %add3A_61 = vector.broadcast %broadcast_in_dim3A_60 : vector<1x128xf32> to vector<2000x128xf32>
    %add3A_62 = arith.addf %add3A_55, %add3A_61 : vector<2000x128xf32>
    %logistic3A = arith.negf %add3A_38 : vector<2000x128xf32>
    %logistic3A_63 = math.exp %logistic3A : vector<2000x128xf32>
    %logistic3A_64 = arith.constant 1.000000e+00 : f32
    %logistic3A_65 = vector.broadcast %logistic3A_64 : f32 to vector<2000x128xf32>
    %logistic3A_66 = arith.addf %logistic3A_65, %logistic3A_63 : vector<2000x128xf32>
    %logistic3A_67 = arith.divf %logistic3A_65, %logistic3A_66 : vector<2000x128xf32>
    %sub3A = arith.constant 1.000000e+00 : f32
    %sub3A_68 = vector.broadcast %sub3A : f32 to vector<2000x128xf32>
    %sub3A_69 = arith.subf %sub3A_68, %logistic3A_67 : vector<2000x128xf32>
    %tanh3A = math.tanh %add3A_62 : vector<2000x128xf32>
    %mul3A_70 = arith.mulf %sub3A_69, %tanh3A : vector<2000x128xf32>
    %max3A = arith.constant 0.000000e+00 : f32
    %max3A_71 = vector.broadcast %max3A : f32 to vector<2000x128xf32>
    %max3A_72 = arith.maximumf %mul3A_70, %max3A_71 : vector<2000x128xf32>
    %get3A_73 = arith.constant 0 : index
    %get3A_74 = arith.constant 0 : index
    %get3A_75 = vector.load %arg7[%get3A_73, %get3A_74] : memref<128x128xf32, #tpu.memory_space<vmem>>, vector<128x128xf32>
    %dot_general3A_76 = arith.constant dense<0.000000e+00> : vector<2000x128xf32>
    %dot_general3A_77 = tpu.matmul %max3A_72, %get3A_75, %dot_general3A_76 {dimension_numbers = #tpu.dot_dimension_numbers<[1], [1], [0], [0], [0, 0, 1, 0], [], []>, transpose_lhs_hint = false} : vector<2000x128xf32>, vector<128x128xf32>, vector<2000x128xf32> -> vector<2000x128xf32>
    %get3A_78 = arith.constant 0 : index
    %get3A_79 = arith.constant 0 : index
    %get3A_80 = vector.load %arg8[%get3A_78, %get3A_79] : memref<1x128xf32, #tpu.memory_space<vmem>>, vector<1x128xf32>
    %get3A_81 = vector.shape_cast %get3A_80 : vector<1x128xf32> to vector<128xf32>
    %broadcast_in_dim3A_82 = vector.shape_cast %get3A_81 : vector<128xf32> to vector<1x128xf32>
    %add3A_83 = vector.broadcast %broadcast_in_dim3A_82 : vector<1x128xf32> to vector<2000x128xf32>
    %add3A_84 = arith.addf %dot_general3A_77, %add3A_83 : vector<2000x128xf32>
    %swap3A = arith.constant 0 : index
    %swap3A_85 = arith.constant 0 : index
    %swap3A_86 = vector.load %arg9[%swap3A, %swap3A_85] : memref<2000x128xf32, #tpu.memory_space<vmem>>, vector<2000x128xf32>
    tpu.vector_store %arg9[%swap3A, %swap3A_85], %add3A_84 {strides = array<i32>} : memref<2000x128xf32, #tpu.memory_space<vmem>>, vector<2000x128xf32>,
    return
  }
  func.func @transform_0(%arg0: i32) -> (i32, i32) {
    %c0_i32 = arith.constant 0 : i32
    %c0_i32_0 = arith.constant 0 : i32
    return %arg0, %c0_i32 : i32, i32
  }
  func.func @transform_1(%arg0: i32) -> (i32, i32, i32) {
    %c0_i32 = arith.constant 0 : i32
    %c0_i32_0 = arith.constant 0 : i32
    %c0_i32_1 = arith.constant 0 : i32
    return %c0_i32, %arg0, %c0_i32_0 : i32, i32, i32
  }
  func.func @transform_2(%arg0: i32) -> (i32, i32, i32) {
    %c1_i32 = arith.constant 1 : i32
    %c0_i32 = arith.constant 0 : i32
    %c0_i32_0 = arith.constant 0 : i32
    return %c1_i32, %arg0, %c0_i32 : i32, i32, i32
  }
  func.func @transform_3(%arg0: i32) -> (i32, i32) {
    %c0_i32 = arith.constant 0 : i32
    %c0_i32_0 = arith.constant 0 : i32
    return %arg0, %c0_i32 : i32, i32
  }
  func.func @transform_4(%arg0: i32) -> (i32, i32, i32) {
    %c0_i32 = arith.constant 0 : i32
    %c0_i32_0 = arith.constant 0 : i32
    %c0_i32_1 = arith.constant 0 : i32
    %c0_i32_2 = arith.constant 0 : i32
    return %c0_i32, %c0_i32_0, %c0_i32_1 : i32, i32, i32
  }
  func.func @transform_5(%arg0: i32) -> (i32, i32) {
    %c0_i32 = arith.constant 0 : i32
    %c0_i32_0 = arith.constant 0 : i32
    %c0_i32_1 = arith.constant 0 : i32
    return %c0_i32, %c0_i32_0 : i32, i32
  }
  func.func @transform_6(%arg0: i32) -> (i32, i32) {
    %c0_i32 = arith.constant 0 : i32
    %c0_i32_0 = arith.constant 0 : i32
    %c0_i32_1 = arith.constant 0 : i32
    return %c0_i32, %c0_i32_0 : i32, i32
  }
  func.func @transform_7(%arg0: i32) -> (i32, i32) {
    %c0_i32 = arith.constant 0 : i32
    %c0_i32_0 = arith.constant 0 : i32
    %c0_i32_1 = arith.constant 0 : i32
    return %c0_i32, %c0_i32_0 : i32, i32
  }
  func.func @transform_8(%arg0: i32) -> (i32, i32) {
    %c0_i32 = arith.constant 0 : i32
    %c0_i32_0 = arith.constant 0 : i32
    return %arg0, %c0_i32 : i32, i32
  }
}

</mosaic_0001>

<sc_bundles>
// kernel: kernel.6.cloned.1.call-start
scs
__scs_entry_jumppad:
0x0: {  	(pc) =	sbr.rel $0x88, $3  }
0x1: {  	(tag) =	ssettag $0x0;
	lr =	simm.s32 $0x1  }
0x2: {  	[smem:$0x3F98] =	sst lr;
	_ =	strace $0xD0000000  }
0x3: {  	_ = 	snop  }
0x4: {  	_ = 	snop  }
0x5: {  	_ = 	snop  }
0x6: {  	_ = 	snop  }
0x7: {  	_ = 	snop  }
__scs_overlays_trampoline_lowered:
0x8: {  	[smem:$0x3FA7] =	sst s0  }
0x9: {  	[smem:$0x3FA8] =	sst s1  }
0xa: {  	[smem:$0x3FA9] =	sst s2  }
0xb: {  	[smem:$0x3FAA] =	sst s3  }
0xc: {  	[smem:$0x3FAB] =	sst s4  }
0xd: {  	[smem:$0x3FAC] =	sst s5  }
0xe: {  	[smem:$0x3FAD] =	sst s6  }
0xf: {  	[smem:$0x3FAE] =	sst s7  }
0x10: {  	[smem:$0x3FAF] =	sst s8  }
0x11: {  	[smem:$0x3FB0] =	sst s9;
	s0 =	simm.s32 @!p0 $0x0  }
0x12: {  	s1 =	sld [smem:$0x3F96];
	s0 =	simm.s32 @p0 $0x1  }
0x13: {  	[smem:$0x3FB1] =	sst s0;
	s0 =	simm.s32 @!p1 $0x0  }
0x14: {  	s2 =	sld [smem:$0x3F95];
	s0 =	simm.s32 @p1 $0x1  }
0x15: {  	[smem:$0x3FB2] =	sst s0;
	s0 =	simm.s32 @!p2 $0x0  }
0x16: {  	s3 =	sld [smem:$0x3FDB];
	s0 =	simm.s32 @p2 $0x1  }
0x17: {  	s4 =	simm.s32 $0x1BF5;
	[smem:$0x3FB4] =	sst s0  }
0x18: {  	s0 =	sld [smem:$0x3F97];
	_ =	swait.ge [sflag:s4], $0x0  }
0x19: {  	s7 =	sld [smem:$0x3F98]  }
0x1a: {  	s8 =	sadd.s32 $0xFFFFE003, lr  }
0x1b: {  	s9 =	sadd.s32 $0xFFFFFEF7, lr;
	s5 =	simm.s32 $0xFFFFFFFF;
	p2 =	slt.u32 s8, $0xFFFFF086  }
0x1c: {  	p1 =	slt.u32 s9, $0xF7A;
	s5 =	simm.s32 @!p2 $0x0  }
0x1d: {  	s5 =	simm.s32 @p1 $0x1;
	p0 =	seq.s32 s7, s2  }
0x1e: {  	s7 =	smul.u32 @!p0 $0xF7A, s2;
	p2 =	seq.s32 @!p0 s5, $0x0  }
0x1f: {  	s9 =	smul.u32 $0xF7A, s1;
	s8 =	simm.s32 @!p0 $0x1BF5;
	p2 =	por !p2, p0  }
0x20: {  	[sflag:s8] =	ssyncset.s32 @!p0 $0xFFFFF086;
	s6 =	sadd.s32 @!p0 s3, s7;
	s7 =	simm.s32 @!p0 $0x108  }
0x21: {  	s3 =	sadd.s32 s3, s9;
	s6 =	sadd.s32 @!p0 $0x88, s6;
	s7 =	simm.s32 @p2 $0x1082  }
0x22: {  	[simem:s7], [sflag:s8] =	dma.local @!p0 [hbm:s6], $0xF7A  }
0x23: {  	s9 =	sor.u32 $0xD0000000, s2;
	s6 =	simm.s32 $0x108;
	_ =	swait.ge @!p0 [sflag:s8], $0x0  }
0x24: {  	s3 =	sadd.s32 $0x88, s3;
	s6 =	simm.s32 @!p1 $0x1082;
	[sflag:s4] =	ssyncset.s32 $0xFFFFF086  }
0x25: {  	[simem:s6], [sflag:s4] =	dma.local [hbm:s3], $0xF7A  }
0x26: {  	[smem:$0x3F98] =	sst s1;
	(tag) =	ssettag s2;
	_ =	strace s9  }
0x27: {  	s1 =	sld [smem:$0x3FA8]  }
0x28: {  	s2 =	sld [smem:$0x3FA9]  }
0x29: {  	s4 =	sld [smem:$0x3FAB]  }
0x2a: {  	p0 =	seq.s32 s5, $0x0;
	s5 =	sld [smem:$0x3FAC]  }
0x2b: {  	s6 =	sld [smem:$0x3FAD]  }
0x2c: {  	s7 =	sld [smem:$0x3FAE]  }
0x2d: {  	s3 =	simm.s32 $0x108;
	s8 =	sld [smem:$0x3FAF]  }
0x2e: {  	s3 =	simm.s32 @!p0 $0x1082;
	s9 =	sld [smem:$0x3FB0]  }
0x2f: {  	lr =	sadd.s32 s0, s3;
	s0 =	sld [smem:$0x3FA7]  }
0x30: {  	s3 =	sld [smem:$0x3FAA]  }
0x31: {  	[smem:$0x3FB3] =	sst s10  }
0x32: {  	s10 =	sld [smem:$0x3FB1];
	_ =	sdelay $0x3  }
0x33: {  	p0 =	seq.s32 s10, $0x1;
	s10 =	sld [smem:$0x3FB3];
	_ =	sdelay $0x3  }
0x34: {  	[smem:$0x3FB3] =	sst s10  }
0x35: {  	s10 =	sld [smem:$0x3FB2];
	_ =	sdelay $0x3  }
0x36: {  	p1 =	seq.s32 s10, $0x1;
	s10 =	sld [smem:$0x3FB3];
	_ =	sdelay $0x3  }
0x37: {  	[smem:$0x3FB3] =	sst s10  }
0x38: {  	s10 =	sld [smem:$0x3FB4]  }
0x39: {  	_ = 	snop;
	(pc) =	sbr.ind lr, $3  }
0x3a: {  	_ = 	snop  }
0x3b: {  	_ = 	snop  }
0x3c: {  	p2 =	seq.s32 s10, $0x1;
	s10 =	sld [smem:$0x3FB3]  }
0x3d: {  	_ =	shalt  }
0x3e: {  	_ =	shalt  }
0x3f: {  	_ =	shalt  }
0x40: {  	_ =	shalt  }
0x41: {  	_ =	shalt  }
0x42: {  	_ =	shalt  }
0x43: {  	_ =	shalt  }
0x44: {  	_ =	shalt  }
0x45: {  	_ =	shalt  }
0x46: {  	_ =	shalt  }
0x47: {  	_ =	shalt  }
0x48: {  	_ =	shalt  }
0x49: {  	_ =	shalt  }
0x4a: {  	_ =	shalt  }
0x4b: {  	_ =	shalt  }
0x4c: {  	_ =	shalt  }
0x4d: {  	_ =	shalt  }
0x4e: {  	_ =	shalt  }
0x4f: {  	_ =	shalt  }
0x50: {  	_ =	shalt  }
0x51: {  	_ =	shalt  }
0x52: {  	_ =	shalt  }
0x53: {  	_ =	shalt  }
0x54: {  	_ =	shalt  }
0x55: {  	_ =	shalt  }
0x56: {  	_ =	shalt  }
0x57: {  	_ =	shalt  }
0x58: {  	_ =	shalt  }
0x59: {  	_ =	shalt  }
0x5a: {  	_ =	shalt  }
0x5b: {  	_ =	shalt  }
0x5c: {  	_ =	shalt  }
0x5d: {  	_ =	shalt  }
0x5e: {  	_ =	shalt  }
0x5f: {  	_ =	shalt  }
0x60: {  	_ =	shalt  }
0x61: {  	_ =	shalt  }
0x62: {  	_ =	shalt  }
0x63: {  	_ =	shalt  }
0x64: {  	_ =	shalt  }
0x65: {  	_ =	shalt  }
0x66: {  	_ =	shalt  }
0x67: {  	_ =	shalt  }
0x68: {  	_ =	shalt  }
0x69: {  	_ =	shalt  }
0x6a: {  	_ =	shalt  }
0x6b: {  	_ =	shalt  }
0x6c: {  	_ =	shalt  }
0x6d: {  	_ =	shalt  }
0x6e: {  	_ =	shalt  }
0x6f: {  	_ =	shalt  }
0x70: {  	_ =	shalt  }
0x71: {  	_ =	shalt  }
0x72: {  	_ =	shalt  }
0x73: {  	_ =	shalt  }
0x74: {  	_ =	shalt  }
0x75: {  	_ =	shalt  }
0x76: {  	_ =	shalt  }
0x77: {  	_ =	shalt  }
0x78: {  	_ =	shalt  }
0x79: {  	_ =	shalt  }
0x7a: {  	_ =	shalt  }
0x7b: {  	_ =	shalt  }
0x7c: {  	_ =	shalt  }
0x7d: {  	_ =	shalt  }
0x7e: {  	_ =	shalt  }
0x7f: {  	_ =	shalt  }
0x80: {  	_ =	shalt  }
0x81: {  	_ =	shalt  }
0x82: {  	_ =	shalt  }
0x83: {  	_ =	shalt  }
0x84: {  	_ =	shalt  }
0x85: {  	_ =	shalt  }
0x86: {  	_ =	shalt  }
0x87: {  	_ =	shalt  }
.Lfunc_end0:
.L_simem_size_0:
called_computation_lowered:
.L_overlay_start_0:
0x88: {  	s2 =	sld [smem:$0x3FD9]  }
0x89: {  	s3 =	sld [smem:$0x3FFE];
	_ =	sdelay $0x1  }
0x8a: {  	s1 =	srdreg.scid  }
0x8b: {  	s0 =	sand.u32 $0x1, s1  }
0x8c: {  	s17 =	sshll.u32 s0, $0xA;
	s2 =	sadd.s32 s3, s2  }
0x8d: {  	s2 =	sadd.s32 s2, s17  }
0x8e: {  	[smem:$0x3FBF] =	sst s2  }
0x8f: {  	_ = 	snop  }
0x90: {  	s2 =	sld [smem:$0x3FC7]  }
0x91: {  	s18 =	sld [smem:$0x3FD0];
	(tm) =	ssettm $0x1  }
0x92: {  	s4 =	sld [smem:$0x3FFB];
	_ =	sdelay $0x3  }
0x93: {  	_ =	strace s4  }
0x94: {  	s4 =	sld [smem:$0x3FFC];
	_ =	sdelay $0x3  }
0x95: {  	_ =	strace s4  }
0x96: {  	s4 =	sld [smem:$0x3FFD];
	_ =	sdelay $0x3  }
0x97: {  	_ =	strace s4  }
0x98: {  	_ =	strace $0x8FFFFFFF  }
0x99: {  	s19 =	sld [smem:$0x3FDB];
	_ =	sdelay $0x1  }
0x9a: {  	s5 =	simm.s32 $_scs_section_size  }
0x9b: {  	s6 =	simm.s32 $_size__tile_overlayer_lowered;
	s7 =	simm.s32 $_tile_overlayer_lowered  }
0x9c: {  	s22 =	simm.s32 $0x1BFF;
	s21 =	sshll.u32 s7, $0x1;
	s4 =	sadd.s32 s5, s19  }
0x9d: {  	s8 =	simm.s32 $0x0;
	s20 =	sshll.u32 s6, $0x1;
	s6 =	sadd.s32 s21, s4  }
0x9e: {  	[timem:s8], [sflag:s22] =	dma.local [hbm:s6], s20  }
0x9f: {  	_ =	swait.ge [sflag:s22], s20  }
0xa0: {  	s5 =	ssub.s32 $0x0, s20;
	[sflag:s22] =	ssyncset.done $0x0  }
0xa1: {  	[sflag:s22] =	ssyncadd.s32 s5;
	_ =	sdelay $0x1  }
0xa2: {  	s23 =	simm.s32 $0x1B8B  }
0xa3: {  	_ =	swait.ge [sflag:s23], $0x1  }
0xa4: {  	[sflag:s23] =	ssyncset.done $0x0  }
0xa5: {  	s25 =	simm.s32 $0x1B8E;
	s24 =	sld [smem:$0x3FFE];
	[sflag:s23] =	ssyncadd.s32 $0xFFFFFFFF  }
0xa6: {  	s26 =	simm.s32 $execute0_lowered;
	[smem:$0x3FD2] =	sst s25  }
0xa7: {  	s6 =	sshll.u32 s26, $0x1;
	_ =	strace $0x80000046;
	[dreg:$0x1] =	wrdreg $0xFFFFFFFF  }
0xa8: {  	s28 =	simm.s32 $_size_execute0_lowered;
	s4 =	sadd.s32 s4, s6;
	[dreg:$0x0] =	wrdreg $0x0  }
0xa9: {  	s6 =	sshll.u32 s28, $0x1;
	[dreg:$0x2] =	wrdreg s4  }
0xaa: {  	[dreg:$0x3] =	wrdreg s6  }
0xab: {  	[dreg:$0x4] =	wrdreg $0xC0  }
0xac: {  	_ =	task [dreg:s8], $0x5FFFF  }
0xad: {  	[dreg:$0x1] =	wrdreg $0xFFFFFFFF  }
0xae: {  	[dreg:$0x0] =	wrdreg $0x60  }
0xaf: {  	[dreg:$0x2] =	wrdreg s18  }
0xb0: {  	[dreg:$0x3] =	wrdreg s2  }
0xb1: {  	[dreg:$0x4] =	wrdreg s24  }
0xb2: {  	[dreg:$0x5] =	wrdreg $0x9  }
0xb3: {  	_ =	task.clear_ibuf [dreg:s8], $0x6FFFF;
	_ =	strace $0x90000046  }
0xb4: {  	s29 =	simm.s32 $0x9;
	_ =	strace $0x80000048  }
0xb5: {  	_ =	swait.ge [sflag:s29], $0x1  }
0xb6: {  	[sflag:s29] =	ssyncadd.s32 $0xFFFFFFFF  }
0xb7: {  	_ =	strace $0x90000048  }
0xb8: {  	_ =	sfence  }
0xb9: {  	s30 =	sld [smem:$0x0];
	_ =	sdelay $0x2  }
0xba: {  	s31 =	sshll.u32 s1, $0xD;
	s1 =	sshrl.u32 s1, $0x2  }
0xbb: {  	s3 =	sand.u32 $0x4000, s31;
	s1 =	sadd.s32 s1, s30  }
0xbc: {  	s0 =	sor.u32 s3, s0;
	s1 =	sshll.u32 s1, $0x11  }
0xbd: {  	s0 =	sor.u32 s1, s0  }
0xbe: {  	s0 =	sadd.s32 $0x8F2B, s0  }
0xbf: {  	[sflag:s0] =	ssyncadd.remote.s32 $0x1  }
0xc0: {  	_ =	sfence.sel $0xFFFF  }
0xc1: {  	[dreg:$0x0] =	wrdreg $0xFFFFFFFF;
	(pc) =	sbr.abs _section_cstart, $3  }
0xc2: {  	[dreg:$0x1] =	wrdreg $0xFFFFFFFF  }
0xc3: {  	_ =	task.clear_ibuf [dreg:s8], $0x2FFFF;
	_ =	strace $0x9FFFFFFF  }
0xc4: {  	(tm) =	ssettm $0x7FFFFFFF  }
0xc5: {  	_ =	shalt  }
tec
execute0_lowered:
.L_overlay_start_1:
0x0: {  	(tag) =	ssettag $0x1  }
0x1: {  	s4 =	rddreg [dreg:$0x0]  }
0x2: {  	s0 =	srdreg.scid;
	s5 =	rddreg [dreg:$0x1]  }
0x3: {  	s6 =	rddreg [dreg:$0x2];
	s3 =	sand.u32 $0x1, s0;
	s0 =	stileid.u32  }
0x4: {  	s2 =	simm.s32 $0x0;
	s1 =	sshll.u32 s3, $0x4;
	s8 =	smul.u32 $0x4E20, s0  }
0x5: {  	s10 =	simm.s32 $0x0;
	s9 =	smul.u32 $0x4E200, s3;
	s1 =	sor.u32 s0, s1  }
0x6: {  	[smem:$0x7FF] =	sst s2;
	s3 =	ssub.s32 $0x2, s3;
	s7 =	smul.u32 $0x500, s1  }
0x7: {  	s31 =	sshrl.u32 s3, $0x1;
	s1 =	rddreg [dreg:$0x3];
	s30 =	sadd.s32 s8, s9  }
0x8: {  	_ =	strace $0x80000047;
	s6 =	sadd.s32 s7, s6;
	s7 =	sshrl.u32 s30, $0x3  }
0x9: {  	s8 =	sshrl.u32 s8, $0x3;
	s9 =	ssub.s32 s3, s31;
	s3 =	sadd.s32 s4, s7  }
0xa: {  	s4 =	sadd.s32 s5, s8;
	s5 =	sadd.s32 $0x1C00, s6;
	s6 =	smax.u32 s9, $0x1  }
0xb: {  	v0 =	vimm.f32 $0.0e+00;
	s7 =	simm.s32 $0x1;
	s8 =	simm.s32 $0x4E80;
	s9 =	simm.s32 $0x9D00  }
.LBB2_1:
0xc: {  	s11 =	simm.s32 $0x40;
	s12 =	simm.s32 $0x0  }
.LBB2_2:
0xd: {  	p0 =	sne.s32 s11, $0x9FC0;
	[tilespmem:s12+$0x9D00] =	vst v0;
	s12 =	smov.u32 s11;
	s11 =	sadd.s32 $0x40, s11  }
.Ltmp0:
0xe: {  	(pc) =	sbr.rel @p0 .LBB2_2-.Ltmp0, $2  }
0xf: {  	_ =	sdelay $0x2  }
0x10: {  	s12 =	sshra.s32 s12, $0x2  }
0x11: {  	[tilespmem:s12+$0x9D00] =	vst v0;
	s11 =	simm.s32 $0x0  }
0x12: {  	[tilespmem:s11], [sflag:$0x1] =	stream.linear.gather [hbm4b:s3+s11], $0x4E20, $0x38;
	[tilespmem:$0xC500] =	vst v63  }
0x13: {  	_ =	swait.ge [sflag:s7], $0x4E20  }
0x14: {  	[sflag:s7] =	ssyncset.done $0x0  }
0x15: {  	[sflag:s7] =	ssyncadd.s32 $0xFFFFB1E0  }
0x16: {  	[tilespmem:s8], [sflag:$0x1] =	stream.linear.gather [hbm4b:s4+s11], $0x4E20, $0x38;
	[tilespmem:$0xC500] =	vst v63  }
0x17: {  	_ =	swait.ge [sflag:s7], $0x4E20  }
0x18: {  	[sflag:s7] =	ssyncset.done $0x0  }
0x19: {  	s13 =	simm.s32 $0x0;
	[sflag:s7] =	ssyncadd.s32 $0xFFFFB1E0  }
0x1a: {  	v1 =	vld [tilespmem:s13+$0x0];
	_ =	sdelay $0x2  }
0x1b: {  	v2 =	vld [tilespmem:s13+$0x4E80];
	_ =	sdelay $0x4  }
0x1c: {  	[tilespmem:v1+s9+$0x0] =	vst.idx.add.f32.msk $0xffff, v2  }
0x1d: {  	v1 =	vld [tilespmem:s13+$0x10];
	_ =	sdelay $0x2  }
0x1e: {  	s12 =	simm.s32 $0x100;
	s11 =	simm.s32 $0x80;
	v2 =	vld [tilespmem:s13+$0x4E90]  }
.LBB2_4:
0x1f: {  	_ =	sdelay $0x2  }
0x20: {  	p0 =	sne.s32 s12, $0x13800  }
0x21: {  	s13 =	sshra.s32 s11, $0x2;
	s11 =	smov.u32 s12;
	s12 =	sadd.s32 $0x80, s12;
	[tilespmem:v1+s9+$0x0] =	vst.idx.add.f32.msk $0xffff, v2  }
0x22: {  	v1 =	vld [tilespmem:s13+$0x0];
	_ =	sdelay $0x2  }
0x23: {  	v2 =	vld [tilespmem:s13+$0x4E80];
	_ =	sdelay $0x4  }
.Ltmp1:
0x24: {  	[tilespmem:v1+s9+$0x0] =	vst.idx.add.f32.msk $0xffff, v2;
	(pc) =	sbr.rel @p0 .LBB2_4-.Ltmp1, $2  }
0x25: {  	v1 =	vld [tilespmem:s13+$0x10];
	_ =	sdelay $0x2  }
0x26: {  	v2 =	vld [tilespmem:s13+$0x4E90]  }
0x27: {  	_ =	sdelay $0x4  }
0x28: {  	s11 =	sshra.s32 s11, $0x2;
	[tilespmem:v1+s9+$0x0] =	vst.idx.add.f32.msk $0xffff, v2  }
0x29: {  	v1 =	vld [tilespmem:s11+$0x0];
	_ =	sdelay $0x2  }
0x2a: {  	v2 =	vld [tilespmem:s11+$0x4E80];
	_ =	sdelay $0x4  }
0x2b: {  	[tilespmem:v1+s9+$0x0] =	vst.idx.add.f32.msk $0xffff, v2  }
0x2c: {  	v1 =	vld [tilespmem:s11+$0x10];
	_ =	sdelay $0x2  }
0x2d: {  	v2 =	vld [tilespmem:s11+$0x4E90];
	_ =	sdelay $0x2  }
0x2e: {  	s10 =	sadd.s32 $0x1, s10  }
0x2f: {  	p0 =	sne.s32 s10, s6  }
.Ltmp2:
0x30: {  	[tilespmem:v1+s9+$0x0] =	vst.idx.add.f32.msk $0xffff, v2;
	(pc) =	sbr.rel @p0 .LBB2_1-.Ltmp2, $4  }
0x31: {  	[hbm4b:s5+s2] =	stream.linear.scatter [tilespmem:s9], [sflag:$0x1], $0x2800, $0x38;
	[tilespmem:$0xC500] =	vst v63  }
0x32: {  	_ =	swait.ge [sflag:s7], $0x2800  }
0x33: {  	[sflag:s7] =	ssyncset.done $0x0  }
0x34: {  	[sflag:s7] =	ssyncadd.s32 $0xFFFFD800  }
0x35: {  	_ =	sfence.sel $0x180000  }
0x36: {  	[bflag:$0x0] =	sbarrier.arrive $0xFFFF  }
0x37: {  	p0 =	sne.s32 s0, $0x0;
	_ =	strace $0x90000047  }
0x38: {  	s0 =	sadd.s32 @!p0 $0x100000, s1;
	[bflag:$0x2] =	sbarrier.arrive $0xFFFF  }
0x39: {  	[sflag:s0] =	ssyncadd.tile.s32 @!p0 $0x1;
	_ =	shalt  }
.Lfunc_end2:
_tile_overlayer_lowered:
.L_overlay_start_2:
0x3a: {  	(tag) =	ssettag $0x2  }
0x3b: {  	s0 =	rddreg [dreg:$0x0];
	s2 =	stileid.u32  }
0x3c: {  	s1 =	rddreg [dreg:$0x1];
	p0 =	sne.s32 s2, $0x0  }
0x3d: {  	s3 =	rddreg [dreg:$0x2];
	[bflag:$0x3] =	sbarrier.arrive $0xFFFF;
	s2 =	simm.s32 @!p0 $0x1C01  }
0x3e: {  	[timem:s3], [sflag:s2] =	dma.local @!p0 [hbm:s0], s1  }
0x3f: {  	s0 =	simm.s32 @!p0 $0x1  }
0x40: {  	_ =	swait.ge @!p0 [sflag:s0], s1  }
0x41: {  	s1 =	ssub.s32 @!p0 $0x0, s1;
	[sflag:s0] =	ssyncset.done @!p0 $0x0  }
0x42: {  	[sflag:s0] =	ssyncadd.s32 @!p0 s1  }
0x43: {  	[bflag:$0x3] =	sbarrier.arrive $0xFFFF  }
0x44: {  	_ =	shalt  }

// kernel: kernel.9.cloned.1.call-start
scs
__scs_entry_jumppad:
0x0: {  	(pc) =	sbr.rel $0x88, $3  }
0x1: {  	(tag) =	ssettag $0x0;
	lr =	simm.s32 $0x1  }
0x2: {  	[smem:$0x3F98] =	sst lr;
	_ =	strace $0xD0000000  }
0x3: {  	_ = 	snop  }
0x4: {  	_ = 	snop  }
0x5: {  	_ = 	snop  }
0x6: {  	_ = 	snop  }
0x7: {  	_ = 	snop  }
__scs_overlays_trampoline_lowered:
0x8: {  	[smem:$0x3FA7] =	sst s0  }
0x9: {  	[smem:$0x3FA8] =	sst s1  }
0xa: {  	[smem:$0x3FA9] =	sst s2  }
0xb: {  	[smem:$0x3FAA] =	sst s3  }
0xc: {  	[smem:$0x3FAB] =	sst s4  }
0xd: {  	[smem:$0x3FAC] =	sst s5  }
0xe: {  	[smem:$0x3FAD] =	sst s6  }
0xf: {  	[smem:$0x3FAE] =	sst s7  }
0x10: {  	[smem:$0x3FAF] =	sst s8  }
0x11: {  	[smem:$0x3FB0] =	sst s9;
	s0 =	simm.s32 @!p0 $0x0  }
0x12: {  	s1 =	sld [smem:$0x3F96];
	s0 =	simm.s32 @p0 $0x1  }
0x13: {  	[smem:$0x3FB1] =	sst s0;
	s0 =	simm.s32 @!p1 $0x0  }
0x14: {  	s2 =	sld [smem:$0x3F95];
	s0 =	simm.s32 @p1 $0x1  }
0x15: {  	[smem:$0x3FB2] =	sst s0;
	s0 =	simm.s32 @!p2 $0x0  }
0x16: {  	s3 =	sld [smem:$0x3FDB];
	s0 =	simm.s32 @p2 $0x1  }
0x17: {  	s4 =	simm.s32 $0x1BF5;
	[smem:$0x3FB4] =	sst s0  }
0x18: {  	s0 =	sld [smem:$0x3F97];
	_ =	swait.ge [sflag:s4], $0x0  }
0x19: {  	s7 =	sld [smem:$0x3F98]  }
0x1a: {  	s8 =	sadd.s32 $0xFFFFE003, lr  }
0x1b: {  	s9 =	sadd.s32 $0xFFFFFEF7, lr;
	s5 =	simm.s32 $0xFFFFFFFF;
	p2 =	slt.u32 s8, $0xFFFFF086  }
0x1c: {  	p1 =	slt.u32 s9, $0xF7A;
	s5 =	simm.s32 @!p2 $0x0  }
0x1d: {  	s5 =	simm.s32 @p1 $0x1;
	p0 =	seq.s32 s7, s2  }
0x1e: {  	s7 =	smul.u32 @!p0 $0xF7A, s2;
	p2 =	seq.s32 @!p0 s5, $0x0  }
0x1f: {  	s9 =	smul.u32 $0xF7A, s1;
	s8 =	simm.s32 @!p0 $0x1BF5;
	p2 =	por !p2, p0  }
0x20: {  	[sflag:s8] =	ssyncset.s32 @!p0 $0xFFFFF086;
	s6 =	sadd.s32 @!p0 s3, s7;
	s7 =	simm.s32 @!p0 $0x108  }
0x21: {  	s3 =	sadd.s32 s3, s9;
	s6 =	sadd.s32 @!p0 $0x88, s6;
	s7 =	simm.s32 @p2 $0x1082  }
0x22: {  	[simem:s7], [sflag:s8] =	dma.local @!p0 [hbm:s6], $0xF7A  }
0x23: {  	s9 =	sor.u32 $0xD0000000, s2;
	s6 =	simm.s32 $0x108;
	_ =	swait.ge @!p0 [sflag:s8], $0x0  }
0x24: {  	s3 =	sadd.s32 $0x88, s3;
	s6 =	simm.s32 @!p1 $0x1082;
	[sflag:s4] =	ssyncset.s32 $0xFFFFF086  }
0x25: {  	[simem:s6], [sflag:s4] =	dma.local [hbm:s3], $0xF7A  }
0x26: {  	[smem:$0x3F98] =	sst s1;
	(tag) =	ssettag s2;
	_ =	strace s9  }
0x27: {  	s1 =	sld [smem:$0x3FA8]  }
0x28: {  	s2 =	sld [smem:$0x3FA9]  }
0x29: {  	s4 =	sld [smem:$0x3FAB]  }
0x2a: {  	p0 =	seq.s32 s5, $0x0;
	s5 =	sld [smem:$0x3FAC]  }
0x2b: {  	s6 =	sld [smem:$0x3FAD]  }
0x2c: {  	s7 =	sld [smem:$0x3FAE]  }
0x2d: {  	s3 =	simm.s32 $0x108;
	s8 =	sld [smem:$0x3FAF]  }
0x2e: {  	s3 =	simm.s32 @!p0 $0x1082;
	s9 =	sld [smem:$0x3FB0]  }
0x2f: {  	lr =	sadd.s32 s0, s3;
	s0 =	sld [smem:$0x3FA7]  }
0x30: {  	s3 =	sld [smem:$0x3FAA]  }
0x31: {  	[smem:$0x3FB3] =	sst s10  }
0x32: {  	s10 =	sld [smem:$0x3FB1];
	_ =	sdelay $0x3  }
0x33: {  	p0 =	seq.s32 s10, $0x1;
	s10 =	sld [smem:$0x3FB3];
	_ =	sdelay $0x3  }
0x34: {  	[smem:$0x3FB3] =	sst s10  }
0x35: {  	s10 =	sld [smem:$0x3FB2];
	_ =	sdelay $0x3  }
0x36: {  	p1 =	seq.s32 s10, $0x1;
	s10 =	sld [smem:$0x3FB3];
	_ =	sdelay $0x3  }
0x37: {  	[smem:$0x3FB3] =	sst s10  }
0x38: {  	s10 =	sld [smem:$0x3FB4]  }
0x39: {  	_ = 	snop;
	(pc) =	sbr.ind lr, $3  }
0x3a: {  	_ = 	snop  }
0x3b: {  	_ = 	snop  }
0x3c: {  	p2 =	seq.s32 s10, $0x1;
	s10 =	sld [smem:$0x3FB3]  }
0x3d: {  	_ =	shalt  }
0x3e: {  	_ =	shalt  }
0x3f: {  	_ =	shalt  }
0x40: {  	_ =	shalt  }
0x41: {  	_ =	shalt  }
0x42: {  	_ =	shalt  }
0x43: {  	_ =	shalt  }
0x44: {  	_ =	shalt  }
0x45: {  	_ =	shalt  }
0x46: {  	_ =	shalt  }
0x47: {  	_ =	shalt  }
0x48: {  	_ =	shalt  }
0x49: {  	_ =	shalt  }
0x4a: {  	_ =	shalt  }
0x4b: {  	_ =	shalt  }
0x4c: {  	_ =	shalt  }
0x4d: {  	_ =	shalt  }
0x4e: {  	_ =	shalt  }
0x4f: {  	_ =	shalt  }
0x50: {  	_ =	shalt  }
0x51: {  	_ =	shalt  }
0x52: {  	_ =	shalt  }
0x53: {  	_ =	shalt  }
0x54: {  	_ =	shalt  }
0x55: {  	_ =	shalt  }
0x56: {  	_ =	shalt  }
0x57: {  	_ =	shalt  }
0x58: {  	_ =	shalt  }
0x59: {  	_ =	shalt  }
0x5a: {  	_ =	shalt  }
0x5b: {  	_ =	shalt  }
0x5c: {  	_ =	shalt  }
0x5d: {  	_ =	shalt  }
0x5e: {  	_ =	shalt  }
0x5f: {  	_ =	shalt  }
0x60: {  	_ =	shalt  }
0x61: {  	_ =	shalt  }
0x62: {  	_ =	shalt  }
0x63: {  	_ =	shalt  }
0x64: {  	_ =	shalt  }
0x65: {  	_ =	shalt  }
0x66: {  	_ =	shalt  }
0x67: {  	_ =	shalt  }
0x68: {  	_ =	shalt  }
0x69: {  	_ =	shalt  }
0x6a: {  	_ =	shalt  }
0x6b: {  	_ =	shalt  }
0x6c: {  	_ =	shalt  }
0x6d: {  	_ =	shalt  }
0x6e: {  	_ =	shalt  }
0x6f: {  	_ =	shalt  }
0x70: {  	_ =	shalt  }
0x71: {  	_ =	shalt  }
0x72: {  	_ =	shalt  }
0x73: {  	_ =	shalt  }
0x74: {  	_ =	shalt  }
0x75: {  	_ =	shalt  }
0x76: {  	_ =	shalt  }
0x77: {  	_ =	shalt  }
0x78: {  	_ =	shalt  }
0x79: {  	_ =	shalt  }
0x7a: {  	_ =	shalt  }
0x7b: {  	_ =	shalt  }
0x7c: {  	_ =	shalt  }
0x7d: {  	_ =	shalt  }
0x7e: {  	_ =	shalt  }
0x7f: {  	_ =	shalt  }
0x80: {  	_ =	shalt  }
0x81: {  	_ =	shalt  }
0x82: {  	_ =	shalt  }
0x83: {  	_ =	shalt  }
0x84: {  	_ =	shalt  }
0x85: {  	_ =	shalt  }
0x86: {  	_ =	shalt  }
0x87: {  	_ =	shalt  }
.Lfunc_end0:
.L_simem_size_0:
called_computation.1_lowered:
.L_overlay_start_0:
0x88: {  	s2 =	sld [smem:$0x3FD9]  }
0x89: {  	s3 =	sld [smem:$0x3FFE];
	_ =	sdelay $0x1  }
0x8a: {  	s1 =	srdreg.scid  }
0x8b: {  	s0 =	sand.u32 $0x1, s1  }
0x8c: {  	s16 =	sshll.u32 s0, $0xA;
	s2 =	sadd.s32 s3, s2  }
0x8d: {  	s2 =	sadd.s32 s2, s16  }
0x8e: {  	[smem:$0x3FBF] =	sst s2  }
0x8f: {  	_ = 	snop  }
0x90: {  	(tm) =	ssettm $0x1  }
0x91: {  	s17 =	sld [smem:$0x3FFB];
	_ =	sdelay $0x3  }
0x92: {  	_ =	strace s17  }
0x93: {  	s2 =	sld [smem:$0x3FFC];
	_ =	sdelay $0x3  }
0x94: {  	_ =	strace s2  }
0x95: {  	s2 =	sld [smem:$0x3FFD];
	_ =	sdelay $0x3  }
0x96: {  	_ =	strace s2  }
0x97: {  	_ =	strace $0x8FFFFFFF  }
0x98: {  	s18 =	sld [smem:$0x3FDB];
	_ =	sdelay $0x1  }
0x99: {  	s19 =	simm.s32 $_scs_section_size  }
0x9a: {  	s4 =	simm.s32 $_size__tile_overlayer_lowered;
	s5 =	simm.s32 $_tile_overlayer_lowered  }
0x9b: {  	s22 =	simm.s32 $0x1BFF;
	s21 =	sshll.u32 s5, $0x1;
	s2 =	sadd.s32 s19, s18  }
0x9c: {  	s6 =	simm.s32 $0x0;
	s20 =	sshll.u32 s4, $0x1;
	s4 =	sadd.s32 s21, s2  }
0x9d: {  	[timem:s6], [sflag:s22] =	dma.local [hbm:s4], s20  }
0x9e: {  	_ =	swait.ge [sflag:s22], s20  }
0x9f: {  	s3 =	ssub.s32 $0x0, s20;
	[sflag:s22] =	ssyncset.done $0x0  }
0xa0: {  	[sflag:s22] =	ssyncadd.s32 s3;
	_ =	sdelay $0x1  }
0xa1: {  	s23 =	simm.s32 $0x1B8B  }
0xa2: {  	_ =	swait.ge [sflag:s23], $0x1  }
0xa3: {  	[sflag:s23] =	ssyncset.done $0x0  }
0xa4: {  	s25 =	simm.s32 $0x1B8E;
	s24 =	sld [smem:$0x3FFE];
	[sflag:s23] =	ssyncadd.s32 $0xFFFFFFFF  }
0xa5: {  	s26 =	simm.s32 $execute0_lowered;
	[smem:$0x3FD2] =	sst s25  }
0xa6: {  	s4 =	sshll.u32 s26, $0x1;
	_ =	strace $0x80000049;
	[dreg:$0x1] =	wrdreg $0xFFFFFFFF  }
0xa7: {  	s28 =	simm.s32 $_size_execute0_lowered;
	s2 =	sadd.s32 s2, s4;
	[dreg:$0x0] =	wrdreg $0x0  }
0xa8: {  	s4 =	sshll.u32 s28, $0x1;
	[dreg:$0x2] =	wrdreg s2  }
0xa9: {  	[dreg:$0x3] =	wrdreg s4  }
0xaa: {  	[dreg:$0x4] =	wrdreg $0xC0  }
0xab: {  	_ =	task [dreg:s6], $0x5FFFF  }
0xac: {  	[dreg:$0x1] =	wrdreg $0xFFFFFFFF  }
0xad: {  	[dreg:$0x0] =	wrdreg $0x60  }
0xae: {  	[dreg:$0x2] =	wrdreg s24  }
0xaf: {  	[dreg:$0x3] =	wrdreg $0x0  }
0xb0: {  	[dreg:$0x4] =	wrdreg $0x9  }
0xb1: {  	_ =	task.clear_ibuf [dreg:s6], $0x5FFFF;
	_ =	strace $0x90000049  }
0xb2: {  	s29 =	simm.s32 $0x9;
	_ =	strace $0x8000004B  }
0xb3: {  	_ =	swait.ge [sflag:s29], $0x1  }
0xb4: {  	[sflag:s29] =	ssyncadd.s32 $0xFFFFFFFF  }
0xb5: {  	_ =	strace $0x9000004B  }
0xb6: {  	_ =	sfence  }
0xb7: {  	s30 =	sld [smem:$0x0];
	_ =	sdelay $0x2  }
0xb8: {  	s31 =	sshll.u32 s1, $0xD;
	s1 =	sshrl.u32 s1, $0x2  }
0xb9: {  	s3 =	sand.u32 $0x4000, s31;
	s1 =	sadd.s32 s1, s30  }
0xba: {  	s0 =	sor.u32 s3, s0;
	s1 =	sshll.u32 s1, $0x11  }
0xbb: {  	s0 =	sor.u32 s1, s0  }
0xbc: {  	s0 =	sadd.s32 $0x8F2B, s0  }
0xbd: {  	[sflag:s0] =	ssyncadd.remote.s32 $0x1  }
0xbe: {  	_ =	sfence.sel $0xFFFF  }
0xbf: {  	[dreg:$0x0] =	wrdreg $0xFFFFFFFF;
	(pc) =	sbr.abs _section_cstart, $3  }
0xc0: {  	[dreg:$0x1] =	wrdreg $0xFFFFFFFF  }
0xc1: {  	_ =	task.clear_ibuf [dreg:s6], $0x2FFFF;
	_ =	strace $0x9FFFFFFF  }
0xc2: {  	(tm) =	ssettm $0x7FFFFFFF  }
0xc3: {  	_ =	shalt  }
tec
execute0_lowered:
.L_overlay_start_1:
0x0: {  	(tag) =	ssettag $0x1  }
0x1: {  	s8 =	stileid.u32  }
0x2: {  	s0 =	srdreg.scid;
	s4 =	smul.u32 $0x4E20, s8  }
0x3: {  	s0 =	sand.u32 $0x1, s0;
	s5 =	smul.u32 $0x9C4, s8  }
0x4: {  	s1 =	rddreg [dreg:$0x0];
	s3 =	smul.u32 $0x4E200, s0  }
0x5: {  	s2 =	rddreg [dreg:$0x1]  }
0x6: {  	s5 =	sadd.s32 s5, s1;
	s4 =	sadd.s32 s3, s4;
	s3 =	simm.s32 $0x0  }
0x7: {  	s6 =	sadd.s32 $0xBC00, s5;
	[smem:$0x7FF] =	sst s3  }
0x8: {  	s7 =	simm.s32 $0x14050;
	_ =	strace $0x8000004A;
	[dreg:$0x4] =	wrdreg s6  }
0x9: {  	s9 =	simm.s32 $0x140A0;
	[dreg:$0x5] =	wrdreg s7  }
0xa: {  	s10 =	simm.s32 $0x140F0;
	[dreg:$0x6] =	wrdreg s9  }
0xb: {  	s11 =	simm.s32 $0x14FF0;
	[dreg:$0x7] =	wrdreg s10  }
0xc: {  	s12 =	simm.s32 $0x14140;
	[dreg:$0x8] =	wrdreg s11  }
0xd: {  	s13 =	simm.s32 $0x15040;
	[dreg:$0x9] =	wrdreg s12  }
0xe: {  	s14 =	simm.s32 $0x14190;
	[dreg:$0xa] =	wrdreg s13  }
0xf: {  	s15 =	simm.s32 $0x15090;
	[dreg:$0xb] =	wrdreg s14  }
0x10: {  	s16 =	simm.s32 $0x141E0;
	[dreg:$0xc] =	wrdreg s15  }
0x11: {  	s17 =	simm.s32 $0x150E0;
	[dreg:$0xd] =	wrdreg s16  }
0x12: {  	s18 =	simm.s32 $0x14230;
	[dreg:$0xe] =	wrdreg s17  }
0x13: {  	s19 =	simm.s32 $0x15130;
	[dreg:$0xf] =	wrdreg s18  }
0x14: {  	s20 =	simm.s32 $0x14280;
	[dreg:$0x10] =	wrdreg s19  }
0x15: {  	s21 =	simm.s32 $0x15180;
	[dreg:$0x11] =	wrdreg s20  }
0x16: {  	s22 =	simm.s32 $0x142D0;
	[dreg:$0x12] =	wrdreg s21  }
0x17: {  	s23 =	simm.s32 $0x151D0;
	[dreg:$0x13] =	wrdreg s22  }
0x18: {  	s24 =	simm.s32 $0x14320;
	[dreg:$0x14] =	wrdreg s23  }
0x19: {  	s25 =	simm.s32 $0x15220;
	[dreg:$0x15] =	wrdreg s24  }
0x1a: {  	s26 =	simm.s32 $0x14370;
	[dreg:$0x16] =	wrdreg s25  }
0x1b: {  	s5 =	simm.s32 $0x15270;
	[dreg:$0x17] =	wrdreg s26  }
0x1c: {  	[dreg:$0x18] =	wrdreg s5;
	s6 =	simm.s32 $0x143C0  }
0x1d: {  	s7 =	simm.s32 $0x152C0;
	[dreg:$0x19] =	wrdreg s6  }
0x1e: {  	s9 =	simm.s32 $0x14410;
	[dreg:$0x1a] =	wrdreg s7  }
0x1f: {  	s10 =	simm.s32 $0x15310;
	[dreg:$0x1b] =	wrdreg s9  }
0x20: {  	s11 =	simm.s32 $0x14460;
	[dreg:$0x1c] =	wrdreg s10  }
0x21: {  	s12 =	simm.s32 $0x15360;
	[dreg:$0x1d] =	wrdreg s11  }
0x22: {  	s13 =	simm.s32 $0x144B0;
	[dreg:$0x1e] =	wrdreg s12  }
0x23: {  	s14 =	simm.s32 $0x153B0;
	[dreg:$0x1f] =	wrdreg s13  }
0x24: {  	s15 =	simm.s32 $0x14500;
	[smem:$0x7B5] =	sst s14  }
0x25: {  	s16 =	simm.s32 $0x15400;
	[smem:$0x7B6] =	sst s15  }
0x26: {  	s17 =	simm.s32 $0x14550;
	[smem:$0x7B7] =	sst s16  }
0x27: {  	s18 =	simm.s32 $0x15450;
	[smem:$0x7B8] =	sst s17  }
0x28: {  	s19 =	simm.s32 $0x145A0;
	[smem:$0x7B9] =	sst s18  }
0x29: {  	s20 =	simm.s32 $0x154A0;
	[smem:$0x7BA] =	sst s19  }
0x2a: {  	s21 =	simm.s32 $0x145F0;
	[smem:$0x7BB] =	sst s20  }
0x2b: {  	s22 =	simm.s32 $0x154F0;
	[smem:$0x7BC] =	sst s21  }
0x2c: {  	s23 =	simm.s32 $0x14640;
	[smem:$0x7BD] =	sst s22  }
0x2d: {  	s24 =	simm.s32 $0x15540;
	[smem:$0x7BE] =	sst s23  }
0x2e: {  	s25 =	simm.s32 $0x14690;
	[smem:$0x7BF] =	sst s24  }
0x2f: {  	s4 =	sshrl.u32 s4, $0x3;
	s26 =	simm.s32 $0x15590;
	[smem:$0x7C0] =	sst s25  }
0x30: {  	s4 =	sadd.s32 s4, s1;
	s5 =	simm.s32 $0x146E0;
	[smem:$0x7C1] =	sst s26  }
0x31: {  	s4 =	sadd.s32 $0x15A00, s4;
	[smem:$0x7C2] =	sst s5  }
0x32: {  	s6 =	simm.s32 $0x155E0;
	[dreg:$0x3] =	wrdreg s4  }
0x33: {  	s7 =	simm.s32 $0x14730;
	[smem:$0x7C3] =	sst s6  }
0x34: {  	s9 =	simm.s32 $0x15630;
	[smem:$0x7C4] =	sst s7  }
0x35: {  	s10 =	simm.s32 $0x14780;
	[smem:$0x7C5] =	sst s9  }
0x36: {  	s11 =	simm.s32 $0x15680;
	[smem:$0x7C6] =	sst s10  }
0x37: {  	s12 =	simm.s32 $0x147D0;
	[smem:$0x7C7] =	sst s11  }
0x38: {  	s13 =	simm.s32 $0x156D0;
	[smem:$0x7C8] =	sst s12  }
0x39: {  	s14 =	simm.s32 $0x14820;
	[smem:$0x7C9] =	sst s13  }
0x3a: {  	s15 =	simm.s32 $0x15720;
	[smem:$0x7CA] =	sst s14  }
0x3b: {  	s16 =	simm.s32 $0x14870;
	[smem:$0x7CB] =	sst s15  }
0x3c: {  	s17 =	simm.s32 $0x15770;
	[smem:$0x7CC] =	sst s16  }
0x3d: {  	s18 =	simm.s32 $0x148C0;
	[smem:$0x7CD] =	sst s17  }
0x3e: {  	s19 =	simm.s32 $0x157C0;
	[smem:$0x7CE] =	sst s18  }
0x3f: {  	s20 =	simm.s32 $0x14910;
	[smem:$0x7CF] =	sst s19  }
0x40: {  	s21 =	simm.s32 $0x15810;
	[smem:$0x7D0] =	sst s20  }
0x41: {  	s23 =	simm.s32 $0x14960;
	[smem:$0x7D1] =	sst s21  }
0x42: {  	s24 =	simm.s32 $0x149B0;
	[smem:$0x7D2] =	sst s23  }
0x43: {  	s25 =	simm.s32 $0x158B0;
	[smem:$0x7D4] =	sst s24  }
0x44: {  	s26 =	simm.s32 $0x14A00;
	[smem:$0x7D5] =	sst s25  }
0x45: {  	s7 =	simm.s32 $0x15860;
	[smem:$0x7D6] =	sst s26  }
0x46: {  	s9 =	simm.s32 $0x15900;
	[smem:$0x7D3] =	sst s7  }
0x47: {  	s10 =	simm.s32 $0x14A50;
	[smem:$0x7D7] =	sst s9  }
0x48: {  	s12 =	simm.s32 $0x15950;
	[smem:$0x7D8] =	sst s10  }
0x49: {  	s13 =	simm.s32 $0x14AA0;
	[smem:$0x7D9] =	sst s12  }
0x4a: {  	s14 =	simm.s32 $0x159A0;
	[smem:$0x7DA] =	sst s13  }
0x4b: {  	s16 =	simm.s32 $0x14AF0;
	[smem:$0x7DB] =	sst s14  }
0x4c: {  	s17 =	simm.s32 $0x159F0;
	[smem:$0x7DC] =	sst s16  }
0x4d: {  	s28 =	simm.s32 $0x4;
	s18 =	simm.s32 $0x14B40;
	[smem:$0x7DE] =	sst s17  }
0x4e: {  	s29 =	simm.s32 $0x2;
	s19 =	simm.s32 $0x15A40;
	[smem:$0x7DF] =	sst s18  }
0x4f: {  	s30 =	simm.s32 $0x5;
	s20 =	simm.s32 $0x14B90;
	[smem:$0x7E1] =	sst s19  }
0x50: {  	s31 =	simm.s32 $0x3;
	s24 =	simm.s32 $0x14BE0;
	[smem:$0x7E3] =	sst s20  }
0x51: {  	s22 =	smul.u32 $0x140000, s0;
	s26 =	simm.s32 $0x15AE0;
	[smem:$0x7E7] =	sst s24  }
0x52: {  	s0 =	ssub.s32 $0x2, s0;
	[smem:$0x7E9] =	sst s26;
	s10 =	simm.s32 $0x15B30  }
0x53: {  	s6 =	smul.u32 $0x14000, s8;
	s12 =	simm.s32 $0x14C80;
	[smem:$0x7ED] =	sst s10  }
0x54: {  	s4 =	sadd.s32 $0x29400, s1;
	s14 =	simm.s32 $0x15B80;
	[smem:$0x7EF] =	sst s12  }
0x55: {  	s11 =	sshrl.u32 s0, $0x1;
	s16 =	simm.s32 $0x14CD0;
	[smem:$0x7F1] =	sst s14  }
0x56: {  	s8 =	smul.u32 $0x50000, s8;
	s18 =	simm.s32 $0x15BD0;
	[smem:$0x7F4] =	sst s16  }
0x57: {  	s0 =	ssub.s32 s0, s11;
	s19 =	simm.s32 $0x14D20;
	[smem:$0x7F5] =	sst s18  }
0x58: {  	s20 =	simm.s32 $0x15C20;
	s24 =	simm.s32 $0x15CC0;
	[smem:$0x7F6] =	sst s19  }
0x59: {  	s5 =	sadd.s32 s6, s22;
	s15 =	sshrl.u32 s8, $0x2;
	[smem:$0x7F7] =	sst s20  }
0x5a: {  	s0 =	smax.u32 s0, $0x1;
	s22 =	simm.s32 $0x15A90;
	[smem:$0x7FB] =	sst s24  }
0x5b: {  	s8 =	simm.s32 $0x14C30;
	s18 =	simm.s32 $0x7;
	[smem:$0x7E0] =	sst s0  }
0x5c: {  	s19 =	simm.s32 $0x14000;
	s20 =	simm.s32 $0x14FA0;
	[smem:$0x7E5] =	sst s22  }
0x5d: {  	s24 =	simm.s32 $0x1AF40;
	s7 =	sadd.s32 s15, s2;
	[smem:$0x7EB] =	sst s8  }
0x5e: {  	s10 =	simm.s32 $0x14F00;
	s22 =	simm.s32 $0x15C70;
	[smem:$0x7F2] =	sst s7  }
0x5f: {  	s12 =	simm.s32 $0x14F50;
	s21 =	sadd.s32 $0x2000, s7;
	[smem:$0x7F9] =	sst s22  }
0x60: {  	s5 =	sshrl.u32 s5, $0x3;
	s23 =	sadd.s32 $0x4000, s7;
	[smem:$0x7E2] =	sst s21  }
0x61: {  	s1 =	sadd.s32 s5, s1;
	s25 =	sadd.s32 $0x6000, s7;
	[smem:$0x7E4] =	sst s23  }
0x62: {  	s5 =	sadd.s32 s6, s2;
	s6 =	sadd.s32 $0x8000, s7;
	[smem:$0x7E6] =	sst s25  }
0x63: {  	s14 =	simm.s32 $0x15EA0;
	s9 =	sadd.s32 $0xA000, s7;
	[smem:$0x7E8] =	sst s6  }
0x64: {  	s16 =	simm.s32 $0x0;
	s11 =	sadd.s32 $0xC000, s7;
	[smem:$0x7EA] =	sst s9  }
0x65: {  	s0 =	simm.s32 $0x15D10;
	s13 =	sadd.s32 $0xE000, s7;
	[smem:$0x7EC] =	sst s11  }
0x66: {  	s8 =	simm.s32 $0x14EB0;
	s15 =	sadd.s32 $0x10000, s7;
	[smem:$0x7EE] =	sst s13  }
0x67: {  	s17 =	sadd.s32 $0x12000, s7;
	s22 =	simm.s32 $0x15F40;
	[smem:$0x7F0] =	sst s15  }
0x68: {  	s7 =	simm.s32 $0x15D60;
	s1 =	sadd.s32 $0x77600, s1;
	[smem:$0x7F3] =	sst s17  }
0x69: {  	s21 =	simm.s32 $0x14D70;
	s23 =	simm.s32 $0x14DC0;
	s25 =	simm.s32 $0x14E10  }
0x6a: {  	s26 =	sshrl.u32 s5, $0x3;
	s6 =	simm.s32 $0x14E60;
	[smem:$0x7DD] =	sst s1  }
0x6b: {  	s9 =	simm.s32 $0x15DB0;
	s11 =	simm.s32 $0x15E00;
	[smem:$0x7F8] =	sst s21  }
0x6c: {  	s13 =	simm.s32 $0x15E50;
	s15 =	simm.s32 $0x15EF0;
	[smem:$0x7FA] =	sst s23  }
0x6d: {  	s21 =	simm.s32 $0x50;
	s23 =	simm.s32 $0x18740;
	[smem:$0x7FC] =	sst s25  }
0x6e: {  	v0 =	vimm.f32 $0.0e+00;
	[smem:$0x7FD] =	sst s26;
	s26 =	simm.s32 $0x1;
	s1 =	simm.s32 $0x6  }
.LBB2_1:
0x6f: {  	s5 =	sand.u32 $0x7E00, s3  }
0x70: {  	[smem:$0x7B4] =	sst s16;
	s17 =	sand.u32 $0x70, s3;
	s25 =	sshrl.u32 s5, $0x2  }
0x71: {  	s5 =	simm.s32 $0x40;
	s17 =	sor.u32 s17, s25;
	s25 =	simm.s32 $0x0  }
.LBB2_2:
0x72: {  	p0 =	sne.s32 s5, $0x7FC0  }
0x73: {  	[tilespmem:s17+$0x1D740] =	vst v0;
	s25 =	sadd.s32 $0x10, s25;
	s17 =	smov.u32 s5;
	s5 =	sadd.s32 $0x40, s5  }
.Ltmp0:
0x74: {  	(pc) =	sbr.rel @p0 .LBB2_2-.Ltmp0, $4  }
0x75: {  	_ = 	snop  }
0x76: {  	s17 =	sand.u32 $0x7E00, s17  }
0x77: {  	s16 =	sand.u32 $0x70, s25;
	s17 =	sshrl.u32 s17, $0x2  }
0x78: {  	s17 =	sor.u32 s16, s17  }
0x79: {  	s5 =	sld [smem:$0x7F2];
	_ =	sdelay $0x1  }
0x7a: {  	[tilespmem:s17+$0x1D740] =	vst v0;
	s16 =	simm.s32 $0x1D740  }
0x7b: {  	[spmem:s5] =	stream.linear.scatter [tilespmem:s16], [sflag:$0x7], $0x2000, $0x38;
	[tilespmem:$0x1F740] =	vst v63  }
0x7c: {  	_ =	swait.ge [sflag:s18], $0x2000  }
0x7d: {  	s25 =	sld [smem:$0x7E2]  }
0x7e: {  	[sflag:s18] =	ssyncset.done $0x0  }
0x7f: {  	[sflag:s18] =	ssyncadd.s32 $0xFFFFE000  }
0x80: {  	[spmem:s25] =	stream.linear.scatter [tilespmem:s16], [sflag:$0x7], $0x2000, $0x38;
	[tilespmem:$0x1F740] =	vst v63  }
0x81: {  	_ =	swait.ge [sflag:s18], $0x2000  }
0x82: {  	s17 =	sld [smem:$0x7E4]  }
0x83: {  	[sflag:s18] =	ssyncset.done $0x0  }
0x84: {  	[sflag:s18] =	ssyncadd.s32 $0xFFFFE000  }
0x85: {  	[spmem:s17] =	stream.linear.scatter [tilespmem:s16], [sflag:$0x7], $0x2000, $0x38;
	[tilespmem:$0x1F740] =	vst v63  }
0x86: {  	_ =	swait.ge [sflag:s18], $0x2000  }
0x87: {  	s25 =	sld [smem:$0x7E6]  }
0x88: {  	[sflag:s18] =	ssyncset.done $0x0  }
0x89: {  	[sflag:s18] =	ssyncadd.s32 $0xFFFFE000  }
0x8a: {  	[spmem:s25] =	stream.linear.scatter [tilespmem:s16], [sflag:$0x7], $0x2000, $0x38;
	[tilespmem:$0x1F740] =	vst v63  }
0x8b: {  	_ =	swait.ge [sflag:s18], $0x2000  }
0x8c: {  	s17 =	sld [smem:$0x7E8]  }
0x8d: {  	[sflag:s18] =	ssyncset.done $0x0  }
0x8e: {  	[sflag:s18] =	ssyncadd.s32 $0xFFFFE000  }
0x8f: {  	[spmem:s17] =	stream.linear.scatter [tilespmem:s16], [sflag:$0x7], $0x2000, $0x38;
	[tilespmem:$0x1F740] =	vst v63  }
0x90: {  	_ =	swait.ge [sflag:s18], $0x2000  }
0x91: {  	s25 =	sld [smem:$0x7EA]  }
0x92: {  	[sflag:s18] =	ssyncset.done $0x0  }
0x93: {  	[sflag:s18] =	ssyncadd.s32 $0xFFFFE000  }
0x94: {  	[spmem:s25] =	stream.linear.scatter [tilespmem:s16], [sflag:$0x7], $0x2000, $0x38;
	[tilespmem:$0x1F740] =	vst v63  }
0x95: {  	_ =	swait.ge [sflag:s18], $0x2000  }
0x96: {  	s17 =	sld [smem:$0x7EC]  }
0x97: {  	[sflag:s18] =	ssyncset.done $0x0  }
0x98: {  	[sflag:s18] =	ssyncadd.s32 $0xFFFFE000  }
0x99: {  	[spmem:s17] =	stream.linear.scatter [tilespmem:s16], [sflag:$0x7], $0x2000, $0x38;
	[tilespmem:$0x1F740] =	vst v63  }
0x9a: {  	_ =	swait.ge [sflag:s18], $0x2000  }
0x9b: {  	s25 =	sld [smem:$0x7EE]  }
0x9c: {  	[sflag:s18] =	ssyncset.done $0x0  }
0x9d: {  	[sflag:s18] =	ssyncadd.s32 $0xFFFFE000  }
0x9e: {  	[spmem:s25] =	stream.linear.scatter [tilespmem:s16], [sflag:$0x7], $0x2000, $0x38;
	[tilespmem:$0x1F740] =	vst v63  }
0x9f: {  	_ =	swait.ge [sflag:s18], $0x2000  }
0xa0: {  	s17 =	sld [smem:$0x7F0]  }
0xa1: {  	[sflag:s18] =	ssyncset.done $0x0  }
0xa2: {  	[sflag:s18] =	ssyncadd.s32 $0xFFFFE000  }
0xa3: {  	[spmem:s17] =	stream.linear.scatter [tilespmem:s16], [sflag:$0x7], $0x2000, $0x38;
	[tilespmem:$0x1F740] =	vst v63  }
0xa4: {  	_ =	swait.ge [sflag:s18], $0x2000  }
0xa5: {  	s25 =	sld [smem:$0x7F3]  }
0xa6: {  	[sflag:s18] =	ssyncset.done $0x0  }
0xa7: {  	[sflag:s18] =	ssyncadd.s32 $0xFFFFE000  }
0xa8: {  	[spmem:s25] =	stream.linear.scatter [tilespmem:s16], [sflag:$0x7], $0x2000, $0x38;
	[tilespmem:$0x1F740] =	vst v63  }
0xa9: {  	_ =	swait.ge [sflag:s18], $0x2000  }
0xaa: {  	[sflag:s18] =	ssyncset.done $0x0  }
0xab: {  	[sflag:s18] =	ssyncadd.s32 $0xFFFFE000  }
0xac: {  	[bflag:$0x0] =	sbarrier.arrive $0xFFFF  }
0xad: {  	s17 =	rddreg [dreg:$0x3]  }
0xae: {  	s5 =	sadd.s32 $0x0, s17  }
0xaf: {  	[tilespmem:s19], [sflag:$0x7] =	stream.linear.gather [hbm4b:s5+s3], $0xFA0, $0x38;
	[tilespmem:$0x1F740] =	vst v63  }
0xb0: {  	_ =	swait.ge [sflag:s18], $0xFA0  }
0xb1: {  	s25 =	rddreg [dreg:$0x4];
	[sflag:s18] =	ssyncset.done $0x0  }
0xb2: {  	[sflag:s18] =	ssyncadd.s32 $0xFFFFF060;
	s5 =	sadd.s32 $0x0, s25  }
0xb3: {  	[tilespmem:s20], [sflag:$0x7] =	stream.linear.gather [hbm4b:s5+s3], $0xFA0, $0x38;
	[tilespmem:$0x1F740] =	vst v63  }
0xb4: {  	_ =	swait.ge [sflag:s18], $0xFA0  }
0xb5: {  	[sflag:s18] =	ssyncset.done $0x0  }
0xb6: {  	[sflag:s18] =	ssyncadd.s32 $0xFFFFF060  }
0xb7: {  	[tilespmem:s22], [sflag:$0x1] =	stream.indirect.gather [hbm4b:s4+s21], $0x80, s19, s21, $0xb8;
	[tilespmem:$0x1F740] =	vst v63  }
0xb8: {  	s16 =	rddreg [dreg:$0x5]  }
0xb9: {  	[tilespmem:s23], [sflag:$0x2] =	stream.indirect.gather [hbm4b:s4+s21], $0x80, s16, s21, $0xb8;
	[tilespmem:$0x1F740] =	vst v63  }
0xba: {  	s17 =	rddreg [dreg:$0x6]  }
0xbb: {  	[tilespmem:s24], [sflag:$0x3] =	stream.indirect.gather [hbm4b:s4+s21], $0x80, s17, s21, $0xb8;
	[tilespmem:$0x1F740] =	vst v63  }
0xbc: {  	_ =	swait.ge [sflag:s26], $0x2800  }
0xbd: {  	[sflag:s26] =	ssyncset.done $0x0  }
0xbe: {  	[sflag:s26] =	ssyncadd.s32 $0xFFFFD800  }
0xbf: {  	[spmem:s2] =	stream.indirect.scatter.add.f32 [tilespmem:s22], [sflag:$0x4], $0x80, s20, s21, $0xb8;
	[tilespmem:$0x1F740] =	vst v63  }
0xc0: {  	_ =	swait.ge [sflag:s28], $0x2800  }
0xc1: {  	[sflag:s28] =	ssyncset.done $0x0  }
0xc2: {  	s25 =	rddreg [dreg:$0x7];
	[sflag:s28] =	ssyncadd.s32 $0xFFFFD800  }
0xc3: {  	[tilespmem:s22], [sflag:$0x1] =	stream.indirect.gather [hbm4b:s4+s21], $0x80, s25, s21, $0xb8;
	[tilespmem:$0x1F740] =	vst v63  }
0xc4: {  	_ =	swait.ge [sflag:s29], $0x2800  }
0xc5: {  	[sflag:s29] =	ssyncset.done $0x0  }
0xc6: {  	s16 =	rddreg [dreg:$0x8];
	[sflag:s29] =	ssyncadd.s32 $0xFFFFD800  }
0xc7: {  	[spmem:s2] =	stream.indirect.scatter.add.f32 [tilespmem:s23], [sflag:$0x5], $0x80, s16, s21, $0xb8;
	[tilespmem:$0x1F740] =	vst v63  }
0xc8: {  	_ =	swait.ge [sflag:s30], $0x2800  }
0xc9: {  	[sflag:s30] =	ssyncset.done $0x0  }
0xca: {  	s17 =	rddreg [dreg:$0x9];
	[sflag:s30] =	ssyncadd.s32 $0xFFFFD800  }
0xcb: {  	[tilespmem:s23], [sflag:$0x2] =	stream.indirect.gather [hbm4b:s4+s21], $0x80, s17, s21, $0xb8;
	[tilespmem:$0x1F740] =	vst v63  }
0xcc: {  	_ =	swait.ge [sflag:s31], $0x2800  }
0xcd: {  	[sflag:s31] =	ssyncset.done $0x0  }
0xce: {  	s25 =	rddreg [dreg:$0xa];
	[sflag:s31] =	ssyncadd.s32 $0xFFFFD800  }
0xcf: {  	[spmem:s2] =	stream.indirect.scatter.add.f32 [tilespmem:s24], [sflag:$0x6], $0x80, s25, s21, $0xb8;
	[tilespmem:$0x1F740] =	vst v63  }
0xd0: {  	_ =	swait.ge [sflag:s1], $0x2800  }
0xd1: {  	[sflag:s1] =	ssyncset.done $0x0  }
0xd2: {  	s16 =	rddreg [dreg:$0xb];
	[sflag:s1] =	ssyncadd.s32 $0xFFFFD800  }
0xd3: {  	[tilespmem:s24], [sflag:$0x3] =	stream.indirect.gather [hbm4b:s4+s21], $0x80, s16, s21, $0xb8;
	[tilespmem:$0x1F740] =	vst v63  }
0xd4: {  	_ =	swait.ge [sflag:s26], $0x2800  }
0xd5: {  	[sflag:s26] =	ssyncset.done $0x0  }
0xd6: {  	s17 =	rddreg [dreg:$0xc];
	[sflag:s26] =	ssyncadd.s32 $0xFFFFD800  }
0xd7: {  	[spmem:s2] =	stream.indirect.scatter.add.f32 [tilespmem:s22], [sflag:$0x4], $0x80, s17, s21, $0xb8;
	[tilespmem:$0x1F740] =	vst v63  }
0xd8: {  	_ =	swait.ge [sflag:s28], $0x2800  }
0xd9: {  	[sflag:s28] =	ssyncset.done $0x0  }
0xda: {  	s25 =	rddreg [dreg:$0xd];
	[sflag:s28] =	ssyncadd.s32 $0xFFFFD800  }
0xdb: {  	[tilespmem:s22], [sflag:$0x1] =	stream.indirect.gather [hbm4b:s4+s21], $0x80, s25, s21, $0xb8;
	[tilespmem:$0x1F740] =	vst v63  }
0xdc: {  	_ =	swait.ge [sflag:s29], $0x2800  }
0xdd: {  	[sflag:s29] =	ssyncset.done $0x0  }
0xde: {  	s16 =	rddreg [dreg:$0xe];
	[sflag:s29] =	ssyncadd.s32 $0xFFFFD800  }
0xdf: {  	[spmem:s2] =	stream.indirect.scatter.add.f32 [tilespmem:s23], [sflag:$0x5], $0x80, s16, s21, $0xb8;
	[tilespmem:$0x1F740] =	vst v63  }
0xe0: {  	_ =	swait.ge [sflag:s30], $0x2800  }
0xe1: {  	[sflag:s30] =	ssyncset.done $0x0  }
0xe2: {  	s17 =	rddreg [dreg:$0xf];
	[sflag:s30] =	ssyncadd.s32 $0xFFFFD800  }
0xe3: {  	[tilespmem:s23], [sflag:$0x2] =	stream.indirect.gather [hbm4b:s4+s21], $0x80, s17, s21, $0xb8;
	[tilespmem:$0x1F740] =	vst v63  }
0xe4: {  	_ =	swait.ge [sflag:s31], $0x2800  }
0xe5: {  	[sflag:s31] =	ssyncset.done $0x0  }
0xe6: {  	s25 =	rddreg [dreg:$0x10];
	[sflag:s31] =	ssyncadd.s32 $0xFFFFD800  }
0xe7: {  	[spmem:s2] =	stream.indirect.scatter.add.f32 [tilespmem:s24], [sflag:$0x6], $0x80, s25, s21, $0xb8;
	[tilespmem:$0x1F740] =	vst v63  }
0xe8: {  	_ =	swait.ge [sflag:s1], $0x2800  }
0xe9: {  	[sflag:s1] =	ssyncset.done $0x0  }
0xea: {  	s16 =	rddreg [dreg:$0x11];
	[sflag:s1] =	ssyncadd.s32 $0xFFFFD800  }
0xeb: {  	[tilespmem:s24], [sflag:$0x3] =	stream.indirect.gather [hbm4b:s4+s21], $0x80, s16, s21, $0xb8;
	[tilespmem:$0x1F740] =	vst v63  }
0xec: {  	_ =	swait.ge [sflag:s26], $0x2800  }
0xed: {  	[sflag:s26] =	ssyncset.done $0x0  }
0xee: {  	s17 =	rddreg [dreg:$0x12];
	[sflag:s26] =	ssyncadd.s32 $0xFFFFD800  }
0xef: {  	[spmem:s2] =	stream.indirect.scatter.add.f32 [tilespmem:s22], [sflag:$0x4], $0x80, s17, s21, $0xb8;
	[tilespmem:$0x1F740] =	vst v63  }
0xf0: {  	_ =	swait.ge [sflag:s28], $0x2800  }
0xf1: {  	[sflag:s28] =	ssyncset.done $0x0  }
0xf2: {  	s25 =	rddreg [dreg:$0x13];
	[sflag:s28] =	ssyncadd.s32 $0xFFFFD800  }
0xf3: {  	[tilespmem:s22], [sflag:$0x1] =	stream.indirect.gather [hbm4b:s4+s21], $0x80, s25, s21, $0xb8;
	[tilespmem:$0x1F740] =	vst v63  }
0xf4: {  	_ =	swait.ge [sflag:s29], $0x2800  }
0xf5: {  	[sflag:s29] =	ssyncset.done $0x0  }
0xf6: {  	s16 =	rddreg [dreg:$0x14];
	[sflag:s29] =	ssyncadd.s32 $0xFFFFD800  }
0xf7: {  	[spmem:s2] =	stream.indirect.scatter.add.f32 [tilespmem:s23], [sflag:$0x5], $0x80, s16, s21, $0xb8;
	[tilespmem:$0x1F740] =	vst v63  }
0xf8: {  	_ =	swait.ge [sflag:s30], $0x2800  }
0xf9: {  	[sflag:s30] =	ssyncset.done $0x0  }
0xfa: {  	s17 =	rddreg [dreg:$0x15];
	[sflag:s30] =	ssyncadd.s32 $0xFFFFD800  }
0xfb: {  	[tilespmem:s23], [sflag:$0x2] =	stream.indirect.gather [hbm4b:s4+s21], $0x80, s17, s21, $0xb8;
	[tilespmem:$0x1F740] =	vst v63  }
0xfc: {  	_ =	swait.ge [sflag:s31], $0x2800  }
0xfd: {  	[sflag:s31] =	ssyncset.done $0x0  }
0xfe: {  	s25 =	rddreg [dreg:$0x16];
	[sflag:s31] =	ssyncadd.s32 $0xFFFFD800  }
0xff: {  	[spmem:s2] =	stream.indirect.scatter.add.f32 [tilespmem:s24], [sflag:$0x6], $0x80, s25, s21, $0xb8;
	[tilespmem:$0x1F740] =	vst v63  }
0x100: {  	_ =	swait.ge [sflag:s1], $0x2800  }
0x101: {  	[sflag:s1] =	ssyncset.done $0x0  }
0x102: {  	s16 =	rddreg [dreg:$0x17];
	[sflag:s1] =	ssyncadd.s32 $0xFFFFD800  }
0x103: {  	[tilespmem:s24], [sflag:$0x3] =	stream.indirect.gather [hbm4b:s4+s21], $0x80, s16, s21, $0xb8;
	[tilespmem:$0x1F740] =	vst v63  }
0x104: {  	_ =	swait.ge [sflag:s26], $0x2800  }
0x105: {  	[sflag:s26] =	ssyncset.done $0x0  }
0x106: {  	s17 =	rddreg [dreg:$0x18];
	[sflag:s26] =	ssyncadd.s32 $0xFFFFD800  }
0x107: {  	[spmem:s2] =	stream.indirect.scatter.add.f32 [tilespmem:s22], [sflag:$0x4], $0x80, s17, s21, $0xb8;
	[tilespmem:$0x1F740] =	vst v63  }
0x108: {  	_ =	swait.ge [sflag:s28], $0x2800  }
0x109: {  	[sflag:s28] =	ssyncset.done $0x0  }
0x10a: {  	s25 =	rddreg [dreg:$0x19];
	[sflag:s28] =	ssyncadd.s32 $0xFFFFD800  }
0x10b: {  	[tilespmem:s22], [sflag:$0x1] =	stream.indirect.gather [hbm4b:s4+s21], $0x80, s25, s21, $0xb8;
	[tilespmem:$0x1F740] =	vst v63  }
0x10c: {  	_ =	swait.ge [sflag:s29], $0x2800  }
0x10d: {  	[sflag:s29] =	ssyncset.done $0x0  }
0x10e: {  	s16 =	rddreg [dreg:$0x1a];
	[sflag:s29] =	ssyncadd.s32 $0xFFFFD800  }
0x10f: {  	[spmem:s2] =	stream.indirect.scatter.add.f32 [tilespmem:s23], [sflag:$0x5], $0x80, s16, s21, $0xb8;
	[tilespmem:$0x1F740] =	vst v63  }
0x110: {  	_ =	swait.ge [sflag:s30], $0x2800  }
0x111: {  	[sflag:s30] =	ssyncset.done $0x0  }
0x112: {  	s17 =	rddreg [dreg:$0x1b];
	[sflag:s30] =	ssyncadd.s32 $0xFFFFD800  }
0x113: {  	[tilespmem:s23], [sflag:$0x2] =	stream.indirect.gather [hbm4b:s4+s21], $0x80, s17, s21, $0xb8;
	[tilespmem:$0x1F740] =	vst v63  }
0x114: {  	_ =	swait.ge [sflag:s31], $0x2800  }
0x115: {  	[sflag:s31] =	ssyncset.done $0x0  }
0x116: {  	s25 =	rddreg [dreg:$0x1c];
	[sflag:s31] =	ssyncadd.s32 $0xFFFFD800  }
0x117: {  	[spmem:s2] =	stream.indirect.scatter.add.f32 [tilespmem:s24], [sflag:$0x6], $0x80, s25, s21, $0xb8;
	[tilespmem:$0x1F740] =	vst v63  }
0x118: {  	_ =	swait.ge [sflag:s1], $0x2800  }
0x119: {  	[sflag:s1] =	ssyncset.done $0x0  }
0x11a: {  	s16 =	rddreg [dreg:$0x1d];
	[sflag:s1] =	ssyncadd.s32 $0xFFFFD800  }
0x11b: {  	[tilespmem:s24], [sflag:$0x3] =	stream.indirect.gather [hbm4b:s4+s21], $0x80, s16, s21, $0xb8;
	[tilespmem:$0x1F740] =	vst v63  }
0x11c: {  	_ =	swait.ge [sflag:s26], $0x2800  }
0x11d: {  	[sflag:s26] =	ssyncset.done $0x0  }
0x11e: {  	s17 =	rddreg [dreg:$0x1e];
	[sflag:s26] =	ssyncadd.s32 $0xFFFFD800  }
0x11f: {  	[spmem:s2] =	stream.indirect.scatter.add.f32 [tilespmem:s22], [sflag:$0x4], $0x80, s17, s21, $0xb8;
	[tilespmem:$0x1F740] =	vst v63  }
0x120: {  	_ =	swait.ge [sflag:s28], $0x2800  }
0x121: {  	[sflag:s28] =	ssyncset.done $0x0  }
0x122: {  	s25 =	rddreg [dreg:$0x1f];
	[sflag:s28] =	ssyncadd.s32 $0xFFFFD800  }
0x123: {  	[tilespmem:s22], [sflag:$0x1] =	stream.indirect.gather [hbm4b:s4+s21], $0x80, s25, s21, $0xb8;
	[tilespmem:$0x1F740] =	vst v63  }
0x124: {  	_ =	swait.ge [sflag:s29], $0x2800  }
0x125: {  	s16 =	sld [smem:$0x7B5]  }
0x126: {  	[sflag:s29] =	ssyncset.done $0x0  }
0x127: {  	[sflag:s29] =	ssyncadd.s32 $0xFFFFD800  }
0x128: {  	[spmem:s2] =	stream.indirect.scatter.add.f32 [tilespmem:s23], [sflag:$0x5], $0x80, s16, s21, $0xb8;
	[tilespmem:$0x1F740] =	vst v63  }
0x129: {  	_ =	swait.ge [sflag:s30], $0x2800  }
0x12a: {  	s17 =	sld [smem:$0x7B6]  }
0x12b: {  	[sflag:s30] =	ssyncset.done $0x0  }
0x12c: {  	[sflag:s30] =	ssyncadd.s32 $0xFFFFD800  }
0x12d: {  	[tilespmem:s23], [sflag:$0x2] =	stream.indirect.gather [hbm4b:s4+s21], $0x80, s17, s21, $0xb8;
	[tilespmem:$0x1F740] =	vst v63  }
0x12e: {  	_ =	swait.ge [sflag:s31], $0x2800  }
0x12f: {  	s25 =	sld [smem:$0x7B7]  }
0x130: {  	[sflag:s31] =	ssyncset.done $0x0  }
0x131: {  	[sflag:s31] =	ssyncadd.s32 $0xFFFFD800  }
0x132: {  	[spmem:s2] =	stream.indirect.scatter.add.f32 [tilespmem:s24], [sflag:$0x6], $0x80, s25, s21, $0xb8;
	[tilespmem:$0x1F740] =	vst v63  }
0x133: {  	_ =	swait.ge [sflag:s1], $0x2800  }
0x134: {  	s16 =	sld [smem:$0x7B8]  }
0x135: {  	[sflag:s1] =	ssyncset.done $0x0  }
0x136: {  	[sflag:s1] =	ssyncadd.s32 $0xFFFFD800  }
0x137: {  	[tilespmem:s24], [sflag:$0x3] =	stream.indirect.gather [hbm4b:s4+s21], $0x80, s16, s21, $0xb8;
	[tilespmem:$0x1F740] =	vst v63  }
0x138: {  	_ =	swait.ge [sflag:s26], $0x2800  }
0x139: {  	s17 =	sld [smem:$0x7B9]  }
0x13a: {  	[sflag:s26] =	ssyncset.done $0x0  }
0x13b: {  	[sflag:s26] =	ssyncadd.s32 $0xFFFFD800  }
0x13c: {  	[spmem:s2] =	stream.indirect.scatter.add.f32 [tilespmem:s22], [sflag:$0x4], $0x80, s17, s21, $0xb8;
	[tilespmem:$0x1F740] =	vst v63  }
0x13d: {  	_ =	swait.ge [sflag:s28], $0x2800  }
0x13e: {  	s25 =	sld [smem:$0x7BA]  }
0x13f: {  	[sflag:s28] =	ssyncset.done $0x0  }
0x140: {  	[sflag:s28] =	ssyncadd.s32 $0xFFFFD800  }
0x141: {  	[tilespmem:s22], [sflag:$0x1] =	stream.indirect.gather [hbm4b:s4+s21], $0x80, s25, s21, $0xb8;
	[tilespmem:$0x1F740] =	vst v63  }
0x142: {  	_ =	swait.ge [sflag:s29], $0x2800  }
0x143: {  	s16 =	sld [smem:$0x7BB]  }
0x144: {  	[sflag:s29] =	ssyncset.done $0x0  }
0x145: {  	[sflag:s29] =	ssyncadd.s32 $0xFFFFD800  }
0x146: {  	[spmem:s2] =	stream.indirect.scatter.add.f32 [tilespmem:s23], [sflag:$0x5], $0x80, s16, s21, $0xb8;
	[tilespmem:$0x1F740] =	vst v63  }
0x147: {  	_ =	swait.ge [sflag:s30], $0x2800  }
0x148: {  	s17 =	sld [smem:$0x7BC]  }
0x149: {  	[sflag:s30] =	ssyncset.done $0x0  }
0x14a: {  	[sflag:s30] =	ssyncadd.s32 $0xFFFFD800  }
0x14b: {  	[tilespmem:s23], [sflag:$0x2] =	stream.indirect.gather [hbm4b:s4+s21], $0x80, s17, s21, $0xb8;
	[tilespmem:$0x1F740] =	vst v63  }
0x14c: {  	_ =	swait.ge [sflag:s31], $0x2800  }
0x14d: {  	s25 =	sld [smem:$0x7BD]  }
0x14e: {  	[sflag:s31] =	ssyncset.done $0x0  }
0x14f: {  	[sflag:s31] =	ssyncadd.s32 $0xFFFFD800  }
0x150: {  	[spmem:s2] =	stream.indirect.scatter.add.f32 [tilespmem:s24], [sflag:$0x6], $0x80, s25, s21, $0xb8;
	[tilespmem:$0x1F740] =	vst v63  }
0x151: {  	_ =	swait.ge [sflag:s1], $0x2800  }
0x152: {  	s16 =	sld [smem:$0x7BE]  }
0x153: {  	[sflag:s1] =	ssyncset.done $0x0  }
0x154: {  	[sflag:s1] =	ssyncadd.s32 $0xFFFFD800  }
0x155: {  	[tilespmem:s24], [sflag:$0x3] =	stream.indirect.gather [hbm4b:s4+s21], $0x80, s16, s21, $0xb8;
	[tilespmem:$0x1F740] =	vst v63  }
0x156: {  	_ =	swait.ge [sflag:s26], $0x2800  }
0x157: {  	s17 =	sld [smem:$0x7BF]  }
0x158: {  	[sflag:s26] =	ssyncset.done $0x0  }
0x159: {  	[sflag:s26] =	ssyncadd.s32 $0xFFFFD800  }
0x15a: {  	[spmem:s2] =	stream.indirect.scatter.add.f32 [tilespmem:s22], [sflag:$0x4], $0x80, s17, s21, $0xb8;
	[tilespmem:$0x1F740] =	vst v63  }
0x15b: {  	_ =	swait.ge [sflag:s28], $0x2800  }
0x15c: {  	s25 =	sld [smem:$0x7C0]  }
0x15d: {  	[sflag:s28] =	ssyncset.done $0x0  }
0x15e: {  	[sflag:s28] =	ssyncadd.s32 $0xFFFFD800  }
0x15f: {  	[tilespmem:s22], [sflag:$0x1] =	stream.indirect.gather [hbm4b:s4+s21], $0x80, s25, s21, $0xb8;
	[tilespmem:$0x1F740] =	vst v63  }
0x160: {  	_ =	swait.ge [sflag:s29], $0x2800  }
0x161: {  	s16 =	sld [smem:$0x7C1]  }
0x162: {  	[sflag:s29] =	ssyncset.done $0x0  }
0x163: {  	[sflag:s29] =	ssyncadd.s32 $0xFFFFD800  }
0x164: {  	[spmem:s2] =	stream.indirect.scatter.add.f32 [tilespmem:s23], [sflag:$0x5], $0x80, s16, s21, $0xb8;
	[tilespmem:$0x1F740] =	vst v63  }
0x165: {  	_ =	swait.ge [sflag:s30], $0x2800  }
0x166: {  	s17 =	sld [smem:$0x7C2]  }
0x167: {  	[sflag:s30] =	ssyncset.done $0x0  }
0x168: {  	[sflag:s30] =	ssyncadd.s32 $0xFFFFD800  }
0x169: {  	[tilespmem:s23], [sflag:$0x2] =	stream.indirect.gather [hbm4b:s4+s21], $0x80, s17, s21, $0xb8;
	[tilespmem:$0x1F740] =	vst v63  }
0x16a: {  	_ =	swait.ge [sflag:s31], $0x2800  }
0x16b: {  	s25 =	sld [smem:$0x7C3]  }
0x16c: {  	[sflag:s31] =	ssyncset.done $0x0  }
0x16d: {  	[sflag:s31] =	ssyncadd.s32 $0xFFFFD800  }
0x16e: {  	[spmem:s2] =	stream.indirect.scatter.add.f32 [tilespmem:s24], [sflag:$0x6], $0x80, s25, s21, $0xb8;
	[tilespmem:$0x1F740] =	vst v63  }
0x16f: {  	_ =	swait.ge [sflag:s1], $0x2800  }
0x170: {  	s16 =	sld [smem:$0x7C4]  }
0x171: {  	[sflag:s1] =	ssyncset.done $0x0  }
0x172: {  	[sflag:s1] =	ssyncadd.s32 $0xFFFFD800  }
0x173: {  	[tilespmem:s24], [sflag:$0x3] =	stream.indirect.gather [hbm4b:s4+s21], $0x80, s16, s21, $0xb8;
	[tilespmem:$0x1F740] =	vst v63  }
0x174: {  	_ =	swait.ge [sflag:s26], $0x2800  }
0x175: {  	s17 =	sld [smem:$0x7C5]  }
0x176: {  	[sflag:s26] =	ssyncset.done $0x0  }
0x177: {  	[sflag:s26] =	ssyncadd.s32 $0xFFFFD800  }
0x178: {  	[spmem:s2] =	stream.indirect.scatter.add.f32 [tilespmem:s22], [sflag:$0x4], $0x80, s17, s21, $0xb8;
	[tilespmem:$0x1F740] =	vst v63  }
0x179: {  	_ =	swait.ge [sflag:s28], $0x2800  }
0x17a: {  	s25 =	sld [smem:$0x7C6]  }
0x17b: {  	[sflag:s28] =	ssyncset.done $0x0  }
0x17c: {  	[sflag:s28] =	ssyncadd.s32 $0xFFFFD800  }
0x17d: {  	[tilespmem:s22], [sflag:$0x1] =	stream.indirect.gather [hbm4b:s4+s21], $0x80, s25, s21, $0xb8;
	[tilespmem:$0x1F740] =	vst v63  }
0x17e: {  	_ =	swait.ge [sflag:s29], $0x2800  }
0x17f: {  	s16 =	sld [smem:$0x7C7]  }
0x180: {  	[sflag:s29] =	ssyncset.done $0x0  }
0x181: {  	[sflag:s29] =	ssyncadd.s32 $0xFFFFD800  }
0x182: {  	[spmem:s2] =	stream.indirect.scatter.add.f32 [tilespmem:s23], [sflag:$0x5], $0x80, s16, s21, $0xb8;
	[tilespmem:$0x1F740] =	vst v63  }
0x183: {  	_ =	swait.ge [sflag:s30], $0x2800  }
0x184: {  	s17 =	sld [smem:$0x7C8]  }
0x185: {  	[sflag:s30] =	ssyncset.done $0x0  }
0x186: {  	[sflag:s30] =	ssyncadd.s32 $0xFFFFD800  }
0x187: {  	[tilespmem:s23], [sflag:$0x2] =	stream.indirect.gather [hbm4b:s4+s21], $0x80, s17, s21, $0xb8;
	[tilespmem:$0x1F740] =	vst v63  }
0x188: {  	_ =	swait.ge [sflag:s31], $0x2800  }
0x189: {  	s25 =	sld [smem:$0x7C9]  }
0x18a: {  	[sflag:s31] =	ssyncset.done $0x0  }
0x18b: {  	[sflag:s31] =	ssyncadd.s32 $0xFFFFD800  }
0x18c: {  	[spmem:s2] =	stream.indirect.scatter.add.f32 [tilespmem:s24], [sflag:$0x6], $0x80, s25, s21, $0xb8;
	[tilespmem:$0x1F740] =	vst v63  }
0x18d: {  	_ =	swait.ge [sflag:s1], $0x2800  }
0x18e: {  	s16 =	sld [smem:$0x7CA]  }
0x18f: {  	[sflag:s1] =	ssyncset.done $0x0  }
0x190: {  	[sflag:s1] =	ssyncadd.s32 $0xFFFFD800  }
0x191: {  	[tilespmem:s24], [sflag:$0x3] =	stream.indirect.gather [hbm4b:s4+s21], $0x80, s16, s21, $0xb8;
	[tilespmem:$0x1F740] =	vst v63  }
0x192: {  	_ =	swait.ge [sflag:s26], $0x2800  }
0x193: {  	s17 =	sld [smem:$0x7CB]  }
0x194: {  	[sflag:s26] =	ssyncset.done $0x0  }
0x195: {  	[sflag:s26] =	ssyncadd.s32 $0xFFFFD800  }
0x196: {  	[spmem:s2] =	stream.indirect.scatter.add.f32 [tilespmem:s22], [sflag:$0x4], $0x80, s17, s21, $0xb8;
	[tilespmem:$0x1F740] =	vst v63  }
0x197: {  	_ =	swait.ge [sflag:s28], $0x2800  }
0x198: {  	s25 =	sld [smem:$0x7CC]  }
0x199: {  	[sflag:s28] =	ssyncset.done $0x0  }
0x19a: {  	[sflag:s28] =	ssyncadd.s32 $0xFFFFD800  }
0x19b: {  	[tilespmem:s22], [sflag:$0x1] =	stream.indirect.gather [hbm4b:s4+s21], $0x80, s25, s21, $0xb8;
	[tilespmem:$0x1F740] =	vst v63  }
0x19c: {  	_ =	swait.ge [sflag:s29], $0x2800  }
0x19d: {  	s16 =	sld [smem:$0x7CD]  }
0x19e: {  	[sflag:s29] =	ssyncset.done $0x0  }
0x19f: {  	[sflag:s29] =	ssyncadd.s32 $0xFFFFD800  }
0x1a0: {  	[spmem:s2] =	stream.indirect.scatter.add.f32 [tilespmem:s23], [sflag:$0x5], $0x80, s16, s21, $0xb8;
	[tilespmem:$0x1F740] =	vst v63  }
0x1a1: {  	_ =	swait.ge [sflag:s30], $0x2800  }
0x1a2: {  	s17 =	sld [smem:$0x7CE]  }
0x1a3: {  	[sflag:s30] =	ssyncset.done $0x0  }
0x1a4: {  	[sflag:s30] =	ssyncadd.s32 $0xFFFFD800  }
0x1a5: {  	[tilespmem:s23], [sflag:$0x2] =	stream.indirect.gather [hbm4b:s4+s21], $0x80, s17, s21, $0xb8;
	[tilespmem:$0x1F740] =	vst v63  }
0x1a6: {  	_ =	swait.ge [sflag:s31], $0x2800  }
0x1a7: {  	s25 =	sld [smem:$0x7CF]  }
0x1a8: {  	[sflag:s31] =	ssyncset.done $0x0  }
0x1a9: {  	[sflag:s31] =	ssyncadd.s32 $0xFFFFD800  }
0x1aa: {  	[spmem:s2] =	stream.indirect.scatter.add.f32 [tilespmem:s24], [sflag:$0x6], $0x80, s25, s21, $0xb8;
	[tilespmem:$0x1F740] =	vst v63  }
0x1ab: {  	_ =	swait.ge [sflag:s1], $0x2800  }
0x1ac: {  	s16 =	sld [smem:$0x7D0]  }
0x1ad: {  	[sflag:s1] =	ssyncset.done $0x0  }
0x1ae: {  	[sflag:s1] =	ssyncadd.s32 $0xFFFFD800  }
0x1af: {  	[tilespmem:s24], [sflag:$0x3] =	stream.indirect.gather [hbm4b:s4+s21], $0x80, s16, s21, $0xb8;
	[tilespmem:$0x1F740] =	vst v63  }
0x1b0: {  	_ =	swait.ge [sflag:s26], $0x2800  }
0x1b1: {  	s17 =	sld [smem:$0x7D1]  }
0x1b2: {  	[sflag:s26] =	ssyncset.done $0x0  }
0x1b3: {  	[sflag:s26] =	ssyncadd.s32 $0xFFFFD800  }
0x1b4: {  	[spmem:s2] =	stream.indirect.scatter.add.f32 [tilespmem:s22], [sflag:$0x4], $0x80, s17, s21, $0xb8;
	[tilespmem:$0x1F740] =	vst v63  }
0x1b5: {  	_ =	swait.ge [sflag:s28], $0x2800  }
0x1b6: {  	s25 =	sld [smem:$0x7D2]  }
0x1b7: {  	[sflag:s28] =	ssyncset.done $0x0  }
0x1b8: {  	[sflag:s28] =	ssyncadd.s32 $0xFFFFD800  }
0x1b9: {  	[tilespmem:s22], [sflag:$0x1] =	stream.indirect.gather [hbm4b:s4+s21], $0x80, s25, s21, $0xb8;
	[tilespmem:$0x1F740] =	vst v63  }
0x1ba: {  	_ =	swait.ge [sflag:s29], $0x2800  }
0x1bb: {  	s16 =	sld [smem:$0x7D3]  }
0x1bc: {  	[sflag:s29] =	ssyncset.done $0x0  }
0x1bd: {  	[sflag:s29] =	ssyncadd.s32 $0xFFFFD800  }
0x1be: {  	[spmem:s2] =	stream.indirect.scatter.add.f32 [tilespmem:s23], [sflag:$0x5], $0x80, s16, s21, $0xb8;
	[tilespmem:$0x1F740] =	vst v63  }
0x1bf: {  	_ =	swait.ge [sflag:s30], $0x2800  }
0x1c0: {  	s17 =	sld [smem:$0x7D4]  }
0x1c1: {  	[sflag:s30] =	ssyncset.done $0x0  }
0x1c2: {  	[sflag:s30] =	ssyncadd.s32 $0xFFFFD800  }
0x1c3: {  	[tilespmem:s23], [sflag:$0x2] =	stream.indirect.gather [hbm4b:s4+s21], $0x80, s17, s21, $0xb8;
	[tilespmem:$0x1F740] =	vst v63  }
0x1c4: {  	_ =	swait.ge [sflag:s31], $0x2800  }
0x1c5: {  	s25 =	sld [smem:$0x7D5]  }
0x1c6: {  	[sflag:s31] =	ssyncset.done $0x0  }
0x1c7: {  	[sflag:s31] =	ssyncadd.s32 $0xFFFFD800  }
0x1c8: {  	[spmem:s2] =	stream.indirect.scatter.add.f32 [tilespmem:s24], [sflag:$0x6], $0x80, s25, s21, $0xb8;
	[tilespmem:$0x1F740] =	vst v63  }
0x1c9: {  	_ =	swait.ge [sflag:s1], $0x2800  }
0x1ca: {  	s16 =	sld [smem:$0x7D6]  }
0x1cb: {  	[sflag:s1] =	ssyncset.done $0x0  }
0x1cc: {  	[sflag:s1] =	ssyncadd.s32 $0xFFFFD800  }
0x1cd: {  	[tilespmem:s24], [sflag:$0x3] =	stream.indirect.gather [hbm4b:s4+s21], $0x80, s16, s21, $0xb8;
	[tilespmem:$0x1F740] =	vst v63  }
0x1ce: {  	_ =	swait.ge [sflag:s26], $0x2800  }
0x1cf: {  	s17 =	sld [smem:$0x7D7]  }
0x1d0: {  	[sflag:s26] =	ssyncset.done $0x0  }
0x1d1: {  	[sflag:s26] =	ssyncadd.s32 $0xFFFFD800  }
0x1d2: {  	[spmem:s2] =	stream.indirect.scatter.add.f32 [tilespmem:s22], [sflag:$0x4], $0x80, s17, s21, $0xb8;
	[tilespmem:$0x1F740] =	vst v63  }
0x1d3: {  	_ =	swait.ge [sflag:s28], $0x2800  }
0x1d4: {  	s25 =	sld [smem:$0x7D8]  }
0x1d5: {  	[sflag:s28] =	ssyncset.done $0x0  }
0x1d6: {  	[sflag:s28] =	ssyncadd.s32 $0xFFFFD800  }
0x1d7: {  	[tilespmem:s22], [sflag:$0x1] =	stream.indirect.gather [hbm4b:s4+s21], $0x80, s25, s21, $0xb8;
	[tilespmem:$0x1F740] =	vst v63  }
0x1d8: {  	_ =	swait.ge [sflag:s29], $0x2800  }
0x1d9: {  	s16 =	sld [smem:$0x7D9]  }
0x1da: {  	[sflag:s29] =	ssyncset.done $0x0  }
0x1db: {  	[sflag:s29] =	ssyncadd.s32 $0xFFFFD800  }
0x1dc: {  	[spmem:s2] =	stream.indirect.scatter.add.f32 [tilespmem:s23], [sflag:$0x5], $0x80, s16, s21, $0xb8;
	[tilespmem:$0x1F740] =	vst v63  }
0x1dd: {  	_ =	swait.ge [sflag:s30], $0x2800  }
0x1de: {  	s17 =	sld [smem:$0x7DA]  }
0x1df: {  	[sflag:s30] =	ssyncset.done $0x0  }
0x1e0: {  	[sflag:s30] =	ssyncadd.s32 $0xFFFFD800  }
0x1e1: {  	[tilespmem:s23], [sflag:$0x2] =	stream.indirect.gather [hbm4b:s4+s21], $0x80, s17, s21, $0xb8;
	[tilespmem:$0x1F740] =	vst v63  }
0x1e2: {  	_ =	swait.ge [sflag:s31], $0x2800  }
0x1e3: {  	s25 =	sld [smem:$0x7DB]  }
0x1e4: {  	[sflag:s31] =	ssyncset.done $0x0  }
0x1e5: {  	[sflag:s31] =	ssyncadd.s32 $0xFFFFD800  }
0x1e6: {  	[spmem:s2] =	stream.indirect.scatter.add.f32 [tilespmem:s24], [sflag:$0x6], $0x80, s25, s21, $0xb8;
	[tilespmem:$0x1F740] =	vst v63  }
0x1e7: {  	_ =	swait.ge [sflag:s1], $0x2800  }
0x1e8: {  	s16 =	sld [smem:$0x7DC]  }
0x1e9: {  	[sflag:s1] =	ssyncset.done $0x0  }
0x1ea: {  	[sflag:s1] =	ssyncadd.s32 $0xFFFFD800  }
0x1eb: {  	[tilespmem:s24], [sflag:$0x3] =	stream.indirect.gather [hbm4b:s4+s21], $0x80, s16, s21, $0xb8;
	[tilespmem:$0x1F740] =	vst v63  }
0x1ec: {  	_ =	swait.ge [sflag:s26], $0x2800  }
0x1ed: {  	s17 =	sld [smem:$0x7DE]  }
0x1ee: {  	[sflag:s26] =	ssyncset.done $0x0  }
0x1ef: {  	[sflag:s26] =	ssyncadd.s32 $0xFFFFD800  }
0x1f0: {  	[spmem:s2] =	stream.indirect.scatter.add.f32 [tilespmem:s22], [sflag:$0x4], $0x80, s17, s21, $0xb8;
	[tilespmem:$0x1F740] =	vst v63  }
0x1f1: {  	_ =	swait.ge [sflag:s28], $0x2800  }
0x1f2: {  	s25 =	sld [smem:$0x7DF]  }
0x1f3: {  	[sflag:s28] =	ssyncset.done $0x0  }
0x1f4: {  	[sflag:s28] =	ssyncadd.s32 $0xFFFFD800  }
0x1f5: {  	[tilespmem:s22], [sflag:$0x1] =	stream.indirect.gather [hbm4b:s4+s21], $0x80, s25, s21, $0xb8;
	[tilespmem:$0x1F740] =	vst v63  }
0x1f6: {  	_ =	swait.ge [sflag:s29], $0x2800  }
0x1f7: {  	s16 =	sld [smem:$0x7E1]  }
0x1f8: {  	[sflag:s29] =	ssyncset.done $0x0  }
0x1f9: {  	[sflag:s29] =	ssyncadd.s32 $0xFFFFD800  }
0x1fa: {  	[spmem:s2] =	stream.indirect.scatter.add.f32 [tilespmem:s23], [sflag:$0x5], $0x80, s16, s21, $0xb8;
	[tilespmem:$0x1F740] =	vst v63  }
0x1fb: {  	_ =	swait.ge [sflag:s30], $0x2800  }
0x1fc: {  	s17 =	sld [smem:$0x7E3]  }
0x1fd: {  	[sflag:s30] =	ssyncset.done $0x0  }
0x1fe: {  	[sflag:s30] =	ssyncadd.s32 $0xFFFFD800  }
0x1ff: {  	[tilespmem:s23], [sflag:$0x2] =	stream.indirect.gather [hbm4b:s4+s21], $0x80, s17, s21, $0xb8;
	[tilespmem:$0x1F740] =	vst v63  }
0x200: {  	_ =	swait.ge [sflag:s31], $0x2800  }
0x201: {  	s25 =	sld [smem:$0x7E5]  }
0x202: {  	[sflag:s31] =	ssyncset.done $0x0  }
0x203: {  	[sflag:s31] =	ssyncadd.s32 $0xFFFFD800  }
0x204: {  	[spmem:s2] =	stream.indirect.scatter.add.f32 [tilespmem:s24], [sflag:$0x6], $0x80, s25, s21, $0xb8;
	[tilespmem:$0x1F740] =	vst v63  }
0x205: {  	_ =	swait.ge [sflag:s1], $0x2800  }
0x206: {  	s16 =	sld [smem:$0x7E7]  }
0x207: {  	[sflag:s1] =	ssyncset.done $0x0  }
0x208: {  	[sflag:s1] =	ssyncadd.s32 $0xFFFFD800  }
0x209: {  	[tilespmem:s24], [sflag:$0x3] =	stream.indirect.gather [hbm4b:s4+s21], $0x80, s16, s21, $0xb8;
	[tilespmem:$0x1F740] =	vst v63  }
0x20a: {  	_ =	swait.ge [sflag:s26], $0x2800  }
0x20b: {  	s17 =	sld [smem:$0x7E9]  }
0x20c: {  	[sflag:s26] =	ssyncset.done $0x0  }
0x20d: {  	[sflag:s26] =	ssyncadd.s32 $0xFFFFD800  }
0x20e: {  	[spmem:s2] =	stream.indirect.scatter.add.f32 [tilespmem:s22], [sflag:$0x4], $0x80, s17, s21, $0xb8;
	[tilespmem:$0x1F740] =	vst v63  }
0x20f: {  	_ =	swait.ge [sflag:s28], $0x2800  }
0x210: {  	s25 =	sld [smem:$0x7EB]  }
0x211: {  	[sflag:s28] =	ssyncset.done $0x0  }
0x212: {  	[sflag:s28] =	ssyncadd.s32 $0xFFFFD800  }
0x213: {  	[tilespmem:s22], [sflag:$0x1] =	stream.indirect.gather [hbm4b:s4+s21], $0x80, s25, s21, $0xb8;
	[tilespmem:$0x1F740] =	vst v63  }
0x214: {  	_ =	swait.ge [sflag:s29], $0x2800  }
0x215: {  	s16 =	sld [smem:$0x7ED]  }
0x216: {  	[sflag:s29] =	ssyncset.done $0x0  }
0x217: {  	[sflag:s29] =	ssyncadd.s32 $0xFFFFD800  }
0x218: {  	[spmem:s2] =	stream.indirect.scatter.add.f32 [tilespmem:s23], [sflag:$0x5], $0x80, s16, s21, $0xb8;
	[tilespmem:$0x1F740] =	vst v63  }
0x219: {  	_ =	swait.ge [sflag:s30], $0x2800  }
0x21a: {  	s17 =	sld [smem:$0x7EF]  }
0x21b: {  	[sflag:s30] =	ssyncset.done $0x0  }
0x21c: {  	[sflag:s30] =	ssyncadd.s32 $0xFFFFD800  }
0x21d: {  	[tilespmem:s23], [sflag:$0x2] =	stream.indirect.gather [hbm4b:s4+s21], $0x80, s17, s21, $0xb8;
	[tilespmem:$0x1F740] =	vst v63  }
0x21e: {  	_ =	swait.ge [sflag:s31], $0x2800  }
0x21f: {  	s25 =	sld [smem:$0x7F1]  }
0x220: {  	[sflag:s31] =	ssyncset.done $0x0  }
0x221: {  	[sflag:s31] =	ssyncadd.s32 $0xFFFFD800  }
0x222: {  	[spmem:s2] =	stream.indirect.scatter.add.f32 [tilespmem:s24], [sflag:$0x6], $0x80, s25, s21, $0xb8;
	[tilespmem:$0x1F740] =	vst v63  }
0x223: {  	_ =	swait.ge [sflag:s1], $0x2800  }
0x224: {  	s16 =	sld [smem:$0x7F4]  }
0x225: {  	[sflag:s1] =	ssyncset.done $0x0  }
0x226: {  	[sflag:s1] =	ssyncadd.s32 $0xFFFFD800  }
0x227: {  	[tilespmem:s24], [sflag:$0x3] =	stream.indirect.gather [hbm4b:s4+s21], $0x80, s16, s21, $0xb8;
	[tilespmem:$0x1F740] =	vst v63  }
0x228: {  	_ =	swait.ge [sflag:s26], $0x2800  }
0x229: {  	s17 =	sld [smem:$0x7F5]  }
0x22a: {  	[sflag:s26] =	ssyncset.done $0x0  }
0x22b: {  	[sflag:s26] =	ssyncadd.s32 $0xFFFFD800  }
0x22c: {  	[spmem:s2] =	stream.indirect.scatter.add.f32 [tilespmem:s22], [sflag:$0x4], $0x80, s17, s21, $0xb8;
	[tilespmem:$0x1F740] =	vst v63  }
0x22d: {  	_ =	swait.ge [sflag:s28], $0x2800  }
0x22e: {  	s25 =	sld [smem:$0x7F6]  }
0x22f: {  	[sflag:s28] =	ssyncset.done $0x0  }
0x230: {  	[sflag:s28] =	ssyncadd.s32 $0xFFFFD800  }
0x231: {  	[tilespmem:s22], [sflag:$0x1] =	stream.indirect.gather [hbm4b:s4+s21], $0x80, s25, s21, $0xb8;
	[tilespmem:$0x1F740] =	vst v63  }
0x232: {  	_ =	swait.ge [sflag:s29], $0x2800  }
0x233: {  	s16 =	sld [smem:$0x7F7]  }
0x234: {  	[sflag:s29] =	ssyncset.done $0x0  }
0x235: {  	[sflag:s29] =	ssyncadd.s32 $0xFFFFD800  }
0x236: {  	[spmem:s2] =	stream.indirect.scatter.add.f32 [tilespmem:s23], [sflag:$0x5], $0x80, s16, s21, $0xb8;
	[tilespmem:$0x1F740] =	vst v63  }
0x237: {  	_ =	swait.ge [sflag:s30], $0x2800  }
0x238: {  	s17 =	sld [smem:$0x7F8]  }
0x239: {  	[sflag:s30] =	ssyncset.done $0x0  }
0x23a: {  	[sflag:s30] =	ssyncadd.s32 $0xFFFFD800  }
0x23b: {  	[tilespmem:s23], [sflag:$0x2] =	stream.indirect.gather [hbm4b:s4+s21], $0x80, s17, s21, $0xb8;
	[tilespmem:$0x1F740] =	vst v63  }
0x23c: {  	_ =	swait.ge [sflag:s31], $0x2800  }
0x23d: {  	s25 =	sld [smem:$0x7F9]  }
0x23e: {  	[sflag:s31] =	ssyncset.done $0x0  }
0x23f: {  	[sflag:s31] =	ssyncadd.s32 $0xFFFFD800  }
0x240: {  	[spmem:s2] =	stream.indirect.scatter.add.f32 [tilespmem:s24], [sflag:$0x6], $0x80, s25, s21, $0xb8;
	[tilespmem:$0x1F740] =	vst v63  }
0x241: {  	_ =	swait.ge [sflag:s1], $0x2800  }
0x242: {  	s16 =	sld [smem:$0x7FA]  }
0x243: {  	[sflag:s1] =	ssyncset.done $0x0  }
0x244: {  	[sflag:s1] =	ssyncadd.s32 $0xFFFFD800  }
0x245: {  	[tilespmem:s24], [sflag:$0x3] =	stream.indirect.gather [hbm4b:s4+s21], $0x80, s16, s21, $0xb8;
	[tilespmem:$0x1F740] =	vst v63  }
0x246: {  	_ =	swait.ge [sflag:s26], $0x2800  }
0x247: {  	s17 =	sld [smem:$0x7FB]  }
0x248: {  	[sflag:s26] =	ssyncset.done $0x0  }
0x249: {  	[sflag:s26] =	ssyncadd.s32 $0xFFFFD800  }
0x24a: {  	[spmem:s2] =	stream.indirect.scatter.add.f32 [tilespmem:s22], [sflag:$0x4], $0x80, s17, s21, $0xb8;
	[tilespmem:$0x1F740] =	vst v63  }
0x24b: {  	_ =	swait.ge [sflag:s28], $0x2800  }
0x24c: {  	s25 =	sld [smem:$0x7FC]  }
0x24d: {  	[sflag:s28] =	ssyncset.done $0x0  }
0x24e: {  	[sflag:s28] =	ssyncadd.s32 $0xFFFFD800  }
0x24f: {  	[tilespmem:s22], [sflag:$0x1] =	stream.indirect.gather [hbm4b:s4+s21], $0x80, s25, s21, $0xb8;
	[tilespmem:$0x1F740] =	vst v63  }
0x250: {  	_ =	swait.ge [sflag:s29], $0x2800  }
0x251: {  	[sflag:s29] =	ssyncset.done $0x0  }
0x252: {  	[sflag:s29] =	ssyncadd.s32 $0xFFFFD800  }
0x253: {  	[spmem:s2] =	stream.indirect.scatter.add.f32 [tilespmem:s23], [sflag:$0x5], $0x80, s0, s21, $0xb8;
	[tilespmem:$0x1F740] =	vst v63  }
0x254: {  	_ =	swait.ge [sflag:s30], $0x2800  }
0x255: {  	[sflag:s30] =	ssyncset.done $0x0  }
0x256: {  	[sflag:s30] =	ssyncadd.s32 $0xFFFFD800  }
0x257: {  	[tilespmem:s23], [sflag:$0x2] =	stream.indirect.gather [hbm4b:s4+s21], $0x80, s6, s21, $0xb8;
	[tilespmem:$0x1F740] =	vst v63  }
0x258: {  	_ =	swait.ge [sflag:s31], $0x2800  }
0x259: {  	[sflag:s31] =	ssyncset.done $0x0  }
0x25a: {  	[sflag:s31] =	ssyncadd.s32 $0xFFFFD800  }
0x25b: {  	[spmem:s2] =	stream.indirect.scatter.add.f32 [tilespmem:s24], [sflag:$0x6], $0x80, s7, s21, $0xb8;
	[tilespmem:$0x1F740] =	vst v63  }
0x25c: {  	_ =	swait.ge [sflag:s1], $0x2800  }
0x25d: {  	[sflag:s1] =	ssyncset.done $0x0  }
0x25e: {  	[sflag:s1] =	ssyncadd.s32 $0xFFFFD800  }
0x25f: {  	[tilespmem:s24], [sflag:$0x3] =	stream.indirect.gather [hbm4b:s4+s21], $0x80, s8, s21, $0xb8;
	[tilespmem:$0x1F740] =	vst v63  }
0x260: {  	_ =	swait.ge [sflag:s26], $0x2800  }
0x261: {  	[sflag:s26] =	ssyncset.done $0x0  }
0x262: {  	[sflag:s26] =	ssyncadd.s32 $0xFFFFD800  }
0x263: {  	[spmem:s2] =	stream.indirect.scatter.add.f32 [tilespmem:s22], [sflag:$0x4], $0x80, s9, s21, $0xb8;
	[tilespmem:$0x1F740] =	vst v63  }
0x264: {  	_ =	swait.ge [sflag:s28], $0x2800  }
0x265: {  	[sflag:s28] =	ssyncset.done $0x0  }
0x266: {  	[sflag:s28] =	ssyncadd.s32 $0xFFFFD800  }
0x267: {  	[tilespmem:s22], [sflag:$0x1] =	stream.indirect.gather [hbm4b:s4+s21], $0x80, s10, s21, $0xb8;
	[tilespmem:$0x1F740] =	vst v63  }
0x268: {  	_ =	swait.ge [sflag:s29], $0x2800  }
0x269: {  	[sflag:s29] =	ssyncset.done $0x0  }
0x26a: {  	[sflag:s29] =	ssyncadd.s32 $0xFFFFD800  }
0x26b: {  	[spmem:s2] =	stream.indirect.scatter.add.f32 [tilespmem:s23], [sflag:$0x5], $0x80, s11, s21, $0xb8;
	[tilespmem:$0x1F740] =	vst v63  }
0x26c: {  	_ =	swait.ge [sflag:s30], $0x2800  }
0x26d: {  	[sflag:s30] =	ssyncset.done $0x0  }
0x26e: {  	[sflag:s30] =	ssyncadd.s32 $0xFFFFD800  }
0x26f: {  	[tilespmem:s23], [sflag:$0x2] =	stream.indirect.gather [hbm4b:s4+s21], $0x80, s12, s21, $0xb8;
	[tilespmem:$0x1F740] =	vst v63  }
0x270: {  	_ =	swait.ge [sflag:s31], $0x2800  }
0x271: {  	[sflag:s31] =	ssyncset.done $0x0  }
0x272: {  	[sflag:s31] =	ssyncadd.s32 $0xFFFFD800  }
0x273: {  	[spmem:s2] =	stream.indirect.scatter.add.f32 [tilespmem:s24], [sflag:$0x6], $0x80, s13, s21, $0xb8;
	[tilespmem:$0x1F740] =	vst v63  }
0x274: {  	_ =	swait.ge [sflag:s26], $0x2800  }
0x275: {  	[sflag:s26] =	ssyncset.done $0x0  }
0x276: {  	[sflag:s26] =	ssyncadd.s32 $0xFFFFD800  }
0x277: {  	[spmem:s2] =	stream.indirect.scatter.add.f32 [tilespmem:s22], [sflag:$0x4], $0x80, s14, s21, $0xb8;
	[tilespmem:$0x1F740] =	vst v63  }
0x278: {  	_ =	swait.ge [sflag:s29], $0x2800  }
0x279: {  	[sflag:s29] =	ssyncset.done $0x0  }
0x27a: {  	[sflag:s29] =	ssyncadd.s32 $0xFFFFD800  }
0x27b: {  	[spmem:s2] =	stream.indirect.scatter.add.f32 [tilespmem:s23], [sflag:$0x5], $0x80, s15, s21, $0xb8;
	[tilespmem:$0x1F740] =	vst v63  }
0x27c: {  	_ =	swait.ge [sflag:s1], $0x2800  }
0x27d: {  	[sflag:s1] =	ssyncset.done $0x0  }
0x27e: {  	[sflag:s1] =	ssyncadd.s32 $0xFFFFD800  }
0x27f: {  	_ =	swait.ge [sflag:s28], $0x2800  }
0x280: {  	[sflag:s28] =	ssyncset.done $0x0  }
0x281: {  	[sflag:s28] =	ssyncadd.s32 $0xFFFFD800  }
0x282: {  	s5 =	simm.s32 $0x3E8;
	_ =	swait.ge [sflag:s30], $0x2800  }
0x283: {  	s25 =	simm.s32 $0x1F4;
	s17 =	rddreg [dreg:$0x3];
	[sflag:s30] =	ssyncset.done $0x0  }
.LBB2_4:
0x284: {  	[sflag:s30] =	ssyncadd.s32 $0xFFFFD800;
	s17 =	sadd.s32 s25, s17  }
0x285: {  	[tilespmem:s19], [sflag:$0x7] =	stream.linear.gather [hbm4b:s17+s3], $0xFA0, $0x38;
	[tilespmem:$0x1F740] =	vst v63  }
0x286: {  	_ =	swait.ge [sflag:s18], $0xFA0  }
0x287: {  	s17 =	rddreg [dreg:$0x4];
	[sflag:s18] =	ssyncset.done $0x0  }
0x288: {  	[sflag:s18] =	ssyncadd.s32 $0xFFFFF060;
	s17 =	sadd.s32 s25, s17  }
0x289: {  	[tilespmem:s20], [sflag:$0x7] =	stream.linear.gather [hbm4b:s17+s3], $0xFA0, $0x38;
	[tilespmem:$0x1F740] =	vst v63  }
0x28a: {  	_ =	swait.ge [sflag:s18], $0xFA0  }
0x28b: {  	[sflag:s18] =	ssyncset.done $0x0  }
0x28c: {  	s16 =	smov.u32 s5;
	[sflag:s18] =	ssyncadd.s32 $0xFFFFF060  }
0x28d: {  	[tilespmem:s22], [sflag:$0x1] =	stream.indirect.gather [hbm4b:s4+s21], $0x80, s19, s21, $0xb8;
	[tilespmem:$0x1F740] =	vst v63  }
0x28e: {  	s25 =	smov.u32 s16;
	s16 =	rddreg [dreg:$0x5]  }
0x28f: {  	[tilespmem:s23], [sflag:$0x2] =	stream.indirect.gather [hbm4b:s4+s21], $0x80, s16, s21, $0xb8;
	[tilespmem:$0x1F740] =	vst v63  }
0x290: {  	s17 =	rddreg [dreg:$0x6]  }
0x291: {  	[tilespmem:s24], [sflag:$0x3] =	stream.indirect.gather [hbm4b:s4+s21], $0x80, s17, s21, $0xb8;
	[tilespmem:$0x1F740] =	vst v63  }
0x292: {  	_ =	swait.ge [sflag:s26], $0x2800  }
0x293: {  	[sflag:s26] =	ssyncset.done $0x0  }
0x294: {  	[sflag:s26] =	ssyncadd.s32 $0xFFFFD800  }
0x295: {  	[spmem:s2] =	stream.indirect.scatter.add.f32 [tilespmem:s22], [sflag:$0x4], $0x80, s20, s21, $0xb8;
	[tilespmem:$0x1F740] =	vst v63  }
0x296: {  	_ =	swait.ge [sflag:s28], $0x2800  }
0x297: {  	[sflag:s28] =	ssyncset.done $0x0  }
0x298: {  	s17 =	rddreg [dreg:$0x7];
	[sflag:s28] =	ssyncadd.s32 $0xFFFFD800  }
0x299: {  	[tilespmem:s22], [sflag:$0x1] =	stream.indirect.gather [hbm4b:s4+s21], $0x80, s17, s21, $0xb8;
	[tilespmem:$0x1F740] =	vst v63  }
0x29a: {  	_ =	swait.ge [sflag:s29], $0x2800  }
0x29b: {  	[sflag:s29] =	ssyncset.done $0x0  }
0x29c: {  	s17 =	rddreg [dreg:$0x8];
	[sflag:s29] =	ssyncadd.s32 $0xFFFFD800  }
0x29d: {  	[spmem:s2] =	stream.indirect.scatter.add.f32 [tilespmem:s23], [sflag:$0x5], $0x80, s17, s21, $0xb8;
	[tilespmem:$0x1F740] =	vst v63  }
0x29e: {  	_ =	swait.ge [sflag:s30], $0x2800  }
0x29f: {  	[sflag:s30] =	ssyncset.done $0x0  }
0x2a0: {  	s17 =	rddreg [dreg:$0x9];
	[sflag:s30] =	ssyncadd.s32 $0xFFFFD800  }
0x2a1: {  	[tilespmem:s23], [sflag:$0x2] =	stream.indirect.gather [hbm4b:s4+s21], $0x80, s17, s21, $0xb8;
	[tilespmem:$0x1F740] =	vst v63  }
0x2a2: {  	_ =	swait.ge [sflag:s31], $0x2800  }
0x2a3: {  	[sflag:s31] =	ssyncset.done $0x0  }
0x2a4: {  	s17 =	rddreg [dreg:$0xa];
	[sflag:s31] =	ssyncadd.s32 $0xFFFFD800  }
0x2a5: {  	[spmem:s2] =	stream.indirect.scatter.add.f32 [tilespmem:s24], [sflag:$0x6], $0x80, s17, s21, $0xb8;
	[tilespmem:$0x1F740] =	vst v63  }
0x2a6: {  	_ =	swait.ge [sflag:s1], $0x2800  }
0x2a7: {  	[sflag:s1] =	ssyncset.done $0x0  }
0x2a8: {  	s17 =	rddreg [dreg:$0xb];
	[sflag:s1] =	ssyncadd.s32 $0xFFFFD800  }
0x2a9: {  	[tilespmem:s24], [sflag:$0x3] =	stream.indirect.gather [hbm4b:s4+s21], $0x80, s17, s21, $0xb8;
	[tilespmem:$0x1F740] =	vst v63  }
0x2aa: {  	_ =	swait.ge [sflag:s26], $0x2800  }
0x2ab: {  	[sflag:s26] =	ssyncset.done $0x0  }
0x2ac: {  	s17 =	rddreg [dreg:$0xc];
	[sflag:s26] =	ssyncadd.s32 $0xFFFFD800  }
0x2ad: {  	[spmem:s2] =	stream.indirect.scatter.add.f32 [tilespmem:s22], [sflag:$0x4], $0x80, s17, s21, $0xb8;
	[tilespmem:$0x1F740] =	vst v63  }
0x2ae: {  	_ =	swait.ge [sflag:s28], $0x2800  }
0x2af: {  	[sflag:s28] =	ssyncset.done $0x0  }
0x2b0: {  	s17 =	rddreg [dreg:$0xd];
	[sflag:s28] =	ssyncadd.s32 $0xFFFFD800  }
0x2b1: {  	[tilespmem:s22], [sflag:$0x1] =	stream.indirect.gather [hbm4b:s4+s21], $0x80, s17, s21, $0xb8;
	[tilespmem:$0x1F740] =	vst v63  }
0x2b2: {  	_ =	swait.ge [sflag:s29], $0x2800  }
0x2b3: {  	[sflag:s29] =	ssyncset.done $0x0  }
0x2b4: {  	s17 =	rddreg [dreg:$0xe];
	[sflag:s29] =	ssyncadd.s32 $0xFFFFD800  }
0x2b5: {  	[spmem:s2] =	stream.indirect.scatter.add.f32 [tilespmem:s23], [sflag:$0x5], $0x80, s17, s21, $0xb8;
	[tilespmem:$0x1F740] =	vst v63  }
0x2b6: {  	_ =	swait.ge [sflag:s30], $0x2800  }
0x2b7: {  	[sflag:s30] =	ssyncset.done $0x0  }
0x2b8: {  	s17 =	rddreg [dreg:$0xf];
	[sflag:s30] =	ssyncadd.s32 $0xFFFFD800  }
0x2b9: {  	[tilespmem:s23], [sflag:$0x2] =	stream.indirect.gather [hbm4b:s4+s21], $0x80, s17, s21, $0xb8;
	[tilespmem:$0x1F740] =	vst v63  }
0x2ba: {  	_ =	swait.ge [sflag:s31], $0x2800  }
0x2bb: {  	[sflag:s31] =	ssyncset.done $0x0  }
0x2bc: {  	s17 =	rddreg [dreg:$0x10];
	[sflag:s31] =	ssyncadd.s32 $0xFFFFD800  }
0x2bd: {  	[spmem:s2] =	stream.indirect.scatter.add.f32 [tilespmem:s24], [sflag:$0x6], $0x80, s17, s21, $0xb8;
	[tilespmem:$0x1F740] =	vst v63  }
0x2be: {  	_ =	swait.ge [sflag:s1], $0x2800  }
0x2bf: {  	[sflag:s1] =	ssyncset.done $0x0  }
0x2c0: {  	s17 =	rddreg [dreg:$0x11];
	[sflag:s1] =	ssyncadd.s32 $0xFFFFD800  }
0x2c1: {  	[tilespmem:s24], [sflag:$0x3] =	stream.indirect.gather [hbm4b:s4+s21], $0x80, s17, s21, $0xb8;
	[tilespmem:$0x1F740] =	vst v63  }
0x2c2: {  	_ =	swait.ge [sflag:s26], $0x2800  }
0x2c3: {  	[sflag:s26] =	ssyncset.done $0x0  }
0x2c4: {  	s17 =	rddreg [dreg:$0x12];
	[sflag:s26] =	ssyncadd.s32 $0xFFFFD800  }
0x2c5: {  	[spmem:s2] =	stream.indirect.scatter.add.f32 [tilespmem:s22], [sflag:$0x4], $0x80, s17, s21, $0xb8;
	[tilespmem:$0x1F740] =	vst v63  }
0x2c6: {  	_ =	swait.ge [sflag:s28], $0x2800  }
0x2c7: {  	[sflag:s28] =	ssyncset.done $0x0  }
0x2c8: {  	s17 =	rddreg [dreg:$0x13];
	[sflag:s28] =	ssyncadd.s32 $0xFFFFD800  }
0x2c9: {  	[tilespmem:s22], [sflag:$0x1] =	stream.indirect.gather [hbm4b:s4+s21], $0x80, s17, s21, $0xb8;
	[tilespmem:$0x1F740] =	vst v63  }
0x2ca: {  	_ =	swait.ge [sflag:s29], $0x2800  }
0x2cb: {  	[sflag:s29] =	ssyncset.done $0x0  }
0x2cc: {  	s17 =	rddreg [dreg:$0x14];
	[sflag:s29] =	ssyncadd.s32 $0xFFFFD800  }
0x2cd: {  	[spmem:s2] =	stream.indirect.scatter.add.f32 [tilespmem:s23], [sflag:$0x5], $0x80, s17, s21, $0xb8;
	[tilespmem:$0x1F740] =	vst v63  }
0x2ce: {  	_ =	swait.ge [sflag:s30], $0x2800  }
0x2cf: {  	[sflag:s30] =	ssyncset.done $0x0  }
0x2d0: {  	s17 =	rddreg [dreg:$0x15];
	[sflag:s30] =	ssyncadd.s32 $0xFFFFD800  }
0x2d1: {  	[tilespmem:s23], [sflag:$0x2] =	stream.indirect.gather [hbm4b:s4+s21], $0x80, s17, s21, $0xb8;
	[tilespmem:$0x1F740] =	vst v63  }
0x2d2: {  	_ =	swait.ge [sflag:s31], $0x2800  }
0x2d3: {  	[sflag:s31] =	ssyncset.done $0x0  }
0x2d4: {  	s17 =	rddreg [dreg:$0x16];
	[sflag:s31] =	ssyncadd.s32 $0xFFFFD800  }
0x2d5: {  	[spmem:s2] =	stream.indirect.scatter.add.f32 [tilespmem:s24], [sflag:$0x6], $0x80, s17, s21, $0xb8;
	[tilespmem:$0x1F740] =	vst v63  }
0x2d6: {  	_ =	swait.ge [sflag:s1], $0x2800  }
0x2d7: {  	[sflag:s1] =	ssyncset.done $0x0  }
0x2d8: {  	s17 =	rddreg [dreg:$0x17];
	[sflag:s1] =	ssyncadd.s32 $0xFFFFD800  }
0x2d9: {  	[tilespmem:s24], [sflag:$0x3] =	stream.indirect.gather [hbm4b:s4+s21], $0x80, s17, s21, $0xb8;
	[tilespmem:$0x1F740] =	vst v63  }
0x2da: {  	_ =	swait.ge [sflag:s26], $0x2800  }
0x2db: {  	[sflag:s26] =	ssyncset.done $0x0  }
0x2dc: {  	s17 =	rddreg [dreg:$0x18];
	[sflag:s26] =	ssyncadd.s32 $0xFFFFD800  }
0x2dd: {  	[spmem:s2] =	stream.indirect.scatter.add.f32 [tilespmem:s22], [sflag:$0x4], $0x80, s17, s21, $0xb8;
	[tilespmem:$0x1F740] =	vst v63  }
0x2de: {  	_ =	swait.ge [sflag:s28], $0x2800  }
0x2df: {  	[sflag:s28] =	ssyncset.done $0x0  }
0x2e0: {  	s17 =	rddreg [dreg:$0x19];
	[sflag:s28] =	ssyncadd.s32 $0xFFFFD800  }
0x2e1: {  	[tilespmem:s22], [sflag:$0x1] =	stream.indirect.gather [hbm4b:s4+s21], $0x80, s17, s21, $0xb8;
	[tilespmem:$0x1F740] =	vst v63  }
0x2e2: {  	_ =	swait.ge [sflag:s29], $0x2800  }
0x2e3: {  	[sflag:s29] =	ssyncset.done $0x0  }
0x2e4: {  	s17 =	rddreg [dreg:$0x1a];
	[sflag:s29] =	ssyncadd.s32 $0xFFFFD800  }
0x2e5: {  	[spmem:s2] =	stream.indirect.scatter.add.f32 [tilespmem:s23], [sflag:$0x5], $0x80, s17, s21, $0xb8;
	[tilespmem:$0x1F740] =	vst v63  }
0x2e6: {  	_ =	swait.ge [sflag:s30], $0x2800  }
0x2e7: {  	[sflag:s30] =	ssyncset.done $0x0  }
0x2e8: {  	s17 =	rddreg [dreg:$0x1b];
	[sflag:s30] =	ssyncadd.s32 $0xFFFFD800  }
0x2e9: {  	[tilespmem:s23], [sflag:$0x2] =	stream.indirect.gather [hbm4b:s4+s21], $0x80, s17, s21, $0xb8;
	[tilespmem:$0x1F740] =	vst v63  }
0x2ea: {  	_ =	swait.ge [sflag:s31], $0x2800  }
0x2eb: {  	[sflag:s31] =	ssyncset.done $0x0  }
0x2ec: {  	s17 =	rddreg [dreg:$0x1c];
	[sflag:s31] =	ssyncadd.s32 $0xFFFFD800  }
0x2ed: {  	[spmem:s2] =	stream.indirect.scatter.add.f32 [tilespmem:s24], [sflag:$0x6], $0x80, s17, s21, $0xb8;
	[tilespmem:$0x1F740] =	vst v63  }
0x2ee: {  	_ =	swait.ge [sflag:s1], $0x2800  }
0x2ef: {  	[sflag:s1] =	ssyncset.done $0x0  }
0x2f0: {  	s17 =	rddreg [dreg:$0x1d];
	[sflag:s1] =	ssyncadd.s32 $0xFFFFD800  }
0x2f1: {  	[tilespmem:s24], [sflag:$0x3] =	stream.indirect.gather [hbm4b:s4+s21], $0x80, s17, s21, $0xb8;
	[tilespmem:$0x1F740] =	vst v63  }
0x2f2: {  	_ =	swait.ge [sflag:s26], $0x2800  }
0x2f3: {  	[sflag:s26] =	ssyncset.done $0x0  }
0x2f4: {  	s17 =	rddreg [dreg:$0x1e];
	[sflag:s26] =	ssyncadd.s32 $0xFFFFD800  }
0x2f5: {  	[spmem:s2] =	stream.indirect.scatter.add.f32 [tilespmem:s22], [sflag:$0x4], $0x80, s17, s21, $0xb8;
	[tilespmem:$0x1F740] =	vst v63  }
0x2f6: {  	_ =	swait.ge [sflag:s28], $0x2800  }
0x2f7: {  	[sflag:s28] =	ssyncset.done $0x0  }
0x2f8: {  	s17 =	rddreg [dreg:$0x1f];
	[sflag:s28] =	ssyncadd.s32 $0xFFFFD800  }
0x2f9: {  	[tilespmem:s22], [sflag:$0x1] =	stream.indirect.gather [hbm4b:s4+s21], $0x80, s17, s21, $0xb8;
	[tilespmem:$0x1F740] =	vst v63  }
0x2fa: {  	_ =	swait.ge [sflag:s29], $0x2800  }
0x2fb: {  	s17 =	sld [smem:$0x7B5]  }
0x2fc: {  	[sflag:s29] =	ssyncset.done $0x0  }
0x2fd: {  	[sflag:s29] =	ssyncadd.s32 $0xFFFFD800  }
0x2fe: {  	[spmem:s2] =	stream.indirect.scatter.add.f32 [tilespmem:s23], [sflag:$0x5], $0x80, s17, s21, $0xb8;
	[tilespmem:$0x1F740] =	vst v63  }
0x2ff: {  	_ =	swait.ge [sflag:s30], $0x2800  }
0x300: {  	s17 =	sld [smem:$0x7B6]  }
0x301: {  	[sflag:s30] =	ssyncset.done $0x0  }
0x302: {  	[sflag:s30] =	ssyncadd.s32 $0xFFFFD800  }
0x303: {  	[tilespmem:s23], [sflag:$0x2] =	stream.indirect.gather [hbm4b:s4+s21], $0x80, s17, s21, $0xb8;
	[tilespmem:$0x1F740] =	vst v63  }
0x304: {  	_ =	swait.ge [sflag:s31], $0x2800  }
0x305: {  	s17 =	sld [smem:$0x7B7]  }
0x306: {  	[sflag:s31] =	ssyncset.done $0x0  }
0x307: {  	[sflag:s31] =	ssyncadd.s32 $0xFFFFD800  }
0x308: {  	[spmem:s2] =	stream.indirect.scatter.add.f32 [tilespmem:s24], [sflag:$0x6], $0x80, s17, s21, $0xb8;
	[tilespmem:$0x1F740] =	vst v63  }
0x309: {  	_ =	swait.ge [sflag:s1], $0x2800  }
0x30a: {  	s17 =	sld [smem:$0x7B8]  }
0x30b: {  	[sflag:s1] =	ssyncset.done $0x0  }
0x30c: {  	[sflag:s1] =	ssyncadd.s32 $0xFFFFD800  }
0x30d: {  	[tilespmem:s24], [sflag:$0x3] =	stream.indirect.gather [hbm4b:s4+s21], $0x80, s17, s21, $0xb8;
	[tilespmem:$0x1F740] =	vst v63  }
0x30e: {  	_ =	swait.ge [sflag:s26], $0x2800  }
0x30f: {  	s17 =	sld [smem:$0x7B9]  }
0x310: {  	[sflag:s26] =	ssyncset.done $0x0  }
0x311: {  	[sflag:s26] =	ssyncadd.s32 $0xFFFFD800  }
0x312: {  	[spmem:s2] =	stream.indirect.scatter.add.f32 [tilespmem:s22], [sflag:$0x4], $0x80, s17, s21, $0xb8;
	[tilespmem:$0x1F740] =	vst v63  }
0x313: {  	_ =	swait.ge [sflag:s28], $0x2800  }
0x314: {  	s17 =	sld [smem:$0x7BA]  }
0x315: {  	[sflag:s28] =	ssyncset.done $0x0  }
0x316: {  	[sflag:s28] =	ssyncadd.s32 $0xFFFFD800  }
0x317: {  	[tilespmem:s22], [sflag:$0x1] =	stream.indirect.gather [hbm4b:s4+s21], $0x80, s17, s21, $0xb8;
	[tilespmem:$0x1F740] =	vst v63  }
0x318: {  	_ =	swait.ge [sflag:s29], $0x2800  }
0x319: {  	s17 =	sld [smem:$0x7BB]  }
0x31a: {  	[sflag:s29] =	ssyncset.done $0x0  }
0x31b: {  	[sflag:s29] =	ssyncadd.s32 $0xFFFFD800  }
0x31c: {  	[spmem:s2] =	stream.indirect.scatter.add.f32 [tilespmem:s23], [sflag:$0x5], $0x80, s17, s21, $0xb8;
	[tilespmem:$0x1F740] =	vst v63  }
0x31d: {  	_ =	swait.ge [sflag:s30], $0x2800  }
0x31e: {  	s17 =	sld [smem:$0x7BC]  }
0x31f: {  	[sflag:s30] =	ssyncset.done $0x0  }
0x320: {  	[sflag:s30] =	ssyncadd.s32 $0xFFFFD800  }
0x321: {  	[tilespmem:s23], [sflag:$0x2] =	stream.indirect.gather [hbm4b:s4+s21], $0x80, s17, s21, $0xb8;
	[tilespmem:$0x1F740] =	vst v63  }
0x322: {  	_ =	swait.ge [sflag:s31], $0x2800  }
0x323: {  	s17 =	sld [smem:$0x7BD]  }
0x324: {  	[sflag:s31] =	ssyncset.done $0x0  }
0x325: {  	[sflag:s31] =	ssyncadd.s32 $0xFFFFD800  }
0x326: {  	[spmem:s2] =	stream.indirect.scatter.add.f32 [tilespmem:s24], [sflag:$0x6], $0x80, s17, s21, $0xb8;
	[tilespmem:$0x1F740] =	vst v63  }
0x327: {  	_ =	swait.ge [sflag:s1], $0x2800  }
0x328: {  	s17 =	sld [smem:$0x7BE]  }
0x329: {  	[sflag:s1] =	ssyncset.done $0x0  }
0x32a: {  	[sflag:s1] =	ssyncadd.s32 $0xFFFFD800  }
0x32b: {  	[tilespmem:s24], [sflag:$0x3] =	stream.indirect.gather [hbm4b:s4+s21], $0x80, s17, s21, $0xb8;
	[tilespmem:$0x1F740] =	vst v63  }
0x32c: {  	_ =	swait.ge [sflag:s26], $0x2800  }
0x32d: {  	s17 =	sld [smem:$0x7BF]  }
0x32e: {  	[sflag:s26] =	ssyncset.done $0x0  }
0x32f: {  	[sflag:s26] =	ssyncadd.s32 $0xFFFFD800  }
0x330: {  	[spmem:s2] =	stream.indirect.scatter.add.f32 [tilespmem:s22], [sflag:$0x4], $0x80, s17, s21, $0xb8;
	[tilespmem:$0x1F740] =	vst v63  }
0x331: {  	_ =	swait.ge [sflag:s28], $0x2800  }
0x332: {  	s17 =	sld [smem:$0x7C0]  }
0x333: {  	[sflag:s28] =	ssyncset.done $0x0  }
0x334: {  	[sflag:s28] =	ssyncadd.s32 $0xFFFFD800  }
0x335: {  	[tilespmem:s22], [sflag:$0x1] =	stream.indirect.gather [hbm4b:s4+s21], $0x80, s17, s21, $0xb8;
	[tilespmem:$0x1F740] =	vst v63  }
0x336: {  	_ =	swait.ge [sflag:s29], $0x2800  }
0x337: {  	s17 =	sld [smem:$0x7C1]  }
0x338: {  	[sflag:s29] =	ssyncset.done $0x0  }
0x339: {  	[sflag:s29] =	ssyncadd.s32 $0xFFFFD800  }
0x33a: {  	[spmem:s2] =	stream.indirect.scatter.add.f32 [tilespmem:s23], [sflag:$0x5], $0x80, s17, s21, $0xb8;
	[tilespmem:$0x1F740] =	vst v63  }
0x33b: {  	_ =	swait.ge [sflag:s30], $0x2800  }
0x33c: {  	s17 =	sld [smem:$0x7C2]  }
0x33d: {  	[sflag:s30] =	ssyncset.done $0x0  }
0x33e: {  	[sflag:s30] =	ssyncadd.s32 $0xFFFFD800  }
0x33f: {  	[tilespmem:s23], [sflag:$0x2] =	stream.indirect.gather [hbm4b:s4+s21], $0x80, s17, s21, $0xb8;
	[tilespmem:$0x1F740] =	vst v63  }
0x340: {  	_ =	swait.ge [sflag:s31], $0x2800  }
0x341: {  	s17 =	sld [smem:$0x7C3]  }
0x342: {  	[sflag:s31] =	ssyncset.done $0x0  }
0x343: {  	[sflag:s31] =	ssyncadd.s32 $0xFFFFD800  }
0x344: {  	[spmem:s2] =	stream.indirect.scatter.add.f32 [tilespmem:s24], [sflag:$0x6], $0x80, s17, s21, $0xb8;
	[tilespmem:$0x1F740] =	vst v63  }
0x345: {  	_ =	swait.ge [sflag:s1], $0x2800  }
0x346: {  	s17 =	sld [smem:$0x7C4]  }
0x347: {  	[sflag:s1] =	ssyncset.done $0x0  }
0x348: {  	[sflag:s1] =	ssyncadd.s32 $0xFFFFD800  }
0x349: {  	[tilespmem:s24], [sflag:$0x3] =	stream.indirect.gather [hbm4b:s4+s21], $0x80, s17, s21, $0xb8;
	[tilespmem:$0x1F740] =	vst v63  }
0x34a: {  	_ =	swait.ge [sflag:s26], $0x2800  }
0x34b: {  	s17 =	sld [smem:$0x7C5]  }
0x34c: {  	[sflag:s26] =	ssyncset.done $0x0  }
0x34d: {  	[sflag:s26] =	ssyncadd.s32 $0xFFFFD800  }
0x34e: {  	[spmem:s2] =	stream.indirect.scatter.add.f32 [tilespmem:s22], [sflag:$0x4], $0x80, s17, s21, $0xb8;
	[tilespmem:$0x1F740] =	vst v63  }
0x34f: {  	_ =	swait.ge [sflag:s28], $0x2800  }
0x350: {  	s17 =	sld [smem:$0x7C6]  }
0x351: {  	[sflag:s28] =	ssyncset.done $0x0  }
0x352: {  	[sflag:s28] =	ssyncadd.s32 $0xFFFFD800  }
0x353: {  	[tilespmem:s22], [sflag:$0x1] =	stream.indirect.gather [hbm4b:s4+s21], $0x80, s17, s21, $0xb8;
	[tilespmem:$0x1F740] =	vst v63  }
0x354: {  	_ =	swait.ge [sflag:s29], $0x2800  }
0x355: {  	s17 =	sld [smem:$0x7C7]  }
0x356: {  	[sflag:s29] =	ssyncset.done $0x0  }
0x357: {  	[sflag:s29] =	ssyncadd.s32 $0xFFFFD800  }
0x358: {  	[spmem:s2] =	stream.indirect.scatter.add.f32 [tilespmem:s23], [sflag:$0x5], $0x80, s17, s21, $0xb8;
	[tilespmem:$0x1F740] =	vst v63  }
0x359: {  	_ =	swait.ge [sflag:s30], $0x2800  }
0x35a: {  	s17 =	sld [smem:$0x7C8]  }
0x35b: {  	[sflag:s30] =	ssyncset.done $0x0  }
0x35c: {  	[sflag:s30] =	ssyncadd.s32 $0xFFFFD800  }
0x35d: {  	[tilespmem:s23], [sflag:$0x2] =	stream.indirect.gather [hbm4b:s4+s21], $0x80, s17, s21, $0xb8;
	[tilespmem:$0x1F740] =	vst v63  }
0x35e: {  	_ =	swait.ge [sflag:s31], $0x2800  }
0x35f: {  	s17 =	sld [smem:$0x7C9]  }
0x360: {  	[sflag:s31] =	ssyncset.done $0x0  }
0x361: {  	[sflag:s31] =	ssyncadd.s32 $0xFFFFD800  }
0x362: {  	[spmem:s2] =	stream.indirect.scatter.add.f32 [tilespmem:s24], [sflag:$0x6], $0x80, s17, s21, $0xb8;
	[tilespmem:$0x1F740] =	vst v63  }
0x363: {  	_ =	swait.ge [sflag:s1], $0x2800  }
0x364: {  	s17 =	sld [smem:$0x7CA]  }
0x365: {  	[sflag:s1] =	ssyncset.done $0x0  }
0x366: {  	[sflag:s1] =	ssyncadd.s32 $0xFFFFD800  }
0x367: {  	[tilespmem:s24], [sflag:$0x3] =	stream.indirect.gather [hbm4b:s4+s21], $0x80, s17, s21, $0xb8;
	[tilespmem:$0x1F740] =	vst v63  }
0x368: {  	_ =	swait.ge [sflag:s26], $0x2800  }
0x369: {  	s17 =	sld [smem:$0x7CB]  }
0x36a: {  	[sflag:s26] =	ssyncset.done $0x0  }
0x36b: {  	[sflag:s26] =	ssyncadd.s32 $0xFFFFD800  }
0x36c: {  	[spmem:s2] =	stream.indirect.scatter.add.f32 [tilespmem:s22], [sflag:$0x4], $0x80, s17, s21, $0xb8;
	[tilespmem:$0x1F740] =	vst v63  }
0x36d: {  	_ =	swait.ge [sflag:s28], $0x2800  }
0x36e: {  	s17 =	sld [smem:$0x7CC]  }
0x36f: {  	[sflag:s28] =	ssyncset.done $0x0  }
0x370: {  	[sflag:s28] =	ssyncadd.s32 $0xFFFFD800  }
0x371: {  	[tilespmem:s22], [sflag:$0x1] =	stream.indirect.gather [hbm4b:s4+s21], $0x80, s17, s21, $0xb8;
	[tilespmem:$0x1F740] =	vst v63  }
0x372: {  	_ =	swait.ge [sflag:s29], $0x2800  }
0x373: {  	s17 =	sld [smem:$0x7CD]  }
0x374: {  	[sflag:s29] =	ssyncset.done $0x0  }
0x375: {  	[sflag:s29] =	ssyncadd.s32 $0xFFFFD800  }
0x376: {  	[spmem:s2] =	stream.indirect.scatter.add.f32 [tilespmem:s23], [sflag:$0x5], $0x80, s17, s21, $0xb8;
	[tilespmem:$0x1F740] =	vst v63  }
0x377: {  	_ =	swait.ge [sflag:s30], $0x2800  }
0x378: {  	s17 =	sld [smem:$0x7CE]  }
0x379: {  	[sflag:s30] =	ssyncset.done $0x0  }
0x37a: {  	[sflag:s30] =	ssyncadd.s32 $0xFFFFD800  }
0x37b: {  	[tilespmem:s23], [sflag:$0x2] =	stream.indirect.gather [hbm4b:s4+s21], $0x80, s17, s21, $0xb8;
	[tilespmem:$0x1F740] =	vst v63  }
0x37c: {  	_ =	swait.ge [sflag:s31], $0x2800  }
0x37d: {  	s17 =	sld [smem:$0x7CF]  }
0x37e: {  	[sflag:s31] =	ssyncset.done $0x0  }
0x37f: {  	[sflag:s31] =	ssyncadd.s32 $0xFFFFD800  }
0x380: {  	[spmem:s2] =	stream.indirect.scatter.add.f32 [tilespmem:s24], [sflag:$0x6], $0x80, s17, s21, $0xb8;
	[tilespmem:$0x1F740] =	vst v63  }
0x381: {  	_ =	swait.ge [sflag:s1], $0x2800  }
0x382: {  	s17 =	sld [smem:$0x7D0]  }
0x383: {  	[sflag:s1] =	ssyncset.done $0x0  }
0x384: {  	[sflag:s1] =	ssyncadd.s32 $0xFFFFD800  }
0x385: {  	[tilespmem:s24], [sflag:$0x3] =	stream.indirect.gather [hbm4b:s4+s21], $0x80, s17, s21, $0xb8;
	[tilespmem:$0x1F740] =	vst v63  }
0x386: {  	_ =	swait.ge [sflag:s26], $0x2800  }
0x387: {  	s17 =	sld [smem:$0x7D1]  }
0x388: {  	[sflag:s26] =	ssyncset.done $0x0  }
0x389: {  	[sflag:s26] =	ssyncadd.s32 $0xFFFFD800  }
0x38a: {  	[spmem:s2] =	stream.indirect.scatter.add.f32 [tilespmem:s22], [sflag:$0x4], $0x80, s17, s21, $0xb8;
	[tilespmem:$0x1F740] =	vst v63  }
0x38b: {  	_ =	swait.ge [sflag:s28], $0x2800  }
0x38c: {  	s17 =	sld [smem:$0x7D2]  }
0x38d: {  	[sflag:s28] =	ssyncset.done $0x0  }
0x38e: {  	[sflag:s28] =	ssyncadd.s32 $0xFFFFD800  }
0x38f: {  	[tilespmem:s22], [sflag:$0x1] =	stream.indirect.gather [hbm4b:s4+s21], $0x80, s17, s21, $0xb8;
	[tilespmem:$0x1F740] =	vst v63  }
0x390: {  	_ =	swait.ge [sflag:s29], $0x2800  }
0x391: {  	s17 =	sld [smem:$0x7D3]  }
0x392: {  	[sflag:s29] =	ssyncset.done $0x0  }
0x393: {  	[sflag:s29] =	ssyncadd.s32 $0xFFFFD800  }
0x394: {  	[spmem:s2] =	stream.indirect.scatter.add.f32 [tilespmem:s23], [sflag:$0x5], $0x80, s17, s21, $0xb8;
	[tilespmem:$0x1F740] =	vst v63  }
0x395: {  	_ =	swait.ge [sflag:s30], $0x2800  }
0x396: {  	s17 =	sld [smem:$0x7D4]  }
0x397: {  	[sflag:s30] =	ssyncset.done $0x0  }
0x398: {  	[sflag:s30] =	ssyncadd.s32 $0xFFFFD800  }
0x399: {  	[tilespmem:s23], [sflag:$0x2] =	stream.indirect.gather [hbm4b:s4+s21], $0x80, s17, s21, $0xb8;
	[tilespmem:$0x1F740] =	vst v63  }
0x39a: {  	_ =	swait.ge [sflag:s31], $0x2800  }
0x39b: {  	s17 =	sld [smem:$0x7D5]  }
0x39c: {  	[sflag:s31] =	ssyncset.done $0x0  }
0x39d: {  	[sflag:s31] =	ssyncadd.s32 $0xFFFFD800  }
0x39e: {  	[spmem:s2] =	stream.indirect.scatter.add.f32 [tilespmem:s24], [sflag:$0x6], $0x80, s17, s21, $0xb8;
	[tilespmem:$0x1F740] =	vst v63  }
0x39f: {  	_ =	swait.ge [sflag:s1], $0x2800  }
0x3a0: {  	s17 =	sld [smem:$0x7D6]  }
0x3a1: {  	[sflag:s1] =	ssyncset.done $0x0  }
0x3a2: {  	[sflag:s1] =	ssyncadd.s32 $0xFFFFD800  }
0x3a3: {  	[tilespmem:s24], [sflag:$0x3] =	stream.indirect.gather [hbm4b:s4+s21], $0x80, s17, s21, $0xb8;
	[tilespmem:$0x1F740] =	vst v63  }
0x3a4: {  	_ =	swait.ge [sflag:s26], $0x2800  }
0x3a5: {  	s17 =	sld [smem:$0x7D7]  }
0x3a6: {  	[sflag:s26] =	ssyncset.done $0x0  }
0x3a7: {  	[sflag:s26] =	ssyncadd.s32 $0xFFFFD800  }
0x3a8: {  	[spmem:s2] =	stream.indirect.scatter.add.f32 [tilespmem:s22], [sflag:$0x4], $0x80, s17, s21, $0xb8;
	[tilespmem:$0x1F740] =	vst v63  }
0x3a9: {  	_ =	swait.ge [sflag:s28], $0x2800  }
0x3aa: {  	s17 =	sld [smem:$0x7D8]  }
0x3ab: {  	[sflag:s28] =	ssyncset.done $0x0  }
0x3ac: {  	[sflag:s28] =	ssyncadd.s32 $0xFFFFD800  }
0x3ad: {  	[tilespmem:s22], [sflag:$0x1] =	stream.indirect.gather [hbm4b:s4+s21], $0x80, s17, s21, $0xb8;
	[tilespmem:$0x1F740] =	vst v63  }
0x3ae: {  	_ =	swait.ge [sflag:s29], $0x2800  }
0x3af: {  	s17 =	sld [smem:$0x7D9]  }
0x3b0: {  	[sflag:s29] =	ssyncset.done $0x0  }
0x3b1: {  	[sflag:s29] =	ssyncadd.s32 $0xFFFFD800  }
0x3b2: {  	[spmem:s2] =	stream.indirect.scatter.add.f32 [tilespmem:s23], [sflag:$0x5], $0x80, s17, s21, $0xb8;
	[tilespmem:$0x1F740] =	vst v63  }
0x3b3: {  	_ =	swait.ge [sflag:s30], $0x2800  }
0x3b4: {  	s17 =	sld [smem:$0x7DA]  }
0x3b5: {  	[sflag:s30] =	ssyncset.done $0x0  }
0x3b6: {  	[sflag:s30] =	ssyncadd.s32 $0xFFFFD800  }
0x3b7: {  	[tilespmem:s23], [sflag:$0x2] =	stream.indirect.gather [hbm4b:s4+s21], $0x80, s17, s21, $0xb8;
	[tilespmem:$0x1F740] =	vst v63  }
0x3b8: {  	_ =	swait.ge [sflag:s31], $0x2800  }
0x3b9: {  	s17 =	sld [smem:$0x7DB]  }
0x3ba: {  	[sflag:s31] =	ssyncset.done $0x0  }
0x3bb: {  	[sflag:s31] =	ssyncadd.s32 $0xFFFFD800  }
0x3bc: {  	[spmem:s2] =	stream.indirect.scatter.add.f32 [tilespmem:s24], [sflag:$0x6], $0x80, s17, s21, $0xb8;
	[tilespmem:$0x1F740] =	vst v63  }
0x3bd: {  	_ =	swait.ge [sflag:s1], $0x2800  }
0x3be: {  	s17 =	sld [smem:$0x7DC]  }
0x3bf: {  	[sflag:s1] =	ssyncset.done $0x0  }
0x3c0: {  	[sflag:s1] =	ssyncadd.s32 $0xFFFFD800  }
0x3c1: {  	[tilespmem:s24], [sflag:$0x3] =	stream.indirect.gather [hbm4b:s4+s21], $0x80, s17, s21, $0xb8;
	[tilespmem:$0x1F740] =	vst v63  }
0x3c2: {  	_ =	swait.ge [sflag:s26], $0x2800  }
0x3c3: {  	s17 =	sld [smem:$0x7DE]  }
0x3c4: {  	[sflag:s26] =	ssyncset.done $0x0  }
0x3c5: {  	[sflag:s26] =	ssyncadd.s32 $0xFFFFD800  }
0x3c6: {  	[spmem:s2] =	stream.indirect.scatter.add.f32 [tilespmem:s22], [sflag:$0x4], $0x80, s17, s21, $0xb8;
	[tilespmem:$0x1F740] =	vst v63  }
0x3c7: {  	_ =	swait.ge [sflag:s28], $0x2800  }
0x3c8: {  	s17 =	sld [smem:$0x7DF]  }
0x3c9: {  	[sflag:s28] =	ssyncset.done $0x0  }
0x3ca: {  	[sflag:s28] =	ssyncadd.s32 $0xFFFFD800  }
0x3cb: {  	[tilespmem:s22], [sflag:$0x1] =	stream.indirect.gather [hbm4b:s4+s21], $0x80, s17, s21, $0xb8;
	[tilespmem:$0x1F740] =	vst v63  }
0x3cc: {  	_ =	swait.ge [sflag:s29], $0x2800  }
0x3cd: {  	s17 =	sld [smem:$0x7E1]  }
0x3ce: {  	[sflag:s29] =	ssyncset.done $0x0  }
0x3cf: {  	[sflag:s29] =	ssyncadd.s32 $0xFFFFD800  }
0x3d0: {  	[spmem:s2] =	stream.indirect.scatter.add.f32 [tilespmem:s23], [sflag:$0x5], $0x80, s17, s21, $0xb8;
	[tilespmem:$0x1F740] =	vst v63  }
0x3d1: {  	_ =	swait.ge [sflag:s30], $0x2800  }
0x3d2: {  	s17 =	sld [smem:$0x7E3]  }
0x3d3: {  	[sflag:s30] =	ssyncset.done $0x0  }
0x3d4: {  	[sflag:s30] =	ssyncadd.s32 $0xFFFFD800  }
0x3d5: {  	[tilespmem:s23], [sflag:$0x2] =	stream.indirect.gather [hbm4b:s4+s21], $0x80, s17, s21, $0xb8;
	[tilespmem:$0x1F740] =	vst v63  }
0x3d6: {  	_ =	swait.ge [sflag:s31], $0x2800  }
0x3d7: {  	s17 =	sld [smem:$0x7E5]  }
0x3d8: {  	[sflag:s31] =	ssyncset.done $0x0  }
0x3d9: {  	[sflag:s31] =	ssyncadd.s32 $0xFFFFD800  }
0x3da: {  	[spmem:s2] =	stream.indirect.scatter.add.f32 [tilespmem:s24], [sflag:$0x6], $0x80, s17, s21, $0xb8;
	[tilespmem:$0x1F740] =	vst v63  }
0x3db: {  	_ =	swait.ge [sflag:s1], $0x2800  }
0x3dc: {  	s17 =	sld [smem:$0x7E7]  }
0x3dd: {  	[sflag:s1] =	ssyncset.done $0x0  }
0x3de: {  	[sflag:s1] =	ssyncadd.s32 $0xFFFFD800  }
0x3df: {  	[tilespmem:s24], [sflag:$0x3] =	stream.indirect.gather [hbm4b:s4+s21], $0x80, s17, s21, $0xb8;
	[tilespmem:$0x1F740] =	vst v63  }
0x3e0: {  	_ =	swait.ge [sflag:s26], $0x2800  }
0x3e1: {  	s17 =	sld [smem:$0x7E9]  }
0x3e2: {  	[sflag:s26] =	ssyncset.done $0x0  }
0x3e3: {  	[sflag:s26] =	ssyncadd.s32 $0xFFFFD800  }
0x3e4: {  	[spmem:s2] =	stream.indirect.scatter.add.f32 [tilespmem:s22], [sflag:$0x4], $0x80, s17, s21, $0xb8;
	[tilespmem:$0x1F740] =	vst v63  }
0x3e5: {  	_ =	swait.ge [sflag:s28], $0x2800  }
0x3e6: {  	s17 =	sld [smem:$0x7EB]  }
0x3e7: {  	[sflag:s28] =	ssyncset.done $0x0  }
0x3e8: {  	[sflag:s28] =	ssyncadd.s32 $0xFFFFD800  }
0x3e9: {  	[tilespmem:s22], [sflag:$0x1] =	stream.indirect.gather [hbm4b:s4+s21], $0x80, s17, s21, $0xb8;
	[tilespmem:$0x1F740] =	vst v63  }
0x3ea: {  	_ =	swait.ge [sflag:s29], $0x2800  }
0x3eb: {  	s17 =	sld [smem:$0x7ED]  }
0x3ec: {  	[sflag:s29] =	ssyncset.done $0x0  }
0x3ed: {  	[sflag:s29] =	ssyncadd.s32 $0xFFFFD800  }
0x3ee: {  	[spmem:s2] =	stream.indirect.scatter.add.f32 [tilespmem:s23], [sflag:$0x5], $0x80, s17, s21, $0xb8;
	[tilespmem:$0x1F740] =	vst v63  }
0x3ef: {  	_ =	swait.ge [sflag:s30], $0x2800  }
0x3f0: {  	s17 =	sld [smem:$0x7EF]  }
0x3f1: {  	[sflag:s30] =	ssyncset.done $0x0  }
0x3f2: {  	[sflag:s30] =	ssyncadd.s32 $0xFFFFD800  }
0x3f3: {  	[tilespmem:s23], [sflag:$0x2] =	stream.indirect.gather [hbm4b:s4+s21], $0x80, s17, s21, $0xb8;
	[tilespmem:$0x1F740] =	vst v63  }
0x3f4: {  	_ =	swait.ge [sflag:s31], $0x2800  }
0x3f5: {  	s17 =	sld [smem:$0x7F1]  }
0x3f6: {  	[sflag:s31] =	ssyncset.done $0x0  }
0x3f7: {  	[sflag:s31] =	ssyncadd.s32 $0xFFFFD800  }
0x3f8: {  	[spmem:s2] =	stream.indirect.scatter.add.f32 [tilespmem:s24], [sflag:$0x6], $0x80, s17, s21, $0xb8;
	[tilespmem:$0x1F740] =	vst v63  }
0x3f9: {  	_ =	swait.ge [sflag:s1], $0x2800  }
0x3fa: {  	s17 =	sld [smem:$0x7F4]  }
0x3fb: {  	[sflag:s1] =	ssyncset.done $0x0  }
0x3fc: {  	[sflag:s1] =	ssyncadd.s32 $0xFFFFD800  }
0x3fd: {  	[tilespmem:s24], [sflag:$0x3] =	stream.indirect.gather [hbm4b:s4+s21], $0x80, s17, s21, $0xb8;
	[tilespmem:$0x1F740] =	vst v63  }
0x3fe: {  	_ =	swait.ge [sflag:s26], $0x2800  }
0x3ff: {  	s17 =	sld [smem:$0x7F5]  }
0x400: {  	[sflag:s26] =	ssyncset.done $0x0  }
0x401: {  	[sflag:s26] =	ssyncadd.s32 $0xFFFFD800  }
0x402: {  	[spmem:s2] =	stream.indirect.scatter.add.f32 [tilespmem:s22], [sflag:$0x4], $0x80, s17, s21, $0xb8;
	[tilespmem:$0x1F740] =	vst v63  }
0x403: {  	_ =	swait.ge [sflag:s28], $0x2800  }
0x404: {  	s17 =	sld [smem:$0x7F6]  }
0x405: {  	[sflag:s28] =	ssyncset.done $0x0  }
0x406: {  	[sflag:s28] =	ssyncadd.s32 $0xFFFFD800  }
0x407: {  	[tilespmem:s22], [sflag:$0x1] =	stream.indirect.gather [hbm4b:s4+s21], $0x80, s17, s21, $0xb8;
	[tilespmem:$0x1F740] =	vst v63  }
0x408: {  	_ =	swait.ge [sflag:s29], $0x2800  }
0x409: {  	s17 =	sld [smem:$0x7F7]  }
0x40a: {  	[sflag:s29] =	ssyncset.done $0x0  }
0x40b: {  	[sflag:s29] =	ssyncadd.s32 $0xFFFFD800  }
0x40c: {  	[spmem:s2] =	stream.indirect.scatter.add.f32 [tilespmem:s23], [sflag:$0x5], $0x80, s17, s21, $0xb8;
	[tilespmem:$0x1F740] =	vst v63  }
0x40d: {  	_ =	swait.ge [sflag:s30], $0x2800  }
0x40e: {  	s17 =	sld [smem:$0x7F8]  }
0x40f: {  	[sflag:s30] =	ssyncset.done $0x0  }
0x410: {  	[sflag:s30] =	ssyncadd.s32 $0xFFFFD800  }
0x411: {  	[tilespmem:s23], [sflag:$0x2] =	stream.indirect.gather [hbm4b:s4+s21], $0x80, s17, s21, $0xb8;
	[tilespmem:$0x1F740] =	vst v63  }
0x412: {  	_ =	swait.ge [sflag:s31], $0x2800  }
0x413: {  	s17 =	sld [smem:$0x7F9]  }
0x414: {  	[sflag:s31] =	ssyncset.done $0x0  }
0x415: {  	[sflag:s31] =	ssyncadd.s32 $0xFFFFD800  }
0x416: {  	[spmem:s2] =	stream.indirect.scatter.add.f32 [tilespmem:s24], [sflag:$0x6], $0x80, s17, s21, $0xb8;
	[tilespmem:$0x1F740] =	vst v63  }
0x417: {  	_ =	swait.ge [sflag:s1], $0x2800  }
0x418: {  	s17 =	sld [smem:$0x7FA]  }
0x419: {  	[sflag:s1] =	ssyncset.done $0x0  }
0x41a: {  	[sflag:s1] =	ssyncadd.s32 $0xFFFFD800  }
0x41b: {  	[tilespmem:s24], [sflag:$0x3] =	stream.indirect.gather [hbm4b:s4+s21], $0x80, s17, s21, $0xb8;
	[tilespmem:$0x1F740] =	vst v63  }
0x41c: {  	_ =	swait.ge [sflag:s26], $0x2800  }
0x41d: {  	s17 =	sld [smem:$0x7FB]  }
0x41e: {  	[sflag:s26] =	ssyncset.done $0x0  }
0x41f: {  	[sflag:s26] =	ssyncadd.s32 $0xFFFFD800  }
0x420: {  	[spmem:s2] =	stream.indirect.scatter.add.f32 [tilespmem:s22], [sflag:$0x4], $0x80, s17, s21, $0xb8;
	[tilespmem:$0x1F740] =	vst v63  }
0x421: {  	_ =	swait.ge [sflag:s28], $0x2800  }
0x422: {  	s17 =	sld [smem:$0x7FC]  }
0x423: {  	[sflag:s28] =	ssyncset.done $0x0  }
0x424: {  	[sflag:s28] =	ssyncadd.s32 $0xFFFFD800  }
0x425: {  	[tilespmem:s22], [sflag:$0x1] =	stream.indirect.gather [hbm4b:s4+s21], $0x80, s17, s21, $0xb8;
	[tilespmem:$0x1F740] =	vst v63  }
0x426: {  	_ =	swait.ge [sflag:s29], $0x2800  }
0x427: {  	[sflag:s29] =	ssyncset.done $0x0  }
0x428: {  	[sflag:s29] =	ssyncadd.s32 $0xFFFFD800  }
0x429: {  	[spmem:s2] =	stream.indirect.scatter.add.f32 [tilespmem:s23], [sflag:$0x5], $0x80, s0, s21, $0xb8;
	[tilespmem:$0x1F740] =	vst v63  }
0x42a: {  	_ =	swait.ge [sflag:s30], $0x2800  }
0x42b: {  	[sflag:s30] =	ssyncset.done $0x0  }
0x42c: {  	[sflag:s30] =	ssyncadd.s32 $0xFFFFD800  }
0x42d: {  	[tilespmem:s23], [sflag:$0x2] =	stream.indirect.gather [hbm4b:s4+s21], $0x80, s6, s21, $0xb8;
	[tilespmem:$0x1F740] =	vst v63  }
0x42e: {  	_ =	swait.ge [sflag:s31], $0x2800  }
0x42f: {  	[sflag:s31] =	ssyncset.done $0x0  }
0x430: {  	[sflag:s31] =	ssyncadd.s32 $0xFFFFD800  }
0x431: {  	[spmem:s2] =	stream.indirect.scatter.add.f32 [tilespmem:s24], [sflag:$0x6], $0x80, s7, s21, $0xb8;
	[tilespmem:$0x1F740] =	vst v63  }
0x432: {  	_ =	swait.ge [sflag:s1], $0x2800  }
0x433: {  	[sflag:s1] =	ssyncset.done $0x0  }
0x434: {  	[sflag:s1] =	ssyncadd.s32 $0xFFFFD800  }
0x435: {  	[tilespmem:s24], [sflag:$0x3] =	stream.indirect.gather [hbm4b:s4+s21], $0x80, s8, s21, $0xb8;
	[tilespmem:$0x1F740] =	vst v63  }
0x436: {  	_ =	swait.ge [sflag:s26], $0x2800  }
0x437: {  	[sflag:s26] =	ssyncset.done $0x0  }
0x438: {  	[sflag:s26] =	ssyncadd.s32 $0xFFFFD800  }
0x439: {  	[spmem:s2] =	stream.indirect.scatter.add.f32 [tilespmem:s22], [sflag:$0x4], $0x80, s9, s21, $0xb8;
	[tilespmem:$0x1F740] =	vst v63  }
0x43a: {  	_ =	swait.ge [sflag:s28], $0x2800  }
0x43b: {  	[sflag:s28] =	ssyncset.done $0x0  }
0x43c: {  	[sflag:s28] =	ssyncadd.s32 $0xFFFFD800  }
0x43d: {  	[tilespmem:s22], [sflag:$0x1] =	stream.indirect.gather [hbm4b:s4+s21], $0x80, s10, s21, $0xb8;
	[tilespmem:$0x1F740] =	vst v63  }
0x43e: {  	_ =	swait.ge [sflag:s29], $0x2800  }
0x43f: {  	[sflag:s29] =	ssyncset.done $0x0  }
0x440: {  	[sflag:s29] =	ssyncadd.s32 $0xFFFFD800  }
0x441: {  	[spmem:s2] =	stream.indirect.scatter.add.f32 [tilespmem:s23], [sflag:$0x5], $0x80, s11, s21, $0xb8;
	[tilespmem:$0x1F740] =	vst v63  }
0x442: {  	_ =	swait.ge [sflag:s30], $0x2800  }
0x443: {  	[sflag:s30] =	ssyncset.done $0x0  }
0x444: {  	[sflag:s30] =	ssyncadd.s32 $0xFFFFD800  }
0x445: {  	[tilespmem:s23], [sflag:$0x2] =	stream.indirect.gather [hbm4b:s4+s21], $0x80, s12, s21, $0xb8;
	[tilespmem:$0x1F740] =	vst v63  }
0x446: {  	_ =	swait.ge [sflag:s31], $0x2800  }
0x447: {  	[sflag:s31] =	ssyncset.done $0x0  }
0x448: {  	[sflag:s31] =	ssyncadd.s32 $0xFFFFD800  }
0x449: {  	[spmem:s2] =	stream.indirect.scatter.add.f32 [tilespmem:s24], [sflag:$0x6], $0x80, s13, s21, $0xb8;
	[tilespmem:$0x1F740] =	vst v63  }
0x44a: {  	_ =	swait.ge [sflag:s26], $0x2800  }
0x44b: {  	[sflag:s26] =	ssyncset.done $0x0  }
0x44c: {  	[sflag:s26] =	ssyncadd.s32 $0xFFFFD800  }
0x44d: {  	[spmem:s2] =	stream.indirect.scatter.add.f32 [tilespmem:s22], [sflag:$0x4], $0x80, s14, s21, $0xb8;
	[tilespmem:$0x1F740] =	vst v63  }
0x44e: {  	_ =	swait.ge [sflag:s29], $0x2800  }
0x44f: {  	[sflag:s29] =	ssyncset.done $0x0  }
0x450: {  	[sflag:s29] =	ssyncadd.s32 $0xFFFFD800  }
0x451: {  	[spmem:s2] =	stream.indirect.scatter.add.f32 [tilespmem:s23], [sflag:$0x5], $0x80, s15, s21, $0xb8;
	[tilespmem:$0x1F740] =	vst v63  }
0x452: {  	_ =	swait.ge [sflag:s1], $0x2800  }
0x453: {  	[sflag:s1] =	ssyncset.done $0x0  }
0x454: {  	p0 =	sne.s32 s5, $0x7D0;
	[sflag:s1] =	ssyncadd.s32 $0xFFFFD800  }
.Ltmp1:
0x455: {  	_ =	swait.ge [sflag:s28], $0x2800;
	(pc) =	sbr.rel @p0 .LBB2_4-.Ltmp1, $4  }
0x456: {  	[sflag:s28] =	ssyncset.done $0x0  }
0x457: {  	[sflag:s28] =	ssyncadd.s32 $0xFFFFD800  }
0x458: {  	_ =	swait.ge [sflag:s30], $0x2800  }
0x459: {  	s5 =	sadd.s32 $0x1F4, s5;
	s17 =	rddreg [dreg:$0x3];
	[sflag:s30] =	ssyncset.done $0x0  }
0x45a: {  	[sflag:s30] =	ssyncadd.s32 $0xFFFFD800;
	s5 =	sadd.s32 s25, s17  }
0x45b: {  	[tilespmem:s19], [sflag:$0x7] =	stream.linear.gather [hbm4b:s5+s3], $0xFA0, $0x38;
	[tilespmem:$0x1F740] =	vst v63  }
0x45c: {  	_ =	swait.ge [sflag:s18], $0xFA0  }
0x45d: {  	s16 =	rddreg [dreg:$0x4];
	[sflag:s18] =	ssyncset.done $0x0  }
0x45e: {  	[sflag:s18] =	ssyncadd.s32 $0xFFFFF060;
	s5 =	sadd.s32 s25, s16  }
0x45f: {  	[tilespmem:s20], [sflag:$0x7] =	stream.linear.gather [hbm4b:s5+s3], $0xFA0, $0x38;
	[tilespmem:$0x1F740] =	vst v63  }
0x460: {  	_ =	swait.ge [sflag:s18], $0xFA0  }
0x461: {  	[sflag:s18] =	ssyncset.done $0x0  }
0x462: {  	[sflag:s18] =	ssyncadd.s32 $0xFFFFF060  }
0x463: {  	[tilespmem:s22], [sflag:$0x1] =	stream.indirect.gather [hbm4b:s4+s21], $0x80, s19, s21, $0xb8;
	[tilespmem:$0x1F740] =	vst v63  }
0x464: {  	s17 =	rddreg [dreg:$0x5]  }
0x465: {  	[tilespmem:s23], [sflag:$0x2] =	stream.indirect.gather [hbm4b:s4+s21], $0x80, s17, s21, $0xb8;
	[tilespmem:$0x1F740] =	vst v63  }
0x466: {  	s16 =	rddreg [dreg:$0x6]  }
0x467: {  	[tilespmem:s24], [sflag:$0x3] =	stream.indirect.gather [hbm4b:s4+s21], $0x80, s16, s21, $0xb8;
	[tilespmem:$0x1F740] =	vst v63  }
0x468: {  	_ =	swait.ge [sflag:s26], $0x2800  }
0x469: {  	[sflag:s26] =	ssyncset.done $0x0  }
0x46a: {  	[sflag:s26] =	ssyncadd.s32 $0xFFFFD800  }
0x46b: {  	[spmem:s2] =	stream.indirect.scatter.add.f32 [tilespmem:s22], [sflag:$0x4], $0x80, s20, s21, $0xb8;
	[tilespmem:$0x1F740] =	vst v63  }
0x46c: {  	_ =	swait.ge [sflag:s28], $0x2800  }
0x46d: {  	[sflag:s28] =	ssyncset.done $0x0  }
0x46e: {  	s25 =	rddreg [dreg:$0x7];
	[sflag:s28] =	ssyncadd.s32 $0xFFFFD800  }
0x46f: {  	[tilespmem:s22], [sflag:$0x1] =	stream.indirect.gather [hbm4b:s4+s21], $0x80, s25, s21, $0xb8;
	[tilespmem:$0x1F740] =	vst v63  }
0x470: {  	_ =	swait.ge [sflag:s29], $0x2800  }
0x471: {  	[sflag:s29] =	ssyncset.done $0x0  }
0x472: {  	s16 =	rddreg [dreg:$0x8];
	[sflag:s29] =	ssyncadd.s32 $0xFFFFD800  }
0x473: {  	[spmem:s2] =	stream.indirect.scatter.add.f32 [tilespmem:s23], [sflag:$0x5], $0x80, s16, s21, $0xb8;
	[tilespmem:$0x1F740] =	vst v63  }
0x474: {  	_ =	swait.ge [sflag:s30], $0x2800  }
0x475: {  	[sflag:s30] =	ssyncset.done $0x0  }
0x476: {  	s17 =	rddreg [dreg:$0x9];
	[sflag:s30] =	ssyncadd.s32 $0xFFFFD800  }
0x477: {  	[tilespmem:s23], [sflag:$0x2] =	stream.indirect.gather [hbm4b:s4+s21], $0x80, s17, s21, $0xb8;
	[tilespmem:$0x1F740] =	vst v63  }
0x478: {  	_ =	swait.ge [sflag:s31], $0x2800  }
0x479: {  	[sflag:s31] =	ssyncset.done $0x0  }
0x47a: {  	s25 =	rddreg [dreg:$0xa];
	[sflag:s31] =	ssyncadd.s32 $0xFFFFD800  }
0x47b: {  	[spmem:s2] =	stream.indirect.scatter.add.f32 [tilespmem:s24], [sflag:$0x6], $0x80, s25, s21, $0xb8;
	[tilespmem:$0x1F740] =	vst v63  }
0x47c: {  	_ =	swait.ge [sflag:s1], $0x2800  }
0x47d: {  	[sflag:s1] =	ssyncset.done $0x0  }
0x47e: {  	s16 =	rddreg [dreg:$0xb];
	[sflag:s1] =	ssyncadd.s32 $0xFFFFD800  }
0x47f: {  	[tilespmem:s24], [sflag:$0x3] =	stream.indirect.gather [hbm4b:s4+s21], $0x80, s16, s21, $0xb8;
	[tilespmem:$0x1F740] =	vst v63  }
0x480: {  	_ =	swait.ge [sflag:s26], $0x2800  }
0x481: {  	[sflag:s26] =	ssyncset.done $0x0  }
0x482: {  	s17 =	rddreg [dreg:$0xc];
	[sflag:s26] =	ssyncadd.s32 $0xFFFFD800  }
0x483: {  	[spmem:s2] =	stream.indirect.scatter.add.f32 [tilespmem:s22], [sflag:$0x4], $0x80, s17, s21, $0xb8;
	[tilespmem:$0x1F740] =	vst v63  }
0x484: {  	_ =	swait.ge [sflag:s28], $0x2800  }
0x485: {  	[sflag:s28] =	ssyncset.done $0x0  }
0x486: {  	s25 =	rddreg [dreg:$0xd];
	[sflag:s28] =	ssyncadd.s32 $0xFFFFD800  }
0x487: {  	[tilespmem:s22], [sflag:$0x1] =	stream.indirect.gather [hbm4b:s4+s21], $0x80, s25, s21, $0xb8;
	[tilespmem:$0x1F740] =	vst v63  }
0x488: {  	_ =	swait.ge [sflag:s29], $0x2800  }
0x489: {  	[sflag:s29] =	ssyncset.done $0x0  }
0x48a: {  	s16 =	rddreg [dreg:$0xe];
	[sflag:s29] =	ssyncadd.s32 $0xFFFFD800  }
0x48b: {  	[spmem:s2] =	stream.indirect.scatter.add.f32 [tilespmem:s23], [sflag:$0x5], $0x80, s16, s21, $0xb8;
	[tilespmem:$0x1F740] =	vst v63  }
0x48c: {  	_ =	swait.ge [sflag:s30], $0x2800  }
0x48d: {  	[sflag:s30] =	ssyncset.done $0x0  }
0x48e: {  	s17 =	rddreg [dreg:$0xf];
	[sflag:s30] =	ssyncadd.s32 $0xFFFFD800  }
0x48f: {  	[tilespmem:s23], [sflag:$0x2] =	stream.indirect.gather [hbm4b:s4+s21], $0x80, s17, s21, $0xb8;
	[tilespmem:$0x1F740] =	vst v63  }
0x490: {  	_ =	swait.ge [sflag:s31], $0x2800  }
0x491: {  	[sflag:s31] =	ssyncset.done $0x0  }
0x492: {  	s25 =	rddreg [dreg:$0x10];
	[sflag:s31] =	ssyncadd.s32 $0xFFFFD800  }
0x493: {  	[spmem:s2] =	stream.indirect.scatter.add.f32 [tilespmem:s24], [sflag:$0x6], $0x80, s25, s21, $0xb8;
	[tilespmem:$0x1F740] =	vst v63  }
0x494: {  	_ =	swait.ge [sflag:s1], $0x2800  }
0x495: {  	[sflag:s1] =	ssyncset.done $0x0  }
0x496: {  	s16 =	rddreg [dreg:$0x11];
	[sflag:s1] =	ssyncadd.s32 $0xFFFFD800  }
0x497: {  	[tilespmem:s24], [sflag:$0x3] =	stream.indirect.gather [hbm4b:s4+s21], $0x80, s16, s21, $0xb8;
	[tilespmem:$0x1F740] =	vst v63  }
0x498: {  	_ =	swait.ge [sflag:s26], $0x2800  }
0x499: {  	[sflag:s26] =	ssyncset.done $0x0  }
0x49a: {  	s17 =	rddreg [dreg:$0x12];
	[sflag:s26] =	ssyncadd.s32 $0xFFFFD800  }
0x49b: {  	[spmem:s2] =	stream.indirect.scatter.add.f32 [tilespmem:s22], [sflag:$0x4], $0x80, s17, s21, $0xb8;
	[tilespmem:$0x1F740] =	vst v63  }
0x49c: {  	_ =	swait.ge [sflag:s28], $0x2800  }
0x49d: {  	[sflag:s28] =	ssyncset.done $0x0  }
0x49e: {  	s25 =	rddreg [dreg:$0x13];
	[sflag:s28] =	ssyncadd.s32 $0xFFFFD800  }
0x49f: {  	[tilespmem:s22], [sflag:$0x1] =	stream.indirect.gather [hbm4b:s4+s21], $0x80, s25, s21, $0xb8;
	[tilespmem:$0x1F740] =	vst v63  }
0x4a0: {  	_ =	swait.ge [sflag:s29], $0x2800  }
0x4a1: {  	[sflag:s29] =	ssyncset.done $0x0  }
0x4a2: {  	s16 =	rddreg [dreg:$0x14];
	[sflag:s29] =	ssyncadd.s32 $0xFFFFD800  }
0x4a3: {  	[spmem:s2] =	stream.indirect.scatter.add.f32 [tilespmem:s23], [sflag:$0x5], $0x80, s16, s21, $0xb8;
	[tilespmem:$0x1F740] =	vst v63  }
0x4a4: {  	_ =	swait.ge [sflag:s30], $0x2800  }
0x4a5: {  	[sflag:s30] =	ssyncset.done $0x0  }
0x4a6: {  	s17 =	rddreg [dreg:$0x15];
	[sflag:s30] =	ssyncadd.s32 $0xFFFFD800  }
0x4a7: {  	[tilespmem:s23], [sflag:$0x2] =	stream.indirect.gather [hbm4b:s4+s21], $0x80, s17, s21, $0xb8;
	[tilespmem:$0x1F740] =	vst v63  }
0x4a8: {  	_ =	swait.ge [sflag:s31], $0x2800  }
0x4a9: {  	[sflag:s31] =	ssyncset.done $0x0  }
0x4aa: {  	s25 =	rddreg [dreg:$0x16];
	[sflag:s31] =	ssyncadd.s32 $0xFFFFD800  }
0x4ab: {  	[spmem:s2] =	stream.indirect.scatter.add.f32 [tilespmem:s24], [sflag:$0x6], $0x80, s25, s21, $0xb8;
	[tilespmem:$0x1F740] =	vst v63  }
0x4ac: {  	_ =	swait.ge [sflag:s1], $0x2800  }
0x4ad: {  	[sflag:s1] =	ssyncset.done $0x0  }
0x4ae: {  	s16 =	rddreg [dreg:$0x17];
	[sflag:s1] =	ssyncadd.s32 $0xFFFFD800  }
0x4af: {  	[tilespmem:s24], [sflag:$0x3] =	stream.indirect.gather [hbm4b:s4+s21], $0x80, s16, s21, $0xb8;
	[tilespmem:$0x1F740] =	vst v63  }
0x4b0: {  	_ =	swait.ge [sflag:s26], $0x2800  }
0x4b1: {  	[sflag:s26] =	ssyncset.done $0x0  }
0x4b2: {  	s17 =	rddreg [dreg:$0x18];
	[sflag:s26] =	ssyncadd.s32 $0xFFFFD800  }
0x4b3: {  	[spmem:s2] =	stream.indirect.scatter.add.f32 [tilespmem:s22], [sflag:$0x4], $0x80, s17, s21, $0xb8;
	[tilespmem:$0x1F740] =	vst v63  }
0x4b4: {  	_ =	swait.ge [sflag:s28], $0x2800  }
0x4b5: {  	[sflag:s28] =	ssyncset.done $0x0  }
0x4b6: {  	s25 =	rddreg [dreg:$0x19];
	[sflag:s28] =	ssyncadd.s32 $0xFFFFD800  }
0x4b7: {  	[tilespmem:s22], [sflag:$0x1] =	stream.indirect.gather [hbm4b:s4+s21], $0x80, s25, s21, $0xb8;
	[tilespmem:$0x1F740] =	vst v63  }
0x4b8: {  	_ =	swait.ge [sflag:s29], $0x2800  }
0x4b9: {  	[sflag:s29] =	ssyncset.done $0x0  }
0x4ba: {  	s16 =	rddreg [dreg:$0x1a];
	[sflag:s29] =	ssyncadd.s32 $0xFFFFD800  }
0x4bb: {  	[spmem:s2] =	stream.indirect.scatter.add.f32 [tilespmem:s23], [sflag:$0x5], $0x80, s16, s21, $0xb8;
	[tilespmem:$0x1F740] =	vst v63  }
0x4bc: {  	_ =	swait.ge [sflag:s30], $0x2800  }
0x4bd: {  	[sflag:s30] =	ssyncset.done $0x0  }
0x4be: {  	s17 =	rddreg [dreg:$0x1b];
	[sflag:s30] =	ssyncadd.s32 $0xFFFFD800  }
0x4bf: {  	[tilespmem:s23], [sflag:$0x2] =	stream.indirect.gather [hbm4b:s4+s21], $0x80, s17, s21, $0xb8;
	[tilespmem:$0x1F740] =	vst v63  }
0x4c0: {  	_ =	swait.ge [sflag:s31], $0x2800  }
0x4c1: {  	[sflag:s31] =	ssyncset.done $0x0  }
0x4c2: {  	s25 =	rddreg [dreg:$0x1c];
	[sflag:s31] =	ssyncadd.s32 $0xFFFFD800  }
0x4c3: {  	[spmem:s2] =	stream.indirect.scatter.add.f32 [tilespmem:s24], [sflag:$0x6], $0x80, s25, s21, $0xb8;
	[tilespmem:$0x1F740] =	vst v63  }
0x4c4: {  	_ =	swait.ge [sflag:s1], $0x2800  }
0x4c5: {  	[sflag:s1] =	ssyncset.done $0x0  }
0x4c6: {  	s16 =	rddreg [dreg:$0x1d];
	[sflag:s1] =	ssyncadd.s32 $0xFFFFD800  }
0x4c7: {  	[tilespmem:s24], [sflag:$0x3] =	stream.indirect.gather [hbm4b:s4+s21], $0x80, s16, s21, $0xb8;
	[tilespmem:$0x1F740] =	vst v63  }
0x4c8: {  	_ =	swait.ge [sflag:s26], $0x2800  }
0x4c9: {  	[sflag:s26] =	ssyncset.done $0x0  }
0x4ca: {  	s17 =	rddreg [dreg:$0x1e];
	[sflag:s26] =	ssyncadd.s32 $0xFFFFD800  }
0x4cb: {  	[spmem:s2] =	stream.indirect.scatter.add.f32 [tilespmem:s22], [sflag:$0x4], $0x80, s17, s21, $0xb8;
	[tilespmem:$0x1F740] =	vst v63  }
0x4cc: {  	_ =	swait.ge [sflag:s28], $0x2800  }
0x4cd: {  	[sflag:s28] =	ssyncset.done $0x0  }
0x4ce: {  	s25 =	rddreg [dreg:$0x1f];
	[sflag:s28] =	ssyncadd.s32 $0xFFFFD800  }
0x4cf: {  	[tilespmem:s22], [sflag:$0x1] =	stream.indirect.gather [hbm4b:s4+s21], $0x80, s25, s21, $0xb8;
	[tilespmem:$0x1F740] =	vst v63  }
0x4d0: {  	_ =	swait.ge [sflag:s29], $0x2800  }
0x4d1: {  	s16 =	sld [smem:$0x7B5]  }
0x4d2: {  	[sflag:s29] =	ssyncset.done $0x0  }
0x4d3: {  	[sflag:s29] =	ssyncadd.s32 $0xFFFFD800  }
0x4d4: {  	[spmem:s2] =	stream.indirect.scatter.add.f32 [tilespmem:s23], [sflag:$0x5], $0x80, s16, s21, $0xb8;
	[tilespmem:$0x1F740] =	vst v63  }
0x4d5: {  	_ =	swait.ge [sflag:s30], $0x2800  }
0x4d6: {  	s17 =	sld [smem:$0x7B6]  }
0x4d7: {  	[sflag:s30] =	ssyncset.done $0x0  }
0x4d8: {  	[sflag:s30] =	ssyncadd.s32 $0xFFFFD800  }
0x4d9: {  	[tilespmem:s23], [sflag:$0x2] =	stream.indirect.gather [hbm4b:s4+s21], $0x80, s17, s21, $0xb8;
	[tilespmem:$0x1F740] =	vst v63  }
0x4da: {  	_ =	swait.ge [sflag:s31], $0x2800  }
0x4db: {  	s25 =	sld [smem:$0x7B7]  }
0x4dc: {  	[sflag:s31] =	ssyncset.done $0x0  }
0x4dd: {  	[sflag:s31] =	ssyncadd.s32 $0xFFFFD800  }
0x4de: {  	[spmem:s2] =	stream.indirect.scatter.add.f32 [tilespmem:s24], [sflag:$0x6], $0x80, s25, s21, $0xb8;
	[tilespmem:$0x1F740] =	vst v63  }
0x4df: {  	_ =	swait.ge [sflag:s1], $0x2800  }
0x4e0: {  	s16 =	sld [smem:$0x7B8]  }
0x4e1: {  	[sflag:s1] =	ssyncset.done $0x0  }
0x4e2: {  	[sflag:s1] =	ssyncadd.s32 $0xFFFFD800  }
0x4e3: {  	[tilespmem:s24], [sflag:$0x3] =	stream.indirect.gather [hbm4b:s4+s21], $0x80, s16, s21, $0xb8;
	[tilespmem:$0x1F740] =	vst v63  }
0x4e4: {  	_ =	swait.ge [sflag:s26], $0x2800  }
0x4e5: {  	s17 =	sld [smem:$0x7B9]  }
0x4e6: {  	[sflag:s26] =	ssyncset.done $0x0  }
0x4e7: {  	[sflag:s26] =	ssyncadd.s32 $0xFFFFD800  }
0x4e8: {  	[spmem:s2] =	stream.indirect.scatter.add.f32 [tilespmem:s22], [sflag:$0x4], $0x80, s17, s21, $0xb8;
	[tilespmem:$0x1F740] =	vst v63  }
0x4e9: {  	_ =	swait.ge [sflag:s28], $0x2800  }
0x4ea: {  	s25 =	sld [smem:$0x7BA]  }
0x4eb: {  	[sflag:s28] =	ssyncset.done $0x0  }
0x4ec: {  	[sflag:s28] =	ssyncadd.s32 $0xFFFFD800  }
0x4ed: {  	[tilespmem:s22], [sflag:$0x1] =	stream.indirect.gather [hbm4b:s4+s21], $0x80, s25, s21, $0xb8;
	[tilespmem:$0x1F740] =	vst v63  }
0x4ee: {  	_ =	swait.ge [sflag:s29], $0x2800  }
0x4ef: {  	s16 =	sld [smem:$0x7BB]  }
0x4f0: {  	[sflag:s29] =	ssyncset.done $0x0  }
0x4f1: {  	[sflag:s29] =	ssyncadd.s32 $0xFFFFD800  }
0x4f2: {  	[spmem:s2] =	stream.indirect.scatter.add.f32 [tilespmem:s23], [sflag:$0x5], $0x80, s16, s21, $0xb8;
	[tilespmem:$0x1F740] =	vst v63  }
0x4f3: {  	_ =	swait.ge [sflag:s30], $0x2800  }
0x4f4: {  	s17 =	sld [smem:$0x7BC]  }
0x4f5: {  	[sflag:s30] =	ssyncset.done $0x0  }
0x4f6: {  	[sflag:s30] =	ssyncadd.s32 $0xFFFFD800  }
0x4f7: {  	[tilespmem:s23], [sflag:$0x2] =	stream.indirect.gather [hbm4b:s4+s21], $0x80, s17, s21, $0xb8;
	[tilespmem:$0x1F740] =	vst v63  }
0x4f8: {  	_ =	swait.ge [sflag:s31], $0x2800  }
0x4f9: {  	s25 =	sld [smem:$0x7BD]  }
0x4fa: {  	[sflag:s31] =	ssyncset.done $0x0  }
0x4fb: {  	[sflag:s31] =	ssyncadd.s32 $0xFFFFD800  }
0x4fc: {  	[spmem:s2] =	stream.indirect.scatter.add.f32 [tilespmem:s24], [sflag:$0x6], $0x80, s25, s21, $0xb8;
	[tilespmem:$0x1F740] =	vst v63  }
0x4fd: {  	_ =	swait.ge [sflag:s1], $0x2800  }
0x4fe: {  	s16 =	sld [smem:$0x7BE]  }
0x4ff: {  	[sflag:s1] =	ssyncset.done $0x0  }
0x500: {  	[sflag:s1] =	ssyncadd.s32 $0xFFFFD800  }
0x501: {  	[tilespmem:s24], [sflag:$0x3] =	stream.indirect.gather [hbm4b:s4+s21], $0x80, s16, s21, $0xb8;
	[tilespmem:$0x1F740] =	vst v63  }
0x502: {  	_ =	swait.ge [sflag:s26], $0x2800  }
0x503: {  	s17 =	sld [smem:$0x7BF]  }
0x504: {  	[sflag:s26] =	ssyncset.done $0x0  }
0x505: {  	[sflag:s26] =	ssyncadd.s32 $0xFFFFD800  }
0x506: {  	[spmem:s2] =	stream.indirect.scatter.add.f32 [tilespmem:s22], [sflag:$0x4], $0x80, s17, s21, $0xb8;
	[tilespmem:$0x1F740] =	vst v63  }
0x507: {  	_ =	swait.ge [sflag:s28], $0x2800  }
0x508: {  	s25 =	sld [smem:$0x7C0]  }
0x509: {  	[sflag:s28] =	ssyncset.done $0x0  }
0x50a: {  	[sflag:s28] =	ssyncadd.s32 $0xFFFFD800  }
0x50b: {  	[tilespmem:s22], [sflag:$0x1] =	stream.indirect.gather [hbm4b:s4+s21], $0x80, s25, s21, $0xb8;
	[tilespmem:$0x1F740] =	vst v63  }
0x50c: {  	_ =	swait.ge [sflag:s29], $0x2800  }
0x50d: {  	s16 =	sld [smem:$0x7C1]  }
0x50e: {  	[sflag:s29] =	ssyncset.done $0x0  }
0x50f: {  	[sflag:s29] =	ssyncadd.s32 $0xFFFFD800  }
0x510: {  	[spmem:s2] =	stream.indirect.scatter.add.f32 [tilespmem:s23], [sflag:$0x5], $0x80, s16, s21, $0xb8;
	[tilespmem:$0x1F740] =	vst v63  }
0x511: {  	_ =	swait.ge [sflag:s30], $0x2800  }
0x512: {  	s17 =	sld [smem:$0x7C2]  }
0x513: {  	[sflag:s30] =	ssyncset.done $0x0  }
0x514: {  	[sflag:s30] =	ssyncadd.s32 $0xFFFFD800  }
0x515: {  	[tilespmem:s23], [sflag:$0x2] =	stream.indirect.gather [hbm4b:s4+s21], $0x80, s17, s21, $0xb8;
	[tilespmem:$0x1F740] =	vst v63  }
0x516: {  	_ =	swait.ge [sflag:s31], $0x2800  }
0x517: {  	s25 =	sld [smem:$0x7C3]  }
0x518: {  	[sflag:s31] =	ssyncset.done $0x0  }
0x519: {  	[sflag:s31] =	ssyncadd.s32 $0xFFFFD800  }
0x51a: {  	[spmem:s2] =	stream.indirect.scatter.add.f32 [tilespmem:s24], [sflag:$0x6], $0x80, s25, s21, $0xb8;
	[tilespmem:$0x1F740] =	vst v63  }
0x51b: {  	_ =	swait.ge [sflag:s1], $0x2800  }
0x51c: {  	s16 =	sld [smem:$0x7C4]  }
0x51d: {  	[sflag:s1] =	ssyncset.done $0x0  }
0x51e: {  	[sflag:s1] =	ssyncadd.s32 $0xFFFFD800  }
0x51f: {  	[tilespmem:s24], [sflag:$0x3] =	stream.indirect.gather [hbm4b:s4+s21], $0x80, s16, s21, $0xb8;
	[tilespmem:$0x1F740] =	vst v63  }
0x520: {  	_ =	swait.ge [sflag:s26], $0x2800  }
0x521: {  	s17 =	sld [smem:$0x7C5]  }
0x522: {  	[sflag:s26] =	ssyncset.done $0x0  }
0x523: {  	[sflag:s26] =	ssyncadd.s32 $0xFFFFD800  }
0x524: {  	[spmem:s2] =	stream.indirect.scatter.add.f32 [tilespmem:s22], [sflag:$0x4], $0x80, s17, s21, $0xb8;
	[tilespmem:$0x1F740] =	vst v63  }
0x525: {  	_ =	swait.ge [sflag:s28], $0x2800  }
0x526: {  	s25 =	sld [smem:$0x7C6]  }
0x527: {  	[sflag:s28] =	ssyncset.done $0x0  }
0x528: {  	[sflag:s28] =	ssyncadd.s32 $0xFFFFD800  }
0x529: {  	[tilespmem:s22], [sflag:$0x1] =	stream.indirect.gather [hbm4b:s4+s21], $0x80, s25, s21, $0xb8;
	[tilespmem:$0x1F740] =	vst v63  }
0x52a: {  	_ =	swait.ge [sflag:s29], $0x2800  }
0x52b: {  	s16 =	sld [smem:$0x7C7]  }
0x52c: {  	[sflag:s29] =	ssyncset.done $0x0  }
0x52d: {  	[sflag:s29] =	ssyncadd.s32 $0xFFFFD800  }
0x52e: {  	[spmem:s2] =	stream.indirect.scatter.add.f32 [tilespmem:s23], [sflag:$0x5], $0x80, s16, s21, $0xb8;
	[tilespmem:$0x1F740] =	vst v63  }
0x52f: {  	_ =	swait.ge [sflag:s30], $0x2800  }
0x530: {  	s17 =	sld [smem:$0x7C8]  }
0x531: {  	[sflag:s30] =	ssyncset.done $0x0  }
0x532: {  	[sflag:s30] =	ssyncadd.s32 $0xFFFFD800  }
0x533: {  	[tilespmem:s23], [sflag:$0x2] =	stream.indirect.gather [hbm4b:s4+s21], $0x80, s17, s21, $0xb8;
	[tilespmem:$0x1F740] =	vst v63  }
0x534: {  	_ =	swait.ge [sflag:s31], $0x2800  }
0x535: {  	s25 =	sld [smem:$0x7C9]  }
0x536: {  	[sflag:s31] =	ssyncset.done $0x0  }
0x537: {  	[sflag:s31] =	ssyncadd.s32 $0xFFFFD800  }
0x538: {  	[spmem:s2] =	stream.indirect.scatter.add.f32 [tilespmem:s24], [sflag:$0x6], $0x80, s25, s21, $0xb8;
	[tilespmem:$0x1F740] =	vst v63  }
0x539: {  	_ =	swait.ge [sflag:s1], $0x2800  }
0x53a: {  	s16 =	sld [smem:$0x7CA]  }
0x53b: {  	[sflag:s1] =	ssyncset.done $0x0  }
0x53c: {  	[sflag:s1] =	ssyncadd.s32 $0xFFFFD800  }
0x53d: {  	[tilespmem:s24], [sflag:$0x3] =	stream.indirect.gather [hbm4b:s4+s21], $0x80, s16, s21, $0xb8;
	[tilespmem:$0x1F740] =	vst v63  }
0x53e: {  	_ =	swait.ge [sflag:s26], $0x2800  }
0x53f: {  	s17 =	sld [smem:$0x7CB]  }
0x540: {  	[sflag:s26] =	ssyncset.done $0x0  }
0x541: {  	[sflag:s26] =	ssyncadd.s32 $0xFFFFD800  }
0x542: {  	[spmem:s2] =	stream.indirect.scatter.add.f32 [tilespmem:s22], [sflag:$0x4], $0x80, s17, s21, $0xb8;
	[tilespmem:$0x1F740] =	vst v63  }
0x543: {  	_ =	swait.ge [sflag:s28], $0x2800  }
0x544: {  	s25 =	sld [smem:$0x7CC]  }
0x545: {  	[sflag:s28] =	ssyncset.done $0x0  }
0x546: {  	[sflag:s28] =	ssyncadd.s32 $0xFFFFD800  }
0x547: {  	[tilespmem:s22], [sflag:$0x1] =	stream.indirect.gather [hbm4b:s4+s21], $0x80, s25, s21, $0xb8;
	[tilespmem:$0x1F740] =	vst v63  }
0x548: {  	_ =	swait.ge [sflag:s29], $0x2800  }
0x549: {  	s16 =	sld [smem:$0x7CD]  }
0x54a: {  	[sflag:s29] =	ssyncset.done $0x0  }
0x54b: {  	[sflag:s29] =	ssyncadd.s32 $0xFFFFD800  }
0x54c: {  	[spmem:s2] =	stream.indirect.scatter.add.f32 [tilespmem:s23], [sflag:$0x5], $0x80, s16, s21, $0xb8;
	[tilespmem:$0x1F740] =	vst v63  }
0x54d: {  	_ =	swait.ge [sflag:s30], $0x2800  }
0x54e: {  	s17 =	sld [smem:$0x7CE]  }
0x54f: {  	[sflag:s30] =	ssyncset.done $0x0  }
0x550: {  	[sflag:s30] =	ssyncadd.s32 $0xFFFFD800  }
0x551: {  	[tilespmem:s23], [sflag:$0x2] =	stream.indirect.gather [hbm4b:s4+s21], $0x80, s17, s21, $0xb8;
	[tilespmem:$0x1F740] =	vst v63  }
0x552: {  	_ =	swait.ge [sflag:s31], $0x2800  }
0x553: {  	s25 =	sld [smem:$0x7CF]  }
0x554: {  	[sflag:s31] =	ssyncset.done $0x0  }
0x555: {  	[sflag:s31] =	ssyncadd.s32 $0xFFFFD800  }
0x556: {  	[spmem:s2] =	stream.indirect.scatter.add.f32 [tilespmem:s24], [sflag:$0x6], $0x80, s25, s21, $0xb8;
	[tilespmem:$0x1F740] =	vst v63  }
0x557: {  	_ =	swait.ge [sflag:s1], $0x2800  }
0x558: {  	s16 =	sld [smem:$0x7D0]  }
0x559: {  	[sflag:s1] =	ssyncset.done $0x0  }
0x55a: {  	[sflag:s1] =	ssyncadd.s32 $0xFFFFD800  }
0x55b: {  	[tilespmem:s24], [sflag:$0x3] =	stream.indirect.gather [hbm4b:s4+s21], $0x80, s16, s21, $0xb8;
	[tilespmem:$0x1F740] =	vst v63  }
0x55c: {  	_ =	swait.ge [sflag:s26], $0x2800  }
0x55d: {  	s17 =	sld [smem:$0x7D1]  }
0x55e: {  	[sflag:s26] =	ssyncset.done $0x0  }
0x55f: {  	[sflag:s26] =	ssyncadd.s32 $0xFFFFD800  }
0x560: {  	[spmem:s2] =	stream.indirect.scatter.add.f32 [tilespmem:s22], [sflag:$0x4], $0x80, s17, s21, $0xb8;
	[tilespmem:$0x1F740] =	vst v63  }
0x561: {  	_ =	swait.ge [sflag:s28], $0x2800  }
0x562: {  	s25 =	sld [smem:$0x7D2]  }
0x563: {  	[sflag:s28] =	ssyncset.done $0x0  }
0x564: {  	[sflag:s28] =	ssyncadd.s32 $0xFFFFD800  }
0x565: {  	[tilespmem:s22], [sflag:$0x1] =	stream.indirect.gather [hbm4b:s4+s21], $0x80, s25, s21, $0xb8;
	[tilespmem:$0x1F740] =	vst v63  }
0x566: {  	_ =	swait.ge [sflag:s29], $0x2800  }
0x567: {  	s16 =	sld [smem:$0x7D3]  }
0x568: {  	[sflag:s29] =	ssyncset.done $0x0  }
0x569: {  	[sflag:s29] =	ssyncadd.s32 $0xFFFFD800  }
0x56a: {  	[spmem:s2] =	stream.indirect.scatter.add.f32 [tilespmem:s23], [sflag:$0x5], $0x80, s16, s21, $0xb8;
	[tilespmem:$0x1F740] =	vst v63  }
0x56b: {  	_ =	swait.ge [sflag:s30], $0x2800  }
0x56c: {  	s17 =	sld [smem:$0x7D4]  }
0x56d: {  	[sflag:s30] =	ssyncset.done $0x0  }
0x56e: {  	[sflag:s30] =	ssyncadd.s32 $0xFFFFD800  }
0x56f: {  	[tilespmem:s23], [sflag:$0x2] =	stream.indirect.gather [hbm4b:s4+s21], $0x80, s17, s21, $0xb8;
	[tilespmem:$0x1F740] =	vst v63  }
0x570: {  	_ =	swait.ge [sflag:s31], $0x2800  }
0x571: {  	s25 =	sld [smem:$0x7D5]  }
0x572: {  	[sflag:s31] =	ssyncset.done $0x0  }
0x573: {  	[sflag:s31] =	ssyncadd.s32 $0xFFFFD800  }
0x574: {  	[spmem:s2] =	stream.indirect.scatter.add.f32 [tilespmem:s24], [sflag:$0x6], $0x80, s25, s21, $0xb8;
	[tilespmem:$0x1F740] =	vst v63  }
0x575: {  	_ =	swait.ge [sflag:s1], $0x2800  }
0x576: {  	s16 =	sld [smem:$0x7D6]  }
0x577: {  	[sflag:s1] =	ssyncset.done $0x0  }
0x578: {  	[sflag:s1] =	ssyncadd.s32 $0xFFFFD800  }
0x579: {  	[tilespmem:s24], [sflag:$0x3] =	stream.indirect.gather [hbm4b:s4+s21], $0x80, s16, s21, $0xb8;
	[tilespmem:$0x1F740] =	vst v63  }
0x57a: {  	_ =	swait.ge [sflag:s26], $0x2800  }
0x57b: {  	s17 =	sld [smem:$0x7D7]  }
0x57c: {  	[sflag:s26] =	ssyncset.done $0x0  }
0x57d: {  	[sflag:s26] =	ssyncadd.s32 $0xFFFFD800  }
0x57e: {  	[spmem:s2] =	stream.indirect.scatter.add.f32 [tilespmem:s22], [sflag:$0x4], $0x80, s17, s21, $0xb8;
	[tilespmem:$0x1F740] =	vst v63  }
0x57f: {  	_ =	swait.ge [sflag:s28], $0x2800  }
0x580: {  	s25 =	sld [smem:$0x7D8]  }
0x581: {  	[sflag:s28] =	ssyncset.done $0x0  }
0x582: {  	[sflag:s28] =	ssyncadd.s32 $0xFFFFD800  }
0x583: {  	[tilespmem:s22], [sflag:$0x1] =	stream.indirect.gather [hbm4b:s4+s21], $0x80, s25, s21, $0xb8;
	[tilespmem:$0x1F740] =	vst v63  }
0x584: {  	_ =	swait.ge [sflag:s29], $0x2800  }
0x585: {  	s16 =	sld [smem:$0x7D9]  }
0x586: {  	[sflag:s29] =	ssyncset.done $0x0  }
0x587: {  	[sflag:s29] =	ssyncadd.s32 $0xFFFFD800  }
0x588: {  	[spmem:s2] =	stream.indirect.scatter.add.f32 [tilespmem:s23], [sflag:$0x5], $0x80, s16, s21, $0xb8;
	[tilespmem:$0x1F740] =	vst v63  }
0x589: {  	_ =	swait.ge [sflag:s30], $0x2800  }
0x58a: {  	s17 =	sld [smem:$0x7DA]  }
0x58b: {  	[sflag:s30] =	ssyncset.done $0x0  }
0x58c: {  	[sflag:s30] =	ssyncadd.s32 $0xFFFFD800  }
0x58d: {  	[tilespmem:s23], [sflag:$0x2] =	stream.indirect.gather [hbm4b:s4+s21], $0x80, s17, s21, $0xb8;
	[tilespmem:$0x1F740] =	vst v63  }
0x58e: {  	_ =	swait.ge [sflag:s31], $0x2800  }
0x58f: {  	s25 =	sld [smem:$0x7DB]  }
0x590: {  	[sflag:s31] =	ssyncset.done $0x0  }
0x591: {  	[sflag:s31] =	ssyncadd.s32 $0xFFFFD800  }
0x592: {  	[spmem:s2] =	stream.indirect.scatter.add.f32 [tilespmem:s24], [sflag:$0x6], $0x80, s25, s21, $0xb8;
	[tilespmem:$0x1F740] =	vst v63  }
0x593: {  	_ =	swait.ge [sflag:s1], $0x2800  }
0x594: {  	s16 =	sld [smem:$0x7DC]  }
0x595: {  	[sflag:s1] =	ssyncset.done $0x0  }
0x596: {  	[sflag:s1] =	ssyncadd.s32 $0xFFFFD800  }
0x597: {  	[tilespmem:s24], [sflag:$0x3] =	stream.indirect.gather [hbm4b:s4+s21], $0x80, s16, s21, $0xb8;
	[tilespmem:$0x1F740] =	vst v63  }
0x598: {  	_ =	swait.ge [sflag:s26], $0x2800  }
0x599: {  	s17 =	sld [smem:$0x7DE]  }
0x59a: {  	[sflag:s26] =	ssyncset.done $0x0  }
0x59b: {  	[sflag:s26] =	ssyncadd.s32 $0xFFFFD800  }
0x59c: {  	[spmem:s2] =	stream.indirect.scatter.add.f32 [tilespmem:s22], [sflag:$0x4], $0x80, s17, s21, $0xb8;
	[tilespmem:$0x1F740] =	vst v63  }
0x59d: {  	_ =	swait.ge [sflag:s28], $0x2800  }
0x59e: {  	s25 =	sld [smem:$0x7DF]  }
0x59f: {  	[sflag:s28] =	ssyncset.done $0x0  }
0x5a0: {  	[sflag:s28] =	ssyncadd.s32 $0xFFFFD800  }
0x5a1: {  	[tilespmem:s22], [sflag:$0x1] =	stream.indirect.gather [hbm4b:s4+s21], $0x80, s25, s21, $0xb8;
	[tilespmem:$0x1F740] =	vst v63  }
0x5a2: {  	_ =	swait.ge [sflag:s29], $0x2800  }
0x5a3: {  	s16 =	sld [smem:$0x7E1]  }
0x5a4: {  	[sflag:s29] =	ssyncset.done $0x0  }
0x5a5: {  	[sflag:s29] =	ssyncadd.s32 $0xFFFFD800  }
0x5a6: {  	[spmem:s2] =	stream.indirect.scatter.add.f32 [tilespmem:s23], [sflag:$0x5], $0x80, s16, s21, $0xb8;
	[tilespmem:$0x1F740] =	vst v63  }
0x5a7: {  	_ =	swait.ge [sflag:s30], $0x2800  }
0x5a8: {  	s17 =	sld [smem:$0x7E3]  }
0x5a9: {  	[sflag:s30] =	ssyncset.done $0x0  }
0x5aa: {  	[sflag:s30] =	ssyncadd.s32 $0xFFFFD800  }
0x5ab: {  	[tilespmem:s23], [sflag:$0x2] =	stream.indirect.gather [hbm4b:s4+s21], $0x80, s17, s21, $0xb8;
	[tilespmem:$0x1F740] =	vst v63  }
0x5ac: {  	_ =	swait.ge [sflag:s31], $0x2800  }
0x5ad: {  	s25 =	sld [smem:$0x7E5]  }
0x5ae: {  	[sflag:s31] =	ssyncset.done $0x0  }
0x5af: {  	[sflag:s31] =	ssyncadd.s32 $0xFFFFD800  }
0x5b0: {  	[spmem:s2] =	stream.indirect.scatter.add.f32 [tilespmem:s24], [sflag:$0x6], $0x80, s25, s21, $0xb8;
	[tilespmem:$0x1F740] =	vst v63  }
0x5b1: {  	_ =	swait.ge [sflag:s1], $0x2800  }
0x5b2: {  	s16 =	sld [smem:$0x7E7]  }
0x5b3: {  	[sflag:s1] =	ssyncset.done $0x0  }
0x5b4: {  	[sflag:s1] =	ssyncadd.s32 $0xFFFFD800  }
0x5b5: {  	[tilespmem:s24], [sflag:$0x3] =	stream.indirect.gather [hbm4b:s4+s21], $0x80, s16, s21, $0xb8;
	[tilespmem:$0x1F740] =	vst v63  }
0x5b6: {  	_ =	swait.ge [sflag:s26], $0x2800  }
0x5b7: {  	s17 =	sld [smem:$0x7E9]  }
0x5b8: {  	[sflag:s26] =	ssyncset.done $0x0  }
0x5b9: {  	[sflag:s26] =	ssyncadd.s32 $0xFFFFD800  }
0x5ba: {  	[spmem:s2] =	stream.indirect.scatter.add.f32 [tilespmem:s22], [sflag:$0x4], $0x80, s17, s21, $0xb8;
	[tilespmem:$0x1F740] =	vst v63  }
0x5bb: {  	_ =	swait.ge [sflag:s28], $0x2800  }
0x5bc: {  	s25 =	sld [smem:$0x7EB]  }
0x5bd: {  	[sflag:s28] =	ssyncset.done $0x0  }
0x5be: {  	[sflag:s28] =	ssyncadd.s32 $0xFFFFD800  }
0x5bf: {  	[tilespmem:s22], [sflag:$0x1] =	stream.indirect.gather [hbm4b:s4+s21], $0x80, s25, s21, $0xb8;
	[tilespmem:$0x1F740] =	vst v63  }
0x5c0: {  	_ =	swait.ge [sflag:s29], $0x2800  }
0x5c1: {  	s16 =	sld [smem:$0x7ED]  }
0x5c2: {  	[sflag:s29] =	ssyncset.done $0x0  }
0x5c3: {  	[sflag:s29] =	ssyncadd.s32 $0xFFFFD800  }
0x5c4: {  	[spmem:s2] =	stream.indirect.scatter.add.f32 [tilespmem:s23], [sflag:$0x5], $0x80, s16, s21, $0xb8;
	[tilespmem:$0x1F740] =	vst v63  }
0x5c5: {  	_ =	swait.ge [sflag:s30], $0x2800  }
0x5c6: {  	s17 =	sld [smem:$0x7EF]  }
0x5c7: {  	[sflag:s30] =	ssyncset.done $0x0  }
0x5c8: {  	[sflag:s30] =	ssyncadd.s32 $0xFFFFD800  }
0x5c9: {  	[tilespmem:s23], [sflag:$0x2] =	stream.indirect.gather [hbm4b:s4+s21], $0x80, s17, s21, $0xb8;
	[tilespmem:$0x1F740] =	vst v63  }
0x5ca: {  	_ =	swait.ge [sflag:s31], $0x2800  }
0x5cb: {  	s25 =	sld [smem:$0x7F1]  }
0x5cc: {  	[sflag:s31] =	ssyncset.done $0x0  }
0x5cd: {  	[sflag:s31] =	ssyncadd.s32 $0xFFFFD800  }
0x5ce: {  	[spmem:s2] =	stream.indirect.scatter.add.f32 [tilespmem:s24], [sflag:$0x6], $0x80, s25, s21, $0xb8;
	[tilespmem:$0x1F740] =	vst v63  }
0x5cf: {  	_ =	swait.ge [sflag:s1], $0x2800  }
0x5d0: {  	s16 =	sld [smem:$0x7F4]  }
0x5d1: {  	[sflag:s1] =	ssyncset.done $0x0  }
0x5d2: {  	[sflag:s1] =	ssyncadd.s32 $0xFFFFD800  }
0x5d3: {  	[tilespmem:s24], [sflag:$0x3] =	stream.indirect.gather [hbm4b:s4+s21], $0x80, s16, s21, $0xb8;
	[tilespmem:$0x1F740] =	vst v63  }
0x5d4: {  	_ =	swait.ge [sflag:s26], $0x2800  }
0x5d5: {  	s17 =	sld [smem:$0x7F5]  }
0x5d6: {  	[sflag:s26] =	ssyncset.done $0x0  }
0x5d7: {  	[sflag:s26] =	ssyncadd.s32 $0xFFFFD800  }
0x5d8: {  	[spmem:s2] =	stream.indirect.scatter.add.f32 [tilespmem:s22], [sflag:$0x4], $0x80, s17, s21, $0xb8;
	[tilespmem:$0x1F740] =	vst v63  }
0x5d9: {  	_ =	swait.ge [sflag:s28], $0x2800  }
0x5da: {  	s25 =	sld [smem:$0x7F6]  }
0x5db: {  	[sflag:s28] =	ssyncset.done $0x0  }
0x5dc: {  	[sflag:s28] =	ssyncadd.s32 $0xFFFFD800  }
0x5dd: {  	[tilespmem:s22], [sflag:$0x1] =	stream.indirect.gather [hbm4b:s4+s21], $0x80, s25, s21, $0xb8;
	[tilespmem:$0x1F740] =	vst v63  }
0x5de: {  	_ =	swait.ge [sflag:s29], $0x2800  }
0x5df: {  	s16 =	sld [smem:$0x7F7]  }
0x5e0: {  	[sflag:s29] =	ssyncset.done $0x0  }
0x5e1: {  	[sflag:s29] =	ssyncadd.s32 $0xFFFFD800  }
0x5e2: {  	[spmem:s2] =	stream.indirect.scatter.add.f32 [tilespmem:s23], [sflag:$0x5], $0x80, s16, s21, $0xb8;
	[tilespmem:$0x1F740] =	vst v63  }
0x5e3: {  	_ =	swait.ge [sflag:s30], $0x2800  }
0x5e4: {  	s17 =	sld [smem:$0x7F8]  }
0x5e5: {  	[sflag:s30] =	ssyncset.done $0x0  }
0x5e6: {  	[sflag:s30] =	ssyncadd.s32 $0xFFFFD800  }
0x5e7: {  	[tilespmem:s23], [sflag:$0x2] =	stream.indirect.gather [hbm4b:s4+s21], $0x80, s17, s21, $0xb8;
	[tilespmem:$0x1F740] =	vst v63  }
0x5e8: {  	_ =	swait.ge [sflag:s31], $0x2800  }
0x5e9: {  	s25 =	sld [smem:$0x7F9]  }
0x5ea: {  	[sflag:s31] =	ssyncset.done $0x0  }
0x5eb: {  	[sflag:s31] =	ssyncadd.s32 $0xFFFFD800  }
0x5ec: {  	[spmem:s2] =	stream.indirect.scatter.add.f32 [tilespmem:s24], [sflag:$0x6], $0x80, s25, s21, $0xb8;
	[tilespmem:$0x1F740] =	vst v63  }
0x5ed: {  	_ =	swait.ge [sflag:s1], $0x2800  }
0x5ee: {  	s16 =	sld [smem:$0x7FA]  }
0x5ef: {  	[sflag:s1] =	ssyncset.done $0x0  }
0x5f0: {  	[sflag:s1] =	ssyncadd.s32 $0xFFFFD800  }
0x5f1: {  	[tilespmem:s24], [sflag:$0x3] =	stream.indirect.gather [hbm4b:s4+s21], $0x80, s16, s21, $0xb8;
	[tilespmem:$0x1F740] =	vst v63  }
0x5f2: {  	_ =	swait.ge [sflag:s26], $0x2800  }
0x5f3: {  	s17 =	sld [smem:$0x7FB]  }
0x5f4: {  	[sflag:s26] =	ssyncset.done $0x0  }
0x5f5: {  	[sflag:s26] =	ssyncadd.s32 $0xFFFFD800  }
0x5f6: {  	[spmem:s2] =	stream.indirect.scatter.add.f32 [tilespmem:s22], [sflag:$0x4], $0x80, s17, s21, $0xb8;
	[tilespmem:$0x1F740] =	vst v63  }
0x5f7: {  	_ =	swait.ge [sflag:s28], $0x2800  }
0x5f8: {  	s25 =	sld [smem:$0x7FC]  }
0x5f9: {  	[sflag:s28] =	ssyncset.done $0x0  }
0x5fa: {  	[sflag:s28] =	ssyncadd.s32 $0xFFFFD800  }
0x5fb: {  	[tilespmem:s22], [sflag:$0x1] =	stream.indirect.gather [hbm4b:s4+s21], $0x80, s25, s21, $0xb8;
	[tilespmem:$0x1F740] =	vst v63  }
0x5fc: {  	_ =	swait.ge [sflag:s29], $0x2800  }
0x5fd: {  	[sflag:s29] =	ssyncset.done $0x0  }
0x5fe: {  	[sflag:s29] =	ssyncadd.s32 $0xFFFFD800  }
0x5ff: {  	[spmem:s2] =	stream.indirect.scatter.add.f32 [tilespmem:s23], [sflag:$0x5], $0x80, s0, s21, $0xb8;
	[tilespmem:$0x1F740] =	vst v63  }
0x600: {  	_ =	swait.ge [sflag:s30], $0x2800  }
0x601: {  	[sflag:s30] =	ssyncset.done $0x0  }
0x602: {  	[sflag:s30] =	ssyncadd.s32 $0xFFFFD800  }
0x603: {  	[tilespmem:s23], [sflag:$0x2] =	stream.indirect.gather [hbm4b:s4+s21], $0x80, s6, s21, $0xb8;
	[tilespmem:$0x1F740] =	vst v63  }
0x604: {  	_ =	swait.ge [sflag:s31], $0x2800  }
0x605: {  	[sflag:s31] =	ssyncset.done $0x0  }
0x606: {  	[sflag:s31] =	ssyncadd.s32 $0xFFFFD800  }
0x607: {  	[spmem:s2] =	stream.indirect.scatter.add.f32 [tilespmem:s24], [sflag:$0x6], $0x80, s7, s21, $0xb8;
	[tilespmem:$0x1F740] =	vst v63  }
0x608: {  	_ =	swait.ge [sflag:s1], $0x2800  }
0x609: {  	[sflag:s1] =	ssyncset.done $0x0  }
0x60a: {  	[sflag:s1] =	ssyncadd.s32 $0xFFFFD800  }
0x60b: {  	[tilespmem:s24], [sflag:$0x3] =	stream.indirect.gather [hbm4b:s4+s21], $0x80, s8, s21, $0xb8;
	[tilespmem:$0x1F740] =	vst v63  }
0x60c: {  	_ =	swait.ge [sflag:s26], $0x2800  }
0x60d: {  	[sflag:s26] =	ssyncset.done $0x0  }
0x60e: {  	[sflag:s26] =	ssyncadd.s32 $0xFFFFD800  }
0x60f: {  	[spmem:s2] =	stream.indirect.scatter.add.f32 [tilespmem:s22], [sflag:$0x4], $0x80, s9, s21, $0xb8;
	[tilespmem:$0x1F740] =	vst v63  }
0x610: {  	_ =	swait.ge [sflag:s28], $0x2800  }
0x611: {  	[sflag:s28] =	ssyncset.done $0x0  }
0x612: {  	[sflag:s28] =	ssyncadd.s32 $0xFFFFD800  }
0x613: {  	[tilespmem:s22], [sflag:$0x1] =	stream.indirect.gather [hbm4b:s4+s21], $0x80, s10, s21, $0xb8;
	[tilespmem:$0x1F740] =	vst v63  }
0x614: {  	_ =	swait.ge [sflag:s29], $0x2800  }
0x615: {  	[sflag:s29] =	ssyncset.done $0x0  }
0x616: {  	[sflag:s29] =	ssyncadd.s32 $0xFFFFD800  }
0x617: {  	[spmem:s2] =	stream.indirect.scatter.add.f32 [tilespmem:s23], [sflag:$0x5], $0x80, s11, s21, $0xb8;
	[tilespmem:$0x1F740] =	vst v63  }
0x618: {  	_ =	swait.ge [sflag:s30], $0x2800  }
0x619: {  	[sflag:s30] =	ssyncset.done $0x0  }
0x61a: {  	[sflag:s30] =	ssyncadd.s32 $0xFFFFD800  }
0x61b: {  	[tilespmem:s23], [sflag:$0x2] =	stream.indirect.gather [hbm4b:s4+s21], $0x80, s12, s21, $0xb8;
	[tilespmem:$0x1F740] =	vst v63  }
0x61c: {  	_ =	swait.ge [sflag:s31], $0x2800  }
0x61d: {  	[sflag:s31] =	ssyncset.done $0x0  }
0x61e: {  	[sflag:s31] =	ssyncadd.s32 $0xFFFFD800  }
0x61f: {  	[spmem:s2] =	stream.indirect.scatter.add.f32 [tilespmem:s24], [sflag:$0x6], $0x80, s13, s21, $0xb8;
	[tilespmem:$0x1F740] =	vst v63  }
0x620: {  	_ =	swait.ge [sflag:s26], $0x2800  }
0x621: {  	[sflag:s26] =	ssyncset.done $0x0  }
0x622: {  	[sflag:s26] =	ssyncadd.s32 $0xFFFFD800  }
0x623: {  	[spmem:s2] =	stream.indirect.scatter.add.f32 [tilespmem:s22], [sflag:$0x4], $0x80, s14, s21, $0xb8;
	[tilespmem:$0x1F740] =	vst v63  }
0x624: {  	_ =	swait.ge [sflag:s29], $0x2800  }
0x625: {  	[sflag:s29] =	ssyncset.done $0x0  }
0x626: {  	[sflag:s29] =	ssyncadd.s32 $0xFFFFD800  }
0x627: {  	[spmem:s2] =	stream.indirect.scatter.add.f32 [tilespmem:s23], [sflag:$0x5], $0x80, s15, s21, $0xb8;
	[tilespmem:$0x1F740] =	vst v63  }
0x628: {  	_ =	swait.ge [sflag:s1], $0x2800  }
0x629: {  	[sflag:s1] =	ssyncset.done $0x0  }
0x62a: {  	[sflag:s1] =	ssyncadd.s32 $0xFFFFD800  }
0x62b: {  	_ =	swait.ge [sflag:s28], $0x2800  }
0x62c: {  	[sflag:s28] =	ssyncset.done $0x0  }
0x62d: {  	[sflag:s28] =	ssyncadd.s32 $0xFFFFD800  }
0x62e: {  	_ =	swait.ge [sflag:s30], $0x2800  }
0x62f: {  	[sflag:s30] =	ssyncset.done $0x0  }
0x630: {  	[sflag:s30] =	ssyncadd.s32 $0xFFFFD800  }
0x631: {  	[bflag:$0x0] =	sbarrier.arrive $0xFFFF  }
0x632: {  	s17 =	sld [smem:$0x7DD]  }
0x633: {  	s16 =	stileid.u32;
	s25 =	sld [smem:$0x7FD]  }
0x634: {  	s5 =	sshll.u32 s16, $0x6  }
0x635: {  	s5 =	sor.u32 $0x1C07, s5  }
0x636: {  	[hbm:s17], [sflag:s5] =	dma.local [spmem:s25], $0x2800  }
0x637: {  	_ =	swait.ge [sflag:s18], $0x2800  }
0x638: {  	s17 =	sld [smem:$0x7B4]  }
0x639: {  	s25 =	sld [smem:$0x7E0];
	_ =	sdelay $0x1  }
0x63a: {  	s16 =	sadd.s32 $0x1, s17  }
0x63b: {  	p0 =	sne.s32 s16, s25  }
.Ltmp2:
0x63c: {  	_ = 	snop;
	(pc) =	sbr.rel @p0 .LBB2_1-.Ltmp2, $3  }
0x63d: {  	_ =	sdelay $0x1  }
0x63e: {  	[sflag:s18] =	ssyncset.done $0x0  }
0x63f: {  	[sflag:s18] =	ssyncadd.s32 $0xFFFFD800  }
0x640: {  	_ =	sfence.sel $0x180000  }
0x641: {  	[bflag:$0x0] =	sbarrier.arrive $0xFFFF  }
0x642: {  	_ =	strace $0x9000004A  }
0x643: {  	s0 =	stileid.u32;
	[bflag:$0x2] =	sbarrier.arrive $0xFFFF  }
0x644: {  	p0 =	sne.s32 s0, $0x0;
	s0 =	rddreg [dreg:$0x2]  }
0x645: {  	s0 =	sadd.s32 @!p0 $0x100000, s0  }
0x646: {  	[sflag:s0] =	ssyncadd.tile.s32 @!p0 $0x1;
	_ =	shalt  }
.Lfunc_end2:
_tile_overlayer_lowered:
.L_overlay_start_2:
0x647: {  	(tag) =	ssettag $0x2  }
0x648: {  	s0 =	rddreg [dreg:$0x0];
	s2 =	stileid.u32  }
0x649: {  	s1 =	rddreg [dreg:$0x1];
	p0 =	sne.s32 s2, $0x0  }
0x64a: {  	s3 =	rddreg [dreg:$0x2];
	[bflag:$0x3] =	sbarrier.arrive $0xFFFF;
	s2 =	simm.s32 @!p0 $0x1C07  }
0x64b: {  	[timem:s3], [sflag:s2] =	dma.local @!p0 [hbm:s0], s1  }
0x64c: {  	s0 =	simm.s32 @!p0 $0x7  }
0x64d: {  	_ =	swait.ge @!p0 [sflag:s0], s1  }
0x64e: {  	s1 =	ssub.s32 @!p0 $0x0, s1;
	[sflag:s0] =	ssyncset.done @!p0 $0x0  }
0x64f: {  	[sflag:s0] =	ssyncadd.s32 @!p0 s1  }
0x650: {  	[bflag:$0x3] =	sbarrier.arrive $0xFFFF  }
0x651: {  	_ =	shalt  }

</sc_bundles>
